<compile_context>
chip_gen: v7x
topology: tpu7x:2x2x1
jax: 0.10.2.dev20260603
libtpu: 0.0.44.dev20260713+nightly
codegen_flags: <defaults>
</compile_context>

<pallas_src>
import functools

import jax
import jax.numpy as jnp
import numpy as np
from jax import lax
from jax.experimental import pallas as pl
from jax.experimental.pallas import tpu as pltpu
from jax.experimental.pallas import tpu_sc as plsc

N = 10000
E = 320000
D = 128
H = 8
DH = 16

NCORES = 2
NSUB = 16
NW = NCORES * NSUB

GSZ = 16
EPAD = 331776
EPT = EPAD // NSUB
ROWS = 10240
HALF = ROWS // NCORES
TRASH = HALF
RPT = HALF // NSUB



def _qkv_body(x_ref, wq_ref, bq_ref, wk_ref, bk_ref, wv_ref, bv_ref, s_ref,
              scores_ref, v_ref):
    x = x_ref[...]
    q = jnp.dot(x, wq_ref[...], preferred_element_type=jnp.float32) + bq_ref[...]
    k = jnp.dot(x, wk_ref[...], preferred_element_type=jnp.float32) + bk_ref[...]
    v = jnp.dot(x, wv_ref[...], preferred_element_type=jnp.float32) + bv_ref[...]
    qk = q * k
    scores_ref[...] = jnp.dot(qk, s_ref[...],
                              preferred_element_type=jnp.float32) * 0.25
    v_ref[...] = v


def _qkv_call(x, wq, bq, wk, bk, wv, bv, sel):
    blk = 1000
    grid = (N // blk,)
    full = lambda shape: pl.BlockSpec(shape, lambda i: (0,) * len(shape))
    return pl.pallas_call(
        _qkv_body,
        grid=grid,
        in_specs=[
            pl.BlockSpec((blk, D), lambda i: (i, 0)),
            full((D, D)), full((1, D)),
            full((D, D)), full((1, D)),
            full((D, D)), full((1, D)),
            full((D, D)),
        ],
        out_specs=[
            pl.BlockSpec((blk, D), lambda i: (i, 0)),
            pl.BlockSpec((blk, D), lambda i: (i, 0)),
        ],
        out_shape=[
            jax.ShapeDtypeStruct((N, D), jnp.float32),
            jax.ShapeDtypeStruct((N, D), jnp.float32),
        ],
    )(x, wq, bq, wk, bk, wv, bv, sel)



def _edge_body(scores_hbm, v_hbm, src_hbm, dst_hbm, dstc_hbm,
               num_out, den_out,
               s1g, s2g, vg, pbuf16, sidx16, dcidx16, didx16, didx2b,
               zbuf, num_sh, den_sh, sem):
    cid = lax.axis_index("c")
    sid = lax.axis_index("s")
    ebase = sid * EPT
    rbase = sid * RPT

    zero16 = jnp.zeros((16,), jnp.float32)

    def zrow(r, _):
        for j in range(D // 16):
            zbuf[r, pl.ds(j * 16, 16)] = zero16
        return 0

    lax.fori_loop(0, 128, zrow, 0)

    for r in range(2):
        pltpu.sync_copy(zbuf, num_sh.at[pl.ds(rbase + r * 128, 128)])
        pltpu.sync_copy(zbuf, den_sh.at[pl.ds(rbase + r * 128, 128)])
    pltpu.sync_copy(zbuf.at[pl.ds(0, RPT - 256)],
                    num_sh.at[pl.ds(rbase + 256, RPT - 256)])
    pltpu.sync_copy(zbuf.at[pl.ds(0, RPT - 256)],
                    den_sh.at[pl.ds(rbase + 256, RPT - 256)])
    for i in range(GSZ):
        for j in range(D // 16):
            pbuf16[i, pl.ds(j * 16, 16)] = zero16
    plsc.subcore_barrier()

    rlo = cid * HALF

    def group(g, _):
        gbase = ebase + g * GSZ
        pltpu.sync_copy(src_hbm.at[pl.ds(gbase, GSZ)], sidx16)
        pltpu.sync_copy(dst_hbm.at[pl.ds(gbase, GSZ)], didx16)
        pltpu.sync_copy(dstc_hbm.at[pl.ds(gbase, GSZ)], dcidx16)
        pltpu.async_copy(v_hbm.at[sidx16], vg, sem).wait()
        pltpu.async_copy(scores_hbm.at[sidx16], s1g, sem).wait()
        pltpu.async_copy(scores_hbm.at[dcidx16], s2g, sem).wait()

        dv = didx16[:] - rlo
        ok = (dv >= 0) & (dv < HALF)
        didx2b[:] = jnp.where(ok, dv, TRASH)

        for i in range(GSZ):
            a = s1g[i, pl.ds(0, 16)] + s2g[i, pl.ds(0, 16)]
            a = jnp.where(a >= 0.0, a, a * 0.2)
            p = jnp.exp(a)
            pbuf16[i, pl.ds(0, 16)] = p
            for h in range(H):
                vg[i, pl.ds(h * 16, 16)] = vg[i, pl.ds(h * 16, 16)] * p[h]

        pltpu.sync_copy(pbuf16, den_sh.at[didx2b], add=True)
        pltpu.sync_copy(vg, num_sh.at[didx2b], add=True)
        return 0

    lax.fori_loop(0, EPT // GSZ, group, 0)
    plsc.subcore_barrier()

    pltpu.sync_copy(num_sh.at[pl.ds(rbase, RPT)],
                    num_out.at[pl.ds(cid * HALF + rbase, RPT)])
    pltpu.sync_copy(den_sh.at[pl.ds(rbase, RPT)],
                    den_out.at[pl.ds(cid * HALF + rbase, RPT)])


def _edge_call(scores, v, src, dst, dstc):
    mesh = plsc.VectorSubcoreMesh(core_axis_name="c", subcore_axis_name="s")
    return pl.kernel(
        _edge_body,
        out_type=[
            jax.ShapeDtypeStruct((ROWS, D), jnp.float32),
            jax.ShapeDtypeStruct((ROWS, D), jnp.float32),
        ],
        mesh=mesh,
        scratch_types=[
            pltpu.VMEM((GSZ, D), jnp.float32),
            pltpu.VMEM((GSZ, D), jnp.float32),
            pltpu.VMEM((GSZ, D), jnp.float32),
            pltpu.VMEM((GSZ, D), jnp.float32),
            pltpu.VMEM((GSZ,), jnp.int32),
            pltpu.VMEM((GSZ,), jnp.int32),
            pltpu.VMEM((GSZ,), jnp.int32),
            pltpu.VMEM((GSZ,), jnp.int32),
            pltpu.VMEM((128, D), jnp.float32),
            pltpu.VMEM_SHARED((HALF + 8, D), jnp.float32),
            pltpu.VMEM_SHARED((HALF + 8, D), jnp.float32),
            pltpu.SemaphoreType.DMA,
        ],
    )(scores, v, src, dst, dstc)



def _post_body(num_ref, den_ref, x_ref, selt_ref, wo_ref, bo_ref,
               ln1g_ref, ln1b_ref, wf1_ref, bf1_ref, wf2_ref, bf2_ref,
               ln2g_ref, ln2b_ref, out_ref):
    num = num_ref[...]
    den = den_ref[...]
    dexp = jnp.dot(den, selt_ref[...], preferred_element_type=jnp.float32)
    attn = num / (dexp + 1e-16)
    h = jnp.dot(attn, wo_ref[...], preferred_element_type=jnp.float32)
    h = h + bo_ref[...] + x_ref[...]

    mu = jnp.mean(h, axis=-1, keepdims=True)
    var = jnp.mean((h - mu) ** 2, axis=-1, keepdims=True)
    h = (h - mu) * lax.rsqrt(var + 1e-5) * ln1g_ref[...] + ln1b_ref[...]

    f = jnp.dot(h, wf1_ref[...], preferred_element_type=jnp.float32)
    f = jnp.maximum(f + bf1_ref[...], 0.0)
    f = jnp.dot(f, wf2_ref[...], preferred_element_type=jnp.float32)
    h = f + bf2_ref[...] + h

    mu = jnp.mean(h, axis=-1, keepdims=True)
    var = jnp.mean((h - mu) ** 2, axis=-1, keepdims=True)
    out_ref[...] = (h - mu) * lax.rsqrt(var + 1e-5) * ln2g_ref[...] + ln2b_ref[...]


def _post_call(num, den, x, selt, wo, bo, ln1g, ln1b, wf1, bf1, wf2, bf2,
               ln2g, ln2b):
    blk = 1000
    grid = (N // blk,)
    full = lambda shape: pl.BlockSpec(shape, lambda i: (0,) * len(shape))
    return pl.pallas_call(
        _post_body,
        grid=grid,
        in_specs=[
            pl.BlockSpec((blk, D), lambda i: (i, 0)),
            pl.BlockSpec((blk, D), lambda i: (i, 0)),
            pl.BlockSpec((blk, D), lambda i: (i, 0)),
            full((D, D)),
            full((D, D)), full((1, D)),
            full((1, D)), full((1, D)),
            full((D, 2 * D)), full((1, 2 * D)),
            full((2 * D, D)), full((1, D)),
            full((1, D)), full((1, D)),
        ],
        out_specs=pl.BlockSpec((blk, D), lambda i: (i, 0)),
        out_shape=jax.ShapeDtypeStruct((N, D), jnp.float32),
    )(num, den, x, selt, wo, bo, ln1g, ln1b, wf1, bf1, wf2, bf2, ln2g, ln2b)



@jax.jit
def kernel(x, g, Wq, bq, Wk, bk, Wv, bv, Wo, bo, ln1_g, ln1_b, Wf1, bf1,
           Wf2, bf2, ln2_g, ln2_b):
    sel_np = np.zeros((D, D), np.float32)
    for hh in range(H):
        sel_np[hh * DH:(hh + 1) * DH, hh] = 1.0
    sel = jnp.asarray(sel_np)

    scores, v = _qkv_call(x, Wq, bq.reshape(1, D), Wk, bk.reshape(1, D),
                          Wv, bv.reshape(1, D), sel)

    src0 = g[0]
    dst0 = jnp.where(src0 != g[1], g[1], N)
    loop = jnp.arange(N, dtype=jnp.int32)
    npad = EPAD - (E + N)
    src = jnp.concatenate([src0, loop, jnp.zeros((npad,), jnp.int32)])
    dst = jnp.concatenate([dst0, loop, jnp.full((npad,), N, jnp.int32)])
    dstc = jnp.minimum(dst, N - 1)

    num, den = _edge_call(scores, v, src, dst, dstc)

    selt = jnp.asarray(sel_np.T)

    return _post_call(num, den, x, selt, Wo, bo.reshape(1, D),
                      ln1_g.reshape(1, D), ln1_b.reshape(1, D),
                      Wf1, bf1.reshape(1, 2 * D), Wf2, bf2.reshape(1, D),
                      ln2_g.reshape(1, D), ln2_b.reshape(1, D))

# --- scband reference (transcript-rebuilt; emitter-appended) ---
"""Pipeline reference for scband-graph-transformer-54726473285924 (READ-ONLY COPY).

The authoritative reference and input builder live on the scoring server;
editing this copy changes nothing except your own understanding.
"""

import jax, jax.numpy as jnp
import numpy as np

N = 10000
E = 320000
D_IN = 128
D_OUT = 128
HEADS = 8
D_HEAD = D_OUT // HEADS


def setup_inputs(seed: int = 0):
    key = jax.random.key(seed)
    ks = jax.random.split(key, 12)
    s = 0.05
    inp = {}
    inp['x'] = jax.random.normal(ks[0], (N, D_IN), dtype=jnp.float32)
    inp['g'] = jax.random.randint(ks[1], (2, E), 0, N, dtype=jnp.int32)
    inp['Wq'] = jax.random.normal(ks[2], (D_IN, D_OUT), dtype=jnp.float32) * s
    inp['bq'] = jnp.zeros((D_OUT,), dtype=jnp.float32)
    inp['Wk'] = jax.random.normal(ks[3], (D_IN, D_OUT), dtype=jnp.float32) * s
    inp['bk'] = jnp.zeros((D_OUT,), dtype=jnp.float32)
    inp['Wv'] = jax.random.normal(ks[4], (D_IN, D_OUT), dtype=jnp.float32) * s
    inp['bv'] = jnp.zeros((D_OUT,), dtype=jnp.float32)
    inp['Wo'] = jax.random.normal(ks[5], (D_OUT, D_OUT), dtype=jnp.float32) * s
    inp['bo'] = jnp.zeros((D_OUT,), dtype=jnp.float32)
    inp['ln1_g'] = jnp.ones((D_OUT,), dtype=jnp.float32)
    inp['ln1_b'] = jnp.zeros((D_OUT,), dtype=jnp.float32)
    inp['Wf1'] = jax.random.normal(ks[6], (D_OUT, 2 * D_OUT), dtype=jnp.float32) * s
    inp['bf1'] = jnp.zeros((2 * D_OUT,), dtype=jnp.float32)
    inp['Wf2'] = jax.random.normal(ks[7], (2 * D_OUT, D_OUT), dtype=jnp.float32) * s
    inp['bf2'] = jnp.zeros((D_OUT,), dtype=jnp.float32)
    inp['ln2_g'] = jnp.ones((D_OUT,), dtype=jnp.float32)
    inp['ln2_b'] = jnp.zeros((D_OUT,), dtype=jnp.float32)
    return inp


def _ln(h, g, b):
    mu = jnp.mean(h, axis=-1, keepdims=True)
    var = jnp.mean((h - mu) ** 2, axis=-1, keepdims=True)
    return (h - mu) / jnp.sqrt(var + 1e-5) * g + b


def _attention(x, Wq, bq, Wk, bk, Wv, bv, src, dst):
    Qh = (x @ Wq + bq).reshape(N, HEADS, D_HEAD)
    Kh = (x @ Wk + bk).reshape(N, HEADS, D_HEAD)
    Vh = (x @ Wv + bv).reshape(N, HEADS, D_HEAD)
    # per-node attention score: dot(Q_i, K_i) per head, scaled
    scores = jnp.sum(Qh * Kh, axis=-1) / jnp.sqrt(jnp.float32(D_HEAD))  # [N, H]
    # message: alpha = alpha_j + alpha_i, leaky_relu, segment softmax over dst
    alpha = scores[src] + scores[jnp.minimum(dst, N - 1)]  # [Etot, H]
    alpha = jax.nn.leaky_relu(alpha, negative_slope=0.2)
    amax = jax.ops.segment_max(alpha, dst, num_segments=N + 1)
    alpha = jnp.exp(alpha - amax[dst])
    asum = jax.ops.segment_sum(alpha, dst, num_segments=N + 1)
    alpha = alpha / (asum[dst] + 1e-16)
    msg = Vh[src] * alpha[:, :, None]  # [Etot, H, D_HEAD]
    out = jax.ops.segment_sum(msg, dst, num_segments=N + 1)  # [N+1, H, D_HEAD]
    return out[:N]


def reference(x, g, Wq, bq, Wk, bk, Wv, bv, Wo, bo, ln1_g, ln1_b, Wf1, bf1, Wf2, bf2, ln2_g, ln2_b):
    # remove self loops, then add self loops (PyG convention: row 0 = src/j, row 1 = dst/i)
    src = g[0]
    dst = g[1]
    mask = src != dst
    dst = jnp.where(mask, dst, N)
    loop = jnp.arange(N, dtype=src.dtype)
    src = jnp.concatenate([src, loop])
    dst = jnp.concatenate([dst, loop])

    attn_out = _attention(x, Wq, bq, Wk, bk, Wv, bv, src, dst)
    h = attn_out.reshape(-1, D_OUT)
    h = h @ Wo + bo
    h = h + x  # residual 1
    h = _ln(h, ln1_g, ln1_b)
    h_in2 = h
    h = jax.nn.relu(h @ Wf1 + bf1)
    h = h @ Wf2 + bf2
    h = h + h_in2  # residual 2
    h = _ln(h, ln2_g, ln2_b)
    return h

if __name__ == "__main__":
    import jax
    _d = setup_inputs()
    print(jax.jit(kernel)(*tuple(_d.values())))

</pallas_src>

<mosaic_0001>
#map = affine_map<(d0, d1) -> (0, 0)>
#map1 = affine_map<(d0, d1) -> (0)>
module attributes {stable_mosaic.version = 14 : i64} {
  func.func @_edge_body(%arg0: i32, %arg1: i32, %arg2: memref<10000x128xf32, #tpu.memory_space<hbm>>, %arg3: memref<10000x128xf32, #tpu.memory_space<hbm>>, %arg4: memref<331776xi32, #tpu.memory_space<hbm>>, %arg5: memref<331776xi32, #tpu.memory_space<hbm>>, %arg6: memref<331776xi32, #tpu.memory_space<hbm>>, %arg7: memref<10240x128xf32, #tpu.memory_space<hbm>>, %arg8: memref<10240x128xf32, #tpu.memory_space<hbm>>, %arg9: memref<16x128xf32, #tpu.memory_space<vmem>>, %arg10: memref<16x128xf32, #tpu.memory_space<vmem>>, %arg11: memref<16x128xf32, #tpu.memory_space<vmem>>, %arg12: memref<16x128xf32, #tpu.memory_space<vmem>>, %arg13: memref<16xi32, #tpu.memory_space<vmem>>, %arg14: memref<16xi32, #tpu.memory_space<vmem>>, %arg15: memref<16xi32, #tpu.memory_space<vmem>>, %arg16: memref<16xi32, #tpu.memory_space<vmem>>, %arg17: memref<128x128xf32, #tpu.memory_space<vmem>>, %arg18: memref<5128x128xf32, #tpu.memory_space<vmem_shared>>, %arg19: memref<5128x128xf32, #tpu.memory_space<vmem_shared>>, %arg20: memref<!tpu.dma_semaphore, #tpu.memory_space<semaphore_mem>>) attributes {dimension_semantics = [#tpu.dimension_semantics<core_parallel>, #tpu.dimension_semantics<subcore_parallel>], iteration_bounds = array<i64: 2, 16>, scalar_prefetch = 0 : i64, scratch_operands = 12 : i64, tpu.core_type = #tpu.core_type<sc_vector_subcore>, window_params = [{transform_indices = #map}, {transform_indices = #map}, {transform_indices = #map1}, {transform_indices = #map1}, {transform_indices = #map1}, {transform_indices = #map}, {transform_indices = #map}]} {
    %mul3A = arith.constant 20736 : i32
    %mul3A_0 = arith.muli %arg1, %mul3A : i32
    %mul3A_1 = arith.constant 320 : i32
    %mul3A_2 = arith.muli %arg1, %mul3A_1 : i32
    %broadcast_in_dim3A = arith.constant 0.000000e+00 : f32
    %broadcast_in_dim3A_3 = vector.broadcast %broadcast_in_dim3A : f32 to vector<16xf32>
    %scan3A = arith.constant 0 : i32
    %scan3A_4 = arith.constant 0 : i32
    %scan3A_5 = arith.constant 128 : i32
    %scan3A_6 = arith.addi %scan3A_4, %scan3A_5 : i32
    %scan3A_7 = arith.constant 1 : i32
    %scan3A_8 = scf.for %scan3A_804 = %scan3A_4 to %scan3A_6 step %scan3A_7 iter_args(%scan3A_805 = %scan3A) -> (i32)  : i32 {
      %swap3A_806 = arith.index_cast %scan3A_804 : i32 to index
      %swap3A_807 = arith.constant 0 : index
      %swap3A_808 = tpu.vector_load %arg17[%swap3A_806, %swap3A_807] {strides = array<i32>} : memref<128x128xf32, #tpu.memory_space<vmem>>, vector<1x16xf32>,
      %swap3A_809 = vector.shape_cast %swap3A_808 : vector<1x16xf32> to vector<16xf32>
      %swap3A_810 = vector.shape_cast %broadcast_in_dim3A_3 : vector<16xf32> to vector<1x16xf32>
      tpu.vector_store %arg17[%swap3A_806, %swap3A_807], %swap3A_810 {strides = array<i32>} : memref<128x128xf32, #tpu.memory_space<vmem>>, vector<1x16xf32>,
      %swap3A_811 = arith.index_cast %scan3A_804 : i32 to index
      %swap3A_812 = arith.constant 16 : index
      %swap3A_813 = tpu.vector_load %arg17[%swap3A_811, %swap3A_812] {strides = array<i32>} : memref<128x128xf32, #tpu.memory_space<vmem>>, vector<1x16xf32>,
      %swap3A_814 = vector.shape_cast %swap3A_813 : vector<1x16xf32> to vector<16xf32>
      %swap3A_815 = vector.shape_cast %broadcast_in_dim3A_3 : vector<16xf32> to vector<1x16xf32>
      tpu.vector_store %arg17[%swap3A_811, %swap3A_812], %swap3A_815 {strides = array<i32>} : memref<128x128xf32, #tpu.memory_space<vmem>>, vector<1x16xf32>,
      %swap3A_816 = arith.index_cast %scan3A_804 : i32 to index
      %swap3A_817 = arith.constant 32 : index
      %swap3A_818 = tpu.vector_load %arg17[%swap3A_816, %swap3A_817] {strides = array<i32>} : memref<128x128xf32, #tpu.memory_space<vmem>>, vector<1x16xf32>,
      %swap3A_819 = vector.shape_cast %swap3A_818 : vector<1x16xf32> to vector<16xf32>
      %swap3A_820 = vector.shape_cast %broadcast_in_dim3A_3 : vector<16xf32> to vector<1x16xf32>
      tpu.vector_store %arg17[%swap3A_816, %swap3A_817], %swap3A_820 {strides = array<i32>} : memref<128x128xf32, #tpu.memory_space<vmem>>, vector<1x16xf32>,
      %swap3A_821 = arith.index_cast %scan3A_804 : i32 to index
      %swap3A_822 = arith.constant 48 : index
      %swap3A_823 = tpu.vector_load %arg17[%swap3A_821, %swap3A_822] {strides = array<i32>} : memref<128x128xf32, #tpu.memory_space<vmem>>, vector<1x16xf32>,
      %swap3A_824 = vector.shape_cast %swap3A_823 : vector<1x16xf32> to vector<16xf32>
      %swap3A_825 = vector.shape_cast %broadcast_in_dim3A_3 : vector<16xf32> to vector<1x16xf32>
      tpu.vector_store %arg17[%swap3A_821, %swap3A_822], %swap3A_825 {strides = array<i32>} : memref<128x128xf32, #tpu.memory_space<vmem>>, vector<1x16xf32>,
      %swap3A_826 = arith.index_cast %scan3A_804 : i32 to index
      %swap3A_827 = arith.constant 64 : index
      %swap3A_828 = tpu.vector_load %arg17[%swap3A_826, %swap3A_827] {strides = array<i32>} : memref<128x128xf32, #tpu.memory_space<vmem>>, vector<1x16xf32>,
      %swap3A_829 = vector.shape_cast %swap3A_828 : vector<1x16xf32> to vector<16xf32>
      %swap3A_830 = vector.shape_cast %broadcast_in_dim3A_3 : vector<16xf32> to vector<1x16xf32>
      tpu.vector_store %arg17[%swap3A_826, %swap3A_827], %swap3A_830 {strides = array<i32>} : memref<128x128xf32, #tpu.memory_space<vmem>>, vector<1x16xf32>,
      %swap3A_831 = arith.index_cast %scan3A_804 : i32 to index
      %swap3A_832 = arith.constant 80 : index
      %swap3A_833 = tpu.vector_load %arg17[%swap3A_831, %swap3A_832] {strides = array<i32>} : memref<128x128xf32, #tpu.memory_space<vmem>>, vector<1x16xf32>,
      %swap3A_834 = vector.shape_cast %swap3A_833 : vector<1x16xf32> to vector<16xf32>
      %swap3A_835 = vector.shape_cast %broadcast_in_dim3A_3 : vector<16xf32> to vector<1x16xf32>
      tpu.vector_store %arg17[%swap3A_831, %swap3A_832], %swap3A_835 {strides = array<i32>} : memref<128x128xf32, #tpu.memory_space<vmem>>, vector<1x16xf32>,
      %swap3A_836 = arith.index_cast %scan3A_804 : i32 to index
      %swap3A_837 = arith.constant 96 : index
      %swap3A_838 = tpu.vector_load %arg17[%swap3A_836, %swap3A_837] {strides = array<i32>} : memref<128x128xf32, #tpu.memory_space<vmem>>, vector<1x16xf32>,
      %swap3A_839 = vector.shape_cast %swap3A_838 : vector<1x16xf32> to vector<16xf32>
      %swap3A_840 = vector.shape_cast %broadcast_in_dim3A_3 : vector<16xf32> to vector<1x16xf32>
      tpu.vector_store %arg17[%swap3A_836, %swap3A_837], %swap3A_840 {strides = array<i32>} : memref<128x128xf32, #tpu.memory_space<vmem>>, vector<1x16xf32>,
      %swap3A_841 = arith.index_cast %scan3A_804 : i32 to index
      %swap3A_842 = arith.constant 112 : index
      %swap3A_843 = tpu.vector_load %arg17[%swap3A_841, %swap3A_842] {strides = array<i32>} : memref<128x128xf32, #tpu.memory_space<vmem>>, vector<1x16xf32>,
      %swap3A_844 = vector.shape_cast %swap3A_843 : vector<1x16xf32> to vector<16xf32>
      %swap3A_845 = vector.shape_cast %broadcast_in_dim3A_3 : vector<16xf32> to vector<1x16xf32>
      tpu.vector_store %arg17[%swap3A_841, %swap3A_842], %swap3A_845 {strides = array<i32>} : memref<128x128xf32, #tpu.memory_space<vmem>>, vector<1x16xf32>,
      %scan3A_846 = arith.constant 0 : i32
      scf.yield %scan3A_846 : i32
    }
    %scan3A_9 = arith.constant 128 : i32
    %add3A = arith.constant 0 : i32
    %add3A_10 = arith.addi %mul3A_2, %add3A : i32
    "tpu.region"() ({
      %run_scoped3A = tpu.sem_alloc : memref<!tpu.dma_semaphore, #tpu.memory_space<semaphore_mem>>
      %dma_start3A = arith.constant 0 : i32
      %dma_start3A_804 = tpu.memref_slice %arg18[%add3A_10, %dma_start3A] : memref<5128x128xf32, #tpu.memory_space<vmem_shared>> -> memref<128x128xf32, #tpu.memory_space<vmem_shared>>
      %dma_start3A_805 = arith.constant 0 : i32
      %dma_start3A_806 = tpu.memref_slice %arg18[%add3A_10, %dma_start3A_805] : memref<5128x128xf32, #tpu.memory_space<vmem_shared>> -> memref<128x128xf32, #tpu.memory_space<vmem_shared>>
      tpu.enqueue_dma source(%arg17 : memref<128x128xf32, #tpu.memory_space<vmem>>) target(%dma_start3A_806 : memref<128x128xf32, #tpu.memory_space<vmem_shared>>) target_semaphore(%run_scoped3A : memref<!tpu.dma_semaphore, #tpu.memory_space<semaphore_mem>>)
      %dma_wait3A = arith.constant 0 : i32
      %dma_wait3A_807 = tpu.memref_slice %arg18[%add3A_10, %dma_wait3A] : memref<5128x128xf32, #tpu.memory_space<vmem_shared>> -> memref<128x128xf32, #tpu.memory_space<vmem_shared>>
      %dma_wait3A_808 = arith.constant 0 : i32
      %dma_wait3A_809 = tpu.memref_slice %arg18[%add3A_10, %dma_wait3A_808] : memref<5128x128xf32, #tpu.memory_space<vmem_shared>> -> memref<128x128xf32, #tpu.memory_space<vmem_shared>>
      tpu.wait_dma2 semaphore(%run_scoped3A : memref<!tpu.dma_semaphore, #tpu.memory_space<semaphore_mem>>) src(%arg17 : memref<128x128xf32, #tpu.memory_space<vmem>>) dst(%dma_wait3A_809 : memref<128x128xf32, #tpu.memory_space<vmem_shared>>)
      tpu.yield
    }) : () -> ()
    %add3A_11 = arith.constant 0 : i32
    %add3A_12 = arith.addi %mul3A_2, %add3A_11 : i32
    "tpu.region"() ({
      %run_scoped3A = tpu.sem_alloc : memref<!tpu.dma_semaphore, #tpu.memory_space<semaphore_mem>>
      %dma_start3A = arith.constant 0 : i32
      %dma_start3A_804 = tpu.memref_slice %arg19[%add3A_12, %dma_start3A] : memref<5128x128xf32, #tpu.memory_space<vmem_shared>> -> memref<128x128xf32, #tpu.memory_space<vmem_shared>>
      %dma_start3A_805 = arith.constant 0 : i32
      %dma_start3A_806 = tpu.memref_slice %arg19[%add3A_12, %dma_start3A_805] : memref<5128x128xf32, #tpu.memory_space<vmem_shared>> -> memref<128x128xf32, #tpu.memory_space<vmem_shared>>
      tpu.enqueue_dma source(%arg17 : memref<128x128xf32, #tpu.memory_space<vmem>>) target(%dma_start3A_806 : memref<128x128xf32, #tpu.memory_space<vmem_shared>>) target_semaphore(%run_scoped3A : memref<!tpu.dma_semaphore, #tpu.memory_space<semaphore_mem>>)
      %dma_wait3A = arith.constant 0 : i32
      %dma_wait3A_807 = tpu.memref_slice %arg19[%add3A_12, %dma_wait3A] : memref<5128x128xf32, #tpu.memory_space<vmem_shared>> -> memref<128x128xf32, #tpu.memory_space<vmem_shared>>
      %dma_wait3A_808 = arith.constant 0 : i32
      %dma_wait3A_809 = tpu.memref_slice %arg19[%add3A_12, %dma_wait3A_808] : memref<5128x128xf32, #tpu.memory_space<vmem_shared>> -> memref<128x128xf32, #tpu.memory_space<vmem_shared>>
      tpu.wait_dma2 semaphore(%run_scoped3A : memref<!tpu.dma_semaphore, #tpu.memory_space<semaphore_mem>>) src(%arg17 : memref<128x128xf32, #tpu.memory_space<vmem>>) dst(%dma_wait3A_809 : memref<128x128xf32, #tpu.memory_space<vmem_shared>>)
      tpu.yield
    }) : () -> ()
    %add3A_13 = arith.constant 128 : i32
    %add3A_14 = arith.addi %mul3A_2, %add3A_13 : i32
    "tpu.region"() ({
      %run_scoped3A = tpu.sem_alloc : memref<!tpu.dma_semaphore, #tpu.memory_space<semaphore_mem>>
      %dma_start3A = arith.constant 0 : i32
      %dma_start3A_804 = tpu.memref_slice %arg18[%add3A_14, %dma_start3A] : memref<5128x128xf32, #tpu.memory_space<vmem_shared>> -> memref<128x128xf32, #tpu.memory_space<vmem_shared>>
      %dma_start3A_805 = arith.constant 0 : i32
      %dma_start3A_806 = tpu.memref_slice %arg18[%add3A_14, %dma_start3A_805] : memref<5128x128xf32, #tpu.memory_space<vmem_shared>> -> memref<128x128xf32, #tpu.memory_space<vmem_shared>>
      tpu.enqueue_dma source(%arg17 : memref<128x128xf32, #tpu.memory_space<vmem>>) target(%dma_start3A_806 : memref<128x128xf32, #tpu.memory_space<vmem_shared>>) target_semaphore(%run_scoped3A : memref<!tpu.dma_semaphore, #tpu.memory_space<semaphore_mem>>)
      %dma_wait3A = arith.constant 0 : i32
      %dma_wait3A_807 = tpu.memref_slice %arg18[%add3A_14, %dma_wait3A] : memref<5128x128xf32, #tpu.memory_space<vmem_shared>> -> memref<128x128xf32, #tpu.memory_space<vmem_shared>>
      %dma_wait3A_808 = arith.constant 0 : i32
      %dma_wait3A_809 = tpu.memref_slice %arg18[%add3A_14, %dma_wait3A_808] : memref<5128x128xf32, #tpu.memory_space<vmem_shared>> -> memref<128x128xf32, #tpu.memory_space<vmem_shared>>
      tpu.wait_dma2 semaphore(%run_scoped3A : memref<!tpu.dma_semaphore, #tpu.memory_space<semaphore_mem>>) src(%arg17 : memref<128x128xf32, #tpu.memory_space<vmem>>) dst(%dma_wait3A_809 : memref<128x128xf32, #tpu.memory_space<vmem_shared>>)
      tpu.yield
    }) : () -> ()
    %add3A_15 = arith.constant 128 : i32
    %add3A_16 = arith.addi %mul3A_2, %add3A_15 : i32
    "tpu.region"() ({
      %run_scoped3A = tpu.sem_alloc : memref<!tpu.dma_semaphore, #tpu.memory_space<semaphore_mem>>
      %dma_start3A = arith.constant 0 : i32
      %dma_start3A_804 = tpu.memref_slice %arg19[%add3A_16, %dma_start3A] : memref<5128x128xf32, #tpu.memory_space<vmem_shared>> -> memref<128x128xf32, #tpu.memory_space<vmem_shared>>
      %dma_start3A_805 = arith.constant 0 : i32
      %dma_start3A_806 = tpu.memref_slice %arg19[%add3A_16, %dma_start3A_805] : memref<5128x128xf32, #tpu.memory_space<vmem_shared>> -> memref<128x128xf32, #tpu.memory_space<vmem_shared>>
      tpu.enqueue_dma source(%arg17 : memref<128x128xf32, #tpu.memory_space<vmem>>) target(%dma_start3A_806 : memref<128x128xf32, #tpu.memory_space<vmem_shared>>) target_semaphore(%run_scoped3A : memref<!tpu.dma_semaphore, #tpu.memory_space<semaphore_mem>>)
      %dma_wait3A = arith.constant 0 : i32
      %dma_wait3A_807 = tpu.memref_slice %arg19[%add3A_16, %dma_wait3A] : memref<5128x128xf32, #tpu.memory_space<vmem_shared>> -> memref<128x128xf32, #tpu.memory_space<vmem_shared>>
      %dma_wait3A_808 = arith.constant 0 : i32
      %dma_wait3A_809 = tpu.memref_slice %arg19[%add3A_16, %dma_wait3A_808] : memref<5128x128xf32, #tpu.memory_space<vmem_shared>> -> memref<128x128xf32, #tpu.memory_space<vmem_shared>>
      tpu.wait_dma2 semaphore(%run_scoped3A : memref<!tpu.dma_semaphore, #tpu.memory_space<semaphore_mem>>) src(%arg17 : memref<128x128xf32, #tpu.memory_space<vmem>>) dst(%dma_wait3A_809 : memref<128x128xf32, #tpu.memory_space<vmem_shared>>)
      tpu.yield
    }) : () -> ()
    %add3A_17 = arith.constant 256 : i32
    %add3A_18 = arith.addi %mul3A_2, %add3A_17 : i32
    "tpu.region"() ({
      %run_scoped3A = tpu.sem_alloc : memref<!tpu.dma_semaphore, #tpu.memory_space<semaphore_mem>>
      %dma_start3A = arith.constant 0 : i32
      %dma_start3A_804 = arith.constant 0 : i32
      %dma_start3A_805 = tpu.memref_slice %arg17[%dma_start3A, %dma_start3A_804] : memref<128x128xf32, #tpu.memory_space<vmem>> -> memref<64x128xf32, #tpu.memory_space<vmem>>
      %dma_start3A_806 = arith.constant 0 : i32
      %dma_start3A_807 = tpu.memref_slice %arg18[%add3A_18, %dma_start3A_806] : memref<5128x128xf32, #tpu.memory_space<vmem_shared>> -> memref<64x128xf32, #tpu.memory_space<vmem_shared>>
      %dma_start3A_808 = arith.constant 0 : i32
      %dma_start3A_809 = tpu.memref_slice %arg18[%add3A_18, %dma_start3A_808] : memref<5128x128xf32, #tpu.memory_space<vmem_shared>> -> memref<64x128xf32, #tpu.memory_space<vmem_shared>>
      %dma_start3A_810 = arith.constant 0 : i32
      %dma_start3A_811 = arith.constant 0 : i32
      %dma_start3A_812 = tpu.memref_slice %arg17[%dma_start3A_810, %dma_start3A_811] : memref<128x128xf32, #tpu.memory_space<vmem>> -> memref<64x128xf32, #tpu.memory_space<vmem>>
      tpu.enqueue_dma source(%dma_start3A_812 : memref<64x128xf32, #tpu.memory_space<vmem>>) target(%dma_start3A_809 : memref<64x128xf32, #tpu.memory_space<vmem_shared>>) target_semaphore(%run_scoped3A : memref<!tpu.dma_semaphore, #tpu.memory_space<semaphore_mem>>)
      %dma_wait3A = arith.constant 0 : i32
      %dma_wait3A_813 = arith.constant 0 : i32
      %dma_wait3A_814 = tpu.memref_slice %arg17[%dma_wait3A, %dma_wait3A_813] : memref<128x128xf32, #tpu.memory_space<vmem>> -> memref<64x128xf32, #tpu.memory_space<vmem>>
      %dma_wait3A_815 = arith.constant 0 : i32
      %dma_wait3A_816 = tpu.memref_slice %arg18[%add3A_18, %dma_wait3A_815] : memref<5128x128xf32, #tpu.memory_space<vmem_shared>> -> memref<64x128xf32, #tpu.memory_space<vmem_shared>>
      %dma_wait3A_817 = arith.constant 0 : i32
      %dma_wait3A_818 = tpu.memref_slice %arg18[%add3A_18, %dma_wait3A_817] : memref<5128x128xf32, #tpu.memory_space<vmem_shared>> -> memref<64x128xf32, #tpu.memory_space<vmem_shared>>
      %dma_wait3A_819 = arith.constant 0 : i32
      %dma_wait3A_820 = arith.constant 0 : i32
      %dma_wait3A_821 = tpu.memref_slice %arg17[%dma_wait3A_819, %dma_wait3A_820] : memref<128x128xf32, #tpu.memory_space<vmem>> -> memref<64x128xf32, #tpu.memory_space<vmem>>
      tpu.wait_dma2 semaphore(%run_scoped3A : memref<!tpu.dma_semaphore, #tpu.memory_space<semaphore_mem>>) src(%dma_wait3A_821 : memref<64x128xf32, #tpu.memory_space<vmem>>) dst(%dma_wait3A_818 : memref<64x128xf32, #tpu.memory_space<vmem_shared>>)
      tpu.yield
    }) : () -> ()
    %add3A_19 = arith.constant 256 : i32
    %add3A_20 = arith.addi %mul3A_2, %add3A_19 : i32
    "tpu.region"() ({
      %run_scoped3A = tpu.sem_alloc : memref<!tpu.dma_semaphore, #tpu.memory_space<semaphore_mem>>
      %dma_start3A = arith.constant 0 : i32
      %dma_start3A_804 = arith.constant 0 : i32
      %dma_start3A_805 = tpu.memref_slice %arg17[%dma_start3A, %dma_start3A_804] : memref<128x128xf32, #tpu.memory_space<vmem>> -> memref<64x128xf32, #tpu.memory_space<vmem>>
      %dma_start3A_806 = arith.constant 0 : i32
      %dma_start3A_807 = tpu.memref_slice %arg19[%add3A_20, %dma_start3A_806] : memref<5128x128xf32, #tpu.memory_space<vmem_shared>> -> memref<64x128xf32, #tpu.memory_space<vmem_shared>>
      %dma_start3A_808 = arith.constant 0 : i32
      %dma_start3A_809 = tpu.memref_slice %arg19[%add3A_20, %dma_start3A_808] : memref<5128x128xf32, #tpu.memory_space<vmem_shared>> -> memref<64x128xf32, #tpu.memory_space<vmem_shared>>
      %dma_start3A_810 = arith.constant 0 : i32
      %dma_start3A_811 = arith.constant 0 : i32
      %dma_start3A_812 = tpu.memref_slice %arg17[%dma_start3A_810, %dma_start3A_811] : memref<128x128xf32, #tpu.memory_space<vmem>> -> memref<64x128xf32, #tpu.memory_space<vmem>>
      tpu.enqueue_dma source(%dma_start3A_812 : memref<64x128xf32, #tpu.memory_space<vmem>>) target(%dma_start3A_809 : memref<64x128xf32, #tpu.memory_space<vmem_shared>>) target_semaphore(%run_scoped3A : memref<!tpu.dma_semaphore, #tpu.memory_space<semaphore_mem>>)
      %dma_wait3A = arith.constant 0 : i32
      %dma_wait3A_813 = arith.constant 0 : i32
      %dma_wait3A_814 = tpu.memref_slice %arg17[%dma_wait3A, %dma_wait3A_813] : memref<128x128xf32, #tpu.memory_space<vmem>> -> memref<64x128xf32, #tpu.memory_space<vmem>>
      %dma_wait3A_815 = arith.constant 0 : i32
      %dma_wait3A_816 = tpu.memref_slice %arg19[%add3A_20, %dma_wait3A_815] : memref<5128x128xf32, #tpu.memory_space<vmem_shared>> -> memref<64x128xf32, #tpu.memory_space<vmem_shared>>
      %dma_wait3A_817 = arith.constant 0 : i32
      %dma_wait3A_818 = tpu.memref_slice %arg19[%add3A_20, %dma_wait3A_817] : memref<5128x128xf32, #tpu.memory_space<vmem_shared>> -> memref<64x128xf32, #tpu.memory_space<vmem_shared>>
      %dma_wait3A_819 = arith.constant 0 : i32
      %dma_wait3A_820 = arith.constant 0 : i32
      %dma_wait3A_821 = tpu.memref_slice %arg17[%dma_wait3A_819, %dma_wait3A_820] : memref<128x128xf32, #tpu.memory_space<vmem>> -> memref<64x128xf32, #tpu.memory_space<vmem>>
      tpu.wait_dma2 semaphore(%run_scoped3A : memref<!tpu.dma_semaphore, #tpu.memory_space<semaphore_mem>>) src(%dma_wait3A_821 : memref<64x128xf32, #tpu.memory_space<vmem>>) dst(%dma_wait3A_818 : memref<64x128xf32, #tpu.memory_space<vmem_shared>>)
      tpu.yield
    }) : () -> ()
    %swap3A = arith.constant 0 : i32
    %swap3A_21 = arith.index_cast %swap3A : i32 to index
    %swap3A_22 = arith.constant 0 : index
    %swap3A_23 = tpu.vector_load %arg12[%swap3A_21, %swap3A_22] {strides = array<i32>} : memref<16x128xf32, #tpu.memory_space<vmem>>, vector<1x16xf32>,
    %swap3A_24 = vector.shape_cast %swap3A_23 : vector<1x16xf32> to vector<16xf32>
    %swap3A_25 = vector.shape_cast %broadcast_in_dim3A_3 : vector<16xf32> to vector<1x16xf32>
    tpu.vector_store %arg12[%swap3A_21, %swap3A_22], %swap3A_25 {strides = array<i32>} : memref<16x128xf32, #tpu.memory_space<vmem>>, vector<1x16xf32>,
    %swap3A_26 = arith.constant 0 : i32
    %swap3A_27 = arith.index_cast %swap3A_26 : i32 to index
    %swap3A_28 = arith.constant 16 : index
    %swap3A_29 = tpu.vector_load %arg12[%swap3A_27, %swap3A_28] {strides = array<i32>} : memref<16x128xf32, #tpu.memory_space<vmem>>, vector<1x16xf32>,
    %swap3A_30 = vector.shape_cast %swap3A_29 : vector<1x16xf32> to vector<16xf32>
    %swap3A_31 = vector.shape_cast %broadcast_in_dim3A_3 : vector<16xf32> to vector<1x16xf32>
    tpu.vector_store %arg12[%swap3A_27, %swap3A_28], %swap3A_31 {strides = array<i32>} : memref<16x128xf32, #tpu.memory_space<vmem>>, vector<1x16xf32>,
    %swap3A_32 = arith.constant 0 : i32
    %swap3A_33 = arith.index_cast %swap3A_32 : i32 to index
    %swap3A_34 = arith.constant 32 : index
    %swap3A_35 = tpu.vector_load %arg12[%swap3A_33, %swap3A_34] {strides = array<i32>} : memref<16x128xf32, #tpu.memory_space<vmem>>, vector<1x16xf32>,
    %swap3A_36 = vector.shape_cast %swap3A_35 : vector<1x16xf32> to vector<16xf32>
    %swap3A_37 = vector.shape_cast %broadcast_in_dim3A_3 : vector<16xf32> to vector<1x16xf32>
    tpu.vector_store %arg12[%swap3A_33, %swap3A_34], %swap3A_37 {strides = array<i32>} : memref<16x128xf32, #tpu.memory_space<vmem>>, vector<1x16xf32>,
    %swap3A_38 = arith.constant 0 : i32
    %swap3A_39 = arith.index_cast %swap3A_38 : i32 to index
    %swap3A_40 = arith.constant 48 : index
    %swap3A_41 = tpu.vector_load %arg12[%swap3A_39, %swap3A_40] {strides = array<i32>} : memref<16x128xf32, #tpu.memory_space<vmem>>, vector<1x16xf32>,
    %swap3A_42 = vector.shape_cast %swap3A_41 : vector<1x16xf32> to vector<16xf32>
    %swap3A_43 = vector.shape_cast %broadcast_in_dim3A_3 : vector<16xf32> to vector<1x16xf32>
    tpu.vector_store %arg12[%swap3A_39, %swap3A_40], %swap3A_43 {strides = array<i32>} : memref<16x128xf32, #tpu.memory_space<vmem>>, vector<1x16xf32>,
    %swap3A_44 = arith.constant 0 : i32
    %swap3A_45 = arith.index_cast %swap3A_44 : i32 to index
    %swap3A_46 = arith.constant 64 : index
    %swap3A_47 = tpu.vector_load %arg12[%swap3A_45, %swap3A_46] {strides = array<i32>} : memref<16x128xf32, #tpu.memory_space<vmem>>, vector<1x16xf32>,
    %swap3A_48 = vector.shape_cast %swap3A_47 : vector<1x16xf32> to vector<16xf32>
    %swap3A_49 = vector.shape_cast %broadcast_in_dim3A_3 : vector<16xf32> to vector<1x16xf32>
    tpu.vector_store %arg12[%swap3A_45, %swap3A_46], %swap3A_49 {strides = array<i32>} : memref<16x128xf32, #tpu.memory_space<vmem>>, vector<1x16xf32>,
    %swap3A_50 = arith.constant 0 : i32
    %swap3A_51 = arith.index_cast %swap3A_50 : i32 to index
    %swap3A_52 = arith.constant 80 : index
    %swap3A_53 = tpu.vector_load %arg12[%swap3A_51, %swap3A_52] {strides = array<i32>} : memref<16x128xf32, #tpu.memory_space<vmem>>, vector<1x16xf32>,
    %swap3A_54 = vector.shape_cast %swap3A_53 : vector<1x16xf32> to vector<16xf32>
    %swap3A_55 = vector.shape_cast %broadcast_in_dim3A_3 : vector<16xf32> to vector<1x16xf32>
    tpu.vector_store %arg12[%swap3A_51, %swap3A_52], %swap3A_55 {strides = array<i32>} : memref<16x128xf32, #tpu.memory_space<vmem>>, vector<1x16xf32>,
    %swap3A_56 = arith.constant 0 : i32
    %swap3A_57 = arith.index_cast %swap3A_56 : i32 to index
    %swap3A_58 = arith.constant 96 : index
    %swap3A_59 = tpu.vector_load %arg12[%swap3A_57, %swap3A_58] {strides = array<i32>} : memref<16x128xf32, #tpu.memory_space<vmem>>, vector<1x16xf32>,
    %swap3A_60 = vector.shape_cast %swap3A_59 : vector<1x16xf32> to vector<16xf32>
    %swap3A_61 = vector.shape_cast %broadcast_in_dim3A_3 : vector<16xf32> to vector<1x16xf32>
    tpu.vector_store %arg12[%swap3A_57, %swap3A_58], %swap3A_61 {strides = array<i32>} : memref<16x128xf32, #tpu.memory_space<vmem>>, vector<1x16xf32>,
    %swap3A_62 = arith.constant 0 : i32
    %swap3A_63 = arith.index_cast %swap3A_62 : i32 to index
    %swap3A_64 = arith.constant 112 : index
    %swap3A_65 = tpu.vector_load %arg12[%swap3A_63, %swap3A_64] {strides = array<i32>} : memref<16x128xf32, #tpu.memory_space<vmem>>, vector<1x16xf32>,
    %swap3A_66 = vector.shape_cast %swap3A_65 : vector<1x16xf32> to vector<16xf32>
    %swap3A_67 = vector.shape_cast %broadcast_in_dim3A_3 : vector<16xf32> to vector<1x16xf32>
    tpu.vector_store %arg12[%swap3A_63, %swap3A_64], %swap3A_67 {strides = array<i32>} : memref<16x128xf32, #tpu.memory_space<vmem>>, vector<1x16xf32>,
    %swap3A_68 = arith.constant 1 : i32
    %swap3A_69 = arith.index_cast %swap3A_68 : i32 to index
    %swap3A_70 = arith.constant 0 : index
    %swap3A_71 = tpu.vector_load %arg12[%swap3A_69, %swap3A_70] {strides = array<i32>} : memref<16x128xf32, #tpu.memory_space<vmem>>, vector<1x16xf32>,
    %swap3A_72 = vector.shape_cast %swap3A_71 : vector<1x16xf32> to vector<16xf32>
    %swap3A_73 = vector.shape_cast %broadcast_in_dim3A_3 : vector<16xf32> to vector<1x16xf32>
    tpu.vector_store %arg12[%swap3A_69, %swap3A_70], %swap3A_73 {strides = array<i32>} : memref<16x128xf32, #tpu.memory_space<vmem>>, vector<1x16xf32>,
    %swap3A_74 = arith.constant 1 : i32
    %swap3A_75 = arith.index_cast %swap3A_74 : i32 to index
    %swap3A_76 = arith.constant 16 : index
    %swap3A_77 = tpu.vector_load %arg12[%swap3A_75, %swap3A_76] {strides = array<i32>} : memref<16x128xf32, #tpu.memory_space<vmem>>, vector<1x16xf32>,
    %swap3A_78 = vector.shape_cast %swap3A_77 : vector<1x16xf32> to vector<16xf32>
    %swap3A_79 = vector.shape_cast %broadcast_in_dim3A_3 : vector<16xf32> to vector<1x16xf32>
    tpu.vector_store %arg12[%swap3A_75, %swap3A_76], %swap3A_79 {strides = array<i32>} : memref<16x128xf32, #tpu.memory_space<vmem>>, vector<1x16xf32>,
    %swap3A_80 = arith.constant 1 : i32
    %swap3A_81 = arith.index_cast %swap3A_80 : i32 to index
    %swap3A_82 = arith.constant 32 : index
    %swap3A_83 = tpu.vector_load %arg12[%swap3A_81, %swap3A_82] {strides = array<i32>} : memref<16x128xf32, #tpu.memory_space<vmem>>, vector<1x16xf32>,
    %swap3A_84 = vector.shape_cast %swap3A_83 : vector<1x16xf32> to vector<16xf32>
    %swap3A_85 = vector.shape_cast %broadcast_in_dim3A_3 : vector<16xf32> to vector<1x16xf32>
    tpu.vector_store %arg12[%swap3A_81, %swap3A_82], %swap3A_85 {strides = array<i32>} : memref<16x128xf32, #tpu.memory_space<vmem>>, vector<1x16xf32>,
    %swap3A_86 = arith.constant 1 : i32
    %swap3A_87 = arith.index_cast %swap3A_86 : i32 to index
    %swap3A_88 = arith.constant 48 : index
    %swap3A_89 = tpu.vector_load %arg12[%swap3A_87, %swap3A_88] {strides = array<i32>} : memref<16x128xf32, #tpu.memory_space<vmem>>, vector<1x16xf32>,
    %swap3A_90 = vector.shape_cast %swap3A_89 : vector<1x16xf32> to vector<16xf32>
    %swap3A_91 = vector.shape_cast %broadcast_in_dim3A_3 : vector<16xf32> to vector<1x16xf32>
    tpu.vector_store %arg12[%swap3A_87, %swap3A_88], %swap3A_91 {strides = array<i32>} : memref<16x128xf32, #tpu.memory_space<vmem>>, vector<1x16xf32>,
    %swap3A_92 = arith.constant 1 : i32
    %swap3A_93 = arith.index_cast %swap3A_92 : i32 to index
    %swap3A_94 = arith.constant 64 : index
    %swap3A_95 = tpu.vector_load %arg12[%swap3A_93, %swap3A_94] {strides = array<i32>} : memref<16x128xf32, #tpu.memory_space<vmem>>, vector<1x16xf32>,
    %swap3A_96 = vector.shape_cast %swap3A_95 : vector<1x16xf32> to vector<16xf32>
    %swap3A_97 = vector.shape_cast %broadcast_in_dim3A_3 : vector<16xf32> to vector<1x16xf32>
    tpu.vector_store %arg12[%swap3A_93, %swap3A_94], %swap3A_97 {strides = array<i32>} : memref<16x128xf32, #tpu.memory_space<vmem>>, vector<1x16xf32>,
    %swap3A_98 = arith.constant 1 : i32
    %swap3A_99 = arith.index_cast %swap3A_98 : i32 to index
    %swap3A_100 = arith.constant 80 : index
    %swap3A_101 = tpu.vector_load %arg12[%swap3A_99, %swap3A_100] {strides = array<i32>} : memref<16x128xf32, #tpu.memory_space<vmem>>, vector<1x16xf32>,
    %swap3A_102 = vector.shape_cast %swap3A_101 : vector<1x16xf32> to vector<16xf32>
    %swap3A_103 = vector.shape_cast %broadcast_in_dim3A_3 : vector<16xf32> to vector<1x16xf32>
    tpu.vector_store %arg12[%swap3A_99, %swap3A_100], %swap3A_103 {strides = array<i32>} : memref<16x128xf32, #tpu.memory_space<vmem>>, vector<1x16xf32>,
    %swap3A_104 = arith.constant 1 : i32
    %swap3A_105 = arith.index_cast %swap3A_104 : i32 to index
    %swap3A_106 = arith.constant 96 : index
    %swap3A_107 = tpu.vector_load %arg12[%swap3A_105, %swap3A_106] {strides = array<i32>} : memref<16x128xf32, #tpu.memory_space<vmem>>, vector<1x16xf32>,
    %swap3A_108 = vector.shape_cast %swap3A_107 : vector<1x16xf32> to vector<16xf32>
    %swap3A_109 = vector.shape_cast %broadcast_in_dim3A_3 : vector<16xf32> to vector<1x16xf32>
    tpu.vector_store %arg12[%swap3A_105, %swap3A_106], %swap3A_109 {strides = array<i32>} : memref<16x128xf32, #tpu.memory_space<vmem>>, vector<1x16xf32>,
    %swap3A_110 = arith.constant 1 : i32
    %swap3A_111 = arith.index_cast %swap3A_110 : i32 to index
    %swap3A_112 = arith.constant 112 : index
    %swap3A_113 = tpu.vector_load %arg12[%swap3A_111, %swap3A_112] {strides = array<i32>} : memref<16x128xf32, #tpu.memory_space<vmem>>, vector<1x16xf32>,
    %swap3A_114 = vector.shape_cast %swap3A_113 : vector<1x16xf32> to vector<16xf32>
    %swap3A_115 = vector.shape_cast %broadcast_in_dim3A_3 : vector<16xf32> to vector<1x16xf32>
    tpu.vector_store %arg12[%swap3A_111, %swap3A_112], %swap3A_115 {strides = array<i32>} : memref<16x128xf32, #tpu.memory_space<vmem>>, vector<1x16xf32>,
    %swap3A_116 = arith.constant 2 : i32
    %swap3A_117 = arith.index_cast %swap3A_116 : i32 to index
    %swap3A_118 = arith.constant 0 : index
    %swap3A_119 = tpu.vector_load %arg12[%swap3A_117, %swap3A_118] {strides = array<i32>} : memref<16x128xf32, #tpu.memory_space<vmem>>, vector<1x16xf32>,
    %swap3A_120 = vector.shape_cast %swap3A_119 : vector<1x16xf32> to vector<16xf32>
    %swap3A_121 = vector.shape_cast %broadcast_in_dim3A_3 : vector<16xf32> to vector<1x16xf32>
    tpu.vector_store %arg12[%swap3A_117, %swap3A_118], %swap3A_121 {strides = array<i32>} : memref<16x128xf32, #tpu.memory_space<vmem>>, vector<1x16xf32>,
    %swap3A_122 = arith.constant 2 : i32
    %swap3A_123 = arith.index_cast %swap3A_122 : i32 to index
    %swap3A_124 = arith.constant 16 : index
    %swap3A_125 = tpu.vector_load %arg12[%swap3A_123, %swap3A_124] {strides = array<i32>} : memref<16x128xf32, #tpu.memory_space<vmem>>, vector<1x16xf32>,
    %swap3A_126 = vector.shape_cast %swap3A_125 : vector<1x16xf32> to vector<16xf32>
    %swap3A_127 = vector.shape_cast %broadcast_in_dim3A_3 : vector<16xf32> to vector<1x16xf32>
    tpu.vector_store %arg12[%swap3A_123, %swap3A_124], %swap3A_127 {strides = array<i32>} : memref<16x128xf32, #tpu.memory_space<vmem>>, vector<1x16xf32>,
    %swap3A_128 = arith.constant 2 : i32
    %swap3A_129 = arith.index_cast %swap3A_128 : i32 to index
    %swap3A_130 = arith.constant 32 : index
    %swap3A_131 = tpu.vector_load %arg12[%swap3A_129, %swap3A_130] {strides = array<i32>} : memref<16x128xf32, #tpu.memory_space<vmem>>, vector<1x16xf32>,
    %swap3A_132 = vector.shape_cast %swap3A_131 : vector<1x16xf32> to vector<16xf32>
    %swap3A_133 = vector.shape_cast %broadcast_in_dim3A_3 : vector<16xf32> to vector<1x16xf32>
    tpu.vector_store %arg12[%swap3A_129, %swap3A_130], %swap3A_133 {strides = array<i32>} : memref<16x128xf32, #tpu.memory_space<vmem>>, vector<1x16xf32>,
    %swap3A_134 = arith.constant 2 : i32
    %swap3A_135 = arith.index_cast %swap3A_134 : i32 to index
    %swap3A_136 = arith.constant 48 : index
    %swap3A_137 = tpu.vector_load %arg12[%swap3A_135, %swap3A_136] {strides = array<i32>} : memref<16x128xf32, #tpu.memory_space<vmem>>, vector<1x16xf32>,
    %swap3A_138 = vector.shape_cast %swap3A_137 : vector<1x16xf32> to vector<16xf32>
    %swap3A_139 = vector.shape_cast %broadcast_in_dim3A_3 : vector<16xf32> to vector<1x16xf32>
    tpu.vector_store %arg12[%swap3A_135, %swap3A_136], %swap3A_139 {strides = array<i32>} : memref<16x128xf32, #tpu.memory_space<vmem>>, vector<1x16xf32>,
    %swap3A_140 = arith.constant 2 : i32
    %swap3A_141 = arith.index_cast %swap3A_140 : i32 to index
    %swap3A_142 = arith.constant 64 : index
    %swap3A_143 = tpu.vector_load %arg12[%swap3A_141, %swap3A_142] {strides = array<i32>} : memref<16x128xf32, #tpu.memory_space<vmem>>, vector<1x16xf32>,
    %swap3A_144 = vector.shape_cast %swap3A_143 : vector<1x16xf32> to vector<16xf32>
    %swap3A_145 = vector.shape_cast %broadcast_in_dim3A_3 : vector<16xf32> to vector<1x16xf32>
    tpu.vector_store %arg12[%swap3A_141, %swap3A_142], %swap3A_145 {strides = array<i32>} : memref<16x128xf32, #tpu.memory_space<vmem>>, vector<1x16xf32>,
    %swap3A_146 = arith.constant 2 : i32
    %swap3A_147 = arith.index_cast %swap3A_146 : i32 to index
    %swap3A_148 = arith.constant 80 : index
    %swap3A_149 = tpu.vector_load %arg12[%swap3A_147, %swap3A_148] {strides = array<i32>} : memref<16x128xf32, #tpu.memory_space<vmem>>, vector<1x16xf32>,
    %swap3A_150 = vector.shape_cast %swap3A_149 : vector<1x16xf32> to vector<16xf32>
    %swap3A_151 = vector.shape_cast %broadcast_in_dim3A_3 : vector<16xf32> to vector<1x16xf32>
    tpu.vector_store %arg12[%swap3A_147, %swap3A_148], %swap3A_151 {strides = array<i32>} : memref<16x128xf32, #tpu.memory_space<vmem>>, vector<1x16xf32>,
    %swap3A_152 = arith.constant 2 : i32
    %swap3A_153 = arith.index_cast %swap3A_152 : i32 to index
    %swap3A_154 = arith.constant 96 : index
    %swap3A_155 = tpu.vector_load %arg12[%swap3A_153, %swap3A_154] {strides = array<i32>} : memref<16x128xf32, #tpu.memory_space<vmem>>, vector<1x16xf32>,
    %swap3A_156 = vector.shape_cast %swap3A_155 : vector<1x16xf32> to vector<16xf32>
    %swap3A_157 = vector.shape_cast %broadcast_in_dim3A_3 : vector<16xf32> to vector<1x16xf32>
    tpu.vector_store %arg12[%swap3A_153, %swap3A_154], %swap3A_157 {strides = array<i32>} : memref<16x128xf32, #tpu.memory_space<vmem>>, vector<1x16xf32>,
    %swap3A_158 = arith.constant 2 : i32
    %swap3A_159 = arith.index_cast %swap3A_158 : i32 to index
    %swap3A_160 = arith.constant 112 : index
    %swap3A_161 = tpu.vector_load %arg12[%swap3A_159, %swap3A_160] {strides = array<i32>} : memref<16x128xf32, #tpu.memory_space<vmem>>, vector<1x16xf32>,
    %swap3A_162 = vector.shape_cast %swap3A_161 : vector<1x16xf32> to vector<16xf32>
    %swap3A_163 = vector.shape_cast %broadcast_in_dim3A_3 : vector<16xf32> to vector<1x16xf32>
    tpu.vector_store %arg12[%swap3A_159, %swap3A_160], %swap3A_163 {strides = array<i32>} : memref<16x128xf32, #tpu.memory_space<vmem>>, vector<1x16xf32>,
    %swap3A_164 = arith.constant 3 : i32
    %swap3A_165 = arith.index_cast %swap3A_164 : i32 to index
    %swap3A_166 = arith.constant 0 : index
    %swap3A_167 = tpu.vector_load %arg12[%swap3A_165, %swap3A_166] {strides = array<i32>} : memref<16x128xf32, #tpu.memory_space<vmem>>, vector<1x16xf32>,
    %swap3A_168 = vector.shape_cast %swap3A_167 : vector<1x16xf32> to vector<16xf32>
    %swap3A_169 = vector.shape_cast %broadcast_in_dim3A_3 : vector<16xf32> to vector<1x16xf32>
    tpu.vector_store %arg12[%swap3A_165, %swap3A_166], %swap3A_169 {strides = array<i32>} : memref<16x128xf32, #tpu.memory_space<vmem>>, vector<1x16xf32>,
    %swap3A_170 = arith.constant 3 : i32
    %swap3A_171 = arith.index_cast %swap3A_170 : i32 to index
    %swap3A_172 = arith.constant 16 : index
    %swap3A_173 = tpu.vector_load %arg12[%swap3A_171, %swap3A_172] {strides = array<i32>} : memref<16x128xf32, #tpu.memory_space<vmem>>, vector<1x16xf32>,
    %swap3A_174 = vector.shape_cast %swap3A_173 : vector<1x16xf32> to vector<16xf32>
    %swap3A_175 = vector.shape_cast %broadcast_in_dim3A_3 : vector<16xf32> to vector<1x16xf32>
    tpu.vector_store %arg12[%swap3A_171, %swap3A_172], %swap3A_175 {strides = array<i32>} : memref<16x128xf32, #tpu.memory_space<vmem>>, vector<1x16xf32>,
    %swap3A_176 = arith.constant 3 : i32
    %swap3A_177 = arith.index_cast %swap3A_176 : i32 to index
    %swap3A_178 = arith.constant 32 : index
    %swap3A_179 = tpu.vector_load %arg12[%swap3A_177, %swap3A_178] {strides = array<i32>} : memref<16x128xf32, #tpu.memory_space<vmem>>, vector<1x16xf32>,
    %swap3A_180 = vector.shape_cast %swap3A_179 : vector<1x16xf32> to vector<16xf32>
    %swap3A_181 = vector.shape_cast %broadcast_in_dim3A_3 : vector<16xf32> to vector<1x16xf32>
    tpu.vector_store %arg12[%swap3A_177, %swap3A_178], %swap3A_181 {strides = array<i32>} : memref<16x128xf32, #tpu.memory_space<vmem>>, vector<1x16xf32>,
    %swap3A_182 = arith.constant 3 : i32
    %swap3A_183 = arith.index_cast %swap3A_182 : i32 to index
    %swap3A_184 = arith.constant 48 : index
    %swap3A_185 = tpu.vector_load %arg12[%swap3A_183, %swap3A_184] {strides = array<i32>} : memref<16x128xf32, #tpu.memory_space<vmem>>, vector<1x16xf32>,
    %swap3A_186 = vector.shape_cast %swap3A_185 : vector<1x16xf32> to vector<16xf32>
    %swap3A_187 = vector.shape_cast %broadcast_in_dim3A_3 : vector<16xf32> to vector<1x16xf32>
    tpu.vector_store %arg12[%swap3A_183, %swap3A_184], %swap3A_187 {strides = array<i32>} : memref<16x128xf32, #tpu.memory_space<vmem>>, vector<1x16xf32>,
    %swap3A_188 = arith.constant 3 : i32
    %swap3A_189 = arith.index_cast %swap3A_188 : i32 to index
    %swap3A_190 = arith.constant 64 : index
    %swap3A_191 = tpu.vector_load %arg12[%swap3A_189, %swap3A_190] {strides = array<i32>} : memref<16x128xf32, #tpu.memory_space<vmem>>, vector<1x16xf32>,
    %swap3A_192 = vector.shape_cast %swap3A_191 : vector<1x16xf32> to vector<16xf32>
    %swap3A_193 = vector.shape_cast %broadcast_in_dim3A_3 : vector<16xf32> to vector<1x16xf32>
    tpu.vector_store %arg12[%swap3A_189, %swap3A_190], %swap3A_193 {strides = array<i32>} : memref<16x128xf32, #tpu.memory_space<vmem>>, vector<1x16xf32>,
    %swap3A_194 = arith.constant 3 : i32
    %swap3A_195 = arith.index_cast %swap3A_194 : i32 to index
    %swap3A_196 = arith.constant 80 : index
    %swap3A_197 = tpu.vector_load %arg12[%swap3A_195, %swap3A_196] {strides = array<i32>} : memref<16x128xf32, #tpu.memory_space<vmem>>, vector<1x16xf32>,
    %swap3A_198 = vector.shape_cast %swap3A_197 : vector<1x16xf32> to vector<16xf32>
    %swap3A_199 = vector.shape_cast %broadcast_in_dim3A_3 : vector<16xf32> to vector<1x16xf32>
    tpu.vector_store %arg12[%swap3A_195, %swap3A_196], %swap3A_199 {strides = array<i32>} : memref<16x128xf32, #tpu.memory_space<vmem>>, vector<1x16xf32>,
    %swap3A_200 = arith.constant 3 : i32
    %swap3A_201 = arith.index_cast %swap3A_200 : i32 to index
    %swap3A_202 = arith.constant 96 : index
    %swap3A_203 = tpu.vector_load %arg12[%swap3A_201, %swap3A_202] {strides = array<i32>} : memref<16x128xf32, #tpu.memory_space<vmem>>, vector<1x16xf32>,
    %swap3A_204 = vector.shape_cast %swap3A_203 : vector<1x16xf32> to vector<16xf32>
    %swap3A_205 = vector.shape_cast %broadcast_in_dim3A_3 : vector<16xf32> to vector<1x16xf32>
    tpu.vector_store %arg12[%swap3A_201, %swap3A_202], %swap3A_205 {strides = array<i32>} : memref<16x128xf32, #tpu.memory_space<vmem>>, vector<1x16xf32>,
    %swap3A_206 = arith.constant 3 : i32
    %swap3A_207 = arith.index_cast %swap3A_206 : i32 to index
    %swap3A_208 = arith.constant 112 : index
    %swap3A_209 = tpu.vector_load %arg12[%swap3A_207, %swap3A_208] {strides = array<i32>} : memref<16x128xf32, #tpu.memory_space<vmem>>, vector<1x16xf32>,
    %swap3A_210 = vector.shape_cast %swap3A_209 : vector<1x16xf32> to vector<16xf32>
    %swap3A_211 = vector.shape_cast %broadcast_in_dim3A_3 : vector<16xf32> to vector<1x16xf32>
    tpu.vector_store %arg12[%swap3A_207, %swap3A_208], %swap3A_211 {strides = array<i32>} : memref<16x128xf32, #tpu.memory_space<vmem>>, vector<1x16xf32>,
    %swap3A_212 = arith.constant 4 : i32
    %swap3A_213 = arith.index_cast %swap3A_212 : i32 to index
    %swap3A_214 = arith.constant 0 : index
    %swap3A_215 = tpu.vector_load %arg12[%swap3A_213, %swap3A_214] {strides = array<i32>} : memref<16x128xf32, #tpu.memory_space<vmem>>, vector<1x16xf32>,
    %swap3A_216 = vector.shape_cast %swap3A_215 : vector<1x16xf32> to vector<16xf32>
    %swap3A_217 = vector.shape_cast %broadcast_in_dim3A_3 : vector<16xf32> to vector<1x16xf32>
    tpu.vector_store %arg12[%swap3A_213, %swap3A_214], %swap3A_217 {strides = array<i32>} : memref<16x128xf32, #tpu.memory_space<vmem>>, vector<1x16xf32>,
    %swap3A_218 = arith.constant 4 : i32
    %swap3A_219 = arith.index_cast %swap3A_218 : i32 to index
    %swap3A_220 = arith.constant 16 : index
    %swap3A_221 = tpu.vector_load %arg12[%swap3A_219, %swap3A_220] {strides = array<i32>} : memref<16x128xf32, #tpu.memory_space<vmem>>, vector<1x16xf32>,
    %swap3A_222 = vector.shape_cast %swap3A_221 : vector<1x16xf32> to vector<16xf32>
    %swap3A_223 = vector.shape_cast %broadcast_in_dim3A_3 : vector<16xf32> to vector<1x16xf32>
    tpu.vector_store %arg12[%swap3A_219, %swap3A_220], %swap3A_223 {strides = array<i32>} : memref<16x128xf32, #tpu.memory_space<vmem>>, vector<1x16xf32>,
    %swap3A_224 = arith.constant 4 : i32
    %swap3A_225 = arith.index_cast %swap3A_224 : i32 to index
    %swap3A_226 = arith.constant 32 : index
    %swap3A_227 = tpu.vector_load %arg12[%swap3A_225, %swap3A_226] {strides = array<i32>} : memref<16x128xf32, #tpu.memory_space<vmem>>, vector<1x16xf32>,
    %swap3A_228 = vector.shape_cast %swap3A_227 : vector<1x16xf32> to vector<16xf32>
    %swap3A_229 = vector.shape_cast %broadcast_in_dim3A_3 : vector<16xf32> to vector<1x16xf32>
    tpu.vector_store %arg12[%swap3A_225, %swap3A_226], %swap3A_229 {strides = array<i32>} : memref<16x128xf32, #tpu.memory_space<vmem>>, vector<1x16xf32>,
    %swap3A_230 = arith.constant 4 : i32
    %swap3A_231 = arith.index_cast %swap3A_230 : i32 to index
    %swap3A_232 = arith.constant 48 : index
    %swap3A_233 = tpu.vector_load %arg12[%swap3A_231, %swap3A_232] {strides = array<i32>} : memref<16x128xf32, #tpu.memory_space<vmem>>, vector<1x16xf32>,
    %swap3A_234 = vector.shape_cast %swap3A_233 : vector<1x16xf32> to vector<16xf32>
    %swap3A_235 = vector.shape_cast %broadcast_in_dim3A_3 : vector<16xf32> to vector<1x16xf32>
    tpu.vector_store %arg12[%swap3A_231, %swap3A_232], %swap3A_235 {strides = array<i32>} : memref<16x128xf32, #tpu.memory_space<vmem>>, vector<1x16xf32>,
    %swap3A_236 = arith.constant 4 : i32
    %swap3A_237 = arith.index_cast %swap3A_236 : i32 to index
    %swap3A_238 = arith.constant 64 : index
    %swap3A_239 = tpu.vector_load %arg12[%swap3A_237, %swap3A_238] {strides = array<i32>} : memref<16x128xf32, #tpu.memory_space<vmem>>, vector<1x16xf32>,
    %swap3A_240 = vector.shape_cast %swap3A_239 : vector<1x16xf32> to vector<16xf32>
    %swap3A_241 = vector.shape_cast %broadcast_in_dim3A_3 : vector<16xf32> to vector<1x16xf32>
    tpu.vector_store %arg12[%swap3A_237, %swap3A_238], %swap3A_241 {strides = array<i32>} : memref<16x128xf32, #tpu.memory_space<vmem>>, vector<1x16xf32>,
    %swap3A_242 = arith.constant 4 : i32
    %swap3A_243 = arith.index_cast %swap3A_242 : i32 to index
    %swap3A_244 = arith.constant 80 : index
    %swap3A_245 = tpu.vector_load %arg12[%swap3A_243, %swap3A_244] {strides = array<i32>} : memref<16x128xf32, #tpu.memory_space<vmem>>, vector<1x16xf32>,
    %swap3A_246 = vector.shape_cast %swap3A_245 : vector<1x16xf32> to vector<16xf32>
    %swap3A_247 = vector.shape_cast %broadcast_in_dim3A_3 : vector<16xf32> to vector<1x16xf32>
    tpu.vector_store %arg12[%swap3A_243, %swap3A_244], %swap3A_247 {strides = array<i32>} : memref<16x128xf32, #tpu.memory_space<vmem>>, vector<1x16xf32>,
    %swap3A_248 = arith.constant 4 : i32
    %swap3A_249 = arith.index_cast %swap3A_248 : i32 to index
    %swap3A_250 = arith.constant 96 : index
    %swap3A_251 = tpu.vector_load %arg12[%swap3A_249, %swap3A_250] {strides = array<i32>} : memref<16x128xf32, #tpu.memory_space<vmem>>, vector<1x16xf32>,
    %swap3A_252 = vector.shape_cast %swap3A_251 : vector<1x16xf32> to vector<16xf32>
    %swap3A_253 = vector.shape_cast %broadcast_in_dim3A_3 : vector<16xf32> to vector<1x16xf32>
    tpu.vector_store %arg12[%swap3A_249, %swap3A_250], %swap3A_253 {strides = array<i32>} : memref<16x128xf32, #tpu.memory_space<vmem>>, vector<1x16xf32>,
    %swap3A_254 = arith.constant 4 : i32
    %swap3A_255 = arith.index_cast %swap3A_254 : i32 to index
    %swap3A_256 = arith.constant 112 : index
    %swap3A_257 = tpu.vector_load %arg12[%swap3A_255, %swap3A_256] {strides = array<i32>} : memref<16x128xf32, #tpu.memory_space<vmem>>, vector<1x16xf32>,
    %swap3A_258 = vector.shape_cast %swap3A_257 : vector<1x16xf32> to vector<16xf32>
    %swap3A_259 = vector.shape_cast %broadcast_in_dim3A_3 : vector<16xf32> to vector<1x16xf32>
    tpu.vector_store %arg12[%swap3A_255, %swap3A_256], %swap3A_259 {strides = array<i32>} : memref<16x128xf32, #tpu.memory_space<vmem>>, vector<1x16xf32>,
    %swap3A_260 = arith.constant 5 : i32
    %swap3A_261 = arith.index_cast %swap3A_260 : i32 to index
    %swap3A_262 = arith.constant 0 : index
    %swap3A_263 = tpu.vector_load %arg12[%swap3A_261, %swap3A_262] {strides = array<i32>} : memref<16x128xf32, #tpu.memory_space<vmem>>, vector<1x16xf32>,
    %swap3A_264 = vector.shape_cast %swap3A_263 : vector<1x16xf32> to vector<16xf32>
    %swap3A_265 = vector.shape_cast %broadcast_in_dim3A_3 : vector<16xf32> to vector<1x16xf32>
    tpu.vector_store %arg12[%swap3A_261, %swap3A_262], %swap3A_265 {strides = array<i32>} : memref<16x128xf32, #tpu.memory_space<vmem>>, vector<1x16xf32>,
    %swap3A_266 = arith.constant 5 : i32
    %swap3A_267 = arith.index_cast %swap3A_266 : i32 to index
    %swap3A_268 = arith.constant 16 : index
    %swap3A_269 = tpu.vector_load %arg12[%swap3A_267, %swap3A_268] {strides = array<i32>} : memref<16x128xf32, #tpu.memory_space<vmem>>, vector<1x16xf32>,
    %swap3A_270 = vector.shape_cast %swap3A_269 : vector<1x16xf32> to vector<16xf32>
    %swap3A_271 = vector.shape_cast %broadcast_in_dim3A_3 : vector<16xf32> to vector<1x16xf32>
    tpu.vector_store %arg12[%swap3A_267, %swap3A_268], %swap3A_271 {strides = array<i32>} : memref<16x128xf32, #tpu.memory_space<vmem>>, vector<1x16xf32>,
    %swap3A_272 = arith.constant 5 : i32
    %swap3A_273 = arith.index_cast %swap3A_272 : i32 to index
    %swap3A_274 = arith.constant 32 : index
    %swap3A_275 = tpu.vector_load %arg12[%swap3A_273, %swap3A_274] {strides = array<i32>} : memref<16x128xf32, #tpu.memory_space<vmem>>, vector<1x16xf32>,
    %swap3A_276 = vector.shape_cast %swap3A_275 : vector<1x16xf32> to vector<16xf32>
    %swap3A_277 = vector.shape_cast %broadcast_in_dim3A_3 : vector<16xf32> to vector<1x16xf32>
    tpu.vector_store %arg12[%swap3A_273, %swap3A_274], %swap3A_277 {strides = array<i32>} : memref<16x128xf32, #tpu.memory_space<vmem>>, vector<1x16xf32>,
    %swap3A_278 = arith.constant 5 : i32
    %swap3A_279 = arith.index_cast %swap3A_278 : i32 to index
    %swap3A_280 = arith.constant 48 : index
    %swap3A_281 = tpu.vector_load %arg12[%swap3A_279, %swap3A_280] {strides = array<i32>} : memref<16x128xf32, #tpu.memory_space<vmem>>, vector<1x16xf32>,
    %swap3A_282 = vector.shape_cast %swap3A_281 : vector<1x16xf32> to vector<16xf32>
    %swap3A_283 = vector.shape_cast %broadcast_in_dim3A_3 : vector<16xf32> to vector<1x16xf32>
    tpu.vector_store %arg12[%swap3A_279, %swap3A_280], %swap3A_283 {strides = array<i32>} : memref<16x128xf32, #tpu.memory_space<vmem>>, vector<1x16xf32>,
    %swap3A_284 = arith.constant 5 : i32
    %swap3A_285 = arith.index_cast %swap3A_284 : i32 to index
    %swap3A_286 = arith.constant 64 : index
    %swap3A_287 = tpu.vector_load %arg12[%swap3A_285, %swap3A_286] {strides = array<i32>} : memref<16x128xf32, #tpu.memory_space<vmem>>, vector<1x16xf32>,
    %swap3A_288 = vector.shape_cast %swap3A_287 : vector<1x16xf32> to vector<16xf32>
    %swap3A_289 = vector.shape_cast %broadcast_in_dim3A_3 : vector<16xf32> to vector<1x16xf32>
    tpu.vector_store %arg12[%swap3A_285, %swap3A_286], %swap3A_289 {strides = array<i32>} : memref<16x128xf32, #tpu.memory_space<vmem>>, vector<1x16xf32>,
    %swap3A_290 = arith.constant 5 : i32
    %swap3A_291 = arith.index_cast %swap3A_290 : i32 to index
    %swap3A_292 = arith.constant 80 : index
    %swap3A_293 = tpu.vector_load %arg12[%swap3A_291, %swap3A_292] {strides = array<i32>} : memref<16x128xf32, #tpu.memory_space<vmem>>, vector<1x16xf32>,
    %swap3A_294 = vector.shape_cast %swap3A_293 : vector<1x16xf32> to vector<16xf32>
    %swap3A_295 = vector.shape_cast %broadcast_in_dim3A_3 : vector<16xf32> to vector<1x16xf32>
    tpu.vector_store %arg12[%swap3A_291, %swap3A_292], %swap3A_295 {strides = array<i32>} : memref<16x128xf32, #tpu.memory_space<vmem>>, vector<1x16xf32>,
    %swap3A_296 = arith.constant 5 : i32
    %swap3A_297 = arith.index_cast %swap3A_296 : i32 to index
    %swap3A_298 = arith.constant 96 : index
    %swap3A_299 = tpu.vector_load %arg12[%swap3A_297, %swap3A_298] {strides = array<i32>} : memref<16x128xf32, #tpu.memory_space<vmem>>, vector<1x16xf32>,
    %swap3A_300 = vector.shape_cast %swap3A_299 : vector<1x16xf32> to vector<16xf32>
    %swap3A_301 = vector.shape_cast %broadcast_in_dim3A_3 : vector<16xf32> to vector<1x16xf32>
    tpu.vector_store %arg12[%swap3A_297, %swap3A_298], %swap3A_301 {strides = array<i32>} : memref<16x128xf32, #tpu.memory_space<vmem>>, vector<1x16xf32>,
    %swap3A_302 = arith.constant 5 : i32
    %swap3A_303 = arith.index_cast %swap3A_302 : i32 to index
    %swap3A_304 = arith.constant 112 : index
    %swap3A_305 = tpu.vector_load %arg12[%swap3A_303, %swap3A_304] {strides = array<i32>} : memref<16x128xf32, #tpu.memory_space<vmem>>, vector<1x16xf32>,
    %swap3A_306 = vector.shape_cast %swap3A_305 : vector<1x16xf32> to vector<16xf32>
    %swap3A_307 = vector.shape_cast %broadcast_in_dim3A_3 : vector<16xf32> to vector<1x16xf32>
    tpu.vector_store %arg12[%swap3A_303, %swap3A_304], %swap3A_307 {strides = array<i32>} : memref<16x128xf32, #tpu.memory_space<vmem>>, vector<1x16xf32>,
    %swap3A_308 = arith.constant 6 : i32
    %swap3A_309 = arith.index_cast %swap3A_308 : i32 to index
    %swap3A_310 = arith.constant 0 : index
    %swap3A_311 = tpu.vector_load %arg12[%swap3A_309, %swap3A_310] {strides = array<i32>} : memref<16x128xf32, #tpu.memory_space<vmem>>, vector<1x16xf32>,
    %swap3A_312 = vector.shape_cast %swap3A_311 : vector<1x16xf32> to vector<16xf32>
    %swap3A_313 = vector.shape_cast %broadcast_in_dim3A_3 : vector<16xf32> to vector<1x16xf32>
    tpu.vector_store %arg12[%swap3A_309, %swap3A_310], %swap3A_313 {strides = array<i32>} : memref<16x128xf32, #tpu.memory_space<vmem>>, vector<1x16xf32>,
    %swap3A_314 = arith.constant 6 : i32
    %swap3A_315 = arith.index_cast %swap3A_314 : i32 to index
    %swap3A_316 = arith.constant 16 : index
    %swap3A_317 = tpu.vector_load %arg12[%swap3A_315, %swap3A_316] {strides = array<i32>} : memref<16x128xf32, #tpu.memory_space<vmem>>, vector<1x16xf32>,
    %swap3A_318 = vector.shape_cast %swap3A_317 : vector<1x16xf32> to vector<16xf32>
    %swap3A_319 = vector.shape_cast %broadcast_in_dim3A_3 : vector<16xf32> to vector<1x16xf32>
    tpu.vector_store %arg12[%swap3A_315, %swap3A_316], %swap3A_319 {strides = array<i32>} : memref<16x128xf32, #tpu.memory_space<vmem>>, vector<1x16xf32>,
    %swap3A_320 = arith.constant 6 : i32
    %swap3A_321 = arith.index_cast %swap3A_320 : i32 to index
    %swap3A_322 = arith.constant 32 : index
    %swap3A_323 = tpu.vector_load %arg12[%swap3A_321, %swap3A_322] {strides = array<i32>} : memref<16x128xf32, #tpu.memory_space<vmem>>, vector<1x16xf32>,
    %swap3A_324 = vector.shape_cast %swap3A_323 : vector<1x16xf32> to vector<16xf32>
    %swap3A_325 = vector.shape_cast %broadcast_in_dim3A_3 : vector<16xf32> to vector<1x16xf32>
    tpu.vector_store %arg12[%swap3A_321, %swap3A_322], %swap3A_325 {strides = array<i32>} : memref<16x128xf32, #tpu.memory_space<vmem>>, vector<1x16xf32>,
    %swap3A_326 = arith.constant 6 : i32
    %swap3A_327 = arith.index_cast %swap3A_326 : i32 to index
    %swap3A_328 = arith.constant 48 : index
    %swap3A_329 = tpu.vector_load %arg12[%swap3A_327, %swap3A_328] {strides = array<i32>} : memref<16x128xf32, #tpu.memory_space<vmem>>, vector<1x16xf32>,
    %swap3A_330 = vector.shape_cast %swap3A_329 : vector<1x16xf32> to vector<16xf32>
    %swap3A_331 = vector.shape_cast %broadcast_in_dim3A_3 : vector<16xf32> to vector<1x16xf32>
    tpu.vector_store %arg12[%swap3A_327, %swap3A_328], %swap3A_331 {strides = array<i32>} : memref<16x128xf32, #tpu.memory_space<vmem>>, vector<1x16xf32>,
    %swap3A_332 = arith.constant 6 : i32
    %swap3A_333 = arith.index_cast %swap3A_332 : i32 to index
    %swap3A_334 = arith.constant 64 : index
    %swap3A_335 = tpu.vector_load %arg12[%swap3A_333, %swap3A_334] {strides = array<i32>} : memref<16x128xf32, #tpu.memory_space<vmem>>, vector<1x16xf32>,
    %swap3A_336 = vector.shape_cast %swap3A_335 : vector<1x16xf32> to vector<16xf32>
    %swap3A_337 = vector.shape_cast %broadcast_in_dim3A_3 : vector<16xf32> to vector<1x16xf32>
    tpu.vector_store %arg12[%swap3A_333, %swap3A_334], %swap3A_337 {strides = array<i32>} : memref<16x128xf32, #tpu.memory_space<vmem>>, vector<1x16xf32>,
    %swap3A_338 = arith.constant 6 : i32
    %swap3A_339 = arith.index_cast %swap3A_338 : i32 to index
    %swap3A_340 = arith.constant 80 : index
    %swap3A_341 = tpu.vector_load %arg12[%swap3A_339, %swap3A_340] {strides = array<i32>} : memref<16x128xf32, #tpu.memory_space<vmem>>, vector<1x16xf32>,
    %swap3A_342 = vector.shape_cast %swap3A_341 : vector<1x16xf32> to vector<16xf32>
    %swap3A_343 = vector.shape_cast %broadcast_in_dim3A_3 : vector<16xf32> to vector<1x16xf32>
    tpu.vector_store %arg12[%swap3A_339, %swap3A_340], %swap3A_343 {strides = array<i32>} : memref<16x128xf32, #tpu.memory_space<vmem>>, vector<1x16xf32>,
    %swap3A_344 = arith.constant 6 : i32
    %swap3A_345 = arith.index_cast %swap3A_344 : i32 to index
    %swap3A_346 = arith.constant 96 : index
    %swap3A_347 = tpu.vector_load %arg12[%swap3A_345, %swap3A_346] {strides = array<i32>} : memref<16x128xf32, #tpu.memory_space<vmem>>, vector<1x16xf32>,
    %swap3A_348 = vector.shape_cast %swap3A_347 : vector<1x16xf32> to vector<16xf32>
    %swap3A_349 = vector.shape_cast %broadcast_in_dim3A_3 : vector<16xf32> to vector<1x16xf32>
    tpu.vector_store %arg12[%swap3A_345, %swap3A_346], %swap3A_349 {strides = array<i32>} : memref<16x128xf32, #tpu.memory_space<vmem>>, vector<1x16xf32>,
    %swap3A_350 = arith.constant 6 : i32
    %swap3A_351 = arith.index_cast %swap3A_350 : i32 to index
    %swap3A_352 = arith.constant 112 : index
    %swap3A_353 = tpu.vector_load %arg12[%swap3A_351, %swap3A_352] {strides = array<i32>} : memref<16x128xf32, #tpu.memory_space<vmem>>, vector<1x16xf32>,
    %swap3A_354 = vector.shape_cast %swap3A_353 : vector<1x16xf32> to vector<16xf32>
    %swap3A_355 = vector.shape_cast %broadcast_in_dim3A_3 : vector<16xf32> to vector<1x16xf32>
    tpu.vector_store %arg12[%swap3A_351, %swap3A_352], %swap3A_355 {strides = array<i32>} : memref<16x128xf32, #tpu.memory_space<vmem>>, vector<1x16xf32>,
    %swap3A_356 = arith.constant 7 : i32
    %swap3A_357 = arith.index_cast %swap3A_356 : i32 to index
    %swap3A_358 = arith.constant 0 : index
    %swap3A_359 = tpu.vector_load %arg12[%swap3A_357, %swap3A_358] {strides = array<i32>} : memref<16x128xf32, #tpu.memory_space<vmem>>, vector<1x16xf32>,
    %swap3A_360 = vector.shape_cast %swap3A_359 : vector<1x16xf32> to vector<16xf32>
    %swap3A_361 = vector.shape_cast %broadcast_in_dim3A_3 : vector<16xf32> to vector<1x16xf32>
    tpu.vector_store %arg12[%swap3A_357, %swap3A_358], %swap3A_361 {strides = array<i32>} : memref<16x128xf32, #tpu.memory_space<vmem>>, vector<1x16xf32>,
    %swap3A_362 = arith.constant 7 : i32
    %swap3A_363 = arith.index_cast %swap3A_362 : i32 to index
    %swap3A_364 = arith.constant 16 : index
    %swap3A_365 = tpu.vector_load %arg12[%swap3A_363, %swap3A_364] {strides = array<i32>} : memref<16x128xf32, #tpu.memory_space<vmem>>, vector<1x16xf32>,
    %swap3A_366 = vector.shape_cast %swap3A_365 : vector<1x16xf32> to vector<16xf32>
    %swap3A_367 = vector.shape_cast %broadcast_in_dim3A_3 : vector<16xf32> to vector<1x16xf32>
    tpu.vector_store %arg12[%swap3A_363, %swap3A_364], %swap3A_367 {strides = array<i32>} : memref<16x128xf32, #tpu.memory_space<vmem>>, vector<1x16xf32>,
    %swap3A_368 = arith.constant 7 : i32
    %swap3A_369 = arith.index_cast %swap3A_368 : i32 to index
    %swap3A_370 = arith.constant 32 : index
    %swap3A_371 = tpu.vector_load %arg12[%swap3A_369, %swap3A_370] {strides = array<i32>} : memref<16x128xf32, #tpu.memory_space<vmem>>, vector<1x16xf32>,
    %swap3A_372 = vector.shape_cast %swap3A_371 : vector<1x16xf32> to vector<16xf32>
    %swap3A_373 = vector.shape_cast %broadcast_in_dim3A_3 : vector<16xf32> to vector<1x16xf32>
    tpu.vector_store %arg12[%swap3A_369, %swap3A_370], %swap3A_373 {strides = array<i32>} : memref<16x128xf32, #tpu.memory_space<vmem>>, vector<1x16xf32>,
    %swap3A_374 = arith.constant 7 : i32
    %swap3A_375 = arith.index_cast %swap3A_374 : i32 to index
    %swap3A_376 = arith.constant 48 : index
    %swap3A_377 = tpu.vector_load %arg12[%swap3A_375, %swap3A_376] {strides = array<i32>} : memref<16x128xf32, #tpu.memory_space<vmem>>, vector<1x16xf32>,
    %swap3A_378 = vector.shape_cast %swap3A_377 : vector<1x16xf32> to vector<16xf32>
    %swap3A_379 = vector.shape_cast %broadcast_in_dim3A_3 : vector<16xf32> to vector<1x16xf32>
    tpu.vector_store %arg12[%swap3A_375, %swap3A_376], %swap3A_379 {strides = array<i32>} : memref<16x128xf32, #tpu.memory_space<vmem>>, vector<1x16xf32>,
    %swap3A_380 = arith.constant 7 : i32
    %swap3A_381 = arith.index_cast %swap3A_380 : i32 to index
    %swap3A_382 = arith.constant 64 : index
    %swap3A_383 = tpu.vector_load %arg12[%swap3A_381, %swap3A_382] {strides = array<i32>} : memref<16x128xf32, #tpu.memory_space<vmem>>, vector<1x16xf32>,
    %swap3A_384 = vector.shape_cast %swap3A_383 : vector<1x16xf32> to vector<16xf32>
    %swap3A_385 = vector.shape_cast %broadcast_in_dim3A_3 : vector<16xf32> to vector<1x16xf32>
    tpu.vector_store %arg12[%swap3A_381, %swap3A_382], %swap3A_385 {strides = array<i32>} : memref<16x128xf32, #tpu.memory_space<vmem>>, vector<1x16xf32>,
    %swap3A_386 = arith.constant 7 : i32
    %swap3A_387 = arith.index_cast %swap3A_386 : i32 to index
    %swap3A_388 = arith.constant 80 : index
    %swap3A_389 = tpu.vector_load %arg12[%swap3A_387, %swap3A_388] {strides = array<i32>} : memref<16x128xf32, #tpu.memory_space<vmem>>, vector<1x16xf32>,
    %swap3A_390 = vector.shape_cast %swap3A_389 : vector<1x16xf32> to vector<16xf32>
    %swap3A_391 = vector.shape_cast %broadcast_in_dim3A_3 : vector<16xf32> to vector<1x16xf32>
    tpu.vector_store %arg12[%swap3A_387, %swap3A_388], %swap3A_391 {strides = array<i32>} : memref<16x128xf32, #tpu.memory_space<vmem>>, vector<1x16xf32>,
    %swap3A_392 = arith.constant 7 : i32
    %swap3A_393 = arith.index_cast %swap3A_392 : i32 to index
    %swap3A_394 = arith.constant 96 : index
    %swap3A_395 = tpu.vector_load %arg12[%swap3A_393, %swap3A_394] {strides = array<i32>} : memref<16x128xf32, #tpu.memory_space<vmem>>, vector<1x16xf32>,
    %swap3A_396 = vector.shape_cast %swap3A_395 : vector<1x16xf32> to vector<16xf32>
    %swap3A_397 = vector.shape_cast %broadcast_in_dim3A_3 : vector<16xf32> to vector<1x16xf32>
    tpu.vector_store %arg12[%swap3A_393, %swap3A_394], %swap3A_397 {strides = array<i32>} : memref<16x128xf32, #tpu.memory_space<vmem>>, vector<1x16xf32>,
    %swap3A_398 = arith.constant 7 : i32
    %swap3A_399 = arith.index_cast %swap3A_398 : i32 to index
    %swap3A_400 = arith.constant 112 : index
    %swap3A_401 = tpu.vector_load %arg12[%swap3A_399, %swap3A_400] {strides = array<i32>} : memref<16x128xf32, #tpu.memory_space<vmem>>, vector<1x16xf32>,
    %swap3A_402 = vector.shape_cast %swap3A_401 : vector<1x16xf32> to vector<16xf32>
    %swap3A_403 = vector.shape_cast %broadcast_in_dim3A_3 : vector<16xf32> to vector<1x16xf32>
    tpu.vector_store %arg12[%swap3A_399, %swap3A_400], %swap3A_403 {strides = array<i32>} : memref<16x128xf32, #tpu.memory_space<vmem>>, vector<1x16xf32>,
    %swap3A_404 = arith.constant 8 : i32
    %swap3A_405 = arith.index_cast %swap3A_404 : i32 to index
    %swap3A_406 = arith.constant 0 : index
    %swap3A_407 = tpu.vector_load %arg12[%swap3A_405, %swap3A_406] {strides = array<i32>} : memref<16x128xf32, #tpu.memory_space<vmem>>, vector<1x16xf32>,
    %swap3A_408 = vector.shape_cast %swap3A_407 : vector<1x16xf32> to vector<16xf32>
    %swap3A_409 = vector.shape_cast %broadcast_in_dim3A_3 : vector<16xf32> to vector<1x16xf32>
    tpu.vector_store %arg12[%swap3A_405, %swap3A_406], %swap3A_409 {strides = array<i32>} : memref<16x128xf32, #tpu.memory_space<vmem>>, vector<1x16xf32>,
    %swap3A_410 = arith.constant 8 : i32
    %swap3A_411 = arith.index_cast %swap3A_410 : i32 to index
    %swap3A_412 = arith.constant 16 : index
    %swap3A_413 = tpu.vector_load %arg12[%swap3A_411, %swap3A_412] {strides = array<i32>} : memref<16x128xf32, #tpu.memory_space<vmem>>, vector<1x16xf32>,
    %swap3A_414 = vector.shape_cast %swap3A_413 : vector<1x16xf32> to vector<16xf32>
    %swap3A_415 = vector.shape_cast %broadcast_in_dim3A_3 : vector<16xf32> to vector<1x16xf32>
    tpu.vector_store %arg12[%swap3A_411, %swap3A_412], %swap3A_415 {strides = array<i32>} : memref<16x128xf32, #tpu.memory_space<vmem>>, vector<1x16xf32>,
    %swap3A_416 = arith.constant 8 : i32
    %swap3A_417 = arith.index_cast %swap3A_416 : i32 to index
    %swap3A_418 = arith.constant 32 : index
    %swap3A_419 = tpu.vector_load %arg12[%swap3A_417, %swap3A_418] {strides = array<i32>} : memref<16x128xf32, #tpu.memory_space<vmem>>, vector<1x16xf32>,
    %swap3A_420 = vector.shape_cast %swap3A_419 : vector<1x16xf32> to vector<16xf32>
    %swap3A_421 = vector.shape_cast %broadcast_in_dim3A_3 : vector<16xf32> to vector<1x16xf32>
    tpu.vector_store %arg12[%swap3A_417, %swap3A_418], %swap3A_421 {strides = array<i32>} : memref<16x128xf32, #tpu.memory_space<vmem>>, vector<1x16xf32>,
    %swap3A_422 = arith.constant 8 : i32
    %swap3A_423 = arith.index_cast %swap3A_422 : i32 to index
    %swap3A_424 = arith.constant 48 : index
    %swap3A_425 = tpu.vector_load %arg12[%swap3A_423, %swap3A_424] {strides = array<i32>} : memref<16x128xf32, #tpu.memory_space<vmem>>, vector<1x16xf32>,
    %swap3A_426 = vector.shape_cast %swap3A_425 : vector<1x16xf32> to vector<16xf32>
    %swap3A_427 = vector.shape_cast %broadcast_in_dim3A_3 : vector<16xf32> to vector<1x16xf32>
    tpu.vector_store %arg12[%swap3A_423, %swap3A_424], %swap3A_427 {strides = array<i32>} : memref<16x128xf32, #tpu.memory_space<vmem>>, vector<1x16xf32>,
    %swap3A_428 = arith.constant 8 : i32
    %swap3A_429 = arith.index_cast %swap3A_428 : i32 to index
    %swap3A_430 = arith.constant 64 : index
    %swap3A_431 = tpu.vector_load %arg12[%swap3A_429, %swap3A_430] {strides = array<i32>} : memref<16x128xf32, #tpu.memory_space<vmem>>, vector<1x16xf32>,
    %swap3A_432 = vector.shape_cast %swap3A_431 : vector<1x16xf32> to vector<16xf32>
    %swap3A_433 = vector.shape_cast %broadcast_in_dim3A_3 : vector<16xf32> to vector<1x16xf32>
    tpu.vector_store %arg12[%swap3A_429, %swap3A_430], %swap3A_433 {strides = array<i32>} : memref<16x128xf32, #tpu.memory_space<vmem>>, vector<1x16xf32>,
    %swap3A_434 = arith.constant 8 : i32
    %swap3A_435 = arith.index_cast %swap3A_434 : i32 to index
    %swap3A_436 = arith.constant 80 : index
    %swap3A_437 = tpu.vector_load %arg12[%swap3A_435, %swap3A_436] {strides = array<i32>} : memref<16x128xf32, #tpu.memory_space<vmem>>, vector<1x16xf32>,
    %swap3A_438 = vector.shape_cast %swap3A_437 : vector<1x16xf32> to vector<16xf32>
    %swap3A_439 = vector.shape_cast %broadcast_in_dim3A_3 : vector<16xf32> to vector<1x16xf32>
    tpu.vector_store %arg12[%swap3A_435, %swap3A_436], %swap3A_439 {strides = array<i32>} : memref<16x128xf32, #tpu.memory_space<vmem>>, vector<1x16xf32>,
    %swap3A_440 = arith.constant 8 : i32
    %swap3A_441 = arith.index_cast %swap3A_440 : i32 to index
    %swap3A_442 = arith.constant 96 : index
    %swap3A_443 = tpu.vector_load %arg12[%swap3A_441, %swap3A_442] {strides = array<i32>} : memref<16x128xf32, #tpu.memory_space<vmem>>, vector<1x16xf32>,
    %swap3A_444 = vector.shape_cast %swap3A_443 : vector<1x16xf32> to vector<16xf32>
    %swap3A_445 = vector.shape_cast %broadcast_in_dim3A_3 : vector<16xf32> to vector<1x16xf32>
    tpu.vector_store %arg12[%swap3A_441, %swap3A_442], %swap3A_445 {strides = array<i32>} : memref<16x128xf32, #tpu.memory_space<vmem>>, vector<1x16xf32>,
    %swap3A_446 = arith.constant 8 : i32
    %swap3A_447 = arith.index_cast %swap3A_446 : i32 to index
    %swap3A_448 = arith.constant 112 : index
    %swap3A_449 = tpu.vector_load %arg12[%swap3A_447, %swap3A_448] {strides = array<i32>} : memref<16x128xf32, #tpu.memory_space<vmem>>, vector<1x16xf32>,
    %swap3A_450 = vector.shape_cast %swap3A_449 : vector<1x16xf32> to vector<16xf32>
    %swap3A_451 = vector.shape_cast %broadcast_in_dim3A_3 : vector<16xf32> to vector<1x16xf32>
    tpu.vector_store %arg12[%swap3A_447, %swap3A_448], %swap3A_451 {strides = array<i32>} : memref<16x128xf32, #tpu.memory_space<vmem>>, vector<1x16xf32>,
    %swap3A_452 = arith.constant 9 : i32
    %swap3A_453 = arith.index_cast %swap3A_452 : i32 to index
    %swap3A_454 = arith.constant 0 : index
    %swap3A_455 = tpu.vector_load %arg12[%swap3A_453, %swap3A_454] {strides = array<i32>} : memref<16x128xf32, #tpu.memory_space<vmem>>, vector<1x16xf32>,
    %swap3A_456 = vector.shape_cast %swap3A_455 : vector<1x16xf32> to vector<16xf32>
    %swap3A_457 = vector.shape_cast %broadcast_in_dim3A_3 : vector<16xf32> to vector<1x16xf32>
    tpu.vector_store %arg12[%swap3A_453, %swap3A_454], %swap3A_457 {strides = array<i32>} : memref<16x128xf32, #tpu.memory_space<vmem>>, vector<1x16xf32>,
    %swap3A_458 = arith.constant 9 : i32
    %swap3A_459 = arith.index_cast %swap3A_458 : i32 to index
    %swap3A_460 = arith.constant 16 : index
    %swap3A_461 = tpu.vector_load %arg12[%swap3A_459, %swap3A_460] {strides = array<i32>} : memref<16x128xf32, #tpu.memory_space<vmem>>, vector<1x16xf32>,
    %swap3A_462 = vector.shape_cast %swap3A_461 : vector<1x16xf32> to vector<16xf32>
    %swap3A_463 = vector.shape_cast %broadcast_in_dim3A_3 : vector<16xf32> to vector<1x16xf32>
    tpu.vector_store %arg12[%swap3A_459, %swap3A_460], %swap3A_463 {strides = array<i32>} : memref<16x128xf32, #tpu.memory_space<vmem>>, vector<1x16xf32>,
    %swap3A_464 = arith.constant 9 : i32
    %swap3A_465 = arith.index_cast %swap3A_464 : i32 to index
    %swap3A_466 = arith.constant 32 : index
    %swap3A_467 = tpu.vector_load %arg12[%swap3A_465, %swap3A_466] {strides = array<i32>} : memref<16x128xf32, #tpu.memory_space<vmem>>, vector<1x16xf32>,
    %swap3A_468 = vector.shape_cast %swap3A_467 : vector<1x16xf32> to vector<16xf32>
    %swap3A_469 = vector.shape_cast %broadcast_in_dim3A_3 : vector<16xf32> to vector<1x16xf32>
    tpu.vector_store %arg12[%swap3A_465, %swap3A_466], %swap3A_469 {strides = array<i32>} : memref<16x128xf32, #tpu.memory_space<vmem>>, vector<1x16xf32>,
    %swap3A_470 = arith.constant 9 : i32
    %swap3A_471 = arith.index_cast %swap3A_470 : i32 to index
    %swap3A_472 = arith.constant 48 : index
    %swap3A_473 = tpu.vector_load %arg12[%swap3A_471, %swap3A_472] {strides = array<i32>} : memref<16x128xf32, #tpu.memory_space<vmem>>, vector<1x16xf32>,
    %swap3A_474 = vector.shape_cast %swap3A_473 : vector<1x16xf32> to vector<16xf32>
    %swap3A_475 = vector.shape_cast %broadcast_in_dim3A_3 : vector<16xf32> to vector<1x16xf32>
    tpu.vector_store %arg12[%swap3A_471, %swap3A_472], %swap3A_475 {strides = array<i32>} : memref<16x128xf32, #tpu.memory_space<vmem>>, vector<1x16xf32>,
    %swap3A_476 = arith.constant 9 : i32
    %swap3A_477 = arith.index_cast %swap3A_476 : i32 to index
    %swap3A_478 = arith.constant 64 : index
    %swap3A_479 = tpu.vector_load %arg12[%swap3A_477, %swap3A_478] {strides = array<i32>} : memref<16x128xf32, #tpu.memory_space<vmem>>, vector<1x16xf32>,
    %swap3A_480 = vector.shape_cast %swap3A_479 : vector<1x16xf32> to vector<16xf32>
    %swap3A_481 = vector.shape_cast %broadcast_in_dim3A_3 : vector<16xf32> to vector<1x16xf32>
    tpu.vector_store %arg12[%swap3A_477, %swap3A_478], %swap3A_481 {strides = array<i32>} : memref<16x128xf32, #tpu.memory_space<vmem>>, vector<1x16xf32>,
    %swap3A_482 = arith.constant 9 : i32
    %swap3A_483 = arith.index_cast %swap3A_482 : i32 to index
    %swap3A_484 = arith.constant 80 : index
    %swap3A_485 = tpu.vector_load %arg12[%swap3A_483, %swap3A_484] {strides = array<i32>} : memref<16x128xf32, #tpu.memory_space<vmem>>, vector<1x16xf32>,
    %swap3A_486 = vector.shape_cast %swap3A_485 : vector<1x16xf32> to vector<16xf32>
    %swap3A_487 = vector.shape_cast %broadcast_in_dim3A_3 : vector<16xf32> to vector<1x16xf32>
    tpu.vector_store %arg12[%swap3A_483, %swap3A_484], %swap3A_487 {strides = array<i32>} : memref<16x128xf32, #tpu.memory_space<vmem>>, vector<1x16xf32>,
    %swap3A_488 = arith.constant 9 : i32
    %swap3A_489 = arith.index_cast %swap3A_488 : i32 to index
    %swap3A_490 = arith.constant 96 : index
    %swap3A_491 = tpu.vector_load %arg12[%swap3A_489, %swap3A_490] {strides = array<i32>} : memref<16x128xf32, #tpu.memory_space<vmem>>, vector<1x16xf32>,
    %swap3A_492 = vector.shape_cast %swap3A_491 : vector<1x16xf32> to vector<16xf32>
    %swap3A_493 = vector.shape_cast %broadcast_in_dim3A_3 : vector<16xf32> to vector<1x16xf32>
    tpu.vector_store %arg12[%swap3A_489, %swap3A_490], %swap3A_493 {strides = array<i32>} : memref<16x128xf32, #tpu.memory_space<vmem>>, vector<1x16xf32>,
    %swap3A_494 = arith.constant 9 : i32
    %swap3A_495 = arith.index_cast %swap3A_494 : i32 to index
    %swap3A_496 = arith.constant 112 : index
    %swap3A_497 = tpu.vector_load %arg12[%swap3A_495, %swap3A_496] {strides = array<i32>} : memref<16x128xf32, #tpu.memory_space<vmem>>, vector<1x16xf32>,
    %swap3A_498 = vector.shape_cast %swap3A_497 : vector<1x16xf32> to vector<16xf32>
    %swap3A_499 = vector.shape_cast %broadcast_in_dim3A_3 : vector<16xf32> to vector<1x16xf32>
    tpu.vector_store %arg12[%swap3A_495, %swap3A_496], %swap3A_499 {strides = array<i32>} : memref<16x128xf32, #tpu.memory_space<vmem>>, vector<1x16xf32>,
    %swap3A_500 = arith.constant 10 : i32
    %swap3A_501 = arith.index_cast %swap3A_500 : i32 to index
    %swap3A_502 = arith.constant 0 : index
    %swap3A_503 = tpu.vector_load %arg12[%swap3A_501, %swap3A_502] {strides = array<i32>} : memref<16x128xf32, #tpu.memory_space<vmem>>, vector<1x16xf32>,
    %swap3A_504 = vector.shape_cast %swap3A_503 : vector<1x16xf32> to vector<16xf32>
    %swap3A_505 = vector.shape_cast %broadcast_in_dim3A_3 : vector<16xf32> to vector<1x16xf32>
    tpu.vector_store %arg12[%swap3A_501, %swap3A_502], %swap3A_505 {strides = array<i32>} : memref<16x128xf32, #tpu.memory_space<vmem>>, vector<1x16xf32>,
    %swap3A_506 = arith.constant 10 : i32
    %swap3A_507 = arith.index_cast %swap3A_506 : i32 to index
    %swap3A_508 = arith.constant 16 : index
    %swap3A_509 = tpu.vector_load %arg12[%swap3A_507, %swap3A_508] {strides = array<i32>} : memref<16x128xf32, #tpu.memory_space<vmem>>, vector<1x16xf32>,
    %swap3A_510 = vector.shape_cast %swap3A_509 : vector<1x16xf32> to vector<16xf32>
    %swap3A_511 = vector.shape_cast %broadcast_in_dim3A_3 : vector<16xf32> to vector<1x16xf32>
    tpu.vector_store %arg12[%swap3A_507, %swap3A_508], %swap3A_511 {strides = array<i32>} : memref<16x128xf32, #tpu.memory_space<vmem>>, vector<1x16xf32>,
    %swap3A_512 = arith.constant 10 : i32
    %swap3A_513 = arith.index_cast %swap3A_512 : i32 to index
    %swap3A_514 = arith.constant 32 : index
    %swap3A_515 = tpu.vector_load %arg12[%swap3A_513, %swap3A_514] {strides = array<i32>} : memref<16x128xf32, #tpu.memory_space<vmem>>, vector<1x16xf32>,
    %swap3A_516 = vector.shape_cast %swap3A_515 : vector<1x16xf32> to vector<16xf32>
    %swap3A_517 = vector.shape_cast %broadcast_in_dim3A_3 : vector<16xf32> to vector<1x16xf32>
    tpu.vector_store %arg12[%swap3A_513, %swap3A_514], %swap3A_517 {strides = array<i32>} : memref<16x128xf32, #tpu.memory_space<vmem>>, vector<1x16xf32>,
    %swap3A_518 = arith.constant 10 : i32
    %swap3A_519 = arith.index_cast %swap3A_518 : i32 to index
    %swap3A_520 = arith.constant 48 : index
    %swap3A_521 = tpu.vector_load %arg12[%swap3A_519, %swap3A_520] {strides = array<i32>} : memref<16x128xf32, #tpu.memory_space<vmem>>, vector<1x16xf32>,
    %swap3A_522 = vector.shape_cast %swap3A_521 : vector<1x16xf32> to vector<16xf32>
    %swap3A_523 = vector.shape_cast %broadcast_in_dim3A_3 : vector<16xf32> to vector<1x16xf32>
    tpu.vector_store %arg12[%swap3A_519, %swap3A_520], %swap3A_523 {strides = array<i32>} : memref<16x128xf32, #tpu.memory_space<vmem>>, vector<1x16xf32>,
    %swap3A_524 = arith.constant 10 : i32
    %swap3A_525 = arith.index_cast %swap3A_524 : i32 to index
    %swap3A_526 = arith.constant 64 : index
    %swap3A_527 = tpu.vector_load %arg12[%swap3A_525, %swap3A_526] {strides = array<i32>} : memref<16x128xf32, #tpu.memory_space<vmem>>, vector<1x16xf32>,
    %swap3A_528 = vector.shape_cast %swap3A_527 : vector<1x16xf32> to vector<16xf32>
    %swap3A_529 = vector.shape_cast %broadcast_in_dim3A_3 : vector<16xf32> to vector<1x16xf32>
    tpu.vector_store %arg12[%swap3A_525, %swap3A_526], %swap3A_529 {strides = array<i32>} : memref<16x128xf32, #tpu.memory_space<vmem>>, vector<1x16xf32>,
    %swap3A_530 = arith.constant 10 : i32
    %swap3A_531 = arith.index_cast %swap3A_530 : i32 to index
    %swap3A_532 = arith.constant 80 : index
    %swap3A_533 = tpu.vector_load %arg12[%swap3A_531, %swap3A_532] {strides = array<i32>} : memref<16x128xf32, #tpu.memory_space<vmem>>, vector<1x16xf32>,
    %swap3A_534 = vector.shape_cast %swap3A_533 : vector<1x16xf32> to vector<16xf32>
    %swap3A_535 = vector.shape_cast %broadcast_in_dim3A_3 : vector<16xf32> to vector<1x16xf32>
    tpu.vector_store %arg12[%swap3A_531, %swap3A_532], %swap3A_535 {strides = array<i32>} : memref<16x128xf32, #tpu.memory_space<vmem>>, vector<1x16xf32>,
    %swap3A_536 = arith.constant 10 : i32
    %swap3A_537 = arith.index_cast %swap3A_536 : i32 to index
    %swap3A_538 = arith.constant 96 : index
    %swap3A_539 = tpu.vector_load %arg12[%swap3A_537, %swap3A_538] {strides = array<i32>} : memref<16x128xf32, #tpu.memory_space<vmem>>, vector<1x16xf32>,
    %swap3A_540 = vector.shape_cast %swap3A_539 : vector<1x16xf32> to vector<16xf32>
    %swap3A_541 = vector.shape_cast %broadcast_in_dim3A_3 : vector<16xf32> to vector<1x16xf32>
    tpu.vector_store %arg12[%swap3A_537, %swap3A_538], %swap3A_541 {strides = array<i32>} : memref<16x128xf32, #tpu.memory_space<vmem>>, vector<1x16xf32>,
    %swap3A_542 = arith.constant 10 : i32
    %swap3A_543 = arith.index_cast %swap3A_542 : i32 to index
    %swap3A_544 = arith.constant 112 : index
    %swap3A_545 = tpu.vector_load %arg12[%swap3A_543, %swap3A_544] {strides = array<i32>} : memref<16x128xf32, #tpu.memory_space<vmem>>, vector<1x16xf32>,
    %swap3A_546 = vector.shape_cast %swap3A_545 : vector<1x16xf32> to vector<16xf32>
    %swap3A_547 = vector.shape_cast %broadcast_in_dim3A_3 : vector<16xf32> to vector<1x16xf32>
    tpu.vector_store %arg12[%swap3A_543, %swap3A_544], %swap3A_547 {strides = array<i32>} : memref<16x128xf32, #tpu.memory_space<vmem>>, vector<1x16xf32>,
    %swap3A_548 = arith.constant 11 : i32
    %swap3A_549 = arith.index_cast %swap3A_548 : i32 to index
    %swap3A_550 = arith.constant 0 : index
    %swap3A_551 = tpu.vector_load %arg12[%swap3A_549, %swap3A_550] {strides = array<i32>} : memref<16x128xf32, #tpu.memory_space<vmem>>, vector<1x16xf32>,
    %swap3A_552 = vector.shape_cast %swap3A_551 : vector<1x16xf32> to vector<16xf32>
    %swap3A_553 = vector.shape_cast %broadcast_in_dim3A_3 : vector<16xf32> to vector<1x16xf32>
    tpu.vector_store %arg12[%swap3A_549, %swap3A_550], %swap3A_553 {strides = array<i32>} : memref<16x128xf32, #tpu.memory_space<vmem>>, vector<1x16xf32>,
    %swap3A_554 = arith.constant 11 : i32
    %swap3A_555 = arith.index_cast %swap3A_554 : i32 to index
    %swap3A_556 = arith.constant 16 : index
    %swap3A_557 = tpu.vector_load %arg12[%swap3A_555, %swap3A_556] {strides = array<i32>} : memref<16x128xf32, #tpu.memory_space<vmem>>, vector<1x16xf32>,
    %swap3A_558 = vector.shape_cast %swap3A_557 : vector<1x16xf32> to vector<16xf32>
    %swap3A_559 = vector.shape_cast %broadcast_in_dim3A_3 : vector<16xf32> to vector<1x16xf32>
    tpu.vector_store %arg12[%swap3A_555, %swap3A_556], %swap3A_559 {strides = array<i32>} : memref<16x128xf32, #tpu.memory_space<vmem>>, vector<1x16xf32>,
    %swap3A_560 = arith.constant 11 : i32
    %swap3A_561 = arith.index_cast %swap3A_560 : i32 to index
    %swap3A_562 = arith.constant 32 : index
    %swap3A_563 = tpu.vector_load %arg12[%swap3A_561, %swap3A_562] {strides = array<i32>} : memref<16x128xf32, #tpu.memory_space<vmem>>, vector<1x16xf32>,
    %swap3A_564 = vector.shape_cast %swap3A_563 : vector<1x16xf32> to vector<16xf32>
    %swap3A_565 = vector.shape_cast %broadcast_in_dim3A_3 : vector<16xf32> to vector<1x16xf32>
    tpu.vector_store %arg12[%swap3A_561, %swap3A_562], %swap3A_565 {strides = array<i32>} : memref<16x128xf32, #tpu.memory_space<vmem>>, vector<1x16xf32>,
    %swap3A_566 = arith.constant 11 : i32
    %swap3A_567 = arith.index_cast %swap3A_566 : i32 to index
    %swap3A_568 = arith.constant 48 : index
    %swap3A_569 = tpu.vector_load %arg12[%swap3A_567, %swap3A_568] {strides = array<i32>} : memref<16x128xf32, #tpu.memory_space<vmem>>, vector<1x16xf32>,
    %swap3A_570 = vector.shape_cast %swap3A_569 : vector<1x16xf32> to vector<16xf32>
    %swap3A_571 = vector.shape_cast %broadcast_in_dim3A_3 : vector<16xf32> to vector<1x16xf32>
    tpu.vector_store %arg12[%swap3A_567, %swap3A_568], %swap3A_571 {strides = array<i32>} : memref<16x128xf32, #tpu.memory_space<vmem>>, vector<1x16xf32>,
    %swap3A_572 = arith.constant 11 : i32
    %swap3A_573 = arith.index_cast %swap3A_572 : i32 to index
    %swap3A_574 = arith.constant 64 : index
    %swap3A_575 = tpu.vector_load %arg12[%swap3A_573, %swap3A_574] {strides = array<i32>} : memref<16x128xf32, #tpu.memory_space<vmem>>, vector<1x16xf32>,
    %swap3A_576 = vector.shape_cast %swap3A_575 : vector<1x16xf32> to vector<16xf32>
    %swap3A_577 = vector.shape_cast %broadcast_in_dim3A_3 : vector<16xf32> to vector<1x16xf32>
    tpu.vector_store %arg12[%swap3A_573, %swap3A_574], %swap3A_577 {strides = array<i32>} : memref<16x128xf32, #tpu.memory_space<vmem>>, vector<1x16xf32>,
    %swap3A_578 = arith.constant 11 : i32
    %swap3A_579 = arith.index_cast %swap3A_578 : i32 to index
    %swap3A_580 = arith.constant 80 : index
    %swap3A_581 = tpu.vector_load %arg12[%swap3A_579, %swap3A_580] {strides = array<i32>} : memref<16x128xf32, #tpu.memory_space<vmem>>, vector<1x16xf32>,
    %swap3A_582 = vector.shape_cast %swap3A_581 : vector<1x16xf32> to vector<16xf32>
    %swap3A_583 = vector.shape_cast %broadcast_in_dim3A_3 : vector<16xf32> to vector<1x16xf32>
    tpu.vector_store %arg12[%swap3A_579, %swap3A_580], %swap3A_583 {strides = array<i32>} : memref<16x128xf32, #tpu.memory_space<vmem>>, vector<1x16xf32>,
    %swap3A_584 = arith.constant 11 : i32
    %swap3A_585 = arith.index_cast %swap3A_584 : i32 to index
    %swap3A_586 = arith.constant 96 : index
    %swap3A_587 = tpu.vector_load %arg12[%swap3A_585, %swap3A_586] {strides = array<i32>} : memref<16x128xf32, #tpu.memory_space<vmem>>, vector<1x16xf32>,
    %swap3A_588 = vector.shape_cast %swap3A_587 : vector<1x16xf32> to vector<16xf32>
    %swap3A_589 = vector.shape_cast %broadcast_in_dim3A_3 : vector<16xf32> to vector<1x16xf32>
    tpu.vector_store %arg12[%swap3A_585, %swap3A_586], %swap3A_589 {strides = array<i32>} : memref<16x128xf32, #tpu.memory_space<vmem>>, vector<1x16xf32>,
    %swap3A_590 = arith.constant 11 : i32
    %swap3A_591 = arith.index_cast %swap3A_590 : i32 to index
    %swap3A_592 = arith.constant 112 : index
    %swap3A_593 = tpu.vector_load %arg12[%swap3A_591, %swap3A_592] {strides = array<i32>} : memref<16x128xf32, #tpu.memory_space<vmem>>, vector<1x16xf32>,
    %swap3A_594 = vector.shape_cast %swap3A_593 : vector<1x16xf32> to vector<16xf32>
    %swap3A_595 = vector.shape_cast %broadcast_in_dim3A_3 : vector<16xf32> to vector<1x16xf32>
    tpu.vector_store %arg12[%swap3A_591, %swap3A_592], %swap3A_595 {strides = array<i32>} : memref<16x128xf32, #tpu.memory_space<vmem>>, vector<1x16xf32>,
    %swap3A_596 = arith.constant 12 : i32
    %swap3A_597 = arith.index_cast %swap3A_596 : i32 to index
    %swap3A_598 = arith.constant 0 : index
    %swap3A_599 = tpu.vector_load %arg12[%swap3A_597, %swap3A_598] {strides = array<i32>} : memref<16x128xf32, #tpu.memory_space<vmem>>, vector<1x16xf32>,
    %swap3A_600 = vector.shape_cast %swap3A_599 : vector<1x16xf32> to vector<16xf32>
    %swap3A_601 = vector.shape_cast %broadcast_in_dim3A_3 : vector<16xf32> to vector<1x16xf32>
    tpu.vector_store %arg12[%swap3A_597, %swap3A_598], %swap3A_601 {strides = array<i32>} : memref<16x128xf32, #tpu.memory_space<vmem>>, vector<1x16xf32>,
    %swap3A_602 = arith.constant 12 : i32
    %swap3A_603 = arith.index_cast %swap3A_602 : i32 to index
    %swap3A_604 = arith.constant 16 : index
    %swap3A_605 = tpu.vector_load %arg12[%swap3A_603, %swap3A_604] {strides = array<i32>} : memref<16x128xf32, #tpu.memory_space<vmem>>, vector<1x16xf32>,
    %swap3A_606 = vector.shape_cast %swap3A_605 : vector<1x16xf32> to vector<16xf32>
    %swap3A_607 = vector.shape_cast %broadcast_in_dim3A_3 : vector<16xf32> to vector<1x16xf32>
    tpu.vector_store %arg12[%swap3A_603, %swap3A_604], %swap3A_607 {strides = array<i32>} : memref<16x128xf32, #tpu.memory_space<vmem>>, vector<1x16xf32>,
    %swap3A_608 = arith.constant 12 : i32
    %swap3A_609 = arith.index_cast %swap3A_608 : i32 to index
    %swap3A_610 = arith.constant 32 : index
    %swap3A_611 = tpu.vector_load %arg12[%swap3A_609, %swap3A_610] {strides = array<i32>} : memref<16x128xf32, #tpu.memory_space<vmem>>, vector<1x16xf32>,
    %swap3A_612 = vector.shape_cast %swap3A_611 : vector<1x16xf32> to vector<16xf32>
    %swap3A_613 = vector.shape_cast %broadcast_in_dim3A_3 : vector<16xf32> to vector<1x16xf32>
    tpu.vector_store %arg12[%swap3A_609, %swap3A_610], %swap3A_613 {strides = array<i32>} : memref<16x128xf32, #tpu.memory_space<vmem>>, vector<1x16xf32>,
    %swap3A_614 = arith.constant 12 : i32
    %swap3A_615 = arith.index_cast %swap3A_614 : i32 to index
    %swap3A_616 = arith.constant 48 : index
    %swap3A_617 = tpu.vector_load %arg12[%swap3A_615, %swap3A_616] {strides = array<i32>} : memref<16x128xf32, #tpu.memory_space<vmem>>, vector<1x16xf32>,
    %swap3A_618 = vector.shape_cast %swap3A_617 : vector<1x16xf32> to vector<16xf32>
    %swap3A_619 = vector.shape_cast %broadcast_in_dim3A_3 : vector<16xf32> to vector<1x16xf32>
    tpu.vector_store %arg12[%swap3A_615, %swap3A_616], %swap3A_619 {strides = array<i32>} : memref<16x128xf32, #tpu.memory_space<vmem>>, vector<1x16xf32>,
    %swap3A_620 = arith.constant 12 : i32
    %swap3A_621 = arith.index_cast %swap3A_620 : i32 to index
    %swap3A_622 = arith.constant 64 : index
    %swap3A_623 = tpu.vector_load %arg12[%swap3A_621, %swap3A_622] {strides = array<i32>} : memref<16x128xf32, #tpu.memory_space<vmem>>, vector<1x16xf32>,
    %swap3A_624 = vector.shape_cast %swap3A_623 : vector<1x16xf32> to vector<16xf32>
    %swap3A_625 = vector.shape_cast %broadcast_in_dim3A_3 : vector<16xf32> to vector<1x16xf32>
    tpu.vector_store %arg12[%swap3A_621, %swap3A_622], %swap3A_625 {strides = array<i32>} : memref<16x128xf32, #tpu.memory_space<vmem>>, vector<1x16xf32>,
    %swap3A_626 = arith.constant 12 : i32
    %swap3A_627 = arith.index_cast %swap3A_626 : i32 to index
    %swap3A_628 = arith.constant 80 : index
    %swap3A_629 = tpu.vector_load %arg12[%swap3A_627, %swap3A_628] {strides = array<i32>} : memref<16x128xf32, #tpu.memory_space<vmem>>, vector<1x16xf32>,
    %swap3A_630 = vector.shape_cast %swap3A_629 : vector<1x16xf32> to vector<16xf32>
    %swap3A_631 = vector.shape_cast %broadcast_in_dim3A_3 : vector<16xf32> to vector<1x16xf32>
    tpu.vector_store %arg12[%swap3A_627, %swap3A_628], %swap3A_631 {strides = array<i32>} : memref<16x128xf32, #tpu.memory_space<vmem>>, vector<1x16xf32>,
    %swap3A_632 = arith.constant 12 : i32
    %swap3A_633 = arith.index_cast %swap3A_632 : i32 to index
    %swap3A_634 = arith.constant 96 : index
    %swap3A_635 = tpu.vector_load %arg12[%swap3A_633, %swap3A_634] {strides = array<i32>} : memref<16x128xf32, #tpu.memory_space<vmem>>, vector<1x16xf32>,
    %swap3A_636 = vector.shape_cast %swap3A_635 : vector<1x16xf32> to vector<16xf32>
    %swap3A_637 = vector.shape_cast %broadcast_in_dim3A_3 : vector<16xf32> to vector<1x16xf32>
    tpu.vector_store %arg12[%swap3A_633, %swap3A_634], %swap3A_637 {strides = array<i32>} : memref<16x128xf32, #tpu.memory_space<vmem>>, vector<1x16xf32>,
    %swap3A_638 = arith.constant 12 : i32
    %swap3A_639 = arith.index_cast %swap3A_638 : i32 to index
    %swap3A_640 = arith.constant 112 : index
    %swap3A_641 = tpu.vector_load %arg12[%swap3A_639, %swap3A_640] {strides = array<i32>} : memref<16x128xf32, #tpu.memory_space<vmem>>, vector<1x16xf32>,
    %swap3A_642 = vector.shape_cast %swap3A_641 : vector<1x16xf32> to vector<16xf32>
    %swap3A_643 = vector.shape_cast %broadcast_in_dim3A_3 : vector<16xf32> to vector<1x16xf32>
    tpu.vector_store %arg12[%swap3A_639, %swap3A_640], %swap3A_643 {strides = array<i32>} : memref<16x128xf32, #tpu.memory_space<vmem>>, vector<1x16xf32>,
    %swap3A_644 = arith.constant 13 : i32
    %swap3A_645 = arith.index_cast %swap3A_644 : i32 to index
    %swap3A_646 = arith.constant 0 : index
    %swap3A_647 = tpu.vector_load %arg12[%swap3A_645, %swap3A_646] {strides = array<i32>} : memref<16x128xf32, #tpu.memory_space<vmem>>, vector<1x16xf32>,
    %swap3A_648 = vector.shape_cast %swap3A_647 : vector<1x16xf32> to vector<16xf32>
    %swap3A_649 = vector.shape_cast %broadcast_in_dim3A_3 : vector<16xf32> to vector<1x16xf32>
    tpu.vector_store %arg12[%swap3A_645, %swap3A_646], %swap3A_649 {strides = array<i32>} : memref<16x128xf32, #tpu.memory_space<vmem>>, vector<1x16xf32>,
    %swap3A_650 = arith.constant 13 : i32
    %swap3A_651 = arith.index_cast %swap3A_650 : i32 to index
    %swap3A_652 = arith.constant 16 : index
    %swap3A_653 = tpu.vector_load %arg12[%swap3A_651, %swap3A_652] {strides = array<i32>} : memref<16x128xf32, #tpu.memory_space<vmem>>, vector<1x16xf32>,
    %swap3A_654 = vector.shape_cast %swap3A_653 : vector<1x16xf32> to vector<16xf32>
    %swap3A_655 = vector.shape_cast %broadcast_in_dim3A_3 : vector<16xf32> to vector<1x16xf32>
    tpu.vector_store %arg12[%swap3A_651, %swap3A_652], %swap3A_655 {strides = array<i32>} : memref<16x128xf32, #tpu.memory_space<vmem>>, vector<1x16xf32>,
    %swap3A_656 = arith.constant 13 : i32
    %swap3A_657 = arith.index_cast %swap3A_656 : i32 to index
    %swap3A_658 = arith.constant 32 : index
    %swap3A_659 = tpu.vector_load %arg12[%swap3A_657, %swap3A_658] {strides = array<i32>} : memref<16x128xf32, #tpu.memory_space<vmem>>, vector<1x16xf32>,
    %swap3A_660 = vector.shape_cast %swap3A_659 : vector<1x16xf32> to vector<16xf32>
    %swap3A_661 = vector.shape_cast %broadcast_in_dim3A_3 : vector<16xf32> to vector<1x16xf32>
    tpu.vector_store %arg12[%swap3A_657, %swap3A_658], %swap3A_661 {strides = array<i32>} : memref<16x128xf32, #tpu.memory_space<vmem>>, vector<1x16xf32>,
    %swap3A_662 = arith.constant 13 : i32
    %swap3A_663 = arith.index_cast %swap3A_662 : i32 to index
    %swap3A_664 = arith.constant 48 : index
    %swap3A_665 = tpu.vector_load %arg12[%swap3A_663, %swap3A_664] {strides = array<i32>} : memref<16x128xf32, #tpu.memory_space<vmem>>, vector<1x16xf32>,
    %swap3A_666 = vector.shape_cast %swap3A_665 : vector<1x16xf32> to vector<16xf32>
    %swap3A_667 = vector.shape_cast %broadcast_in_dim3A_3 : vector<16xf32> to vector<1x16xf32>
    tpu.vector_store %arg12[%swap3A_663, %swap3A_664], %swap3A_667 {strides = array<i32>} : memref<16x128xf32, #tpu.memory_space<vmem>>, vector<1x16xf32>,
    %swap3A_668 = arith.constant 13 : i32
    %swap3A_669 = arith.index_cast %swap3A_668 : i32 to index
    %swap3A_670 = arith.constant 64 : index
    %swap3A_671 = tpu.vector_load %arg12[%swap3A_669, %swap3A_670] {strides = array<i32>} : memref<16x128xf32, #tpu.memory_space<vmem>>, vector<1x16xf32>,
    %swap3A_672 = vector.shape_cast %swap3A_671 : vector<1x16xf32> to vector<16xf32>
    %swap3A_673 = vector.shape_cast %broadcast_in_dim3A_3 : vector<16xf32> to vector<1x16xf32>
    tpu.vector_store %arg12[%swap3A_669, %swap3A_670], %swap3A_673 {strides = array<i32>} : memref<16x128xf32, #tpu.memory_space<vmem>>, vector<1x16xf32>,
    %swap3A_674 = arith.constant 13 : i32
    %swap3A_675 = arith.index_cast %swap3A_674 : i32 to index
    %swap3A_676 = arith.constant 80 : index
    %swap3A_677 = tpu.vector_load %arg12[%swap3A_675, %swap3A_676] {strides = array<i32>} : memref<16x128xf32, #tpu.memory_space<vmem>>, vector<1x16xf32>,
    %swap3A_678 = vector.shape_cast %swap3A_677 : vector<1x16xf32> to vector<16xf32>
    %swap3A_679 = vector.shape_cast %broadcast_in_dim3A_3 : vector<16xf32> to vector<1x16xf32>
    tpu.vector_store %arg12[%swap3A_675, %swap3A_676], %swap3A_679 {strides = array<i32>} : memref<16x128xf32, #tpu.memory_space<vmem>>, vector<1x16xf32>,
    %swap3A_680 = arith.constant 13 : i32
    %swap3A_681 = arith.index_cast %swap3A_680 : i32 to index
    %swap3A_682 = arith.constant 96 : index
    %swap3A_683 = tpu.vector_load %arg12[%swap3A_681, %swap3A_682] {strides = array<i32>} : memref<16x128xf32, #tpu.memory_space<vmem>>, vector<1x16xf32>,
    %swap3A_684 = vector.shape_cast %swap3A_683 : vector<1x16xf32> to vector<16xf32>
    %swap3A_685 = vector.shape_cast %broadcast_in_dim3A_3 : vector<16xf32> to vector<1x16xf32>
    tpu.vector_store %arg12[%swap3A_681, %swap3A_682], %swap3A_685 {strides = array<i32>} : memref<16x128xf32, #tpu.memory_space<vmem>>, vector<1x16xf32>,
    %swap3A_686 = arith.constant 13 : i32
    %swap3A_687 = arith.index_cast %swap3A_686 : i32 to index
    %swap3A_688 = arith.constant 112 : index
    %swap3A_689 = tpu.vector_load %arg12[%swap3A_687, %swap3A_688] {strides = array<i32>} : memref<16x128xf32, #tpu.memory_space<vmem>>, vector<1x16xf32>,
    %swap3A_690 = vector.shape_cast %swap3A_689 : vector<1x16xf32> to vector<16xf32>
    %swap3A_691 = vector.shape_cast %broadcast_in_dim3A_3 : vector<16xf32> to vector<1x16xf32>
    tpu.vector_store %arg12[%swap3A_687, %swap3A_688], %swap3A_691 {strides = array<i32>} : memref<16x128xf32, #tpu.memory_space<vmem>>, vector<1x16xf32>,
    %swap3A_692 = arith.constant 14 : i32
    %swap3A_693 = arith.index_cast %swap3A_692 : i32 to index
    %swap3A_694 = arith.constant 0 : index
    %swap3A_695 = tpu.vector_load %arg12[%swap3A_693, %swap3A_694] {strides = array<i32>} : memref<16x128xf32, #tpu.memory_space<vmem>>, vector<1x16xf32>,
    %swap3A_696 = vector.shape_cast %swap3A_695 : vector<1x16xf32> to vector<16xf32>
    %swap3A_697 = vector.shape_cast %broadcast_in_dim3A_3 : vector<16xf32> to vector<1x16xf32>
    tpu.vector_store %arg12[%swap3A_693, %swap3A_694], %swap3A_697 {strides = array<i32>} : memref<16x128xf32, #tpu.memory_space<vmem>>, vector<1x16xf32>,
    %swap3A_698 = arith.constant 14 : i32
    %swap3A_699 = arith.index_cast %swap3A_698 : i32 to index
    %swap3A_700 = arith.constant 16 : index
    %swap3A_701 = tpu.vector_load %arg12[%swap3A_699, %swap3A_700] {strides = array<i32>} : memref<16x128xf32, #tpu.memory_space<vmem>>, vector<1x16xf32>,
    %swap3A_702 = vector.shape_cast %swap3A_701 : vector<1x16xf32> to vector<16xf32>
    %swap3A_703 = vector.shape_cast %broadcast_in_dim3A_3 : vector<16xf32> to vector<1x16xf32>
    tpu.vector_store %arg12[%swap3A_699, %swap3A_700], %swap3A_703 {strides = array<i32>} : memref<16x128xf32, #tpu.memory_space<vmem>>, vector<1x16xf32>,
    %swap3A_704 = arith.constant 14 : i32
    %swap3A_705 = arith.index_cast %swap3A_704 : i32 to index
    %swap3A_706 = arith.constant 32 : index
    %swap3A_707 = tpu.vector_load %arg12[%swap3A_705, %swap3A_706] {strides = array<i32>} : memref<16x128xf32, #tpu.memory_space<vmem>>, vector<1x16xf32>,
    %swap3A_708 = vector.shape_cast %swap3A_707 : vector<1x16xf32> to vector<16xf32>
    %swap3A_709 = vector.shape_cast %broadcast_in_dim3A_3 : vector<16xf32> to vector<1x16xf32>
    tpu.vector_store %arg12[%swap3A_705, %swap3A_706], %swap3A_709 {strides = array<i32>} : memref<16x128xf32, #tpu.memory_space<vmem>>, vector<1x16xf32>,
    %swap3A_710 = arith.constant 14 : i32
    %swap3A_711 = arith.index_cast %swap3A_710 : i32 to index
    %swap3A_712 = arith.constant 48 : index
    %swap3A_713 = tpu.vector_load %arg12[%swap3A_711, %swap3A_712] {strides = array<i32>} : memref<16x128xf32, #tpu.memory_space<vmem>>, vector<1x16xf32>,
    %swap3A_714 = vector.shape_cast %swap3A_713 : vector<1x16xf32> to vector<16xf32>
    %swap3A_715 = vector.shape_cast %broadcast_in_dim3A_3 : vector<16xf32> to vector<1x16xf32>
    tpu.vector_store %arg12[%swap3A_711, %swap3A_712], %swap3A_715 {strides = array<i32>} : memref<16x128xf32, #tpu.memory_space<vmem>>, vector<1x16xf32>,
    %swap3A_716 = arith.constant 14 : i32
    %swap3A_717 = arith.index_cast %swap3A_716 : i32 to index
    %swap3A_718 = arith.constant 64 : index
    %swap3A_719 = tpu.vector_load %arg12[%swap3A_717, %swap3A_718] {strides = array<i32>} : memref<16x128xf32, #tpu.memory_space<vmem>>, vector<1x16xf32>,
    %swap3A_720 = vector.shape_cast %swap3A_719 : vector<1x16xf32> to vector<16xf32>
    %swap3A_721 = vector.shape_cast %broadcast_in_dim3A_3 : vector<16xf32> to vector<1x16xf32>
    tpu.vector_store %arg12[%swap3A_717, %swap3A_718], %swap3A_721 {strides = array<i32>} : memref<16x128xf32, #tpu.memory_space<vmem>>, vector<1x16xf32>,
    %swap3A_722 = arith.constant 14 : i32
    %swap3A_723 = arith.index_cast %swap3A_722 : i32 to index
    %swap3A_724 = arith.constant 80 : index
    %swap3A_725 = tpu.vector_load %arg12[%swap3A_723, %swap3A_724] {strides = array<i32>} : memref<16x128xf32, #tpu.memory_space<vmem>>, vector<1x16xf32>,
    %swap3A_726 = vector.shape_cast %swap3A_725 : vector<1x16xf32> to vector<16xf32>
    %swap3A_727 = vector.shape_cast %broadcast_in_dim3A_3 : vector<16xf32> to vector<1x16xf32>
    tpu.vector_store %arg12[%swap3A_723, %swap3A_724], %swap3A_727 {strides = array<i32>} : memref<16x128xf32, #tpu.memory_space<vmem>>, vector<1x16xf32>,
    %swap3A_728 = arith.constant 14 : i32
    %swap3A_729 = arith.index_cast %swap3A_728 : i32 to index
    %swap3A_730 = arith.constant 96 : index
    %swap3A_731 = tpu.vector_load %arg12[%swap3A_729, %swap3A_730] {strides = array<i32>} : memref<16x128xf32, #tpu.memory_space<vmem>>, vector<1x16xf32>,
    %swap3A_732 = vector.shape_cast %swap3A_731 : vector<1x16xf32> to vector<16xf32>
    %swap3A_733 = vector.shape_cast %broadcast_in_dim3A_3 : vector<16xf32> to vector<1x16xf32>
    tpu.vector_store %arg12[%swap3A_729, %swap3A_730], %swap3A_733 {strides = array<i32>} : memref<16x128xf32, #tpu.memory_space<vmem>>, vector<1x16xf32>,
    %swap3A_734 = arith.constant 14 : i32
    %swap3A_735 = arith.index_cast %swap3A_734 : i32 to index
    %swap3A_736 = arith.constant 112 : index
    %swap3A_737 = tpu.vector_load %arg12[%swap3A_735, %swap3A_736] {strides = array<i32>} : memref<16x128xf32, #tpu.memory_space<vmem>>, vector<1x16xf32>,
    %swap3A_738 = vector.shape_cast %swap3A_737 : vector<1x16xf32> to vector<16xf32>
    %swap3A_739 = vector.shape_cast %broadcast_in_dim3A_3 : vector<16xf32> to vector<1x16xf32>
    tpu.vector_store %arg12[%swap3A_735, %swap3A_736], %swap3A_739 {strides = array<i32>} : memref<16x128xf32, #tpu.memory_space<vmem>>, vector<1x16xf32>,
    %swap3A_740 = arith.constant 15 : i32
    %swap3A_741 = arith.index_cast %swap3A_740 : i32 to index
    %swap3A_742 = arith.constant 0 : index
    %swap3A_743 = tpu.vector_load %arg12[%swap3A_741, %swap3A_742] {strides = array<i32>} : memref<16x128xf32, #tpu.memory_space<vmem>>, vector<1x16xf32>,
    %swap3A_744 = vector.shape_cast %swap3A_743 : vector<1x16xf32> to vector<16xf32>
    %swap3A_745 = vector.shape_cast %broadcast_in_dim3A_3 : vector<16xf32> to vector<1x16xf32>
    tpu.vector_store %arg12[%swap3A_741, %swap3A_742], %swap3A_745 {strides = array<i32>} : memref<16x128xf32, #tpu.memory_space<vmem>>, vector<1x16xf32>,
    %swap3A_746 = arith.constant 15 : i32
    %swap3A_747 = arith.index_cast %swap3A_746 : i32 to index
    %swap3A_748 = arith.constant 16 : index
    %swap3A_749 = tpu.vector_load %arg12[%swap3A_747, %swap3A_748] {strides = array<i32>} : memref<16x128xf32, #tpu.memory_space<vmem>>, vector<1x16xf32>,
    %swap3A_750 = vector.shape_cast %swap3A_749 : vector<1x16xf32> to vector<16xf32>
    %swap3A_751 = vector.shape_cast %broadcast_in_dim3A_3 : vector<16xf32> to vector<1x16xf32>
    tpu.vector_store %arg12[%swap3A_747, %swap3A_748], %swap3A_751 {strides = array<i32>} : memref<16x128xf32, #tpu.memory_space<vmem>>, vector<1x16xf32>,
    %swap3A_752 = arith.constant 15 : i32
    %swap3A_753 = arith.index_cast %swap3A_752 : i32 to index
    %swap3A_754 = arith.constant 32 : index
    %swap3A_755 = tpu.vector_load %arg12[%swap3A_753, %swap3A_754] {strides = array<i32>} : memref<16x128xf32, #tpu.memory_space<vmem>>, vector<1x16xf32>,
    %swap3A_756 = vector.shape_cast %swap3A_755 : vector<1x16xf32> to vector<16xf32>
    %swap3A_757 = vector.shape_cast %broadcast_in_dim3A_3 : vector<16xf32> to vector<1x16xf32>
    tpu.vector_store %arg12[%swap3A_753, %swap3A_754], %swap3A_757 {strides = array<i32>} : memref<16x128xf32, #tpu.memory_space<vmem>>, vector<1x16xf32>,
    %swap3A_758 = arith.constant 15 : i32
    %swap3A_759 = arith.index_cast %swap3A_758 : i32 to index
    %swap3A_760 = arith.constant 48 : index
    %swap3A_761 = tpu.vector_load %arg12[%swap3A_759, %swap3A_760] {strides = array<i32>} : memref<16x128xf32, #tpu.memory_space<vmem>>, vector<1x16xf32>,
    %swap3A_762 = vector.shape_cast %swap3A_761 : vector<1x16xf32> to vector<16xf32>
    %swap3A_763 = vector.shape_cast %broadcast_in_dim3A_3 : vector<16xf32> to vector<1x16xf32>
    tpu.vector_store %arg12[%swap3A_759, %swap3A_760], %swap3A_763 {strides = array<i32>} : memref<16x128xf32, #tpu.memory_space<vmem>>, vector<1x16xf32>,
    %swap3A_764 = arith.constant 15 : i32
    %swap3A_765 = arith.index_cast %swap3A_764 : i32 to index
    %swap3A_766 = arith.constant 64 : index
    %swap3A_767 = tpu.vector_load %arg12[%swap3A_765, %swap3A_766] {strides = array<i32>} : memref<16x128xf32, #tpu.memory_space<vmem>>, vector<1x16xf32>,
    %swap3A_768 = vector.shape_cast %swap3A_767 : vector<1x16xf32> to vector<16xf32>
    %swap3A_769 = vector.shape_cast %broadcast_in_dim3A_3 : vector<16xf32> to vector<1x16xf32>
    tpu.vector_store %arg12[%swap3A_765, %swap3A_766], %swap3A_769 {strides = array<i32>} : memref<16x128xf32, #tpu.memory_space<vmem>>, vector<1x16xf32>,
    %swap3A_770 = arith.constant 15 : i32
    %swap3A_771 = arith.index_cast %swap3A_770 : i32 to index
    %swap3A_772 = arith.constant 80 : index
    %swap3A_773 = tpu.vector_load %arg12[%swap3A_771, %swap3A_772] {strides = array<i32>} : memref<16x128xf32, #tpu.memory_space<vmem>>, vector<1x16xf32>,
    %swap3A_774 = vector.shape_cast %swap3A_773 : vector<1x16xf32> to vector<16xf32>
    %swap3A_775 = vector.shape_cast %broadcast_in_dim3A_3 : vector<16xf32> to vector<1x16xf32>
    tpu.vector_store %arg12[%swap3A_771, %swap3A_772], %swap3A_775 {strides = array<i32>} : memref<16x128xf32, #tpu.memory_space<vmem>>, vector<1x16xf32>,
    %swap3A_776 = arith.constant 15 : i32
    %swap3A_777 = arith.index_cast %swap3A_776 : i32 to index
    %swap3A_778 = arith.constant 96 : index
    %swap3A_779 = tpu.vector_load %arg12[%swap3A_777, %swap3A_778] {strides = array<i32>} : memref<16x128xf32, #tpu.memory_space<vmem>>, vector<1x16xf32>,
    %swap3A_780 = vector.shape_cast %swap3A_779 : vector<1x16xf32> to vector<16xf32>
    %swap3A_781 = vector.shape_cast %broadcast_in_dim3A_3 : vector<16xf32> to vector<1x16xf32>
    tpu.vector_store %arg12[%swap3A_777, %swap3A_778], %swap3A_781 {strides = array<i32>} : memref<16x128xf32, #tpu.memory_space<vmem>>, vector<1x16xf32>,
    %swap3A_782 = arith.constant 15 : i32
    %swap3A_783 = arith.index_cast %swap3A_782 : i32 to index
    %swap3A_784 = arith.constant 112 : index
    %swap3A_785 = tpu.vector_load %arg12[%swap3A_783, %swap3A_784] {strides = array<i32>} : memref<16x128xf32, #tpu.memory_space<vmem>>, vector<1x16xf32>,
    %swap3A_786 = vector.shape_cast %swap3A_785 : vector<1x16xf32> to vector<16xf32>
    %swap3A_787 = vector.shape_cast %broadcast_in_dim3A_3 : vector<16xf32> to vector<1x16xf32>
    tpu.vector_store %arg12[%swap3A_783, %swap3A_784], %swap3A_787 {strides = array<i32>} : memref<16x128xf32, #tpu.memory_space<vmem>>, vector<1x16xf32>,
    %barrier3A = arith.constant 0 : index
    tpu.barrier barrier_id(%barrier3A)
    %mul3A_788 = arith.constant 5120 : i32
    %mul3A_789 = arith.muli %arg0, %mul3A_788 : i32
    %scan3A_790 = arith.constant 0 : i32
    %scan3A_791 = arith.constant 0 : i32
    %scan3A_792 = arith.constant 1296 : i32
    %scan3A_793 = arith.addi %scan3A_791, %scan3A_792 : i32
    %scan3A_794 = arith.constant 1 : i32
    %scan3A_795 = scf.for %scan3A_804 = %scan3A_791 to %scan3A_793 step %scan3A_794 iter_args(%scan3A_805 = %scan3A_790) -> (i32)  : i32 {
      %mul3A_806 = arith.constant 16 : i32
      %mul3A_807 = arith.muli %scan3A_804, %mul3A_806 : i32
      %add3A_808 = arith.addi %mul3A_0, %mul3A_807 : i32
      "tpu.region"() ({
        %run_scoped3A = tpu.sem_alloc : memref<!tpu.dma_semaphore, #tpu.memory_space<semaphore_mem>>
        %dma_start3A_3155 = tpu.memref_slice %arg4[%add3A_808] : memref<331776xi32, #tpu.memory_space<hbm>> -> memref<16xi32, #tpu.memory_space<hbm>>
        %dma_start3A_3156 = tpu.memref_slice %arg4[%add3A_808] : memref<331776xi32, #tpu.memory_space<hbm>> -> memref<16xi32, #tpu.memory_space<hbm>>
        tpu.enqueue_dma source(%dma_start3A_3156 : memref<16xi32, #tpu.memory_space<hbm>>) target(%arg13 : memref<16xi32, #tpu.memory_space<vmem>>) target_semaphore(%run_scoped3A : memref<!tpu.dma_semaphore, #tpu.memory_space<semaphore_mem>>)
        %dma_wait3A_3157 = tpu.memref_slice %arg4[%add3A_808] : memref<331776xi32, #tpu.memory_space<hbm>> -> memref<16xi32, #tpu.memory_space<hbm>>
        %dma_wait3A_3158 = tpu.memref_slice %arg4[%add3A_808] : memref<331776xi32, #tpu.memory_space<hbm>> -> memref<16xi32, #tpu.memory_space<hbm>>
        tpu.wait_dma2 semaphore(%run_scoped3A : memref<!tpu.dma_semaphore, #tpu.memory_space<semaphore_mem>>) src(%dma_wait3A_3158 : memref<16xi32, #tpu.memory_space<hbm>>) dst(%arg13 : memref<16xi32, #tpu.memory_space<vmem>>)
        tpu.yield
      }) : () -> ()
      "tpu.region"() ({
        %run_scoped3A = tpu.sem_alloc : memref<!tpu.dma_semaphore, #tpu.memory_space<semaphore_mem>>
        %dma_start3A_3155 = tpu.memref_slice %arg5[%add3A_808] : memref<331776xi32, #tpu.memory_space<hbm>> -> memref<16xi32, #tpu.memory_space<hbm>>
        %dma_start3A_3156 = tpu.memref_slice %arg5[%add3A_808] : memref<331776xi32, #tpu.memory_space<hbm>> -> memref<16xi32, #tpu.memory_space<hbm>>
        tpu.enqueue_dma source(%dma_start3A_3156 : memref<16xi32, #tpu.memory_space<hbm>>) target(%arg15 : memref<16xi32, #tpu.memory_space<vmem>>) target_semaphore(%run_scoped3A : memref<!tpu.dma_semaphore, #tpu.memory_space<semaphore_mem>>)
        %dma_wait3A_3157 = tpu.memref_slice %arg5[%add3A_808] : memref<331776xi32, #tpu.memory_space<hbm>> -> memref<16xi32, #tpu.memory_space<hbm>>
        %dma_wait3A_3158 = tpu.memref_slice %arg5[%add3A_808] : memref<331776xi32, #tpu.memory_space<hbm>> -> memref<16xi32, #tpu.memory_space<hbm>>
        tpu.wait_dma2 semaphore(%run_scoped3A : memref<!tpu.dma_semaphore, #tpu.memory_space<semaphore_mem>>) src(%dma_wait3A_3158 : memref<16xi32, #tpu.memory_space<hbm>>) dst(%arg15 : memref<16xi32, #tpu.memory_space<vmem>>)
        tpu.yield
      }) : () -> ()
      "tpu.region"() ({
        %run_scoped3A = tpu.sem_alloc : memref<!tpu.dma_semaphore, #tpu.memory_space<semaphore_mem>>
        %dma_start3A_3155 = tpu.memref_slice %arg6[%add3A_808] : memref<331776xi32, #tpu.memory_space<hbm>> -> memref<16xi32, #tpu.memory_space<hbm>>
        %dma_start3A_3156 = tpu.memref_slice %arg6[%add3A_808] : memref<331776xi32, #tpu.memory_space<hbm>> -> memref<16xi32, #tpu.memory_space<hbm>>
        tpu.enqueue_dma source(%dma_start3A_3156 : memref<16xi32, #tpu.memory_space<hbm>>) target(%arg14 : memref<16xi32, #tpu.memory_space<vmem>>) target_semaphore(%run_scoped3A : memref<!tpu.dma_semaphore, #tpu.memory_space<semaphore_mem>>)
        %dma_wait3A_3157 = tpu.memref_slice %arg6[%add3A_808] : memref<331776xi32, #tpu.memory_space<hbm>> -> memref<16xi32, #tpu.memory_space<hbm>>
        %dma_wait3A_3158 = tpu.memref_slice %arg6[%add3A_808] : memref<331776xi32, #tpu.memory_space<hbm>> -> memref<16xi32, #tpu.memory_space<hbm>>
        tpu.wait_dma2 semaphore(%run_scoped3A : memref<!tpu.dma_semaphore, #tpu.memory_space<semaphore_mem>>) src(%dma_wait3A_3158 : memref<16xi32, #tpu.memory_space<hbm>>) dst(%arg14 : memref<16xi32, #tpu.memory_space<vmem>>)
        tpu.yield
      }) : () -> ()
      %dma_start3A = arith.constant 0 : i32
      %dma_start3A_809 = arith.constant 0 : i32
      %dma_start3A_810 = tpu.memref_slice %arg3[%dma_start3A, %dma_start3A_809] : memref<10000x128xf32, #tpu.memory_space<hbm>> -> memref<10000x128xf32, #tpu.memory_space<hbm>>
      tpu.enqueue_indirect_dma source(%dma_start3A_810 : memref<10000x128xf32, #tpu.memory_space<hbm>>) target(%arg11 : memref<16x128xf32, #tpu.memory_space<vmem>>) offsets(%arg13 : memref<16xi32, #tpu.memory_space<vmem>>) semaphore(%arg20 : memref<!tpu.dma_semaphore, #tpu.memory_space<semaphore_mem>>)
      %dma_wait3A = arith.constant 0 : i32
      %dma_wait3A_811 = arith.constant 0 : i32
      %dma_wait3A_812 = tpu.memref_slice %arg3[%dma_wait3A, %dma_wait3A_811] : memref<10000x128xf32, #tpu.memory_space<hbm>> -> memref<10000x128xf32, #tpu.memory_space<hbm>>
      tpu.wait_indirect_dma semaphore(%arg20 : memref<!tpu.dma_semaphore, #tpu.memory_space<semaphore_mem>>) src(%dma_wait3A_812 : memref<10000x128xf32, #tpu.memory_space<hbm>>) dst(%arg11 : memref<16x128xf32, #tpu.memory_space<vmem>>)
      %dma_start3A_813 = arith.constant 0 : i32
      %dma_start3A_814 = arith.constant 0 : i32
      %dma_start3A_815 = tpu.memref_slice %arg2[%dma_start3A_813, %dma_start3A_814] : memref<10000x128xf32, #tpu.memory_space<hbm>> -> memref<10000x128xf32, #tpu.memory_space<hbm>>
      tpu.enqueue_indirect_dma source(%dma_start3A_815 : memref<10000x128xf32, #tpu.memory_space<hbm>>) target(%arg9 : memref<16x128xf32, #tpu.memory_space<vmem>>) offsets(%arg13 : memref<16xi32, #tpu.memory_space<vmem>>) semaphore(%arg20 : memref<!tpu.dma_semaphore, #tpu.memory_space<semaphore_mem>>)
      %dma_wait3A_816 = arith.constant 0 : i32
      %dma_wait3A_817 = arith.constant 0 : i32
      %dma_wait3A_818 = tpu.memref_slice %arg2[%dma_wait3A_816, %dma_wait3A_817] : memref<10000x128xf32, #tpu.memory_space<hbm>> -> memref<10000x128xf32, #tpu.memory_space<hbm>>
      tpu.wait_indirect_dma semaphore(%arg20 : memref<!tpu.dma_semaphore, #tpu.memory_space<semaphore_mem>>) src(%dma_wait3A_818 : memref<10000x128xf32, #tpu.memory_space<hbm>>) dst(%arg9 : memref<16x128xf32, #tpu.memory_space<vmem>>)
      %dma_start3A_819 = arith.constant 0 : i32
      %dma_start3A_820 = arith.constant 0 : i32
      %dma_start3A_821 = tpu.memref_slice %arg2[%dma_start3A_819, %dma_start3A_820] : memref<10000x128xf32, #tpu.memory_space<hbm>> -> memref<10000x128xf32, #tpu.memory_space<hbm>>
      tpu.enqueue_indirect_dma source(%dma_start3A_821 : memref<10000x128xf32, #tpu.memory_space<hbm>>) target(%arg10 : memref<16x128xf32, #tpu.memory_space<vmem>>) offsets(%arg14 : memref<16xi32, #tpu.memory_space<vmem>>) semaphore(%arg20 : memref<!tpu.dma_semaphore, #tpu.memory_space<semaphore_mem>>)
      %dma_wait3A_822 = arith.constant 0 : i32
      %dma_wait3A_823 = arith.constant 0 : i32
      %dma_wait3A_824 = tpu.memref_slice %arg2[%dma_wait3A_822, %dma_wait3A_823] : memref<10000x128xf32, #tpu.memory_space<hbm>> -> memref<10000x128xf32, #tpu.memory_space<hbm>>
      tpu.wait_indirect_dma semaphore(%arg20 : memref<!tpu.dma_semaphore, #tpu.memory_space<semaphore_mem>>) src(%dma_wait3A_824 : memref<10000x128xf32, #tpu.memory_space<hbm>>) dst(%arg10 : memref<16x128xf32, #tpu.memory_space<vmem>>)
      %get3A = arith.constant 0 : index
      %get3A_825 = tpu.vector_load %arg15[%get3A] {strides = array<i32>} : memref<16xi32, #tpu.memory_space<vmem>>, vector<16xi32>,
      %get3A_826 = vector.shape_cast %get3A_825 : vector<16xi32> to vector<16xi32>
      %sub3A = vector.broadcast %mul3A_789 : i32 to vector<16xi32>
      %sub3A_827 = arith.subi %get3A_826, %sub3A : vector<16xi32>
      %ge3A = arith.constant 0 : i32
      %ge3A_828 = vector.broadcast %ge3A : i32 to vector<16xi32>
      %ge3A_829 = arith.cmpi sge, %sub3A_827, %ge3A_828 : vector<16xi32>
      %lt3A = arith.constant 5120 : i32
      %lt3A_830 = vector.broadcast %lt3A : i32 to vector<16xi32>
      %lt3A_831 = arith.cmpi slt, %sub3A_827, %lt3A_830 : vector<16xi32>
      %and3A = arith.andi %ge3A_829, %lt3A_831 : vector<16xi1>
      %jit3A = arith.constant 5120 : i32
      %broadcast_in_dim3A_832 = vector.broadcast %jit3A : i32 to vector<16xi32>
      %select_n3A = arith.select %and3A, %sub3A_827, %broadcast_in_dim3A_832 : vector<16xi1>, vector<16xi32>
      %swap3A_833 = arith.constant 0 : index
      %swap3A_834 = tpu.vector_load %arg16[%swap3A_833] {strides = array<i32>} : memref<16xi32, #tpu.memory_space<vmem>>, vector<16xi32>,
      %swap3A_835 = vector.shape_cast %swap3A_834 : vector<16xi32> to vector<16xi32>
      %swap3A_836 = vector.shape_cast %select_n3A : vector<16xi32> to vector<16xi32>
      tpu.vector_store %arg16[%swap3A_833], %swap3A_836 {strides = array<i32>} : memref<16xi32, #tpu.memory_space<vmem>>, vector<16xi32>,
      %get3A_837 = arith.constant 0 : i32
      %get3A_838 = arith.index_cast %get3A_837 : i32 to index
      %get3A_839 = arith.constant 0 : index
      %get3A_840 = tpu.vector_load %arg9[%get3A_838, %get3A_839] {strides = array<i32>} : memref<16x128xf32, #tpu.memory_space<vmem>>, vector<1x16xf32>,
      %get3A_841 = vector.shape_cast %get3A_840 : vector<1x16xf32> to vector<16xf32>
      %get3A_842 = arith.constant 0 : i32
      %get3A_843 = arith.index_cast %get3A_842 : i32 to index
      %get3A_844 = arith.constant 0 : index
      %get3A_845 = tpu.vector_load %arg10[%get3A_843, %get3A_844] {strides = array<i32>} : memref<16x128xf32, #tpu.memory_space<vmem>>, vector<1x16xf32>,
      %get3A_846 = vector.shape_cast %get3A_845 : vector<1x16xf32> to vector<16xf32>
      %add3A_847 = arith.addf %get3A_841, %get3A_846 : vector<16xf32>
      %ge3A_848 = arith.constant 0.000000e+00 : f32
      %ge3A_849 = vector.broadcast %ge3A_848 : f32 to vector<16xf32>
      %ge3A_850 = arith.cmpf oge, %add3A_847, %ge3A_849 : vector<16xf32>
      %mul3A_851 = arith.constant 2.000000e-01 : f32
      %mul3A_852 = vector.broadcast %mul3A_851 : f32 to vector<16xf32>
      %mul3A_853 = arith.mulf %add3A_847, %mul3A_852 : vector<16xf32>
      %select_n3A_854 = arith.select %ge3A_850, %add3A_847, %mul3A_853 : vector<16xi1>, vector<16xf32>
      %exp3A = math.exp %select_n3A_854 : vector<16xf32>
      %swap3A_855 = arith.constant 0 : i32
      %swap3A_856 = arith.index_cast %swap3A_855 : i32 to index
      %swap3A_857 = arith.constant 0 : index
      %swap3A_858 = tpu.vector_load %arg12[%swap3A_856, %swap3A_857] {strides = array<i32>} : memref<16x128xf32, #tpu.memory_space<vmem>>, vector<1x16xf32>,
      %swap3A_859 = vector.shape_cast %swap3A_858 : vector<1x16xf32> to vector<16xf32>
      %swap3A_860 = vector.shape_cast %exp3A : vector<16xf32> to vector<1x16xf32>
      tpu.vector_store %arg12[%swap3A_856, %swap3A_857], %swap3A_860 {strides = array<i32>} : memref<16x128xf32, #tpu.memory_space<vmem>>, vector<1x16xf32>,
      %get3A_861 = arith.constant 0 : i32
      %get3A_862 = arith.index_cast %get3A_861 : i32 to index
      %get3A_863 = arith.constant 0 : index
      %get3A_864 = tpu.vector_load %arg11[%get3A_862, %get3A_863] {strides = array<i32>} : memref<16x128xf32, #tpu.memory_space<vmem>>, vector<1x16xf32>,
      %get3A_865 = vector.shape_cast %get3A_864 : vector<1x16xf32> to vector<16xf32>
      %slice3A = vector.extract_strided_slice %exp3A {offsets = [0], sizes = [1], strides = [1]} : vector<16xf32> to vector<1xf32>
      %squeeze3A = vector.extract %slice3A[0] : f32 from vector<1xf32>
      %mul3A_866 = vector.broadcast %squeeze3A : f32 to vector<16xf32>
      %mul3A_867 = arith.mulf %get3A_865, %mul3A_866 : vector<16xf32>
      %swap3A_868 = arith.constant 0 : i32
      %swap3A_869 = arith.index_cast %swap3A_868 : i32 to index
      %swap3A_870 = arith.constant 0 : index
      %swap3A_871 = tpu.vector_load %arg11[%swap3A_869, %swap3A_870] {strides = array<i32>} : memref<16x128xf32, #tpu.memory_space<vmem>>, vector<1x16xf32>,
      %swap3A_872 = vector.shape_cast %swap3A_871 : vector<1x16xf32> to vector<16xf32>
      %swap3A_873 = vector.shape_cast %mul3A_867 : vector<16xf32> to vector<1x16xf32>
      tpu.vector_store %arg11[%swap3A_869, %swap3A_870], %swap3A_873 {strides = array<i32>} : memref<16x128xf32, #tpu.memory_space<vmem>>, vector<1x16xf32>,
      %get3A_874 = arith.constant 0 : i32
      %get3A_875 = arith.index_cast %get3A_874 : i32 to index
      %get3A_876 = arith.constant 16 : index
      %get3A_877 = tpu.vector_load %arg11[%get3A_875, %get3A_876] {strides = array<i32>} : memref<16x128xf32, #tpu.memory_space<vmem>>, vector<1x16xf32>,
      %get3A_878 = vector.shape_cast %get3A_877 : vector<1x16xf32> to vector<16xf32>
      %slice3A_879 = vector.extract_strided_slice %exp3A {offsets = [1], sizes = [1], strides = [1]} : vector<16xf32> to vector<1xf32>
      %squeeze3A_880 = vector.extract %slice3A_879[0] : f32 from vector<1xf32>
      %mul3A_881 = vector.broadcast %squeeze3A_880 : f32 to vector<16xf32>
      %mul3A_882 = arith.mulf %get3A_878, %mul3A_881 : vector<16xf32>
      %swap3A_883 = arith.constant 0 : i32
      %swap3A_884 = arith.index_cast %swap3A_883 : i32 to index
      %swap3A_885 = arith.constant 16 : index
      %swap3A_886 = tpu.vector_load %arg11[%swap3A_884, %swap3A_885] {strides = array<i32>} : memref<16x128xf32, #tpu.memory_space<vmem>>, vector<1x16xf32>,
      %swap3A_887 = vector.shape_cast %swap3A_886 : vector<1x16xf32> to vector<16xf32>
      %swap3A_888 = vector.shape_cast %mul3A_882 : vector<16xf32> to vector<1x16xf32>
      tpu.vector_store %arg11[%swap3A_884, %swap3A_885], %swap3A_888 {strides = array<i32>} : memref<16x128xf32, #tpu.memory_space<vmem>>, vector<1x16xf32>,
      %get3A_889 = arith.constant 0 : i32
      %get3A_890 = arith.index_cast %get3A_889 : i32 to index
      %get3A_891 = arith.constant 32 : index
      %get3A_892 = tpu.vector_load %arg11[%get3A_890, %get3A_891] {strides = array<i32>} : memref<16x128xf32, #tpu.memory_space<vmem>>, vector<1x16xf32>,
      %get3A_893 = vector.shape_cast %get3A_892 : vector<1x16xf32> to vector<16xf32>
      %slice3A_894 = vector.extract_strided_slice %exp3A {offsets = [2], sizes = [1], strides = [1]} : vector<16xf32> to vector<1xf32>
      %squeeze3A_895 = vector.extract %slice3A_894[0] : f32 from vector<1xf32>
      %mul3A_896 = vector.broadcast %squeeze3A_895 : f32 to vector<16xf32>
      %mul3A_897 = arith.mulf %get3A_893, %mul3A_896 : vector<16xf32>
      %swap3A_898 = arith.constant 0 : i32
      %swap3A_899 = arith.index_cast %swap3A_898 : i32 to index
      %swap3A_900 = arith.constant 32 : index
      %swap3A_901 = tpu.vector_load %arg11[%swap3A_899, %swap3A_900] {strides = array<i32>} : memref<16x128xf32, #tpu.memory_space<vmem>>, vector<1x16xf32>,
      %swap3A_902 = vector.shape_cast %swap3A_901 : vector<1x16xf32> to vector<16xf32>
      %swap3A_903 = vector.shape_cast %mul3A_897 : vector<16xf32> to vector<1x16xf32>
      tpu.vector_store %arg11[%swap3A_899, %swap3A_900], %swap3A_903 {strides = array<i32>} : memref<16x128xf32, #tpu.memory_space<vmem>>, vector<1x16xf32>,
      %get3A_904 = arith.constant 0 : i32
      %get3A_905 = arith.index_cast %get3A_904 : i32 to index
      %get3A_906 = arith.constant 48 : index
      %get3A_907 = tpu.vector_load %arg11[%get3A_905, %get3A_906] {strides = array<i32>} : memref<16x128xf32, #tpu.memory_space<vmem>>, vector<1x16xf32>,
      %get3A_908 = vector.shape_cast %get3A_907 : vector<1x16xf32> to vector<16xf32>
      %slice3A_909 = vector.extract_strided_slice %exp3A {offsets = [3], sizes = [1], strides = [1]} : vector<16xf32> to vector<1xf32>
      %squeeze3A_910 = vector.extract %slice3A_909[0] : f32 from vector<1xf32>
      %mul3A_911 = vector.broadcast %squeeze3A_910 : f32 to vector<16xf32>
      %mul3A_912 = arith.mulf %get3A_908, %mul3A_911 : vector<16xf32>
      %swap3A_913 = arith.constant 0 : i32
      %swap3A_914 = arith.index_cast %swap3A_913 : i32 to index
      %swap3A_915 = arith.constant 48 : index
      %swap3A_916 = tpu.vector_load %arg11[%swap3A_914, %swap3A_915] {strides = array<i32>} : memref<16x128xf32, #tpu.memory_space<vmem>>, vector<1x16xf32>,
      %swap3A_917 = vector.shape_cast %swap3A_916 : vector<1x16xf32> to vector<16xf32>
      %swap3A_918 = vector.shape_cast %mul3A_912 : vector<16xf32> to vector<1x16xf32>
      tpu.vector_store %arg11[%swap3A_914, %swap3A_915], %swap3A_918 {strides = array<i32>} : memref<16x128xf32, #tpu.memory_space<vmem>>, vector<1x16xf32>,
      %get3A_919 = arith.constant 0 : i32
      %get3A_920 = arith.index_cast %get3A_919 : i32 to index
      %get3A_921 = arith.constant 64 : index
      %get3A_922 = tpu.vector_load %arg11[%get3A_920, %get3A_921] {strides = array<i32>} : memref<16x128xf32, #tpu.memory_space<vmem>>, vector<1x16xf32>,
      %get3A_923 = vector.shape_cast %get3A_922 : vector<1x16xf32> to vector<16xf32>
      %slice3A_924 = vector.extract_strided_slice %exp3A {offsets = [4], sizes = [1], strides = [1]} : vector<16xf32> to vector<1xf32>
      %squeeze3A_925 = vector.extract %slice3A_924[0] : f32 from vector<1xf32>
      %mul3A_926 = vector.broadcast %squeeze3A_925 : f32 to vector<16xf32>
      %mul3A_927 = arith.mulf %get3A_923, %mul3A_926 : vector<16xf32>
      %swap3A_928 = arith.constant 0 : i32
      %swap3A_929 = arith.index_cast %swap3A_928 : i32 to index
      %swap3A_930 = arith.constant 64 : index
      %swap3A_931 = tpu.vector_load %arg11[%swap3A_929, %swap3A_930] {strides = array<i32>} : memref<16x128xf32, #tpu.memory_space<vmem>>, vector<1x16xf32>,
      %swap3A_932 = vector.shape_cast %swap3A_931 : vector<1x16xf32> to vector<16xf32>
      %swap3A_933 = vector.shape_cast %mul3A_927 : vector<16xf32> to vector<1x16xf32>
      tpu.vector_store %arg11[%swap3A_929, %swap3A_930], %swap3A_933 {strides = array<i32>} : memref<16x128xf32, #tpu.memory_space<vmem>>, vector<1x16xf32>,
      %get3A_934 = arith.constant 0 : i32
      %get3A_935 = arith.index_cast %get3A_934 : i32 to index
      %get3A_936 = arith.constant 80 : index
      %get3A_937 = tpu.vector_load %arg11[%get3A_935, %get3A_936] {strides = array<i32>} : memref<16x128xf32, #tpu.memory_space<vmem>>, vector<1x16xf32>,
      %get3A_938 = vector.shape_cast %get3A_937 : vector<1x16xf32> to vector<16xf32>
      %slice3A_939 = vector.extract_strided_slice %exp3A {offsets = [5], sizes = [1], strides = [1]} : vector<16xf32> to vector<1xf32>
      %squeeze3A_940 = vector.extract %slice3A_939[0] : f32 from vector<1xf32>
      %mul3A_941 = vector.broadcast %squeeze3A_940 : f32 to vector<16xf32>
      %mul3A_942 = arith.mulf %get3A_938, %mul3A_941 : vector<16xf32>
      %swap3A_943 = arith.constant 0 : i32
      %swap3A_944 = arith.index_cast %swap3A_943 : i32 to index
      %swap3A_945 = arith.constant 80 : index
      %swap3A_946 = tpu.vector_load %arg11[%swap3A_944, %swap3A_945] {strides = array<i32>} : memref<16x128xf32, #tpu.memory_space<vmem>>, vector<1x16xf32>,
      %swap3A_947 = vector.shape_cast %swap3A_946 : vector<1x16xf32> to vector<16xf32>
      %swap3A_948 = vector.shape_cast %mul3A_942 : vector<16xf32> to vector<1x16xf32>
      tpu.vector_store %arg11[%swap3A_944, %swap3A_945], %swap3A_948 {strides = array<i32>} : memref<16x128xf32, #tpu.memory_space<vmem>>, vector<1x16xf32>,
      %get3A_949 = arith.constant 0 : i32
      %get3A_950 = arith.index_cast %get3A_949 : i32 to index
      %get3A_951 = arith.constant 96 : index
      %get3A_952 = tpu.vector_load %arg11[%get3A_950, %get3A_951] {strides = array<i32>} : memref<16x128xf32, #tpu.memory_space<vmem>>, vector<1x16xf32>,
      %get3A_953 = vector.shape_cast %get3A_952 : vector<1x16xf32> to vector<16xf32>
      %slice3A_954 = vector.extract_strided_slice %exp3A {offsets = [6], sizes = [1], strides = [1]} : vector<16xf32> to vector<1xf32>
      %squeeze3A_955 = vector.extract %slice3A_954[0] : f32 from vector<1xf32>
      %mul3A_956 = vector.broadcast %squeeze3A_955 : f32 to vector<16xf32>
      %mul3A_957 = arith.mulf %get3A_953, %mul3A_956 : vector<16xf32>
      %swap3A_958 = arith.constant 0 : i32
      %swap3A_959 = arith.index_cast %swap3A_958 : i32 to index
      %swap3A_960 = arith.constant 96 : index
      %swap3A_961 = tpu.vector_load %arg11[%swap3A_959, %swap3A_960] {strides = array<i32>} : memref<16x128xf32, #tpu.memory_space<vmem>>, vector<1x16xf32>,
      %swap3A_962 = vector.shape_cast %swap3A_961 : vector<1x16xf32> to vector<16xf32>
      %swap3A_963 = vector.shape_cast %mul3A_957 : vector<16xf32> to vector<1x16xf32>
      tpu.vector_store %arg11[%swap3A_959, %swap3A_960], %swap3A_963 {strides = array<i32>} : memref<16x128xf32, #tpu.memory_space<vmem>>, vector<1x16xf32>,
      %get3A_964 = arith.constant 0 : i32
      %get3A_965 = arith.index_cast %get3A_964 : i32 to index
      %get3A_966 = arith.constant 112 : index
      %get3A_967 = tpu.vector_load %arg11[%get3A_965, %get3A_966] {strides = array<i32>} : memref<16x128xf32, #tpu.memory_space<vmem>>, vector<1x16xf32>,
      %get3A_968 = vector.shape_cast %get3A_967 : vector<1x16xf32> to vector<16xf32>
      %slice3A_969 = vector.extract_strided_slice %exp3A {offsets = [7], sizes = [1], strides = [1]} : vector<16xf32> to vector<1xf32>
      %squeeze3A_970 = vector.extract %slice3A_969[0] : f32 from vector<1xf32>
      %mul3A_971 = vector.broadcast %squeeze3A_970 : f32 to vector<16xf32>
      %mul3A_972 = arith.mulf %get3A_968, %mul3A_971 : vector<16xf32>
      %swap3A_973 = arith.constant 0 : i32
      %swap3A_974 = arith.index_cast %swap3A_973 : i32 to index
      %swap3A_975 = arith.constant 112 : index
      %swap3A_976 = tpu.vector_load %arg11[%swap3A_974, %swap3A_975] {strides = array<i32>} : memref<16x128xf32, #tpu.memory_space<vmem>>, vector<1x16xf32>,
      %swap3A_977 = vector.shape_cast %swap3A_976 : vector<1x16xf32> to vector<16xf32>
      %swap3A_978 = vector.shape_cast %mul3A_972 : vector<16xf32> to vector<1x16xf32>
      tpu.vector_store %arg11[%swap3A_974, %swap3A_975], %swap3A_978 {strides = array<i32>} : memref<16x128xf32, #tpu.memory_space<vmem>>, vector<1x16xf32>,
      %get3A_979 = arith.constant 1 : i32
      %get3A_980 = arith.index_cast %get3A_979 : i32 to index
      %get3A_981 = arith.constant 0 : index
      %get3A_982 = tpu.vector_load %arg9[%get3A_980, %get3A_981] {strides = array<i32>} : memref<16x128xf32, #tpu.memory_space<vmem>>, vector<1x16xf32>,
      %get3A_983 = vector.shape_cast %get3A_982 : vector<1x16xf32> to vector<16xf32>
      %get3A_984 = arith.constant 1 : i32
      %get3A_985 = arith.index_cast %get3A_984 : i32 to index
      %get3A_986 = arith.constant 0 : index
      %get3A_987 = tpu.vector_load %arg10[%get3A_985, %get3A_986] {strides = array<i32>} : memref<16x128xf32, #tpu.memory_space<vmem>>, vector<1x16xf32>,
      %get3A_988 = vector.shape_cast %get3A_987 : vector<1x16xf32> to vector<16xf32>
      %add3A_989 = arith.addf %get3A_983, %get3A_988 : vector<16xf32>
      %ge3A_990 = arith.constant 0.000000e+00 : f32
      %ge3A_991 = vector.broadcast %ge3A_990 : f32 to vector<16xf32>
      %ge3A_992 = arith.cmpf oge, %add3A_989, %ge3A_991 : vector<16xf32>
      %mul3A_993 = arith.constant 2.000000e-01 : f32
      %mul3A_994 = vector.broadcast %mul3A_993 : f32 to vector<16xf32>
      %mul3A_995 = arith.mulf %add3A_989, %mul3A_994 : vector<16xf32>
      %select_n3A_996 = arith.select %ge3A_992, %add3A_989, %mul3A_995 : vector<16xi1>, vector<16xf32>
      %exp3A_997 = math.exp %select_n3A_996 : vector<16xf32>
      %swap3A_998 = arith.constant 1 : i32
      %swap3A_999 = arith.index_cast %swap3A_998 : i32 to index
      %swap3A_1000 = arith.constant 0 : index
      %swap3A_1001 = tpu.vector_load %arg12[%swap3A_999, %swap3A_1000] {strides = array<i32>} : memref<16x128xf32, #tpu.memory_space<vmem>>, vector<1x16xf32>,
      %swap3A_1002 = vector.shape_cast %swap3A_1001 : vector<1x16xf32> to vector<16xf32>
      %swap3A_1003 = vector.shape_cast %exp3A_997 : vector<16xf32> to vector<1x16xf32>
      tpu.vector_store %arg12[%swap3A_999, %swap3A_1000], %swap3A_1003 {strides = array<i32>} : memref<16x128xf32, #tpu.memory_space<vmem>>, vector<1x16xf32>,
      %get3A_1004 = arith.constant 1 : i32
      %get3A_1005 = arith.index_cast %get3A_1004 : i32 to index
      %get3A_1006 = arith.constant 0 : index
      %get3A_1007 = tpu.vector_load %arg11[%get3A_1005, %get3A_1006] {strides = array<i32>} : memref<16x128xf32, #tpu.memory_space<vmem>>, vector<1x16xf32>,
      %get3A_1008 = vector.shape_cast %get3A_1007 : vector<1x16xf32> to vector<16xf32>
      %slice3A_1009 = vector.extract_strided_slice %exp3A_997 {offsets = [0], sizes = [1], strides = [1]} : vector<16xf32> to vector<1xf32>
      %squeeze3A_1010 = vector.extract %slice3A_1009[0] : f32 from vector<1xf32>
      %mul3A_1011 = vector.broadcast %squeeze3A_1010 : f32 to vector<16xf32>
      %mul3A_1012 = arith.mulf %get3A_1008, %mul3A_1011 : vector<16xf32>
      %swap3A_1013 = arith.constant 1 : i32
      %swap3A_1014 = arith.index_cast %swap3A_1013 : i32 to index
      %swap3A_1015 = arith.constant 0 : index
      %swap3A_1016 = tpu.vector_load %arg11[%swap3A_1014, %swap3A_1015] {strides = array<i32>} : memref<16x128xf32, #tpu.memory_space<vmem>>, vector<1x16xf32>,
      %swap3A_1017 = vector.shape_cast %swap3A_1016 : vector<1x16xf32> to vector<16xf32>
      %swap3A_1018 = vector.shape_cast %mul3A_1012 : vector<16xf32> to vector<1x16xf32>
      tpu.vector_store %arg11[%swap3A_1014, %swap3A_1015], %swap3A_1018 {strides = array<i32>} : memref<16x128xf32, #tpu.memory_space<vmem>>, vector<1x16xf32>,
      %get3A_1019 = arith.constant 1 : i32
      %get3A_1020 = arith.index_cast %get3A_1019 : i32 to index
      %get3A_1021 = arith.constant 16 : index
      %get3A_1022 = tpu.vector_load %arg11[%get3A_1020, %get3A_1021] {strides = array<i32>} : memref<16x128xf32, #tpu.memory_space<vmem>>, vector<1x16xf32>,
      %get3A_1023 = vector.shape_cast %get3A_1022 : vector<1x16xf32> to vector<16xf32>
      %slice3A_1024 = vector.extract_strided_slice %exp3A_997 {offsets = [1], sizes = [1], strides = [1]} : vector<16xf32> to vector<1xf32>
      %squeeze3A_1025 = vector.extract %slice3A_1024[0] : f32 from vector<1xf32>
      %mul3A_1026 = vector.broadcast %squeeze3A_1025 : f32 to vector<16xf32>
      %mul3A_1027 = arith.mulf %get3A_1023, %mul3A_1026 : vector<16xf32>
      %swap3A_1028 = arith.constant 1 : i32
      %swap3A_1029 = arith.index_cast %swap3A_1028 : i32 to index
      %swap3A_1030 = arith.constant 16 : index
      %swap3A_1031 = tpu.vector_load %arg11[%swap3A_1029, %swap3A_1030] {strides = array<i32>} : memref<16x128xf32, #tpu.memory_space<vmem>>, vector<1x16xf32>,
      %swap3A_1032 = vector.shape_cast %swap3A_1031 : vector<1x16xf32> to vector<16xf32>
      %swap3A_1033 = vector.shape_cast %mul3A_1027 : vector<16xf32> to vector<1x16xf32>
      tpu.vector_store %arg11[%swap3A_1029, %swap3A_1030], %swap3A_1033 {strides = array<i32>} : memref<16x128xf32, #tpu.memory_space<vmem>>, vector<1x16xf32>,
      %get3A_1034 = arith.constant 1 : i32
      %get3A_1035 = arith.index_cast %get3A_1034 : i32 to index
      %get3A_1036 = arith.constant 32 : index
      %get3A_1037 = tpu.vector_load %arg11[%get3A_1035, %get3A_1036] {strides = array<i32>} : memref<16x128xf32, #tpu.memory_space<vmem>>, vector<1x16xf32>,
      %get3A_1038 = vector.shape_cast %get3A_1037 : vector<1x16xf32> to vector<16xf32>
      %slice3A_1039 = vector.extract_strided_slice %exp3A_997 {offsets = [2], sizes = [1], strides = [1]} : vector<16xf32> to vector<1xf32>
      %squeeze3A_1040 = vector.extract %slice3A_1039[0] : f32 from vector<1xf32>
      %mul3A_1041 = vector.broadcast %squeeze3A_1040 : f32 to vector<16xf32>
      %mul3A_1042 = arith.mulf %get3A_1038, %mul3A_1041 : vector<16xf32>
      %swap3A_1043 = arith.constant 1 : i32
      %swap3A_1044 = arith.index_cast %swap3A_1043 : i32 to index
      %swap3A_1045 = arith.constant 32 : index
      %swap3A_1046 = tpu.vector_load %arg11[%swap3A_1044, %swap3A_1045] {strides = array<i32>} : memref<16x128xf32, #tpu.memory_space<vmem>>, vector<1x16xf32>,
      %swap3A_1047 = vector.shape_cast %swap3A_1046 : vector<1x16xf32> to vector<16xf32>
      %swap3A_1048 = vector.shape_cast %mul3A_1042 : vector<16xf32> to vector<1x16xf32>
      tpu.vector_store %arg11[%swap3A_1044, %swap3A_1045], %swap3A_1048 {strides = array<i32>} : memref<16x128xf32, #tpu.memory_space<vmem>>, vector<1x16xf32>,
      %get3A_1049 = arith.constant 1 : i32
      %get3A_1050 = arith.index_cast %get3A_1049 : i32 to index
      %get3A_1051 = arith.constant 48 : index
      %get3A_1052 = tpu.vector_load %arg11[%get3A_1050, %get3A_1051] {strides = array<i32>} : memref<16x128xf32, #tpu.memory_space<vmem>>, vector<1x16xf32>,
      %get3A_1053 = vector.shape_cast %get3A_1052 : vector<1x16xf32> to vector<16xf32>
      %slice3A_1054 = vector.extract_strided_slice %exp3A_997 {offsets = [3], sizes = [1], strides = [1]} : vector<16xf32> to vector<1xf32>
      %squeeze3A_1055 = vector.extract %slice3A_1054[0] : f32 from vector<1xf32>
      %mul3A_1056 = vector.broadcast %squeeze3A_1055 : f32 to vector<16xf32>
      %mul3A_1057 = arith.mulf %get3A_1053, %mul3A_1056 : vector<16xf32>
      %swap3A_1058 = arith.constant 1 : i32
      %swap3A_1059 = arith.index_cast %swap3A_1058 : i32 to index
      %swap3A_1060 = arith.constant 48 : index
      %swap3A_1061 = tpu.vector_load %arg11[%swap3A_1059, %swap3A_1060] {strides = array<i32>} : memref<16x128xf32, #tpu.memory_space<vmem>>, vector<1x16xf32>,
      %swap3A_1062 = vector.shape_cast %swap3A_1061 : vector<1x16xf32> to vector<16xf32>
      %swap3A_1063 = vector.shape_cast %mul3A_1057 : vector<16xf32> to vector<1x16xf32>
      tpu.vector_store %arg11[%swap3A_1059, %swap3A_1060], %swap3A_1063 {strides = array<i32>} : memref<16x128xf32, #tpu.memory_space<vmem>>, vector<1x16xf32>,
      %get3A_1064 = arith.constant 1 : i32
      %get3A_1065 = arith.index_cast %get3A_1064 : i32 to index
      %get3A_1066 = arith.constant 64 : index
      %get3A_1067 = tpu.vector_load %arg11[%get3A_1065, %get3A_1066] {strides = array<i32>} : memref<16x128xf32, #tpu.memory_space<vmem>>, vector<1x16xf32>,
      %get3A_1068 = vector.shape_cast %get3A_1067 : vector<1x16xf32> to vector<16xf32>
      %slice3A_1069 = vector.extract_strided_slice %exp3A_997 {offsets = [4], sizes = [1], strides = [1]} : vector<16xf32> to vector<1xf32>
      %squeeze3A_1070 = vector.extract %slice3A_1069[0] : f32 from vector<1xf32>
      %mul3A_1071 = vector.broadcast %squeeze3A_1070 : f32 to vector<16xf32>
      %mul3A_1072 = arith.mulf %get3A_1068, %mul3A_1071 : vector<16xf32>
      %swap3A_1073 = arith.constant 1 : i32
      %swap3A_1074 = arith.index_cast %swap3A_1073 : i32 to index
      %swap3A_1075 = arith.constant 64 : index
      %swap3A_1076 = tpu.vector_load %arg11[%swap3A_1074, %swap3A_1075] {strides = array<i32>} : memref<16x128xf32, #tpu.memory_space<vmem>>, vector<1x16xf32>,
      %swap3A_1077 = vector.shape_cast %swap3A_1076 : vector<1x16xf32> to vector<16xf32>
      %swap3A_1078 = vector.shape_cast %mul3A_1072 : vector<16xf32> to vector<1x16xf32>
      tpu.vector_store %arg11[%swap3A_1074, %swap3A_1075], %swap3A_1078 {strides = array<i32>} : memref<16x128xf32, #tpu.memory_space<vmem>>, vector<1x16xf32>,
      %get3A_1079 = arith.constant 1 : i32
      %get3A_1080 = arith.index_cast %get3A_1079 : i32 to index
      %get3A_1081 = arith.constant 80 : index
      %get3A_1082 = tpu.vector_load %arg11[%get3A_1080, %get3A_1081] {strides = array<i32>} : memref<16x128xf32, #tpu.memory_space<vmem>>, vector<1x16xf32>,
      %get3A_1083 = vector.shape_cast %get3A_1082 : vector<1x16xf32> to vector<16xf32>
      %slice3A_1084 = vector.extract_strided_slice %exp3A_997 {offsets = [5], sizes = [1], strides = [1]} : vector<16xf32> to vector<1xf32>
      %squeeze3A_1085 = vector.extract %slice3A_1084[0] : f32 from vector<1xf32>
      %mul3A_1086 = vector.broadcast %squeeze3A_1085 : f32 to vector<16xf32>
      %mul3A_1087 = arith.mulf %get3A_1083, %mul3A_1086 : vector<16xf32>
      %swap3A_1088 = arith.constant 1 : i32
      %swap3A_1089 = arith.index_cast %swap3A_1088 : i32 to index
      %swap3A_1090 = arith.constant 80 : index
      %swap3A_1091 = tpu.vector_load %arg11[%swap3A_1089, %swap3A_1090] {strides = array<i32>} : memref<16x128xf32, #tpu.memory_space<vmem>>, vector<1x16xf32>,
      %swap3A_1092 = vector.shape_cast %swap3A_1091 : vector<1x16xf32> to vector<16xf32>
      %swap3A_1093 = vector.shape_cast %mul3A_1087 : vector<16xf32> to vector<1x16xf32>
      tpu.vector_store %arg11[%swap3A_1089, %swap3A_1090], %swap3A_1093 {strides = array<i32>} : memref<16x128xf32, #tpu.memory_space<vmem>>, vector<1x16xf32>,
      %get3A_1094 = arith.constant 1 : i32
      %get3A_1095 = arith.index_cast %get3A_1094 : i32 to index
      %get3A_1096 = arith.constant 96 : index
      %get3A_1097 = tpu.vector_load %arg11[%get3A_1095, %get3A_1096] {strides = array<i32>} : memref<16x128xf32, #tpu.memory_space<vmem>>, vector<1x16xf32>,
      %get3A_1098 = vector.shape_cast %get3A_1097 : vector<1x16xf32> to vector<16xf32>
      %slice3A_1099 = vector.extract_strided_slice %exp3A_997 {offsets = [6], sizes = [1], strides = [1]} : vector<16xf32> to vector<1xf32>
      %squeeze3A_1100 = vector.extract %slice3A_1099[0] : f32 from vector<1xf32>
      %mul3A_1101 = vector.broadcast %squeeze3A_1100 : f32 to vector<16xf32>
      %mul3A_1102 = arith.mulf %get3A_1098, %mul3A_1101 : vector<16xf32>
      %swap3A_1103 = arith.constant 1 : i32
      %swap3A_1104 = arith.index_cast %swap3A_1103 : i32 to index
      %swap3A_1105 = arith.constant 96 : index
      %swap3A_1106 = tpu.vector_load %arg11[%swap3A_1104, %swap3A_1105] {strides = array<i32>} : memref<16x128xf32, #tpu.memory_space<vmem>>, vector<1x16xf32>,
      %swap3A_1107 = vector.shape_cast %swap3A_1106 : vector<1x16xf32> to vector<16xf32>
      %swap3A_1108 = vector.shape_cast %mul3A_1102 : vector<16xf32> to vector<1x16xf32>
      tpu.vector_store %arg11[%swap3A_1104, %swap3A_1105], %swap3A_1108 {strides = array<i32>} : memref<16x128xf32, #tpu.memory_space<vmem>>, vector<1x16xf32>,
      %get3A_1109 = arith.constant 1 : i32
      %get3A_1110 = arith.index_cast %get3A_1109 : i32 to index
      %get3A_1111 = arith.constant 112 : index
      %get3A_1112 = tpu.vector_load %arg11[%get3A_1110, %get3A_1111] {strides = array<i32>} : memref<16x128xf32, #tpu.memory_space<vmem>>, vector<1x16xf32>,
      %get3A_1113 = vector.shape_cast %get3A_1112 : vector<1x16xf32> to vector<16xf32>
      %slice3A_1114 = vector.extract_strided_slice %exp3A_997 {offsets = [7], sizes = [1], strides = [1]} : vector<16xf32> to vector<1xf32>
      %squeeze3A_1115 = vector.extract %slice3A_1114[0] : f32 from vector<1xf32>
      %mul3A_1116 = vector.broadcast %squeeze3A_1115 : f32 to vector<16xf32>
      %mul3A_1117 = arith.mulf %get3A_1113, %mul3A_1116 : vector<16xf32>
      %swap3A_1118 = arith.constant 1 : i32
      %swap3A_1119 = arith.index_cast %swap3A_1118 : i32 to index
      %swap3A_1120 = arith.constant 112 : index
      %swap3A_1121 = tpu.vector_load %arg11[%swap3A_1119, %swap3A_1120] {strides = array<i32>} : memref<16x128xf32, #tpu.memory_space<vmem>>, vector<1x16xf32>,
      %swap3A_1122 = vector.shape_cast %swap3A_1121 : vector<1x16xf32> to vector<16xf32>
      %swap3A_1123 = vector.shape_cast %mul3A_1117 : vector<16xf32> to vector<1x16xf32>
      tpu.vector_store %arg11[%swap3A_1119, %swap3A_1120], %swap3A_1123 {strides = array<i32>} : memref<16x128xf32, #tpu.memory_space<vmem>>, vector<1x16xf32>,
      %get3A_1124 = arith.constant 2 : i32
      %get3A_1125 = arith.index_cast %get3A_1124 : i32 to index
      %get3A_1126 = arith.constant 0 : index
      %get3A_1127 = tpu.vector_load %arg9[%get3A_1125, %get3A_1126] {strides = array<i32>} : memref<16x128xf32, #tpu.memory_space<vmem>>, vector<1x16xf32>,
      %get3A_1128 = vector.shape_cast %get3A_1127 : vector<1x16xf32> to vector<16xf32>
      %get3A_1129 = arith.constant 2 : i32
      %get3A_1130 = arith.index_cast %get3A_1129 : i32 to index
      %get3A_1131 = arith.constant 0 : index
      %get3A_1132 = tpu.vector_load %arg10[%get3A_1130, %get3A_1131] {strides = array<i32>} : memref<16x128xf32, #tpu.memory_space<vmem>>, vector<1x16xf32>,
      %get3A_1133 = vector.shape_cast %get3A_1132 : vector<1x16xf32> to vector<16xf32>
      %add3A_1134 = arith.addf %get3A_1128, %get3A_1133 : vector<16xf32>
      %ge3A_1135 = arith.constant 0.000000e+00 : f32
      %ge3A_1136 = vector.broadcast %ge3A_1135 : f32 to vector<16xf32>
      %ge3A_1137 = arith.cmpf oge, %add3A_1134, %ge3A_1136 : vector<16xf32>
      %mul3A_1138 = arith.constant 2.000000e-01 : f32
      %mul3A_1139 = vector.broadcast %mul3A_1138 : f32 to vector<16xf32>
      %mul3A_1140 = arith.mulf %add3A_1134, %mul3A_1139 : vector<16xf32>
      %select_n3A_1141 = arith.select %ge3A_1137, %add3A_1134, %mul3A_1140 : vector<16xi1>, vector<16xf32>
      %exp3A_1142 = math.exp %select_n3A_1141 : vector<16xf32>
      %swap3A_1143 = arith.constant 2 : i32
      %swap3A_1144 = arith.index_cast %swap3A_1143 : i32 to index
      %swap3A_1145 = arith.constant 0 : index
      %swap3A_1146 = tpu.vector_load %arg12[%swap3A_1144, %swap3A_1145] {strides = array<i32>} : memref<16x128xf32, #tpu.memory_space<vmem>>, vector<1x16xf32>,
      %swap3A_1147 = vector.shape_cast %swap3A_1146 : vector<1x16xf32> to vector<16xf32>
      %swap3A_1148 = vector.shape_cast %exp3A_1142 : vector<16xf32> to vector<1x16xf32>
      tpu.vector_store %arg12[%swap3A_1144, %swap3A_1145], %swap3A_1148 {strides = array<i32>} : memref<16x128xf32, #tpu.memory_space<vmem>>, vector<1x16xf32>,
      %get3A_1149 = arith.constant 2 : i32
      %get3A_1150 = arith.index_cast %get3A_1149 : i32 to index
      %get3A_1151 = arith.constant 0 : index
      %get3A_1152 = tpu.vector_load %arg11[%get3A_1150, %get3A_1151] {strides = array<i32>} : memref<16x128xf32, #tpu.memory_space<vmem>>, vector<1x16xf32>,
      %get3A_1153 = vector.shape_cast %get3A_1152 : vector<1x16xf32> to vector<16xf32>
      %slice3A_1154 = vector.extract_strided_slice %exp3A_1142 {offsets = [0], sizes = [1], strides = [1]} : vector<16xf32> to vector<1xf32>
      %squeeze3A_1155 = vector.extract %slice3A_1154[0] : f32 from vector<1xf32>
      %mul3A_1156 = vector.broadcast %squeeze3A_1155 : f32 to vector<16xf32>
      %mul3A_1157 = arith.mulf %get3A_1153, %mul3A_1156 : vector<16xf32>
      %swap3A_1158 = arith.constant 2 : i32
      %swap3A_1159 = arith.index_cast %swap3A_1158 : i32 to index
      %swap3A_1160 = arith.constant 0 : index
      %swap3A_1161 = tpu.vector_load %arg11[%swap3A_1159, %swap3A_1160] {strides = array<i32>} : memref<16x128xf32, #tpu.memory_space<vmem>>, vector<1x16xf32>,
      %swap3A_1162 = vector.shape_cast %swap3A_1161 : vector<1x16xf32> to vector<16xf32>
      %swap3A_1163 = vector.shape_cast %mul3A_1157 : vector<16xf32> to vector<1x16xf32>
      tpu.vector_store %arg11[%swap3A_1159, %swap3A_1160], %swap3A_1163 {strides = array<i32>} : memref<16x128xf32, #tpu.memory_space<vmem>>, vector<1x16xf32>,
      %get3A_1164 = arith.constant 2 : i32
      %get3A_1165 = arith.index_cast %get3A_1164 : i32 to index
      %get3A_1166 = arith.constant 16 : index
      %get3A_1167 = tpu.vector_load %arg11[%get3A_1165, %get3A_1166] {strides = array<i32>} : memref<16x128xf32, #tpu.memory_space<vmem>>, vector<1x16xf32>,
      %get3A_1168 = vector.shape_cast %get3A_1167 : vector<1x16xf32> to vector<16xf32>
      %slice3A_1169 = vector.extract_strided_slice %exp3A_1142 {offsets = [1], sizes = [1], strides = [1]} : vector<16xf32> to vector<1xf32>
      %squeeze3A_1170 = vector.extract %slice3A_1169[0] : f32 from vector<1xf32>
      %mul3A_1171 = vector.broadcast %squeeze3A_1170 : f32 to vector<16xf32>
      %mul3A_1172 = arith.mulf %get3A_1168, %mul3A_1171 : vector<16xf32>
      %swap3A_1173 = arith.constant 2 : i32
      %swap3A_1174 = arith.index_cast %swap3A_1173 : i32 to index
      %swap3A_1175 = arith.constant 16 : index
      %swap3A_1176 = tpu.vector_load %arg11[%swap3A_1174, %swap3A_1175] {strides = array<i32>} : memref<16x128xf32, #tpu.memory_space<vmem>>, vector<1x16xf32>,
      %swap3A_1177 = vector.shape_cast %swap3A_1176 : vector<1x16xf32> to vector<16xf32>
      %swap3A_1178 = vector.shape_cast %mul3A_1172 : vector<16xf32> to vector<1x16xf32>
      tpu.vector_store %arg11[%swap3A_1174, %swap3A_1175], %swap3A_1178 {strides = array<i32>} : memref<16x128xf32, #tpu.memory_space<vmem>>, vector<1x16xf32>,
      %get3A_1179 = arith.constant 2 : i32
      %get3A_1180 = arith.index_cast %get3A_1179 : i32 to index
      %get3A_1181 = arith.constant 32 : index
      %get3A_1182 = tpu.vector_load %arg11[%get3A_1180, %get3A_1181] {strides = array<i32>} : memref<16x128xf32, #tpu.memory_space<vmem>>, vector<1x16xf32>,
      %get3A_1183 = vector.shape_cast %get3A_1182 : vector<1x16xf32> to vector<16xf32>
      %slice3A_1184 = vector.extract_strided_slice %exp3A_1142 {offsets = [2], sizes = [1], strides = [1]} : vector<16xf32> to vector<1xf32>
      %squeeze3A_1185 = vector.extract %slice3A_1184[0] : f32 from vector<1xf32>
      %mul3A_1186 = vector.broadcast %squeeze3A_1185 : f32 to vector<16xf32>
      %mul3A_1187 = arith.mulf %get3A_1183, %mul3A_1186 : vector<16xf32>
      %swap3A_1188 = arith.constant 2 : i32
      %swap3A_1189 = arith.index_cast %swap3A_1188 : i32 to index
      %swap3A_1190 = arith.constant 32 : index
      %swap3A_1191 = tpu.vector_load %arg11[%swap3A_1189, %swap3A_1190] {strides = array<i32>} : memref<16x128xf32, #tpu.memory_space<vmem>>, vector<1x16xf32>,
      %swap3A_1192 = vector.shape_cast %swap3A_1191 : vector<1x16xf32> to vector<16xf32>
      %swap3A_1193 = vector.shape_cast %mul3A_1187 : vector<16xf32> to vector<1x16xf32>
      tpu.vector_store %arg11[%swap3A_1189, %swap3A_1190], %swap3A_1193 {strides = array<i32>} : memref<16x128xf32, #tpu.memory_space<vmem>>, vector<1x16xf32>,
      %get3A_1194 = arith.constant 2 : i32
      %get3A_1195 = arith.index_cast %get3A_1194 : i32 to index
      %get3A_1196 = arith.constant 48 : index
      %get3A_1197 = tpu.vector_load %arg11[%get3A_1195, %get3A_1196] {strides = array<i32>} : memref<16x128xf32, #tpu.memory_space<vmem>>, vector<1x16xf32>,
      %get3A_1198 = vector.shape_cast %get3A_1197 : vector<1x16xf32> to vector<16xf32>
      %slice3A_1199 = vector.extract_strided_slice %exp3A_1142 {offsets = [3], sizes = [1], strides = [1]} : vector<16xf32> to vector<1xf32>
      %squeeze3A_1200 = vector.extract %slice3A_1199[0] : f32 from vector<1xf32>
      %mul3A_1201 = vector.broadcast %squeeze3A_1200 : f32 to vector<16xf32>
      %mul3A_1202 = arith.mulf %get3A_1198, %mul3A_1201 : vector<16xf32>
      %swap3A_1203 = arith.constant 2 : i32
      %swap3A_1204 = arith.index_cast %swap3A_1203 : i32 to index
      %swap3A_1205 = arith.constant 48 : index
      %swap3A_1206 = tpu.vector_load %arg11[%swap3A_1204, %swap3A_1205] {strides = array<i32>} : memref<16x128xf32, #tpu.memory_space<vmem>>, vector<1x16xf32>,
      %swap3A_1207 = vector.shape_cast %swap3A_1206 : vector<1x16xf32> to vector<16xf32>
      %swap3A_1208 = vector.shape_cast %mul3A_1202 : vector<16xf32> to vector<1x16xf32>
      tpu.vector_store %arg11[%swap3A_1204, %swap3A_1205], %swap3A_1208 {strides = array<i32>} : memref<16x128xf32, #tpu.memory_space<vmem>>, vector<1x16xf32>,
      %get3A_1209 = arith.constant 2 : i32
      %get3A_1210 = arith.index_cast %get3A_1209 : i32 to index
      %get3A_1211 = arith.constant 64 : index
      %get3A_1212 = tpu.vector_load %arg11[%get3A_1210, %get3A_1211] {strides = array<i32>} : memref<16x128xf32, #tpu.memory_space<vmem>>, vector<1x16xf32>,
      %get3A_1213 = vector.shape_cast %get3A_1212 : vector<1x16xf32> to vector<16xf32>
      %slice3A_1214 = vector.extract_strided_slice %exp3A_1142 {offsets = [4], sizes = [1], strides = [1]} : vector<16xf32> to vector<1xf32>
      %squeeze3A_1215 = vector.extract %slice3A_1214[0] : f32 from vector<1xf32>
      %mul3A_1216 = vector.broadcast %squeeze3A_1215 : f32 to vector<16xf32>
      %mul3A_1217 = arith.mulf %get3A_1213, %mul3A_1216 : vector<16xf32>
      %swap3A_1218 = arith.constant 2 : i32
      %swap3A_1219 = arith.index_cast %swap3A_1218 : i32 to index
      %swap3A_1220 = arith.constant 64 : index
      %swap3A_1221 = tpu.vector_load %arg11[%swap3A_1219, %swap3A_1220] {strides = array<i32>} : memref<16x128xf32, #tpu.memory_space<vmem>>, vector<1x16xf32>,
      %swap3A_1222 = vector.shape_cast %swap3A_1221 : vector<1x16xf32> to vector<16xf32>
      %swap3A_1223 = vector.shape_cast %mul3A_1217 : vector<16xf32> to vector<1x16xf32>
      tpu.vector_store %arg11[%swap3A_1219, %swap3A_1220], %swap3A_1223 {strides = array<i32>} : memref<16x128xf32, #tpu.memory_space<vmem>>, vector<1x16xf32>,
      %get3A_1224 = arith.constant 2 : i32
      %get3A_1225 = arith.index_cast %get3A_1224 : i32 to index
      %get3A_1226 = arith.constant 80 : index
      %get3A_1227 = tpu.vector_load %arg11[%get3A_1225, %get3A_1226] {strides = array<i32>} : memref<16x128xf32, #tpu.memory_space<vmem>>, vector<1x16xf32>,
      %get3A_1228 = vector.shape_cast %get3A_1227 : vector<1x16xf32> to vector<16xf32>
      %slice3A_1229 = vector.extract_strided_slice %exp3A_1142 {offsets = [5], sizes = [1], strides = [1]} : vector<16xf32> to vector<1xf32>
      %squeeze3A_1230 = vector.extract %slice3A_1229[0] : f32 from vector<1xf32>
      %mul3A_1231 = vector.broadcast %squeeze3A_1230 : f32 to vector<16xf32>
      %mul3A_1232 = arith.mulf %get3A_1228, %mul3A_1231 : vector<16xf32>
      %swap3A_1233 = arith.constant 2 : i32
      %swap3A_1234 = arith.index_cast %swap3A_1233 : i32 to index
      %swap3A_1235 = arith.constant 80 : index
      %swap3A_1236 = tpu.vector_load %arg11[%swap3A_1234, %swap3A_1235] {strides = array<i32>} : memref<16x128xf32, #tpu.memory_space<vmem>>, vector<1x16xf32>,
      %swap3A_1237 = vector.shape_cast %swap3A_1236 : vector<1x16xf32> to vector<16xf32>
      %swap3A_1238 = vector.shape_cast %mul3A_1232 : vector<16xf32> to vector<1x16xf32>
      tpu.vector_store %arg11[%swap3A_1234, %swap3A_1235], %swap3A_1238 {strides = array<i32>} : memref<16x128xf32, #tpu.memory_space<vmem>>, vector<1x16xf32>,
      %get3A_1239 = arith.constant 2 : i32
      %get3A_1240 = arith.index_cast %get3A_1239 : i32 to index
      %get3A_1241 = arith.constant 96 : index
      %get3A_1242 = tpu.vector_load %arg11[%get3A_1240, %get3A_1241] {strides = array<i32>} : memref<16x128xf32, #tpu.memory_space<vmem>>, vector<1x16xf32>,
      %get3A_1243 = vector.shape_cast %get3A_1242 : vector<1x16xf32> to vector<16xf32>
      %slice3A_1244 = vector.extract_strided_slice %exp3A_1142 {offsets = [6], sizes = [1], strides = [1]} : vector<16xf32> to vector<1xf32>
      %squeeze3A_1245 = vector.extract %slice3A_1244[0] : f32 from vector<1xf32>
      %mul3A_1246 = vector.broadcast %squeeze3A_1245 : f32 to vector<16xf32>
      %mul3A_1247 = arith.mulf %get3A_1243, %mul3A_1246 : vector<16xf32>
      %swap3A_1248 = arith.constant 2 : i32
      %swap3A_1249 = arith.index_cast %swap3A_1248 : i32 to index
      %swap3A_1250 = arith.constant 96 : index
      %swap3A_1251 = tpu.vector_load %arg11[%swap3A_1249, %swap3A_1250] {strides = array<i32>} : memref<16x128xf32, #tpu.memory_space<vmem>>, vector<1x16xf32>,
      %swap3A_1252 = vector.shape_cast %swap3A_1251 : vector<1x16xf32> to vector<16xf32>
      %swap3A_1253 = vector.shape_cast %mul3A_1247 : vector<16xf32> to vector<1x16xf32>
      tpu.vector_store %arg11[%swap3A_1249, %swap3A_1250], %swap3A_1253 {strides = array<i32>} : memref<16x128xf32, #tpu.memory_space<vmem>>, vector<1x16xf32>,
      %get3A_1254 = arith.constant 2 : i32
      %get3A_1255 = arith.index_cast %get3A_1254 : i32 to index
      %get3A_1256 = arith.constant 112 : index
      %get3A_1257 = tpu.vector_load %arg11[%get3A_1255, %get3A_1256] {strides = array<i32>} : memref<16x128xf32, #tpu.memory_space<vmem>>, vector<1x16xf32>,
      %get3A_1258 = vector.shape_cast %get3A_1257 : vector<1x16xf32> to vector<16xf32>
      %slice3A_1259 = vector.extract_strided_slice %exp3A_1142 {offsets = [7], sizes = [1], strides = [1]} : vector<16xf32> to vector<1xf32>
      %squeeze3A_1260 = vector.extract %slice3A_1259[0] : f32 from vector<1xf32>
      %mul3A_1261 = vector.broadcast %squeeze3A_1260 : f32 to vector<16xf32>
      %mul3A_1262 = arith.mulf %get3A_1258, %mul3A_1261 : vector<16xf32>
      %swap3A_1263 = arith.constant 2 : i32
      %swap3A_1264 = arith.index_cast %swap3A_1263 : i32 to index
      %swap3A_1265 = arith.constant 112 : index
      %swap3A_1266 = tpu.vector_load %arg11[%swap3A_1264, %swap3A_1265] {strides = array<i32>} : memref<16x128xf32, #tpu.memory_space<vmem>>, vector<1x16xf32>,
      %swap3A_1267 = vector.shape_cast %swap3A_1266 : vector<1x16xf32> to vector<16xf32>
      %swap3A_1268 = vector.shape_cast %mul3A_1262 : vector<16xf32> to vector<1x16xf32>
      tpu.vector_store %arg11[%swap3A_1264, %swap3A_1265], %swap3A_1268 {strides = array<i32>} : memref<16x128xf32, #tpu.memory_space<vmem>>, vector<1x16xf32>,
      %get3A_1269 = arith.constant 3 : i32
      %get3A_1270 = arith.index_cast %get3A_1269 : i32 to index
      %get3A_1271 = arith.constant 0 : index
      %get3A_1272 = tpu.vector_load %arg9[%get3A_1270, %get3A_1271] {strides = array<i32>} : memref<16x128xf32, #tpu.memory_space<vmem>>, vector<1x16xf32>,
      %get3A_1273 = vector.shape_cast %get3A_1272 : vector<1x16xf32> to vector<16xf32>
      %get3A_1274 = arith.constant 3 : i32
      %get3A_1275 = arith.index_cast %get3A_1274 : i32 to index
      %get3A_1276 = arith.constant 0 : index
      %get3A_1277 = tpu.vector_load %arg10[%get3A_1275, %get3A_1276] {strides = array<i32>} : memref<16x128xf32, #tpu.memory_space<vmem>>, vector<1x16xf32>,
      %get3A_1278 = vector.shape_cast %get3A_1277 : vector<1x16xf32> to vector<16xf32>
      %add3A_1279 = arith.addf %get3A_1273, %get3A_1278 : vector<16xf32>
      %ge3A_1280 = arith.constant 0.000000e+00 : f32
      %ge3A_1281 = vector.broadcast %ge3A_1280 : f32 to vector<16xf32>
      %ge3A_1282 = arith.cmpf oge, %add3A_1279, %ge3A_1281 : vector<16xf32>
      %mul3A_1283 = arith.constant 2.000000e-01 : f32
      %mul3A_1284 = vector.broadcast %mul3A_1283 : f32 to vector<16xf32>
      %mul3A_1285 = arith.mulf %add3A_1279, %mul3A_1284 : vector<16xf32>
      %select_n3A_1286 = arith.select %ge3A_1282, %add3A_1279, %mul3A_1285 : vector<16xi1>, vector<16xf32>
      %exp3A_1287 = math.exp %select_n3A_1286 : vector<16xf32>
      %swap3A_1288 = arith.constant 3 : i32
      %swap3A_1289 = arith.index_cast %swap3A_1288 : i32 to index
      %swap3A_1290 = arith.constant 0 : index
      %swap3A_1291 = tpu.vector_load %arg12[%swap3A_1289, %swap3A_1290] {strides = array<i32>} : memref<16x128xf32, #tpu.memory_space<vmem>>, vector<1x16xf32>,
      %swap3A_1292 = vector.shape_cast %swap3A_1291 : vector<1x16xf32> to vector<16xf32>
      %swap3A_1293 = vector.shape_cast %exp3A_1287 : vector<16xf32> to vector<1x16xf32>
      tpu.vector_store %arg12[%swap3A_1289, %swap3A_1290], %swap3A_1293 {strides = array<i32>} : memref<16x128xf32, #tpu.memory_space<vmem>>, vector<1x16xf32>,
      %get3A_1294 = arith.constant 3 : i32
      %get3A_1295 = arith.index_cast %get3A_1294 : i32 to index
      %get3A_1296 = arith.constant 0 : index
      %get3A_1297 = tpu.vector_load %arg11[%get3A_1295, %get3A_1296] {strides = array<i32>} : memref<16x128xf32, #tpu.memory_space<vmem>>, vector<1x16xf32>,
      %get3A_1298 = vector.shape_cast %get3A_1297 : vector<1x16xf32> to vector<16xf32>
      %slice3A_1299 = vector.extract_strided_slice %exp3A_1287 {offsets = [0], sizes = [1], strides = [1]} : vector<16xf32> to vector<1xf32>
      %squeeze3A_1300 = vector.extract %slice3A_1299[0] : f32 from vector<1xf32>
      %mul3A_1301 = vector.broadcast %squeeze3A_1300 : f32 to vector<16xf32>
      %mul3A_1302 = arith.mulf %get3A_1298, %mul3A_1301 : vector<16xf32>
      %swap3A_1303 = arith.constant 3 : i32
      %swap3A_1304 = arith.index_cast %swap3A_1303 : i32 to index
      %swap3A_1305 = arith.constant 0 : index
      %swap3A_1306 = tpu.vector_load %arg11[%swap3A_1304, %swap3A_1305] {strides = array<i32>} : memref<16x128xf32, #tpu.memory_space<vmem>>, vector<1x16xf32>,
      %swap3A_1307 = vector.shape_cast %swap3A_1306 : vector<1x16xf32> to vector<16xf32>
      %swap3A_1308 = vector.shape_cast %mul3A_1302 : vector<16xf32> to vector<1x16xf32>
      tpu.vector_store %arg11[%swap3A_1304, %swap3A_1305], %swap3A_1308 {strides = array<i32>} : memref<16x128xf32, #tpu.memory_space<vmem>>, vector<1x16xf32>,
      %get3A_1309 = arith.constant 3 : i32
      %get3A_1310 = arith.index_cast %get3A_1309 : i32 to index
      %get3A_1311 = arith.constant 16 : index
      %get3A_1312 = tpu.vector_load %arg11[%get3A_1310, %get3A_1311] {strides = array<i32>} : memref<16x128xf32, #tpu.memory_space<vmem>>, vector<1x16xf32>,
      %get3A_1313 = vector.shape_cast %get3A_1312 : vector<1x16xf32> to vector<16xf32>
      %slice3A_1314 = vector.extract_strided_slice %exp3A_1287 {offsets = [1], sizes = [1], strides = [1]} : vector<16xf32> to vector<1xf32>
      %squeeze3A_1315 = vector.extract %slice3A_1314[0] : f32 from vector<1xf32>
      %mul3A_1316 = vector.broadcast %squeeze3A_1315 : f32 to vector<16xf32>
      %mul3A_1317 = arith.mulf %get3A_1313, %mul3A_1316 : vector<16xf32>
      %swap3A_1318 = arith.constant 3 : i32
      %swap3A_1319 = arith.index_cast %swap3A_1318 : i32 to index
      %swap3A_1320 = arith.constant 16 : index
      %swap3A_1321 = tpu.vector_load %arg11[%swap3A_1319, %swap3A_1320] {strides = array<i32>} : memref<16x128xf32, #tpu.memory_space<vmem>>, vector<1x16xf32>,
      %swap3A_1322 = vector.shape_cast %swap3A_1321 : vector<1x16xf32> to vector<16xf32>
      %swap3A_1323 = vector.shape_cast %mul3A_1317 : vector<16xf32> to vector<1x16xf32>
      tpu.vector_store %arg11[%swap3A_1319, %swap3A_1320], %swap3A_1323 {strides = array<i32>} : memref<16x128xf32, #tpu.memory_space<vmem>>, vector<1x16xf32>,
      %get3A_1324 = arith.constant 3 : i32
      %get3A_1325 = arith.index_cast %get3A_1324 : i32 to index
      %get3A_1326 = arith.constant 32 : index
      %get3A_1327 = tpu.vector_load %arg11[%get3A_1325, %get3A_1326] {strides = array<i32>} : memref<16x128xf32, #tpu.memory_space<vmem>>, vector<1x16xf32>,
      %get3A_1328 = vector.shape_cast %get3A_1327 : vector<1x16xf32> to vector<16xf32>
      %slice3A_1329 = vector.extract_strided_slice %exp3A_1287 {offsets = [2], sizes = [1], strides = [1]} : vector<16xf32> to vector<1xf32>
      %squeeze3A_1330 = vector.extract %slice3A_1329[0] : f32 from vector<1xf32>
      %mul3A_1331 = vector.broadcast %squeeze3A_1330 : f32 to vector<16xf32>
      %mul3A_1332 = arith.mulf %get3A_1328, %mul3A_1331 : vector<16xf32>
      %swap3A_1333 = arith.constant 3 : i32
      %swap3A_1334 = arith.index_cast %swap3A_1333 : i32 to index
      %swap3A_1335 = arith.constant 32 : index
      %swap3A_1336 = tpu.vector_load %arg11[%swap3A_1334, %swap3A_1335] {strides = array<i32>} : memref<16x128xf32, #tpu.memory_space<vmem>>, vector<1x16xf32>,
      %swap3A_1337 = vector.shape_cast %swap3A_1336 : vector<1x16xf32> to vector<16xf32>
      %swap3A_1338 = vector.shape_cast %mul3A_1332 : vector<16xf32> to vector<1x16xf32>
      tpu.vector_store %arg11[%swap3A_1334, %swap3A_1335], %swap3A_1338 {strides = array<i32>} : memref<16x128xf32, #tpu.memory_space<vmem>>, vector<1x16xf32>,
      %get3A_1339 = arith.constant 3 : i32
      %get3A_1340 = arith.index_cast %get3A_1339 : i32 to index
      %get3A_1341 = arith.constant 48 : index
      %get3A_1342 = tpu.vector_load %arg11[%get3A_1340, %get3A_1341] {strides = array<i32>} : memref<16x128xf32, #tpu.memory_space<vmem>>, vector<1x16xf32>,
      %get3A_1343 = vector.shape_cast %get3A_1342 : vector<1x16xf32> to vector<16xf32>
      %slice3A_1344 = vector.extract_strided_slice %exp3A_1287 {offsets = [3], sizes = [1], strides = [1]} : vector<16xf32> to vector<1xf32>
      %squeeze3A_1345 = vector.extract %slice3A_1344[0] : f32 from vector<1xf32>
      %mul3A_1346 = vector.broadcast %squeeze3A_1345 : f32 to vector<16xf32>
      %mul3A_1347 = arith.mulf %get3A_1343, %mul3A_1346 : vector<16xf32>
      %swap3A_1348 = arith.constant 3 : i32
      %swap3A_1349 = arith.index_cast %swap3A_1348 : i32 to index
      %swap3A_1350 = arith.constant 48 : index
      %swap3A_1351 = tpu.vector_load %arg11[%swap3A_1349, %swap3A_1350] {strides = array<i32>} : memref<16x128xf32, #tpu.memory_space<vmem>>, vector<1x16xf32>,
      %swap3A_1352 = vector.shape_cast %swap3A_1351 : vector<1x16xf32> to vector<16xf32>
      %swap3A_1353 = vector.shape_cast %mul3A_1347 : vector<16xf32> to vector<1x16xf32>
      tpu.vector_store %arg11[%swap3A_1349, %swap3A_1350], %swap3A_1353 {strides = array<i32>} : memref<16x128xf32, #tpu.memory_space<vmem>>, vector<1x16xf32>,
      %get3A_1354 = arith.constant 3 : i32
      %get3A_1355 = arith.index_cast %get3A_1354 : i32 to index
      %get3A_1356 = arith.constant 64 : index
      %get3A_1357 = tpu.vector_load %arg11[%get3A_1355, %get3A_1356] {strides = array<i32>} : memref<16x128xf32, #tpu.memory_space<vmem>>, vector<1x16xf32>,
      %get3A_1358 = vector.shape_cast %get3A_1357 : vector<1x16xf32> to vector<16xf32>
      %slice3A_1359 = vector.extract_strided_slice %exp3A_1287 {offsets = [4], sizes = [1], strides = [1]} : vector<16xf32> to vector<1xf32>
      %squeeze3A_1360 = vector.extract %slice3A_1359[0] : f32 from vector<1xf32>
      %mul3A_1361 = vector.broadcast %squeeze3A_1360 : f32 to vector<16xf32>
      %mul3A_1362 = arith.mulf %get3A_1358, %mul3A_1361 : vector<16xf32>
      %swap3A_1363 = arith.constant 3 : i32
      %swap3A_1364 = arith.index_cast %swap3A_1363 : i32 to index
      %swap3A_1365 = arith.constant 64 : index
      %swap3A_1366 = tpu.vector_load %arg11[%swap3A_1364, %swap3A_1365] {strides = array<i32>} : memref<16x128xf32, #tpu.memory_space<vmem>>, vector<1x16xf32>,
      %swap3A_1367 = vector.shape_cast %swap3A_1366 : vector<1x16xf32> to vector<16xf32>
      %swap3A_1368 = vector.shape_cast %mul3A_1362 : vector<16xf32> to vector<1x16xf32>
      tpu.vector_store %arg11[%swap3A_1364, %swap3A_1365], %swap3A_1368 {strides = array<i32>} : memref<16x128xf32, #tpu.memory_space<vmem>>, vector<1x16xf32>,
      %get3A_1369 = arith.constant 3 : i32
      %get3A_1370 = arith.index_cast %get3A_1369 : i32 to index
      %get3A_1371 = arith.constant 80 : index
      %get3A_1372 = tpu.vector_load %arg11[%get3A_1370, %get3A_1371] {strides = array<i32>} : memref<16x128xf32, #tpu.memory_space<vmem>>, vector<1x16xf32>,
      %get3A_1373 = vector.shape_cast %get3A_1372 : vector<1x16xf32> to vector<16xf32>
      %slice3A_1374 = vector.extract_strided_slice %exp3A_1287 {offsets = [5], sizes = [1], strides = [1]} : vector<16xf32> to vector<1xf32>
      %squeeze3A_1375 = vector.extract %slice3A_1374[0] : f32 from vector<1xf32>
      %mul3A_1376 = vector.broadcast %squeeze3A_1375 : f32 to vector<16xf32>
      %mul3A_1377 = arith.mulf %get3A_1373, %mul3A_1376 : vector<16xf32>
      %swap3A_1378 = arith.constant 3 : i32
      %swap3A_1379 = arith.index_cast %swap3A_1378 : i32 to index
      %swap3A_1380 = arith.constant 80 : index
      %swap3A_1381 = tpu.vector_load %arg11[%swap3A_1379, %swap3A_1380] {strides = array<i32>} : memref<16x128xf32, #tpu.memory_space<vmem>>, vector<1x16xf32>,
      %swap3A_1382 = vector.shape_cast %swap3A_1381 : vector<1x16xf32> to vector<16xf32>
      %swap3A_1383 = vector.shape_cast %mul3A_1377 : vector<16xf32> to vector<1x16xf32>
      tpu.vector_store %arg11[%swap3A_1379, %swap3A_1380], %swap3A_1383 {strides = array<i32>} : memref<16x128xf32, #tpu.memory_space<vmem>>, vector<1x16xf32>,
      %get3A_1384 = arith.constant 3 : i32
      %get3A_1385 = arith.index_cast %get3A_1384 : i32 to index
      %get3A_1386 = arith.constant 96 : index
      %get3A_1387 = tpu.vector_load %arg11[%get3A_1385, %get3A_1386] {strides = array<i32>} : memref<16x128xf32, #tpu.memory_space<vmem>>, vector<1x16xf32>,
      %get3A_1388 = vector.shape_cast %get3A_1387 : vector<1x16xf32> to vector<16xf32>
      %slice3A_1389 = vector.extract_strided_slice %exp3A_1287 {offsets = [6], sizes = [1], strides = [1]} : vector<16xf32> to vector<1xf32>
      %squeeze3A_1390 = vector.extract %slice3A_1389[0] : f32 from vector<1xf32>
      %mul3A_1391 = vector.broadcast %squeeze3A_1390 : f32 to vector<16xf32>
      %mul3A_1392 = arith.mulf %get3A_1388, %mul3A_1391 : vector<16xf32>
      %swap3A_1393 = arith.constant 3 : i32
      %swap3A_1394 = arith.index_cast %swap3A_1393 : i32 to index
      %swap3A_1395 = arith.constant 96 : index
      %swap3A_1396 = tpu.vector_load %arg11[%swap3A_1394, %swap3A_1395] {strides = array<i32>} : memref<16x128xf32, #tpu.memory_space<vmem>>, vector<1x16xf32>,
      %swap3A_1397 = vector.shape_cast %swap3A_1396 : vector<1x16xf32> to vector<16xf32>
      %swap3A_1398 = vector.shape_cast %mul3A_1392 : vector<16xf32> to vector<1x16xf32>
      tpu.vector_store %arg11[%swap3A_1394, %swap3A_1395], %swap3A_1398 {strides = array<i32>} : memref<16x128xf32, #tpu.memory_space<vmem>>, vector<1x16xf32>,
      %get3A_1399 = arith.constant 3 : i32
      %get3A_1400 = arith.index_cast %get3A_1399 : i32 to index
      %get3A_1401 = arith.constant 112 : index
      %get3A_1402 = tpu.vector_load %arg11[%get3A_1400, %get3A_1401] {strides = array<i32>} : memref<16x128xf32, #tpu.memory_space<vmem>>, vector<1x16xf32>,
      %get3A_1403 = vector.shape_cast %get3A_1402 : vector<1x16xf32> to vector<16xf32>
      %slice3A_1404 = vector.extract_strided_slice %exp3A_1287 {offsets = [7], sizes = [1], strides = [1]} : vector<16xf32> to vector<1xf32>
      %squeeze3A_1405 = vector.extract %slice3A_1404[0] : f32 from vector<1xf32>
      %mul3A_1406 = vector.broadcast %squeeze3A_1405 : f32 to vector<16xf32>
      %mul3A_1407 = arith.mulf %get3A_1403, %mul3A_1406 : vector<16xf32>
      %swap3A_1408 = arith.constant 3 : i32
      %swap3A_1409 = arith.index_cast %swap3A_1408 : i32 to index
      %swap3A_1410 = arith.constant 112 : index
      %swap3A_1411 = tpu.vector_load %arg11[%swap3A_1409, %swap3A_1410] {strides = array<i32>} : memref<16x128xf32, #tpu.memory_space<vmem>>, vector<1x16xf32>,
      %swap3A_1412 = vector.shape_cast %swap3A_1411 : vector<1x16xf32> to vector<16xf32>
      %swap3A_1413 = vector.shape_cast %mul3A_1407 : vector<16xf32> to vector<1x16xf32>
      tpu.vector_store %arg11[%swap3A_1409, %swap3A_1410], %swap3A_1413 {strides = array<i32>} : memref<16x128xf32, #tpu.memory_space<vmem>>, vector<1x16xf32>,
      %get3A_1414 = arith.constant 4 : i32
      %get3A_1415 = arith.index_cast %get3A_1414 : i32 to index
      %get3A_1416 = arith.constant 0 : index
      %get3A_1417 = tpu.vector_load %arg9[%get3A_1415, %get3A_1416] {strides = array<i32>} : memref<16x128xf32, #tpu.memory_space<vmem>>, vector<1x16xf32>,
      %get3A_1418 = vector.shape_cast %get3A_1417 : vector<1x16xf32> to vector<16xf32>
      %get3A_1419 = arith.constant 4 : i32
      %get3A_1420 = arith.index_cast %get3A_1419 : i32 to index
      %get3A_1421 = arith.constant 0 : index
      %get3A_1422 = tpu.vector_load %arg10[%get3A_1420, %get3A_1421] {strides = array<i32>} : memref<16x128xf32, #tpu.memory_space<vmem>>, vector<1x16xf32>,
      %get3A_1423 = vector.shape_cast %get3A_1422 : vector<1x16xf32> to vector<16xf32>
      %add3A_1424 = arith.addf %get3A_1418, %get3A_1423 : vector<16xf32>
      %ge3A_1425 = arith.constant 0.000000e+00 : f32
      %ge3A_1426 = vector.broadcast %ge3A_1425 : f32 to vector<16xf32>
      %ge3A_1427 = arith.cmpf oge, %add3A_1424, %ge3A_1426 : vector<16xf32>
      %mul3A_1428 = arith.constant 2.000000e-01 : f32
      %mul3A_1429 = vector.broadcast %mul3A_1428 : f32 to vector<16xf32>
      %mul3A_1430 = arith.mulf %add3A_1424, %mul3A_1429 : vector<16xf32>
      %select_n3A_1431 = arith.select %ge3A_1427, %add3A_1424, %mul3A_1430 : vector<16xi1>, vector<16xf32>
      %exp3A_1432 = math.exp %select_n3A_1431 : vector<16xf32>
      %swap3A_1433 = arith.constant 4 : i32
      %swap3A_1434 = arith.index_cast %swap3A_1433 : i32 to index
      %swap3A_1435 = arith.constant 0 : index
      %swap3A_1436 = tpu.vector_load %arg12[%swap3A_1434, %swap3A_1435] {strides = array<i32>} : memref<16x128xf32, #tpu.memory_space<vmem>>, vector<1x16xf32>,
      %swap3A_1437 = vector.shape_cast %swap3A_1436 : vector<1x16xf32> to vector<16xf32>
      %swap3A_1438 = vector.shape_cast %exp3A_1432 : vector<16xf32> to vector<1x16xf32>
      tpu.vector_store %arg12[%swap3A_1434, %swap3A_1435], %swap3A_1438 {strides = array<i32>} : memref<16x128xf32, #tpu.memory_space<vmem>>, vector<1x16xf32>,
      %get3A_1439 = arith.constant 4 : i32
      %get3A_1440 = arith.index_cast %get3A_1439 : i32 to index
      %get3A_1441 = arith.constant 0 : index
      %get3A_1442 = tpu.vector_load %arg11[%get3A_1440, %get3A_1441] {strides = array<i32>} : memref<16x128xf32, #tpu.memory_space<vmem>>, vector<1x16xf32>,
      %get3A_1443 = vector.shape_cast %get3A_1442 : vector<1x16xf32> to vector<16xf32>
      %slice3A_1444 = vector.extract_strided_slice %exp3A_1432 {offsets = [0], sizes = [1], strides = [1]} : vector<16xf32> to vector<1xf32>
      %squeeze3A_1445 = vector.extract %slice3A_1444[0] : f32 from vector<1xf32>
      %mul3A_1446 = vector.broadcast %squeeze3A_1445 : f32 to vector<16xf32>
      %mul3A_1447 = arith.mulf %get3A_1443, %mul3A_1446 : vector<16xf32>
      %swap3A_1448 = arith.constant 4 : i32
      %swap3A_1449 = arith.index_cast %swap3A_1448 : i32 to index
      %swap3A_1450 = arith.constant 0 : index
      %swap3A_1451 = tpu.vector_load %arg11[%swap3A_1449, %swap3A_1450] {strides = array<i32>} : memref<16x128xf32, #tpu.memory_space<vmem>>, vector<1x16xf32>,
      %swap3A_1452 = vector.shape_cast %swap3A_1451 : vector<1x16xf32> to vector<16xf32>
      %swap3A_1453 = vector.shape_cast %mul3A_1447 : vector<16xf32> to vector<1x16xf32>
      tpu.vector_store %arg11[%swap3A_1449, %swap3A_1450], %swap3A_1453 {strides = array<i32>} : memref<16x128xf32, #tpu.memory_space<vmem>>, vector<1x16xf32>,
      %get3A_1454 = arith.constant 4 : i32
      %get3A_1455 = arith.index_cast %get3A_1454 : i32 to index
      %get3A_1456 = arith.constant 16 : index
      %get3A_1457 = tpu.vector_load %arg11[%get3A_1455, %get3A_1456] {strides = array<i32>} : memref<16x128xf32, #tpu.memory_space<vmem>>, vector<1x16xf32>,
      %get3A_1458 = vector.shape_cast %get3A_1457 : vector<1x16xf32> to vector<16xf32>
      %slice3A_1459 = vector.extract_strided_slice %exp3A_1432 {offsets = [1], sizes = [1], strides = [1]} : vector<16xf32> to vector<1xf32>
      %squeeze3A_1460 = vector.extract %slice3A_1459[0] : f32 from vector<1xf32>
      %mul3A_1461 = vector.broadcast %squeeze3A_1460 : f32 to vector<16xf32>
      %mul3A_1462 = arith.mulf %get3A_1458, %mul3A_1461 : vector<16xf32>
      %swap3A_1463 = arith.constant 4 : i32
      %swap3A_1464 = arith.index_cast %swap3A_1463 : i32 to index
      %swap3A_1465 = arith.constant 16 : index
      %swap3A_1466 = tpu.vector_load %arg11[%swap3A_1464, %swap3A_1465] {strides = array<i32>} : memref<16x128xf32, #tpu.memory_space<vmem>>, vector<1x16xf32>,
      %swap3A_1467 = vector.shape_cast %swap3A_1466 : vector<1x16xf32> to vector<16xf32>
      %swap3A_1468 = vector.shape_cast %mul3A_1462 : vector<16xf32> to vector<1x16xf32>
      tpu.vector_store %arg11[%swap3A_1464, %swap3A_1465], %swap3A_1468 {strides = array<i32>} : memref<16x128xf32, #tpu.memory_space<vmem>>, vector<1x16xf32>,
      %get3A_1469 = arith.constant 4 : i32
      %get3A_1470 = arith.index_cast %get3A_1469 : i32 to index
      %get3A_1471 = arith.constant 32 : index
      %get3A_1472 = tpu.vector_load %arg11[%get3A_1470, %get3A_1471] {strides = array<i32>} : memref<16x128xf32, #tpu.memory_space<vmem>>, vector<1x16xf32>,
      %get3A_1473 = vector.shape_cast %get3A_1472 : vector<1x16xf32> to vector<16xf32>
      %slice3A_1474 = vector.extract_strided_slice %exp3A_1432 {offsets = [2], sizes = [1], strides = [1]} : vector<16xf32> to vector<1xf32>
      %squeeze3A_1475 = vector.extract %slice3A_1474[0] : f32 from vector<1xf32>
      %mul3A_1476 = vector.broadcast %squeeze3A_1475 : f32 to vector<16xf32>
      %mul3A_1477 = arith.mulf %get3A_1473, %mul3A_1476 : vector<16xf32>
      %swap3A_1478 = arith.constant 4 : i32
      %swap3A_1479 = arith.index_cast %swap3A_1478 : i32 to index
      %swap3A_1480 = arith.constant 32 : index
      %swap3A_1481 = tpu.vector_load %arg11[%swap3A_1479, %swap3A_1480] {strides = array<i32>} : memref<16x128xf32, #tpu.memory_space<vmem>>, vector<1x16xf32>,
      %swap3A_1482 = vector.shape_cast %swap3A_1481 : vector<1x16xf32> to vector<16xf32>
      %swap3A_1483 = vector.shape_cast %mul3A_1477 : vector<16xf32> to vector<1x16xf32>
      tpu.vector_store %arg11[%swap3A_1479, %swap3A_1480], %swap3A_1483 {strides = array<i32>} : memref<16x128xf32, #tpu.memory_space<vmem>>, vector<1x16xf32>,
      %get3A_1484 = arith.constant 4 : i32
      %get3A_1485 = arith.index_cast %get3A_1484 : i32 to index
      %get3A_1486 = arith.constant 48 : index
      %get3A_1487 = tpu.vector_load %arg11[%get3A_1485, %get3A_1486] {strides = array<i32>} : memref<16x128xf32, #tpu.memory_space<vmem>>, vector<1x16xf32>,
      %get3A_1488 = vector.shape_cast %get3A_1487 : vector<1x16xf32> to vector<16xf32>
      %slice3A_1489 = vector.extract_strided_slice %exp3A_1432 {offsets = [3], sizes = [1], strides = [1]} : vector<16xf32> to vector<1xf32>
      %squeeze3A_1490 = vector.extract %slice3A_1489[0] : f32 from vector<1xf32>
      %mul3A_1491 = vector.broadcast %squeeze3A_1490 : f32 to vector<16xf32>
      %mul3A_1492 = arith.mulf %get3A_1488, %mul3A_1491 : vector<16xf32>
      %swap3A_1493 = arith.constant 4 : i32
      %swap3A_1494 = arith.index_cast %swap3A_1493 : i32 to index
      %swap3A_1495 = arith.constant 48 : index
      %swap3A_1496 = tpu.vector_load %arg11[%swap3A_1494, %swap3A_1495] {strides = array<i32>} : memref<16x128xf32, #tpu.memory_space<vmem>>, vector<1x16xf32>,
      %swap3A_1497 = vector.shape_cast %swap3A_1496 : vector<1x16xf32> to vector<16xf32>
      %swap3A_1498 = vector.shape_cast %mul3A_1492 : vector<16xf32> to vector<1x16xf32>
      tpu.vector_store %arg11[%swap3A_1494, %swap3A_1495], %swap3A_1498 {strides = array<i32>} : memref<16x128xf32, #tpu.memory_space<vmem>>, vector<1x16xf32>,
      %get3A_1499 = arith.constant 4 : i32
      %get3A_1500 = arith.index_cast %get3A_1499 : i32 to index
      %get3A_1501 = arith.constant 64 : index
      %get3A_1502 = tpu.vector_load %arg11[%get3A_1500, %get3A_1501] {strides = array<i32>} : memref<16x128xf32, #tpu.memory_space<vmem>>, vector<1x16xf32>,
      %get3A_1503 = vector.shape_cast %get3A_1502 : vector<1x16xf32> to vector<16xf32>
      %slice3A_1504 = vector.extract_strided_slice %exp3A_1432 {offsets = [4], sizes = [1], strides = [1]} : vector<16xf32> to vector<1xf32>
      %squeeze3A_1505 = vector.extract %slice3A_1504[0] : f32 from vector<1xf32>
      %mul3A_1506 = vector.broadcast %squeeze3A_1505 : f32 to vector<16xf32>
      %mul3A_1507 = arith.mulf %get3A_1503, %mul3A_1506 : vector<16xf32>
      %swap3A_1508 = arith.constant 4 : i32
      %swap3A_1509 = arith.index_cast %swap3A_1508 : i32 to index
      %swap3A_1510 = arith.constant 64 : index
      %swap3A_1511 = tpu.vector_load %arg11[%swap3A_1509, %swap3A_1510] {strides = array<i32>} : memref<16x128xf32, #tpu.memory_space<vmem>>, vector<1x16xf32>,
      %swap3A_1512 = vector.shape_cast %swap3A_1511 : vector<1x16xf32> to vector<16xf32>
      %swap3A_1513 = vector.shape_cast %mul3A_1507 : vector<16xf32> to vector<1x16xf32>
      tpu.vector_store %arg11[%swap3A_1509, %swap3A_1510], %swap3A_1513 {strides = array<i32>} : memref<16x128xf32, #tpu.memory_space<vmem>>, vector<1x16xf32>,
      %get3A_1514 = arith.constant 4 : i32
      %get3A_1515 = arith.index_cast %get3A_1514 : i32 to index
      %get3A_1516 = arith.constant 80 : index
      %get3A_1517 = tpu.vector_load %arg11[%get3A_1515, %get3A_1516] {strides = array<i32>} : memref<16x128xf32, #tpu.memory_space<vmem>>, vector<1x16xf32>,
      %get3A_1518 = vector.shape_cast %get3A_1517 : vector<1x16xf32> to vector<16xf32>
      %slice3A_1519 = vector.extract_strided_slice %exp3A_1432 {offsets = [5], sizes = [1], strides = [1]} : vector<16xf32> to vector<1xf32>
      %squeeze3A_1520 = vector.extract %slice3A_1519[0] : f32 from vector<1xf32>
      %mul3A_1521 = vector.broadcast %squeeze3A_1520 : f32 to vector<16xf32>
      %mul3A_1522 = arith.mulf %get3A_1518, %mul3A_1521 : vector<16xf32>
      %swap3A_1523 = arith.constant 4 : i32
      %swap3A_1524 = arith.index_cast %swap3A_1523 : i32 to index
      %swap3A_1525 = arith.constant 80 : index
      %swap3A_1526 = tpu.vector_load %arg11[%swap3A_1524, %swap3A_1525] {strides = array<i32>} : memref<16x128xf32, #tpu.memory_space<vmem>>, vector<1x16xf32>,
      %swap3A_1527 = vector.shape_cast %swap3A_1526 : vector<1x16xf32> to vector<16xf32>
      %swap3A_1528 = vector.shape_cast %mul3A_1522 : vector<16xf32> to vector<1x16xf32>
      tpu.vector_store %arg11[%swap3A_1524, %swap3A_1525], %swap3A_1528 {strides = array<i32>} : memref<16x128xf32, #tpu.memory_space<vmem>>, vector<1x16xf32>,
      %get3A_1529 = arith.constant 4 : i32
      %get3A_1530 = arith.index_cast %get3A_1529 : i32 to index
      %get3A_1531 = arith.constant 96 : index
      %get3A_1532 = tpu.vector_load %arg11[%get3A_1530, %get3A_1531] {strides = array<i32>} : memref<16x128xf32, #tpu.memory_space<vmem>>, vector<1x16xf32>,
      %get3A_1533 = vector.shape_cast %get3A_1532 : vector<1x16xf32> to vector<16xf32>
      %slice3A_1534 = vector.extract_strided_slice %exp3A_1432 {offsets = [6], sizes = [1], strides = [1]} : vector<16xf32> to vector<1xf32>
      %squeeze3A_1535 = vector.extract %slice3A_1534[0] : f32 from vector<1xf32>
      %mul3A_1536 = vector.broadcast %squeeze3A_1535 : f32 to vector<16xf32>
      %mul3A_1537 = arith.mulf %get3A_1533, %mul3A_1536 : vector<16xf32>
      %swap3A_1538 = arith.constant 4 : i32
      %swap3A_1539 = arith.index_cast %swap3A_1538 : i32 to index
      %swap3A_1540 = arith.constant 96 : index
      %swap3A_1541 = tpu.vector_load %arg11[%swap3A_1539, %swap3A_1540] {strides = array<i32>} : memref<16x128xf32, #tpu.memory_space<vmem>>, vector<1x16xf32>,
      %swap3A_1542 = vector.shape_cast %swap3A_1541 : vector<1x16xf32> to vector<16xf32>
      %swap3A_1543 = vector.shape_cast %mul3A_1537 : vector<16xf32> to vector<1x16xf32>
      tpu.vector_store %arg11[%swap3A_1539, %swap3A_1540], %swap3A_1543 {strides = array<i32>} : memref<16x128xf32, #tpu.memory_space<vmem>>, vector<1x16xf32>,
      %get3A_1544 = arith.constant 4 : i32
      %get3A_1545 = arith.index_cast %get3A_1544 : i32 to index
      %get3A_1546 = arith.constant 112 : index
      %get3A_1547 = tpu.vector_load %arg11[%get3A_1545, %get3A_1546] {strides = array<i32>} : memref<16x128xf32, #tpu.memory_space<vmem>>, vector<1x16xf32>,
      %get3A_1548 = vector.shape_cast %get3A_1547 : vector<1x16xf32> to vector<16xf32>
      %slice3A_1549 = vector.extract_strided_slice %exp3A_1432 {offsets = [7], sizes = [1], strides = [1]} : vector<16xf32> to vector<1xf32>
      %squeeze3A_1550 = vector.extract %slice3A_1549[0] : f32 from vector<1xf32>
      %mul3A_1551 = vector.broadcast %squeeze3A_1550 : f32 to vector<16xf32>
      %mul3A_1552 = arith.mulf %get3A_1548, %mul3A_1551 : vector<16xf32>
      %swap3A_1553 = arith.constant 4 : i32
      %swap3A_1554 = arith.index_cast %swap3A_1553 : i32 to index
      %swap3A_1555 = arith.constant 112 : index
      %swap3A_1556 = tpu.vector_load %arg11[%swap3A_1554, %swap3A_1555] {strides = array<i32>} : memref<16x128xf32, #tpu.memory_space<vmem>>, vector<1x16xf32>,
      %swap3A_1557 = vector.shape_cast %swap3A_1556 : vector<1x16xf32> to vector<16xf32>
      %swap3A_1558 = vector.shape_cast %mul3A_1552 : vector<16xf32> to vector<1x16xf32>
      tpu.vector_store %arg11[%swap3A_1554, %swap3A_1555], %swap3A_1558 {strides = array<i32>} : memref<16x128xf32, #tpu.memory_space<vmem>>, vector<1x16xf32>,
      %get3A_1559 = arith.constant 5 : i32
      %get3A_1560 = arith.index_cast %get3A_1559 : i32 to index
      %get3A_1561 = arith.constant 0 : index
      %get3A_1562 = tpu.vector_load %arg9[%get3A_1560, %get3A_1561] {strides = array<i32>} : memref<16x128xf32, #tpu.memory_space<vmem>>, vector<1x16xf32>,
      %get3A_1563 = vector.shape_cast %get3A_1562 : vector<1x16xf32> to vector<16xf32>
      %get3A_1564 = arith.constant 5 : i32
      %get3A_1565 = arith.index_cast %get3A_1564 : i32 to index
      %get3A_1566 = arith.constant 0 : index
      %get3A_1567 = tpu.vector_load %arg10[%get3A_1565, %get3A_1566] {strides = array<i32>} : memref<16x128xf32, #tpu.memory_space<vmem>>, vector<1x16xf32>,
      %get3A_1568 = vector.shape_cast %get3A_1567 : vector<1x16xf32> to vector<16xf32>
      %add3A_1569 = arith.addf %get3A_1563, %get3A_1568 : vector<16xf32>
      %ge3A_1570 = arith.constant 0.000000e+00 : f32
      %ge3A_1571 = vector.broadcast %ge3A_1570 : f32 to vector<16xf32>
      %ge3A_1572 = arith.cmpf oge, %add3A_1569, %ge3A_1571 : vector<16xf32>
      %mul3A_1573 = arith.constant 2.000000e-01 : f32
      %mul3A_1574 = vector.broadcast %mul3A_1573 : f32 to vector<16xf32>
      %mul3A_1575 = arith.mulf %add3A_1569, %mul3A_1574 : vector<16xf32>
      %select_n3A_1576 = arith.select %ge3A_1572, %add3A_1569, %mul3A_1575 : vector<16xi1>, vector<16xf32>
      %exp3A_1577 = math.exp %select_n3A_1576 : vector<16xf32>
      %swap3A_1578 = arith.constant 5 : i32
      %swap3A_1579 = arith.index_cast %swap3A_1578 : i32 to index
      %swap3A_1580 = arith.constant 0 : index
      %swap3A_1581 = tpu.vector_load %arg12[%swap3A_1579, %swap3A_1580] {strides = array<i32>} : memref<16x128xf32, #tpu.memory_space<vmem>>, vector<1x16xf32>,
      %swap3A_1582 = vector.shape_cast %swap3A_1581 : vector<1x16xf32> to vector<16xf32>
      %swap3A_1583 = vector.shape_cast %exp3A_1577 : vector<16xf32> to vector<1x16xf32>
      tpu.vector_store %arg12[%swap3A_1579, %swap3A_1580], %swap3A_1583 {strides = array<i32>} : memref<16x128xf32, #tpu.memory_space<vmem>>, vector<1x16xf32>,
      %get3A_1584 = arith.constant 5 : i32
      %get3A_1585 = arith.index_cast %get3A_1584 : i32 to index
      %get3A_1586 = arith.constant 0 : index
      %get3A_1587 = tpu.vector_load %arg11[%get3A_1585, %get3A_1586] {strides = array<i32>} : memref<16x128xf32, #tpu.memory_space<vmem>>, vector<1x16xf32>,
      %get3A_1588 = vector.shape_cast %get3A_1587 : vector<1x16xf32> to vector<16xf32>
      %slice3A_1589 = vector.extract_strided_slice %exp3A_1577 {offsets = [0], sizes = [1], strides = [1]} : vector<16xf32> to vector<1xf32>
      %squeeze3A_1590 = vector.extract %slice3A_1589[0] : f32 from vector<1xf32>
      %mul3A_1591 = vector.broadcast %squeeze3A_1590 : f32 to vector<16xf32>
      %mul3A_1592 = arith.mulf %get3A_1588, %mul3A_1591 : vector<16xf32>
      %swap3A_1593 = arith.constant 5 : i32
      %swap3A_1594 = arith.index_cast %swap3A_1593 : i32 to index
      %swap3A_1595 = arith.constant 0 : index
      %swap3A_1596 = tpu.vector_load %arg11[%swap3A_1594, %swap3A_1595] {strides = array<i32>} : memref<16x128xf32, #tpu.memory_space<vmem>>, vector<1x16xf32>,
      %swap3A_1597 = vector.shape_cast %swap3A_1596 : vector<1x16xf32> to vector<16xf32>
      %swap3A_1598 = vector.shape_cast %mul3A_1592 : vector<16xf32> to vector<1x16xf32>
      tpu.vector_store %arg11[%swap3A_1594, %swap3A_1595], %swap3A_1598 {strides = array<i32>} : memref<16x128xf32, #tpu.memory_space<vmem>>, vector<1x16xf32>,
      %get3A_1599 = arith.constant 5 : i32
      %get3A_1600 = arith.index_cast %get3A_1599 : i32 to index
      %get3A_1601 = arith.constant 16 : index
      %get3A_1602 = tpu.vector_load %arg11[%get3A_1600, %get3A_1601] {strides = array<i32>} : memref<16x128xf32, #tpu.memory_space<vmem>>, vector<1x16xf32>,
      %get3A_1603 = vector.shape_cast %get3A_1602 : vector<1x16xf32> to vector<16xf32>
      %slice3A_1604 = vector.extract_strided_slice %exp3A_1577 {offsets = [1], sizes = [1], strides = [1]} : vector<16xf32> to vector<1xf32>
      %squeeze3A_1605 = vector.extract %slice3A_1604[0] : f32 from vector<1xf32>
      %mul3A_1606 = vector.broadcast %squeeze3A_1605 : f32 to vector<16xf32>
      %mul3A_1607 = arith.mulf %get3A_1603, %mul3A_1606 : vector<16xf32>
      %swap3A_1608 = arith.constant 5 : i32
      %swap3A_1609 = arith.index_cast %swap3A_1608 : i32 to index
      %swap3A_1610 = arith.constant 16 : index
      %swap3A_1611 = tpu.vector_load %arg11[%swap3A_1609, %swap3A_1610] {strides = array<i32>} : memref<16x128xf32, #tpu.memory_space<vmem>>, vector<1x16xf32>,
      %swap3A_1612 = vector.shape_cast %swap3A_1611 : vector<1x16xf32> to vector<16xf32>
      %swap3A_1613 = vector.shape_cast %mul3A_1607 : vector<16xf32> to vector<1x16xf32>
      tpu.vector_store %arg11[%swap3A_1609, %swap3A_1610], %swap3A_1613 {strides = array<i32>} : memref<16x128xf32, #tpu.memory_space<vmem>>, vector<1x16xf32>,
      %get3A_1614 = arith.constant 5 : i32
      %get3A_1615 = arith.index_cast %get3A_1614 : i32 to index
      %get3A_1616 = arith.constant 32 : index
      %get3A_1617 = tpu.vector_load %arg11[%get3A_1615, %get3A_1616] {strides = array<i32>} : memref<16x128xf32, #tpu.memory_space<vmem>>, vector<1x16xf32>,
      %get3A_1618 = vector.shape_cast %get3A_1617 : vector<1x16xf32> to vector<16xf32>
      %slice3A_1619 = vector.extract_strided_slice %exp3A_1577 {offsets = [2], sizes = [1], strides = [1]} : vector<16xf32> to vector<1xf32>
      %squeeze3A_1620 = vector.extract %slice3A_1619[0] : f32 from vector<1xf32>
      %mul3A_1621 = vector.broadcast %squeeze3A_1620 : f32 to vector<16xf32>
      %mul3A_1622 = arith.mulf %get3A_1618, %mul3A_1621 : vector<16xf32>
      %swap3A_1623 = arith.constant 5 : i32
      %swap3A_1624 = arith.index_cast %swap3A_1623 : i32 to index
      %swap3A_1625 = arith.constant 32 : index
      %swap3A_1626 = tpu.vector_load %arg11[%swap3A_1624, %swap3A_1625] {strides = array<i32>} : memref<16x128xf32, #tpu.memory_space<vmem>>, vector<1x16xf32>,
      %swap3A_1627 = vector.shape_cast %swap3A_1626 : vector<1x16xf32> to vector<16xf32>
      %swap3A_1628 = vector.shape_cast %mul3A_1622 : vector<16xf32> to vector<1x16xf32>
      tpu.vector_store %arg11[%swap3A_1624, %swap3A_1625], %swap3A_1628 {strides = array<i32>} : memref<16x128xf32, #tpu.memory_space<vmem>>, vector<1x16xf32>,
      %get3A_1629 = arith.constant 5 : i32
      %get3A_1630 = arith.index_cast %get3A_1629 : i32 to index
      %get3A_1631 = arith.constant 48 : index
      %get3A_1632 = tpu.vector_load %arg11[%get3A_1630, %get3A_1631] {strides = array<i32>} : memref<16x128xf32, #tpu.memory_space<vmem>>, vector<1x16xf32>,
      %get3A_1633 = vector.shape_cast %get3A_1632 : vector<1x16xf32> to vector<16xf32>
      %slice3A_1634 = vector.extract_strided_slice %exp3A_1577 {offsets = [3], sizes = [1], strides = [1]} : vector<16xf32> to vector<1xf32>
      %squeeze3A_1635 = vector.extract %slice3A_1634[0] : f32 from vector<1xf32>
      %mul3A_1636 = vector.broadcast %squeeze3A_1635 : f32 to vector<16xf32>
      %mul3A_1637 = arith.mulf %get3A_1633, %mul3A_1636 : vector<16xf32>
      %swap3A_1638 = arith.constant 5 : i32
      %swap3A_1639 = arith.index_cast %swap3A_1638 : i32 to index
      %swap3A_1640 = arith.constant 48 : index
      %swap3A_1641 = tpu.vector_load %arg11[%swap3A_1639, %swap3A_1640] {strides = array<i32>} : memref<16x128xf32, #tpu.memory_space<vmem>>, vector<1x16xf32>,
      %swap3A_1642 = vector.shape_cast %swap3A_1641 : vector<1x16xf32> to vector<16xf32>
      %swap3A_1643 = vector.shape_cast %mul3A_1637 : vector<16xf32> to vector<1x16xf32>
      tpu.vector_store %arg11[%swap3A_1639, %swap3A_1640], %swap3A_1643 {strides = array<i32>} : memref<16x128xf32, #tpu.memory_space<vmem>>, vector<1x16xf32>,
      %get3A_1644 = arith.constant 5 : i32
      %get3A_1645 = arith.index_cast %get3A_1644 : i32 to index
      %get3A_1646 = arith.constant 64 : index
      %get3A_1647 = tpu.vector_load %arg11[%get3A_1645, %get3A_1646] {strides = array<i32>} : memref<16x128xf32, #tpu.memory_space<vmem>>, vector<1x16xf32>,
      %get3A_1648 = vector.shape_cast %get3A_1647 : vector<1x16xf32> to vector<16xf32>
      %slice3A_1649 = vector.extract_strided_slice %exp3A_1577 {offsets = [4], sizes = [1], strides = [1]} : vector<16xf32> to vector<1xf32>
      %squeeze3A_1650 = vector.extract %slice3A_1649[0] : f32 from vector<1xf32>
      %mul3A_1651 = vector.broadcast %squeeze3A_1650 : f32 to vector<16xf32>
      %mul3A_1652 = arith.mulf %get3A_1648, %mul3A_1651 : vector<16xf32>
      %swap3A_1653 = arith.constant 5 : i32
      %swap3A_1654 = arith.index_cast %swap3A_1653 : i32 to index
      %swap3A_1655 = arith.constant 64 : index
      %swap3A_1656 = tpu.vector_load %arg11[%swap3A_1654, %swap3A_1655] {strides = array<i32>} : memref<16x128xf32, #tpu.memory_space<vmem>>, vector<1x16xf32>,
      %swap3A_1657 = vector.shape_cast %swap3A_1656 : vector<1x16xf32> to vector<16xf32>
      %swap3A_1658 = vector.shape_cast %mul3A_1652 : vector<16xf32> to vector<1x16xf32>
      tpu.vector_store %arg11[%swap3A_1654, %swap3A_1655], %swap3A_1658 {strides = array<i32>} : memref<16x128xf32, #tpu.memory_space<vmem>>, vector<1x16xf32>,
      %get3A_1659 = arith.constant 5 : i32
      %get3A_1660 = arith.index_cast %get3A_1659 : i32 to index
      %get3A_1661 = arith.constant 80 : index
      %get3A_1662 = tpu.vector_load %arg11[%get3A_1660, %get3A_1661] {strides = array<i32>} : memref<16x128xf32, #tpu.memory_space<vmem>>, vector<1x16xf32>,
      %get3A_1663 = vector.shape_cast %get3A_1662 : vector<1x16xf32> to vector<16xf32>
      %slice3A_1664 = vector.extract_strided_slice %exp3A_1577 {offsets = [5], sizes = [1], strides = [1]} : vector<16xf32> to vector<1xf32>
      %squeeze3A_1665 = vector.extract %slice3A_1664[0] : f32 from vector<1xf32>
      %mul3A_1666 = vector.broadcast %squeeze3A_1665 : f32 to vector<16xf32>
      %mul3A_1667 = arith.mulf %get3A_1663, %mul3A_1666 : vector<16xf32>
      %swap3A_1668 = arith.constant 5 : i32
      %swap3A_1669 = arith.index_cast %swap3A_1668 : i32 to index
      %swap3A_1670 = arith.constant 80 : index
      %swap3A_1671 = tpu.vector_load %arg11[%swap3A_1669, %swap3A_1670] {strides = array<i32>} : memref<16x128xf32, #tpu.memory_space<vmem>>, vector<1x16xf32>,
      %swap3A_1672 = vector.shape_cast %swap3A_1671 : vector<1x16xf32> to vector<16xf32>
      %swap3A_1673 = vector.shape_cast %mul3A_1667 : vector<16xf32> to vector<1x16xf32>
      tpu.vector_store %arg11[%swap3A_1669, %swap3A_1670], %swap3A_1673 {strides = array<i32>} : memref<16x128xf32, #tpu.memory_space<vmem>>, vector<1x16xf32>,
      %get3A_1674 = arith.constant 5 : i32
      %get3A_1675 = arith.index_cast %get3A_1674 : i32 to index
      %get3A_1676 = arith.constant 96 : index
      %get3A_1677 = tpu.vector_load %arg11[%get3A_1675, %get3A_1676] {strides = array<i32>} : memref<16x128xf32, #tpu.memory_space<vmem>>, vector<1x16xf32>,
      %get3A_1678 = vector.shape_cast %get3A_1677 : vector<1x16xf32> to vector<16xf32>
      %slice3A_1679 = vector.extract_strided_slice %exp3A_1577 {offsets = [6], sizes = [1], strides = [1]} : vector<16xf32> to vector<1xf32>
      %squeeze3A_1680 = vector.extract %slice3A_1679[0] : f32 from vector<1xf32>
      %mul3A_1681 = vector.broadcast %squeeze3A_1680 : f32 to vector<16xf32>
      %mul3A_1682 = arith.mulf %get3A_1678, %mul3A_1681 : vector<16xf32>
      %swap3A_1683 = arith.constant 5 : i32
      %swap3A_1684 = arith.index_cast %swap3A_1683 : i32 to index
      %swap3A_1685 = arith.constant 96 : index
      %swap3A_1686 = tpu.vector_load %arg11[%swap3A_1684, %swap3A_1685] {strides = array<i32>} : memref<16x128xf32, #tpu.memory_space<vmem>>, vector<1x16xf32>,
      %swap3A_1687 = vector.shape_cast %swap3A_1686 : vector<1x16xf32> to vector<16xf32>
      %swap3A_1688 = vector.shape_cast %mul3A_1682 : vector<16xf32> to vector<1x16xf32>
      tpu.vector_store %arg11[%swap3A_1684, %swap3A_1685], %swap3A_1688 {strides = array<i32>} : memref<16x128xf32, #tpu.memory_space<vmem>>, vector<1x16xf32>,
      %get3A_1689 = arith.constant 5 : i32
      %get3A_1690 = arith.index_cast %get3A_1689 : i32 to index
      %get3A_1691 = arith.constant 112 : index
      %get3A_1692 = tpu.vector_load %arg11[%get3A_1690, %get3A_1691] {strides = array<i32>} : memref<16x128xf32, #tpu.memory_space<vmem>>, vector<1x16xf32>,
      %get3A_1693 = vector.shape_cast %get3A_1692 : vector<1x16xf32> to vector<16xf32>
      %slice3A_1694 = vector.extract_strided_slice %exp3A_1577 {offsets = [7], sizes = [1], strides = [1]} : vector<16xf32> to vector<1xf32>
      %squeeze3A_1695 = vector.extract %slice3A_1694[0] : f32 from vector<1xf32>
      %mul3A_1696 = vector.broadcast %squeeze3A_1695 : f32 to vector<16xf32>
      %mul3A_1697 = arith.mulf %get3A_1693, %mul3A_1696 : vector<16xf32>
      %swap3A_1698 = arith.constant 5 : i32
      %swap3A_1699 = arith.index_cast %swap3A_1698 : i32 to index
      %swap3A_1700 = arith.constant 112 : index
      %swap3A_1701 = tpu.vector_load %arg11[%swap3A_1699, %swap3A_1700] {strides = array<i32>} : memref<16x128xf32, #tpu.memory_space<vmem>>, vector<1x16xf32>,
      %swap3A_1702 = vector.shape_cast %swap3A_1701 : vector<1x16xf32> to vector<16xf32>
      %swap3A_1703 = vector.shape_cast %mul3A_1697 : vector<16xf32> to vector<1x16xf32>
      tpu.vector_store %arg11[%swap3A_1699, %swap3A_1700], %swap3A_1703 {strides = array<i32>} : memref<16x128xf32, #tpu.memory_space<vmem>>, vector<1x16xf32>,
      %get3A_1704 = arith.constant 6 : i32
      %get3A_1705 = arith.index_cast %get3A_1704 : i32 to index
      %get3A_1706 = arith.constant 0 : index
      %get3A_1707 = tpu.vector_load %arg9[%get3A_1705, %get3A_1706] {strides = array<i32>} : memref<16x128xf32, #tpu.memory_space<vmem>>, vector<1x16xf32>,
      %get3A_1708 = vector.shape_cast %get3A_1707 : vector<1x16xf32> to vector<16xf32>
      %get3A_1709 = arith.constant 6 : i32
      %get3A_1710 = arith.index_cast %get3A_1709 : i32 to index
      %get3A_1711 = arith.constant 0 : index
      %get3A_1712 = tpu.vector_load %arg10[%get3A_1710, %get3A_1711] {strides = array<i32>} : memref<16x128xf32, #tpu.memory_space<vmem>>, vector<1x16xf32>,
      %get3A_1713 = vector.shape_cast %get3A_1712 : vector<1x16xf32> to vector<16xf32>
      %add3A_1714 = arith.addf %get3A_1708, %get3A_1713 : vector<16xf32>
      %ge3A_1715 = arith.constant 0.000000e+00 : f32
      %ge3A_1716 = vector.broadcast %ge3A_1715 : f32 to vector<16xf32>
      %ge3A_1717 = arith.cmpf oge, %add3A_1714, %ge3A_1716 : vector<16xf32>
      %mul3A_1718 = arith.constant 2.000000e-01 : f32
      %mul3A_1719 = vector.broadcast %mul3A_1718 : f32 to vector<16xf32>
      %mul3A_1720 = arith.mulf %add3A_1714, %mul3A_1719 : vector<16xf32>
      %select_n3A_1721 = arith.select %ge3A_1717, %add3A_1714, %mul3A_1720 : vector<16xi1>, vector<16xf32>
      %exp3A_1722 = math.exp %select_n3A_1721 : vector<16xf32>
      %swap3A_1723 = arith.constant 6 : i32
      %swap3A_1724 = arith.index_cast %swap3A_1723 : i32 to index
      %swap3A_1725 = arith.constant 0 : index
      %swap3A_1726 = tpu.vector_load %arg12[%swap3A_1724, %swap3A_1725] {strides = array<i32>} : memref<16x128xf32, #tpu.memory_space<vmem>>, vector<1x16xf32>,
      %swap3A_1727 = vector.shape_cast %swap3A_1726 : vector<1x16xf32> to vector<16xf32>
      %swap3A_1728 = vector.shape_cast %exp3A_1722 : vector<16xf32> to vector<1x16xf32>
      tpu.vector_store %arg12[%swap3A_1724, %swap3A_1725], %swap3A_1728 {strides = array<i32>} : memref<16x128xf32, #tpu.memory_space<vmem>>, vector<1x16xf32>,
      %get3A_1729 = arith.constant 6 : i32
      %get3A_1730 = arith.index_cast %get3A_1729 : i32 to index
      %get3A_1731 = arith.constant 0 : index
      %get3A_1732 = tpu.vector_load %arg11[%get3A_1730, %get3A_1731] {strides = array<i32>} : memref<16x128xf32, #tpu.memory_space<vmem>>, vector<1x16xf32>,
      %get3A_1733 = vector.shape_cast %get3A_1732 : vector<1x16xf32> to vector<16xf32>
      %slice3A_1734 = vector.extract_strided_slice %exp3A_1722 {offsets = [0], sizes = [1], strides = [1]} : vector<16xf32> to vector<1xf32>
      %squeeze3A_1735 = vector.extract %slice3A_1734[0] : f32 from vector<1xf32>
      %mul3A_1736 = vector.broadcast %squeeze3A_1735 : f32 to vector<16xf32>
      %mul3A_1737 = arith.mulf %get3A_1733, %mul3A_1736 : vector<16xf32>
      %swap3A_1738 = arith.constant 6 : i32
      %swap3A_1739 = arith.index_cast %swap3A_1738 : i32 to index
      %swap3A_1740 = arith.constant 0 : index
      %swap3A_1741 = tpu.vector_load %arg11[%swap3A_1739, %swap3A_1740] {strides = array<i32>} : memref<16x128xf32, #tpu.memory_space<vmem>>, vector<1x16xf32>,
      %swap3A_1742 = vector.shape_cast %swap3A_1741 : vector<1x16xf32> to vector<16xf32>
      %swap3A_1743 = vector.shape_cast %mul3A_1737 : vector<16xf32> to vector<1x16xf32>
      tpu.vector_store %arg11[%swap3A_1739, %swap3A_1740], %swap3A_1743 {strides = array<i32>} : memref<16x128xf32, #tpu.memory_space<vmem>>, vector<1x16xf32>,
      %get3A_1744 = arith.constant 6 : i32
      %get3A_1745 = arith.index_cast %get3A_1744 : i32 to index
      %get3A_1746 = arith.constant 16 : index
      %get3A_1747 = tpu.vector_load %arg11[%get3A_1745, %get3A_1746] {strides = array<i32>} : memref<16x128xf32, #tpu.memory_space<vmem>>, vector<1x16xf32>,
      %get3A_1748 = vector.shape_cast %get3A_1747 : vector<1x16xf32> to vector<16xf32>
      %slice3A_1749 = vector.extract_strided_slice %exp3A_1722 {offsets = [1], sizes = [1], strides = [1]} : vector<16xf32> to vector<1xf32>
      %squeeze3A_1750 = vector.extract %slice3A_1749[0] : f32 from vector<1xf32>
      %mul3A_1751 = vector.broadcast %squeeze3A_1750 : f32 to vector<16xf32>
      %mul3A_1752 = arith.mulf %get3A_1748, %mul3A_1751 : vector<16xf32>
      %swap3A_1753 = arith.constant 6 : i32
      %swap3A_1754 = arith.index_cast %swap3A_1753 : i32 to index
      %swap3A_1755 = arith.constant 16 : index
      %swap3A_1756 = tpu.vector_load %arg11[%swap3A_1754, %swap3A_1755] {strides = array<i32>} : memref<16x128xf32, #tpu.memory_space<vmem>>, vector<1x16xf32>,
      %swap3A_1757 = vector.shape_cast %swap3A_1756 : vector<1x16xf32> to vector<16xf32>
      %swap3A_1758 = vector.shape_cast %mul3A_1752 : vector<16xf32> to vector<1x16xf32>
      tpu.vector_store %arg11[%swap3A_1754, %swap3A_1755], %swap3A_1758 {strides = array<i32>} : memref<16x128xf32, #tpu.memory_space<vmem>>, vector<1x16xf32>,
      %get3A_1759 = arith.constant 6 : i32
      %get3A_1760 = arith.index_cast %get3A_1759 : i32 to index
      %get3A_1761 = arith.constant 32 : index
      %get3A_1762 = tpu.vector_load %arg11[%get3A_1760, %get3A_1761] {strides = array<i32>} : memref<16x128xf32, #tpu.memory_space<vmem>>, vector<1x16xf32>,
      %get3A_1763 = vector.shape_cast %get3A_1762 : vector<1x16xf32> to vector<16xf32>
      %slice3A_1764 = vector.extract_strided_slice %exp3A_1722 {offsets = [2], sizes = [1], strides = [1]} : vector<16xf32> to vector<1xf32>
      %squeeze3A_1765 = vector.extract %slice3A_1764[0] : f32 from vector<1xf32>
      %mul3A_1766 = vector.broadcast %squeeze3A_1765 : f32 to vector<16xf32>
      %mul3A_1767 = arith.mulf %get3A_1763, %mul3A_1766 : vector<16xf32>
      %swap3A_1768 = arith.constant 6 : i32
      %swap3A_1769 = arith.index_cast %swap3A_1768 : i32 to index
      %swap3A_1770 = arith.constant 32 : index
      %swap3A_1771 = tpu.vector_load %arg11[%swap3A_1769, %swap3A_1770] {strides = array<i32>} : memref<16x128xf32, #tpu.memory_space<vmem>>, vector<1x16xf32>,
      %swap3A_1772 = vector.shape_cast %swap3A_1771 : vector<1x16xf32> to vector<16xf32>
      %swap3A_1773 = vector.shape_cast %mul3A_1767 : vector<16xf32> to vector<1x16xf32>
      tpu.vector_store %arg11[%swap3A_1769, %swap3A_1770], %swap3A_1773 {strides = array<i32>} : memref<16x128xf32, #tpu.memory_space<vmem>>, vector<1x16xf32>,
      %get3A_1774 = arith.constant 6 : i32
      %get3A_1775 = arith.index_cast %get3A_1774 : i32 to index
      %get3A_1776 = arith.constant 48 : index
      %get3A_1777 = tpu.vector_load %arg11[%get3A_1775, %get3A_1776] {strides = array<i32>} : memref<16x128xf32, #tpu.memory_space<vmem>>, vector<1x16xf32>,
      %get3A_1778 = vector.shape_cast %get3A_1777 : vector<1x16xf32> to vector<16xf32>
      %slice3A_1779 = vector.extract_strided_slice %exp3A_1722 {offsets = [3], sizes = [1], strides = [1]} : vector<16xf32> to vector<1xf32>
      %squeeze3A_1780 = vector.extract %slice3A_1779[0] : f32 from vector<1xf32>
      %mul3A_1781 = vector.broadcast %squeeze3A_1780 : f32 to vector<16xf32>
      %mul3A_1782 = arith.mulf %get3A_1778, %mul3A_1781 : vector<16xf32>
      %swap3A_1783 = arith.constant 6 : i32
      %swap3A_1784 = arith.index_cast %swap3A_1783 : i32 to index
      %swap3A_1785 = arith.constant 48 : index
      %swap3A_1786 = tpu.vector_load %arg11[%swap3A_1784, %swap3A_1785] {strides = array<i32>} : memref<16x128xf32, #tpu.memory_space<vmem>>, vector<1x16xf32>,
      %swap3A_1787 = vector.shape_cast %swap3A_1786 : vector<1x16xf32> to vector<16xf32>
      %swap3A_1788 = vector.shape_cast %mul3A_1782 : vector<16xf32> to vector<1x16xf32>
      tpu.vector_store %arg11[%swap3A_1784, %swap3A_1785], %swap3A_1788 {strides = array<i32>} : memref<16x128xf32, #tpu.memory_space<vmem>>, vector<1x16xf32>,
      %get3A_1789 = arith.constant 6 : i32
      %get3A_1790 = arith.index_cast %get3A_1789 : i32 to index
      %get3A_1791 = arith.constant 64 : index
      %get3A_1792 = tpu.vector_load %arg11[%get3A_1790, %get3A_1791] {strides = array<i32>} : memref<16x128xf32, #tpu.memory_space<vmem>>, vector<1x16xf32>,
      %get3A_1793 = vector.shape_cast %get3A_1792 : vector<1x16xf32> to vector<16xf32>
      %slice3A_1794 = vector.extract_strided_slice %exp3A_1722 {offsets = [4], sizes = [1], strides = [1]} : vector<16xf32> to vector<1xf32>
      %squeeze3A_1795 = vector.extract %slice3A_1794[0] : f32 from vector<1xf32>
      %mul3A_1796 = vector.broadcast %squeeze3A_1795 : f32 to vector<16xf32>
      %mul3A_1797 = arith.mulf %get3A_1793, %mul3A_1796 : vector<16xf32>
      %swap3A_1798 = arith.constant 6 : i32
      %swap3A_1799 = arith.index_cast %swap3A_1798 : i32 to index
      %swap3A_1800 = arith.constant 64 : index
      %swap3A_1801 = tpu.vector_load %arg11[%swap3A_1799, %swap3A_1800] {strides = array<i32>} : memref<16x128xf32, #tpu.memory_space<vmem>>, vector<1x16xf32>,
      %swap3A_1802 = vector.shape_cast %swap3A_1801 : vector<1x16xf32> to vector<16xf32>
      %swap3A_1803 = vector.shape_cast %mul3A_1797 : vector<16xf32> to vector<1x16xf32>
      tpu.vector_store %arg11[%swap3A_1799, %swap3A_1800], %swap3A_1803 {strides = array<i32>} : memref<16x128xf32, #tpu.memory_space<vmem>>, vector<1x16xf32>,
      %get3A_1804 = arith.constant 6 : i32
      %get3A_1805 = arith.index_cast %get3A_1804 : i32 to index
      %get3A_1806 = arith.constant 80 : index
      %get3A_1807 = tpu.vector_load %arg11[%get3A_1805, %get3A_1806] {strides = array<i32>} : memref<16x128xf32, #tpu.memory_space<vmem>>, vector<1x16xf32>,
      %get3A_1808 = vector.shape_cast %get3A_1807 : vector<1x16xf32> to vector<16xf32>
      %slice3A_1809 = vector.extract_strided_slice %exp3A_1722 {offsets = [5], sizes = [1], strides = [1]} : vector<16xf32> to vector<1xf32>
      %squeeze3A_1810 = vector.extract %slice3A_1809[0] : f32 from vector<1xf32>
      %mul3A_1811 = vector.broadcast %squeeze3A_1810 : f32 to vector<16xf32>
      %mul3A_1812 = arith.mulf %get3A_1808, %mul3A_1811 : vector<16xf32>
      %swap3A_1813 = arith.constant 6 : i32
      %swap3A_1814 = arith.index_cast %swap3A_1813 : i32 to index
      %swap3A_1815 = arith.constant 80 : index
      %swap3A_1816 = tpu.vector_load %arg11[%swap3A_1814, %swap3A_1815] {strides = array<i32>} : memref<16x128xf32, #tpu.memory_space<vmem>>, vector<1x16xf32>,
      %swap3A_1817 = vector.shape_cast %swap3A_1816 : vector<1x16xf32> to vector<16xf32>
      %swap3A_1818 = vector.shape_cast %mul3A_1812 : vector<16xf32> to vector<1x16xf32>
      tpu.vector_store %arg11[%swap3A_1814, %swap3A_1815], %swap3A_1818 {strides = array<i32>} : memref<16x128xf32, #tpu.memory_space<vmem>>, vector<1x16xf32>,
      %get3A_1819 = arith.constant 6 : i32
      %get3A_1820 = arith.index_cast %get3A_1819 : i32 to index
      %get3A_1821 = arith.constant 96 : index
      %get3A_1822 = tpu.vector_load %arg11[%get3A_1820, %get3A_1821] {strides = array<i32>} : memref<16x128xf32, #tpu.memory_space<vmem>>, vector<1x16xf32>,
      %get3A_1823 = vector.shape_cast %get3A_1822 : vector<1x16xf32> to vector<16xf32>
      %slice3A_1824 = vector.extract_strided_slice %exp3A_1722 {offsets = [6], sizes = [1], strides = [1]} : vector<16xf32> to vector<1xf32>
      %squeeze3A_1825 = vector.extract %slice3A_1824[0] : f32 from vector<1xf32>
      %mul3A_1826 = vector.broadcast %squeeze3A_1825 : f32 to vector<16xf32>
      %mul3A_1827 = arith.mulf %get3A_1823, %mul3A_1826 : vector<16xf32>
      %swap3A_1828 = arith.constant 6 : i32
      %swap3A_1829 = arith.index_cast %swap3A_1828 : i32 to index
      %swap3A_1830 = arith.constant 96 : index
      %swap3A_1831 = tpu.vector_load %arg11[%swap3A_1829, %swap3A_1830] {strides = array<i32>} : memref<16x128xf32, #tpu.memory_space<vmem>>, vector<1x16xf32>,
      %swap3A_1832 = vector.shape_cast %swap3A_1831 : vector<1x16xf32> to vector<16xf32>
      %swap3A_1833 = vector.shape_cast %mul3A_1827 : vector<16xf32> to vector<1x16xf32>
      tpu.vector_store %arg11[%swap3A_1829, %swap3A_1830], %swap3A_1833 {strides = array<i32>} : memref<16x128xf32, #tpu.memory_space<vmem>>, vector<1x16xf32>,
      %get3A_1834 = arith.constant 6 : i32
      %get3A_1835 = arith.index_cast %get3A_1834 : i32 to index
      %get3A_1836 = arith.constant 112 : index
      %get3A_1837 = tpu.vector_load %arg11[%get3A_1835, %get3A_1836] {strides = array<i32>} : memref<16x128xf32, #tpu.memory_space<vmem>>, vector<1x16xf32>,
      %get3A_1838 = vector.shape_cast %get3A_1837 : vector<1x16xf32> to vector<16xf32>
      %slice3A_1839 = vector.extract_strided_slice %exp3A_1722 {offsets = [7], sizes = [1], strides = [1]} : vector<16xf32> to vector<1xf32>
      %squeeze3A_1840 = vector.extract %slice3A_1839[0] : f32 from vector<1xf32>
      %mul3A_1841 = vector.broadcast %squeeze3A_1840 : f32 to vector<16xf32>
      %mul3A_1842 = arith.mulf %get3A_1838, %mul3A_1841 : vector<16xf32>
      %swap3A_1843 = arith.constant 6 : i32
      %swap3A_1844 = arith.index_cast %swap3A_1843 : i32 to index
      %swap3A_1845 = arith.constant 112 : index
      %swap3A_1846 = tpu.vector_load %arg11[%swap3A_1844, %swap3A_1845] {strides = array<i32>} : memref<16x128xf32, #tpu.memory_space<vmem>>, vector<1x16xf32>,
      %swap3A_1847 = vector.shape_cast %swap3A_1846 : vector<1x16xf32> to vector<16xf32>
      %swap3A_1848 = vector.shape_cast %mul3A_1842 : vector<16xf32> to vector<1x16xf32>
      tpu.vector_store %arg11[%swap3A_1844, %swap3A_1845], %swap3A_1848 {strides = array<i32>} : memref<16x128xf32, #tpu.memory_space<vmem>>, vector<1x16xf32>,
      %get3A_1849 = arith.constant 7 : i32
      %get3A_1850 = arith.index_cast %get3A_1849 : i32 to index
      %get3A_1851 = arith.constant 0 : index
      %get3A_1852 = tpu.vector_load %arg9[%get3A_1850, %get3A_1851] {strides = array<i32>} : memref<16x128xf32, #tpu.memory_space<vmem>>, vector<1x16xf32>,
      %get3A_1853 = vector.shape_cast %get3A_1852 : vector<1x16xf32> to vector<16xf32>
      %get3A_1854 = arith.constant 7 : i32
      %get3A_1855 = arith.index_cast %get3A_1854 : i32 to index
      %get3A_1856 = arith.constant 0 : index
      %get3A_1857 = tpu.vector_load %arg10[%get3A_1855, %get3A_1856] {strides = array<i32>} : memref<16x128xf32, #tpu.memory_space<vmem>>, vector<1x16xf32>,
      %get3A_1858 = vector.shape_cast %get3A_1857 : vector<1x16xf32> to vector<16xf32>
      %add3A_1859 = arith.addf %get3A_1853, %get3A_1858 : vector<16xf32>
      %ge3A_1860 = arith.constant 0.000000e+00 : f32
      %ge3A_1861 = vector.broadcast %ge3A_1860 : f32 to vector<16xf32>
      %ge3A_1862 = arith.cmpf oge, %add3A_1859, %ge3A_1861 : vector<16xf32>
      %mul3A_1863 = arith.constant 2.000000e-01 : f32
      %mul3A_1864 = vector.broadcast %mul3A_1863 : f32 to vector<16xf32>
      %mul3A_1865 = arith.mulf %add3A_1859, %mul3A_1864 : vector<16xf32>
      %select_n3A_1866 = arith.select %ge3A_1862, %add3A_1859, %mul3A_1865 : vector<16xi1>, vector<16xf32>
      %exp3A_1867 = math.exp %select_n3A_1866 : vector<16xf32>
      %swap3A_1868 = arith.constant 7 : i32
      %swap3A_1869 = arith.index_cast %swap3A_1868 : i32 to index
      %swap3A_1870 = arith.constant 0 : index
      %swap3A_1871 = tpu.vector_load %arg12[%swap3A_1869, %swap3A_1870] {strides = array<i32>} : memref<16x128xf32, #tpu.memory_space<vmem>>, vector<1x16xf32>,
      %swap3A_1872 = vector.shape_cast %swap3A_1871 : vector<1x16xf32> to vector<16xf32>
      %swap3A_1873 = vector.shape_cast %exp3A_1867 : vector<16xf32> to vector<1x16xf32>
      tpu.vector_store %arg12[%swap3A_1869, %swap3A_1870], %swap3A_1873 {strides = array<i32>} : memref<16x128xf32, #tpu.memory_space<vmem>>, vector<1x16xf32>,
      %get3A_1874 = arith.constant 7 : i32
      %get3A_1875 = arith.index_cast %get3A_1874 : i32 to index
      %get3A_1876 = arith.constant 0 : index
      %get3A_1877 = tpu.vector_load %arg11[%get3A_1875, %get3A_1876] {strides = array<i32>} : memref<16x128xf32, #tpu.memory_space<vmem>>, vector<1x16xf32>,
      %get3A_1878 = vector.shape_cast %get3A_1877 : vector<1x16xf32> to vector<16xf32>
      %slice3A_1879 = vector.extract_strided_slice %exp3A_1867 {offsets = [0], sizes = [1], strides = [1]} : vector<16xf32> to vector<1xf32>
      %squeeze3A_1880 = vector.extract %slice3A_1879[0] : f32 from vector<1xf32>
      %mul3A_1881 = vector.broadcast %squeeze3A_1880 : f32 to vector<16xf32>
      %mul3A_1882 = arith.mulf %get3A_1878, %mul3A_1881 : vector<16xf32>
      %swap3A_1883 = arith.constant 7 : i32
      %swap3A_1884 = arith.index_cast %swap3A_1883 : i32 to index
      %swap3A_1885 = arith.constant 0 : index
      %swap3A_1886 = tpu.vector_load %arg11[%swap3A_1884, %swap3A_1885] {strides = array<i32>} : memref<16x128xf32, #tpu.memory_space<vmem>>, vector<1x16xf32>,
      %swap3A_1887 = vector.shape_cast %swap3A_1886 : vector<1x16xf32> to vector<16xf32>
      %swap3A_1888 = vector.shape_cast %mul3A_1882 : vector<16xf32> to vector<1x16xf32>
      tpu.vector_store %arg11[%swap3A_1884, %swap3A_1885], %swap3A_1888 {strides = array<i32>} : memref<16x128xf32, #tpu.memory_space<vmem>>, vector<1x16xf32>,
      %get3A_1889 = arith.constant 7 : i32
      %get3A_1890 = arith.index_cast %get3A_1889 : i32 to index
      %get3A_1891 = arith.constant 16 : index
      %get3A_1892 = tpu.vector_load %arg11[%get3A_1890, %get3A_1891] {strides = array<i32>} : memref<16x128xf32, #tpu.memory_space<vmem>>, vector<1x16xf32>,
      %get3A_1893 = vector.shape_cast %get3A_1892 : vector<1x16xf32> to vector<16xf32>
      %slice3A_1894 = vector.extract_strided_slice %exp3A_1867 {offsets = [1], sizes = [1], strides = [1]} : vector<16xf32> to vector<1xf32>
      %squeeze3A_1895 = vector.extract %slice3A_1894[0] : f32 from vector<1xf32>
      %mul3A_1896 = vector.broadcast %squeeze3A_1895 : f32 to vector<16xf32>
      %mul3A_1897 = arith.mulf %get3A_1893, %mul3A_1896 : vector<16xf32>
      %swap3A_1898 = arith.constant 7 : i32
      %swap3A_1899 = arith.index_cast %swap3A_1898 : i32 to index
      %swap3A_1900 = arith.constant 16 : index
      %swap3A_1901 = tpu.vector_load %arg11[%swap3A_1899, %swap3A_1900] {strides = array<i32>} : memref<16x128xf32, #tpu.memory_space<vmem>>, vector<1x16xf32>,
      %swap3A_1902 = vector.shape_cast %swap3A_1901 : vector<1x16xf32> to vector<16xf32>
      %swap3A_1903 = vector.shape_cast %mul3A_1897 : vector<16xf32> to vector<1x16xf32>
      tpu.vector_store %arg11[%swap3A_1899, %swap3A_1900], %swap3A_1903 {strides = array<i32>} : memref<16x128xf32, #tpu.memory_space<vmem>>, vector<1x16xf32>,
      %get3A_1904 = arith.constant 7 : i32
      %get3A_1905 = arith.index_cast %get3A_1904 : i32 to index
      %get3A_1906 = arith.constant 32 : index
      %get3A_1907 = tpu.vector_load %arg11[%get3A_1905, %get3A_1906] {strides = array<i32>} : memref<16x128xf32, #tpu.memory_space<vmem>>, vector<1x16xf32>,
      %get3A_1908 = vector.shape_cast %get3A_1907 : vector<1x16xf32> to vector<16xf32>
      %slice3A_1909 = vector.extract_strided_slice %exp3A_1867 {offsets = [2], sizes = [1], strides = [1]} : vector<16xf32> to vector<1xf32>
      %squeeze3A_1910 = vector.extract %slice3A_1909[0] : f32 from vector<1xf32>
      %mul3A_1911 = vector.broadcast %squeeze3A_1910 : f32 to vector<16xf32>
      %mul3A_1912 = arith.mulf %get3A_1908, %mul3A_1911 : vector<16xf32>
      %swap3A_1913 = arith.constant 7 : i32
      %swap3A_1914 = arith.index_cast %swap3A_1913 : i32 to index
      %swap3A_1915 = arith.constant 32 : index
      %swap3A_1916 = tpu.vector_load %arg11[%swap3A_1914, %swap3A_1915] {strides = array<i32>} : memref<16x128xf32, #tpu.memory_space<vmem>>, vector<1x16xf32>,
      %swap3A_1917 = vector.shape_cast %swap3A_1916 : vector<1x16xf32> to vector<16xf32>
      %swap3A_1918 = vector.shape_cast %mul3A_1912 : vector<16xf32> to vector<1x16xf32>
      tpu.vector_store %arg11[%swap3A_1914, %swap3A_1915], %swap3A_1918 {strides = array<i32>} : memref<16x128xf32, #tpu.memory_space<vmem>>, vector<1x16xf32>,
      %get3A_1919 = arith.constant 7 : i32
      %get3A_1920 = arith.index_cast %get3A_1919 : i32 to index
      %get3A_1921 = arith.constant 48 : index
      %get3A_1922 = tpu.vector_load %arg11[%get3A_1920, %get3A_1921] {strides = array<i32>} : memref<16x128xf32, #tpu.memory_space<vmem>>, vector<1x16xf32>,
      %get3A_1923 = vector.shape_cast %get3A_1922 : vector<1x16xf32> to vector<16xf32>
      %slice3A_1924 = vector.extract_strided_slice %exp3A_1867 {offsets = [3], sizes = [1], strides = [1]} : vector<16xf32> to vector<1xf32>
      %squeeze3A_1925 = vector.extract %slice3A_1924[0] : f32 from vector<1xf32>
      %mul3A_1926 = vector.broadcast %squeeze3A_1925 : f32 to vector<16xf32>
      %mul3A_1927 = arith.mulf %get3A_1923, %mul3A_1926 : vector<16xf32>
      %swap3A_1928 = arith.constant 7 : i32
      %swap3A_1929 = arith.index_cast %swap3A_1928 : i32 to index
      %swap3A_1930 = arith.constant 48 : index
      %swap3A_1931 = tpu.vector_load %arg11[%swap3A_1929, %swap3A_1930] {strides = array<i32>} : memref<16x128xf32, #tpu.memory_space<vmem>>, vector<1x16xf32>,
      %swap3A_1932 = vector.shape_cast %swap3A_1931 : vector<1x16xf32> to vector<16xf32>
      %swap3A_1933 = vector.shape_cast %mul3A_1927 : vector<16xf32> to vector<1x16xf32>
      tpu.vector_store %arg11[%swap3A_1929, %swap3A_1930], %swap3A_1933 {strides = array<i32>} : memref<16x128xf32, #tpu.memory_space<vmem>>, vector<1x16xf32>,
      %get3A_1934 = arith.constant 7 : i32
      %get3A_1935 = arith.index_cast %get3A_1934 : i32 to index
      %get3A_1936 = arith.constant 64 : index
      %get3A_1937 = tpu.vector_load %arg11[%get3A_1935, %get3A_1936] {strides = array<i32>} : memref<16x128xf32, #tpu.memory_space<vmem>>, vector<1x16xf32>,
      %get3A_1938 = vector.shape_cast %get3A_1937 : vector<1x16xf32> to vector<16xf32>
      %slice3A_1939 = vector.extract_strided_slice %exp3A_1867 {offsets = [4], sizes = [1], strides = [1]} : vector<16xf32> to vector<1xf32>
      %squeeze3A_1940 = vector.extract %slice3A_1939[0] : f32 from vector<1xf32>
      %mul3A_1941 = vector.broadcast %squeeze3A_1940 : f32 to vector<16xf32>
      %mul3A_1942 = arith.mulf %get3A_1938, %mul3A_1941 : vector<16xf32>
      %swap3A_1943 = arith.constant 7 : i32
      %swap3A_1944 = arith.index_cast %swap3A_1943 : i32 to index
      %swap3A_1945 = arith.constant 64 : index
      %swap3A_1946 = tpu.vector_load %arg11[%swap3A_1944, %swap3A_1945] {strides = array<i32>} : memref<16x128xf32, #tpu.memory_space<vmem>>, vector<1x16xf32>,
      %swap3A_1947 = vector.shape_cast %swap3A_1946 : vector<1x16xf32> to vector<16xf32>
      %swap3A_1948 = vector.shape_cast %mul3A_1942 : vector<16xf32> to vector<1x16xf32>
      tpu.vector_store %arg11[%swap3A_1944, %swap3A_1945], %swap3A_1948 {strides = array<i32>} : memref<16x128xf32, #tpu.memory_space<vmem>>, vector<1x16xf32>,
      %get3A_1949 = arith.constant 7 : i32
      %get3A_1950 = arith.index_cast %get3A_1949 : i32 to index
      %get3A_1951 = arith.constant 80 : index
      %get3A_1952 = tpu.vector_load %arg11[%get3A_1950, %get3A_1951] {strides = array<i32>} : memref<16x128xf32, #tpu.memory_space<vmem>>, vector<1x16xf32>,
      %get3A_1953 = vector.shape_cast %get3A_1952 : vector<1x16xf32> to vector<16xf32>
      %slice3A_1954 = vector.extract_strided_slice %exp3A_1867 {offsets = [5], sizes = [1], strides = [1]} : vector<16xf32> to vector<1xf32>
      %squeeze3A_1955 = vector.extract %slice3A_1954[0] : f32 from vector<1xf32>
      %mul3A_1956 = vector.broadcast %squeeze3A_1955 : f32 to vector<16xf32>
      %mul3A_1957 = arith.mulf %get3A_1953, %mul3A_1956 : vector<16xf32>
      %swap3A_1958 = arith.constant 7 : i32
      %swap3A_1959 = arith.index_cast %swap3A_1958 : i32 to index
      %swap3A_1960 = arith.constant 80 : index
      %swap3A_1961 = tpu.vector_load %arg11[%swap3A_1959, %swap3A_1960] {strides = array<i32>} : memref<16x128xf32, #tpu.memory_space<vmem>>, vector<1x16xf32>,
      %swap3A_1962 = vector.shape_cast %swap3A_1961 : vector<1x16xf32> to vector<16xf32>
      %swap3A_1963 = vector.shape_cast %mul3A_1957 : vector<16xf32> to vector<1x16xf32>
      tpu.vector_store %arg11[%swap3A_1959, %swap3A_1960], %swap3A_1963 {strides = array<i32>} : memref<16x128xf32, #tpu.memory_space<vmem>>, vector<1x16xf32>,
      %get3A_1964 = arith.constant 7 : i32
      %get3A_1965 = arith.index_cast %get3A_1964 : i32 to index
      %get3A_1966 = arith.constant 96 : index
      %get3A_1967 = tpu.vector_load %arg11[%get3A_1965, %get3A_1966] {strides = array<i32>} : memref<16x128xf32, #tpu.memory_space<vmem>>, vector<1x16xf32>,
      %get3A_1968 = vector.shape_cast %get3A_1967 : vector<1x16xf32> to vector<16xf32>
      %slice3A_1969 = vector.extract_strided_slice %exp3A_1867 {offsets = [6], sizes = [1], strides = [1]} : vector<16xf32> to vector<1xf32>
      %squeeze3A_1970 = vector.extract %slice3A_1969[0] : f32 from vector<1xf32>
      %mul3A_1971 = vector.broadcast %squeeze3A_1970 : f32 to vector<16xf32>
      %mul3A_1972 = arith.mulf %get3A_1968, %mul3A_1971 : vector<16xf32>
      %swap3A_1973 = arith.constant 7 : i32
      %swap3A_1974 = arith.index_cast %swap3A_1973 : i32 to index
      %swap3A_1975 = arith.constant 96 : index
      %swap3A_1976 = tpu.vector_load %arg11[%swap3A_1974, %swap3A_1975] {strides = array<i32>} : memref<16x128xf32, #tpu.memory_space<vmem>>, vector<1x16xf32>,
      %swap3A_1977 = vector.shape_cast %swap3A_1976 : vector<1x16xf32> to vector<16xf32>
      %swap3A_1978 = vector.shape_cast %mul3A_1972 : vector<16xf32> to vector<1x16xf32>
      tpu.vector_store %arg11[%swap3A_1974, %swap3A_1975], %swap3A_1978 {strides = array<i32>} : memref<16x128xf32, #tpu.memory_space<vmem>>, vector<1x16xf32>,
      %get3A_1979 = arith.constant 7 : i32
      %get3A_1980 = arith.index_cast %get3A_1979 : i32 to index
      %get3A_1981 = arith.constant 112 : index
      %get3A_1982 = tpu.vector_load %arg11[%get3A_1980, %get3A_1981] {strides = array<i32>} : memref<16x128xf32, #tpu.memory_space<vmem>>, vector<1x16xf32>,
      %get3A_1983 = vector.shape_cast %get3A_1982 : vector<1x16xf32> to vector<16xf32>
      %slice3A_1984 = vector.extract_strided_slice %exp3A_1867 {offsets = [7], sizes = [1], strides = [1]} : vector<16xf32> to vector<1xf32>
      %squeeze3A_1985 = vector.extract %slice3A_1984[0] : f32 from vector<1xf32>
      %mul3A_1986 = vector.broadcast %squeeze3A_1985 : f32 to vector<16xf32>
      %mul3A_1987 = arith.mulf %get3A_1983, %mul3A_1986 : vector<16xf32>
      %swap3A_1988 = arith.constant 7 : i32
      %swap3A_1989 = arith.index_cast %swap3A_1988 : i32 to index
      %swap3A_1990 = arith.constant 112 : index
      %swap3A_1991 = tpu.vector_load %arg11[%swap3A_1989, %swap3A_1990] {strides = array<i32>} : memref<16x128xf32, #tpu.memory_space<vmem>>, vector<1x16xf32>,
      %swap3A_1992 = vector.shape_cast %swap3A_1991 : vector<1x16xf32> to vector<16xf32>
      %swap3A_1993 = vector.shape_cast %mul3A_1987 : vector<16xf32> to vector<1x16xf32>
      tpu.vector_store %arg11[%swap3A_1989, %swap3A_1990], %swap3A_1993 {strides = array<i32>} : memref<16x128xf32, #tpu.memory_space<vmem>>, vector<1x16xf32>,
      %get3A_1994 = arith.constant 8 : i32
      %get3A_1995 = arith.index_cast %get3A_1994 : i32 to index
      %get3A_1996 = arith.constant 0 : index
      %get3A_1997 = tpu.vector_load %arg9[%get3A_1995, %get3A_1996] {strides = array<i32>} : memref<16x128xf32, #tpu.memory_space<vmem>>, vector<1x16xf32>,
      %get3A_1998 = vector.shape_cast %get3A_1997 : vector<1x16xf32> to vector<16xf32>
      %get3A_1999 = arith.constant 8 : i32
      %get3A_2000 = arith.index_cast %get3A_1999 : i32 to index
      %get3A_2001 = arith.constant 0 : index
      %get3A_2002 = tpu.vector_load %arg10[%get3A_2000, %get3A_2001] {strides = array<i32>} : memref<16x128xf32, #tpu.memory_space<vmem>>, vector<1x16xf32>,
      %get3A_2003 = vector.shape_cast %get3A_2002 : vector<1x16xf32> to vector<16xf32>
      %add3A_2004 = arith.addf %get3A_1998, %get3A_2003 : vector<16xf32>
      %ge3A_2005 = arith.constant 0.000000e+00 : f32
      %ge3A_2006 = vector.broadcast %ge3A_2005 : f32 to vector<16xf32>
      %ge3A_2007 = arith.cmpf oge, %add3A_2004, %ge3A_2006 : vector<16xf32>
      %mul3A_2008 = arith.constant 2.000000e-01 : f32
      %mul3A_2009 = vector.broadcast %mul3A_2008 : f32 to vector<16xf32>
      %mul3A_2010 = arith.mulf %add3A_2004, %mul3A_2009 : vector<16xf32>
      %select_n3A_2011 = arith.select %ge3A_2007, %add3A_2004, %mul3A_2010 : vector<16xi1>, vector<16xf32>
      %exp3A_2012 = math.exp %select_n3A_2011 : vector<16xf32>
      %swap3A_2013 = arith.constant 8 : i32
      %swap3A_2014 = arith.index_cast %swap3A_2013 : i32 to index
      %swap3A_2015 = arith.constant 0 : index
      %swap3A_2016 = tpu.vector_load %arg12[%swap3A_2014, %swap3A_2015] {strides = array<i32>} : memref<16x128xf32, #tpu.memory_space<vmem>>, vector<1x16xf32>,
      %swap3A_2017 = vector.shape_cast %swap3A_2016 : vector<1x16xf32> to vector<16xf32>
      %swap3A_2018 = vector.shape_cast %exp3A_2012 : vector<16xf32> to vector<1x16xf32>
      tpu.vector_store %arg12[%swap3A_2014, %swap3A_2015], %swap3A_2018 {strides = array<i32>} : memref<16x128xf32, #tpu.memory_space<vmem>>, vector<1x16xf32>,
      %get3A_2019 = arith.constant 8 : i32
      %get3A_2020 = arith.index_cast %get3A_2019 : i32 to index
      %get3A_2021 = arith.constant 0 : index
      %get3A_2022 = tpu.vector_load %arg11[%get3A_2020, %get3A_2021] {strides = array<i32>} : memref<16x128xf32, #tpu.memory_space<vmem>>, vector<1x16xf32>,
      %get3A_2023 = vector.shape_cast %get3A_2022 : vector<1x16xf32> to vector<16xf32>
      %slice3A_2024 = vector.extract_strided_slice %exp3A_2012 {offsets = [0], sizes = [1], strides = [1]} : vector<16xf32> to vector<1xf32>
      %squeeze3A_2025 = vector.extract %slice3A_2024[0] : f32 from vector<1xf32>
      %mul3A_2026 = vector.broadcast %squeeze3A_2025 : f32 to vector<16xf32>
      %mul3A_2027 = arith.mulf %get3A_2023, %mul3A_2026 : vector<16xf32>
      %swap3A_2028 = arith.constant 8 : i32
      %swap3A_2029 = arith.index_cast %swap3A_2028 : i32 to index
      %swap3A_2030 = arith.constant 0 : index
      %swap3A_2031 = tpu.vector_load %arg11[%swap3A_2029, %swap3A_2030] {strides = array<i32>} : memref<16x128xf32, #tpu.memory_space<vmem>>, vector<1x16xf32>,
      %swap3A_2032 = vector.shape_cast %swap3A_2031 : vector<1x16xf32> to vector<16xf32>
      %swap3A_2033 = vector.shape_cast %mul3A_2027 : vector<16xf32> to vector<1x16xf32>
      tpu.vector_store %arg11[%swap3A_2029, %swap3A_2030], %swap3A_2033 {strides = array<i32>} : memref<16x128xf32, #tpu.memory_space<vmem>>, vector<1x16xf32>,
      %get3A_2034 = arith.constant 8 : i32
      %get3A_2035 = arith.index_cast %get3A_2034 : i32 to index
      %get3A_2036 = arith.constant 16 : index
      %get3A_2037 = tpu.vector_load %arg11[%get3A_2035, %get3A_2036] {strides = array<i32>} : memref<16x128xf32, #tpu.memory_space<vmem>>, vector<1x16xf32>,
      %get3A_2038 = vector.shape_cast %get3A_2037 : vector<1x16xf32> to vector<16xf32>
      %slice3A_2039 = vector.extract_strided_slice %exp3A_2012 {offsets = [1], sizes = [1], strides = [1]} : vector<16xf32> to vector<1xf32>
      %squeeze3A_2040 = vector.extract %slice3A_2039[0] : f32 from vector<1xf32>
      %mul3A_2041 = vector.broadcast %squeeze3A_2040 : f32 to vector<16xf32>
      %mul3A_2042 = arith.mulf %get3A_2038, %mul3A_2041 : vector<16xf32>
      %swap3A_2043 = arith.constant 8 : i32
      %swap3A_2044 = arith.index_cast %swap3A_2043 : i32 to index
      %swap3A_2045 = arith.constant 16 : index
      %swap3A_2046 = tpu.vector_load %arg11[%swap3A_2044, %swap3A_2045] {strides = array<i32>} : memref<16x128xf32, #tpu.memory_space<vmem>>, vector<1x16xf32>,
      %swap3A_2047 = vector.shape_cast %swap3A_2046 : vector<1x16xf32> to vector<16xf32>
      %swap3A_2048 = vector.shape_cast %mul3A_2042 : vector<16xf32> to vector<1x16xf32>
      tpu.vector_store %arg11[%swap3A_2044, %swap3A_2045], %swap3A_2048 {strides = array<i32>} : memref<16x128xf32, #tpu.memory_space<vmem>>, vector<1x16xf32>,
      %get3A_2049 = arith.constant 8 : i32
      %get3A_2050 = arith.index_cast %get3A_2049 : i32 to index
      %get3A_2051 = arith.constant 32 : index
      %get3A_2052 = tpu.vector_load %arg11[%get3A_2050, %get3A_2051] {strides = array<i32>} : memref<16x128xf32, #tpu.memory_space<vmem>>, vector<1x16xf32>,
      %get3A_2053 = vector.shape_cast %get3A_2052 : vector<1x16xf32> to vector<16xf32>
      %slice3A_2054 = vector.extract_strided_slice %exp3A_2012 {offsets = [2], sizes = [1], strides = [1]} : vector<16xf32> to vector<1xf32>
      %squeeze3A_2055 = vector.extract %slice3A_2054[0] : f32 from vector<1xf32>
      %mul3A_2056 = vector.broadcast %squeeze3A_2055 : f32 to vector<16xf32>
      %mul3A_2057 = arith.mulf %get3A_2053, %mul3A_2056 : vector<16xf32>
      %swap3A_2058 = arith.constant 8 : i32
      %swap3A_2059 = arith.index_cast %swap3A_2058 : i32 to index
      %swap3A_2060 = arith.constant 32 : index
      %swap3A_2061 = tpu.vector_load %arg11[%swap3A_2059, %swap3A_2060] {strides = array<i32>} : memref<16x128xf32, #tpu.memory_space<vmem>>, vector<1x16xf32>,
      %swap3A_2062 = vector.shape_cast %swap3A_2061 : vector<1x16xf32> to vector<16xf32>
      %swap3A_2063 = vector.shape_cast %mul3A_2057 : vector<16xf32> to vector<1x16xf32>
      tpu.vector_store %arg11[%swap3A_2059, %swap3A_2060], %swap3A_2063 {strides = array<i32>} : memref<16x128xf32, #tpu.memory_space<vmem>>, vector<1x16xf32>,
      %get3A_2064 = arith.constant 8 : i32
      %get3A_2065 = arith.index_cast %get3A_2064 : i32 to index
      %get3A_2066 = arith.constant 48 : index
      %get3A_2067 = tpu.vector_load %arg11[%get3A_2065, %get3A_2066] {strides = array<i32>} : memref<16x128xf32, #tpu.memory_space<vmem>>, vector<1x16xf32>,
      %get3A_2068 = vector.shape_cast %get3A_2067 : vector<1x16xf32> to vector<16xf32>
      %slice3A_2069 = vector.extract_strided_slice %exp3A_2012 {offsets = [3], sizes = [1], strides = [1]} : vector<16xf32> to vector<1xf32>
      %squeeze3A_2070 = vector.extract %slice3A_2069[0] : f32 from vector<1xf32>
      %mul3A_2071 = vector.broadcast %squeeze3A_2070 : f32 to vector<16xf32>
      %mul3A_2072 = arith.mulf %get3A_2068, %mul3A_2071 : vector<16xf32>
      %swap3A_2073 = arith.constant 8 : i32
      %swap3A_2074 = arith.index_cast %swap3A_2073 : i32 to index
      %swap3A_2075 = arith.constant 48 : index
      %swap3A_2076 = tpu.vector_load %arg11[%swap3A_2074, %swap3A_2075] {strides = array<i32>} : memref<16x128xf32, #tpu.memory_space<vmem>>, vector<1x16xf32>,
      %swap3A_2077 = vector.shape_cast %swap3A_2076 : vector<1x16xf32> to vector<16xf32>
      %swap3A_2078 = vector.shape_cast %mul3A_2072 : vector<16xf32> to vector<1x16xf32>
      tpu.vector_store %arg11[%swap3A_2074, %swap3A_2075], %swap3A_2078 {strides = array<i32>} : memref<16x128xf32, #tpu.memory_space<vmem>>, vector<1x16xf32>,
      %get3A_2079 = arith.constant 8 : i32
      %get3A_2080 = arith.index_cast %get3A_2079 : i32 to index
      %get3A_2081 = arith.constant 64 : index
      %get3A_2082 = tpu.vector_load %arg11[%get3A_2080, %get3A_2081] {strides = array<i32>} : memref<16x128xf32, #tpu.memory_space<vmem>>, vector<1x16xf32>,
      %get3A_2083 = vector.shape_cast %get3A_2082 : vector<1x16xf32> to vector<16xf32>
      %slice3A_2084 = vector.extract_strided_slice %exp3A_2012 {offsets = [4], sizes = [1], strides = [1]} : vector<16xf32> to vector<1xf32>
      %squeeze3A_2085 = vector.extract %slice3A_2084[0] : f32 from vector<1xf32>
      %mul3A_2086 = vector.broadcast %squeeze3A_2085 : f32 to vector<16xf32>
      %mul3A_2087 = arith.mulf %get3A_2083, %mul3A_2086 : vector<16xf32>
      %swap3A_2088 = arith.constant 8 : i32
      %swap3A_2089 = arith.index_cast %swap3A_2088 : i32 to index
      %swap3A_2090 = arith.constant 64 : index
      %swap3A_2091 = tpu.vector_load %arg11[%swap3A_2089, %swap3A_2090] {strides = array<i32>} : memref<16x128xf32, #tpu.memory_space<vmem>>, vector<1x16xf32>,
      %swap3A_2092 = vector.shape_cast %swap3A_2091 : vector<1x16xf32> to vector<16xf32>
      %swap3A_2093 = vector.shape_cast %mul3A_2087 : vector<16xf32> to vector<1x16xf32>
      tpu.vector_store %arg11[%swap3A_2089, %swap3A_2090], %swap3A_2093 {strides = array<i32>} : memref<16x128xf32, #tpu.memory_space<vmem>>, vector<1x16xf32>,
      %get3A_2094 = arith.constant 8 : i32
      %get3A_2095 = arith.index_cast %get3A_2094 : i32 to index
      %get3A_2096 = arith.constant 80 : index
      %get3A_2097 = tpu.vector_load %arg11[%get3A_2095, %get3A_2096] {strides = array<i32>} : memref<16x128xf32, #tpu.memory_space<vmem>>, vector<1x16xf32>,
      %get3A_2098 = vector.shape_cast %get3A_2097 : vector<1x16xf32> to vector<16xf32>
      %slice3A_2099 = vector.extract_strided_slice %exp3A_2012 {offsets = [5], sizes = [1], strides = [1]} : vector<16xf32> to vector<1xf32>
      %squeeze3A_2100 = vector.extract %slice3A_2099[0] : f32 from vector<1xf32>
      %mul3A_2101 = vector.broadcast %squeeze3A_2100 : f32 to vector<16xf32>
      %mul3A_2102 = arith.mulf %get3A_2098, %mul3A_2101 : vector<16xf32>
      %swap3A_2103 = arith.constant 8 : i32
      %swap3A_2104 = arith.index_cast %swap3A_2103 : i32 to index
      %swap3A_2105 = arith.constant 80 : index
      %swap3A_2106 = tpu.vector_load %arg11[%swap3A_2104, %swap3A_2105] {strides = array<i32>} : memref<16x128xf32, #tpu.memory_space<vmem>>, vector<1x16xf32>,
      %swap3A_2107 = vector.shape_cast %swap3A_2106 : vector<1x16xf32> to vector<16xf32>
      %swap3A_2108 = vector.shape_cast %mul3A_2102 : vector<16xf32> to vector<1x16xf32>
      tpu.vector_store %arg11[%swap3A_2104, %swap3A_2105], %swap3A_2108 {strides = array<i32>} : memref<16x128xf32, #tpu.memory_space<vmem>>, vector<1x16xf32>,
      %get3A_2109 = arith.constant 8 : i32
      %get3A_2110 = arith.index_cast %get3A_2109 : i32 to index
      %get3A_2111 = arith.constant 96 : index
      %get3A_2112 = tpu.vector_load %arg11[%get3A_2110, %get3A_2111] {strides = array<i32>} : memref<16x128xf32, #tpu.memory_space<vmem>>, vector<1x16xf32>,
      %get3A_2113 = vector.shape_cast %get3A_2112 : vector<1x16xf32> to vector<16xf32>
      %slice3A_2114 = vector.extract_strided_slice %exp3A_2012 {offsets = [6], sizes = [1], strides = [1]} : vector<16xf32> to vector<1xf32>
      %squeeze3A_2115 = vector.extract %slice3A_2114[0] : f32 from vector<1xf32>
      %mul3A_2116 = vector.broadcast %squeeze3A_2115 : f32 to vector<16xf32>
      %mul3A_2117 = arith.mulf %get3A_2113, %mul3A_2116 : vector<16xf32>
      %swap3A_2118 = arith.constant 8 : i32
      %swap3A_2119 = arith.index_cast %swap3A_2118 : i32 to index
      %swap3A_2120 = arith.constant 96 : index
      %swap3A_2121 = tpu.vector_load %arg11[%swap3A_2119, %swap3A_2120] {strides = array<i32>} : memref<16x128xf32, #tpu.memory_space<vmem>>, vector<1x16xf32>,
      %swap3A_2122 = vector.shape_cast %swap3A_2121 : vector<1x16xf32> to vector<16xf32>
      %swap3A_2123 = vector.shape_cast %mul3A_2117 : vector<16xf32> to vector<1x16xf32>
      tpu.vector_store %arg11[%swap3A_2119, %swap3A_2120], %swap3A_2123 {strides = array<i32>} : memref<16x128xf32, #tpu.memory_space<vmem>>, vector<1x16xf32>,
      %get3A_2124 = arith.constant 8 : i32
      %get3A_2125 = arith.index_cast %get3A_2124 : i32 to index
      %get3A_2126 = arith.constant 112 : index
      %get3A_2127 = tpu.vector_load %arg11[%get3A_2125, %get3A_2126] {strides = array<i32>} : memref<16x128xf32, #tpu.memory_space<vmem>>, vector<1x16xf32>,
      %get3A_2128 = vector.shape_cast %get3A_2127 : vector<1x16xf32> to vector<16xf32>
      %slice3A_2129 = vector.extract_strided_slice %exp3A_2012 {offsets = [7], sizes = [1], strides = [1]} : vector<16xf32> to vector<1xf32>
      %squeeze3A_2130 = vector.extract %slice3A_2129[0] : f32 from vector<1xf32>
      %mul3A_2131 = vector.broadcast %squeeze3A_2130 : f32 to vector<16xf32>
      %mul3A_2132 = arith.mulf %get3A_2128, %mul3A_2131 : vector<16xf32>
      %swap3A_2133 = arith.constant 8 : i32
      %swap3A_2134 = arith.index_cast %swap3A_2133 : i32 to index
      %swap3A_2135 = arith.constant 112 : index
      %swap3A_2136 = tpu.vector_load %arg11[%swap3A_2134, %swap3A_2135] {strides = array<i32>} : memref<16x128xf32, #tpu.memory_space<vmem>>, vector<1x16xf32>,
      %swap3A_2137 = vector.shape_cast %swap3A_2136 : vector<1x16xf32> to vector<16xf32>
      %swap3A_2138 = vector.shape_cast %mul3A_2132 : vector<16xf32> to vector<1x16xf32>
      tpu.vector_store %arg11[%swap3A_2134, %swap3A_2135], %swap3A_2138 {strides = array<i32>} : memref<16x128xf32, #tpu.memory_space<vmem>>, vector<1x16xf32>,
      %get3A_2139 = arith.constant 9 : i32
      %get3A_2140 = arith.index_cast %get3A_2139 : i32 to index
      %get3A_2141 = arith.constant 0 : index
      %get3A_2142 = tpu.vector_load %arg9[%get3A_2140, %get3A_2141] {strides = array<i32>} : memref<16x128xf32, #tpu.memory_space<vmem>>, vector<1x16xf32>,
      %get3A_2143 = vector.shape_cast %get3A_2142 : vector<1x16xf32> to vector<16xf32>
      %get3A_2144 = arith.constant 9 : i32
      %get3A_2145 = arith.index_cast %get3A_2144 : i32 to index
      %get3A_2146 = arith.constant 0 : index
      %get3A_2147 = tpu.vector_load %arg10[%get3A_2145, %get3A_2146] {strides = array<i32>} : memref<16x128xf32, #tpu.memory_space<vmem>>, vector<1x16xf32>,
      %get3A_2148 = vector.shape_cast %get3A_2147 : vector<1x16xf32> to vector<16xf32>
      %add3A_2149 = arith.addf %get3A_2143, %get3A_2148 : vector<16xf32>
      %ge3A_2150 = arith.constant 0.000000e+00 : f32
      %ge3A_2151 = vector.broadcast %ge3A_2150 : f32 to vector<16xf32>
      %ge3A_2152 = arith.cmpf oge, %add3A_2149, %ge3A_2151 : vector<16xf32>
      %mul3A_2153 = arith.constant 2.000000e-01 : f32
      %mul3A_2154 = vector.broadcast %mul3A_2153 : f32 to vector<16xf32>
      %mul3A_2155 = arith.mulf %add3A_2149, %mul3A_2154 : vector<16xf32>
      %select_n3A_2156 = arith.select %ge3A_2152, %add3A_2149, %mul3A_2155 : vector<16xi1>, vector<16xf32>
      %exp3A_2157 = math.exp %select_n3A_2156 : vector<16xf32>
      %swap3A_2158 = arith.constant 9 : i32
      %swap3A_2159 = arith.index_cast %swap3A_2158 : i32 to index
      %swap3A_2160 = arith.constant 0 : index
      %swap3A_2161 = tpu.vector_load %arg12[%swap3A_2159, %swap3A_2160] {strides = array<i32>} : memref<16x128xf32, #tpu.memory_space<vmem>>, vector<1x16xf32>,
      %swap3A_2162 = vector.shape_cast %swap3A_2161 : vector<1x16xf32> to vector<16xf32>
      %swap3A_2163 = vector.shape_cast %exp3A_2157 : vector<16xf32> to vector<1x16xf32>
      tpu.vector_store %arg12[%swap3A_2159, %swap3A_2160], %swap3A_2163 {strides = array<i32>} : memref<16x128xf32, #tpu.memory_space<vmem>>, vector<1x16xf32>,
      %get3A_2164 = arith.constant 9 : i32
      %get3A_2165 = arith.index_cast %get3A_2164 : i32 to index
      %get3A_2166 = arith.constant 0 : index
      %get3A_2167 = tpu.vector_load %arg11[%get3A_2165, %get3A_2166] {strides = array<i32>} : memref<16x128xf32, #tpu.memory_space<vmem>>, vector<1x16xf32>,
      %get3A_2168 = vector.shape_cast %get3A_2167 : vector<1x16xf32> to vector<16xf32>
      %slice3A_2169 = vector.extract_strided_slice %exp3A_2157 {offsets = [0], sizes = [1], strides = [1]} : vector<16xf32> to vector<1xf32>
      %squeeze3A_2170 = vector.extract %slice3A_2169[0] : f32 from vector<1xf32>
      %mul3A_2171 = vector.broadcast %squeeze3A_2170 : f32 to vector<16xf32>
      %mul3A_2172 = arith.mulf %get3A_2168, %mul3A_2171 : vector<16xf32>
      %swap3A_2173 = arith.constant 9 : i32
      %swap3A_2174 = arith.index_cast %swap3A_2173 : i32 to index
      %swap3A_2175 = arith.constant 0 : index
      %swap3A_2176 = tpu.vector_load %arg11[%swap3A_2174, %swap3A_2175] {strides = array<i32>} : memref<16x128xf32, #tpu.memory_space<vmem>>, vector<1x16xf32>,
      %swap3A_2177 = vector.shape_cast %swap3A_2176 : vector<1x16xf32> to vector<16xf32>
      %swap3A_2178 = vector.shape_cast %mul3A_2172 : vector<16xf32> to vector<1x16xf32>
      tpu.vector_store %arg11[%swap3A_2174, %swap3A_2175], %swap3A_2178 {strides = array<i32>} : memref<16x128xf32, #tpu.memory_space<vmem>>, vector<1x16xf32>,
      %get3A_2179 = arith.constant 9 : i32
      %get3A_2180 = arith.index_cast %get3A_2179 : i32 to index
      %get3A_2181 = arith.constant 16 : index
      %get3A_2182 = tpu.vector_load %arg11[%get3A_2180, %get3A_2181] {strides = array<i32>} : memref<16x128xf32, #tpu.memory_space<vmem>>, vector<1x16xf32>,
      %get3A_2183 = vector.shape_cast %get3A_2182 : vector<1x16xf32> to vector<16xf32>
      %slice3A_2184 = vector.extract_strided_slice %exp3A_2157 {offsets = [1], sizes = [1], strides = [1]} : vector<16xf32> to vector<1xf32>
      %squeeze3A_2185 = vector.extract %slice3A_2184[0] : f32 from vector<1xf32>
      %mul3A_2186 = vector.broadcast %squeeze3A_2185 : f32 to vector<16xf32>
      %mul3A_2187 = arith.mulf %get3A_2183, %mul3A_2186 : vector<16xf32>
      %swap3A_2188 = arith.constant 9 : i32
      %swap3A_2189 = arith.index_cast %swap3A_2188 : i32 to index
      %swap3A_2190 = arith.constant 16 : index
      %swap3A_2191 = tpu.vector_load %arg11[%swap3A_2189, %swap3A_2190] {strides = array<i32>} : memref<16x128xf32, #tpu.memory_space<vmem>>, vector<1x16xf32>,
      %swap3A_2192 = vector.shape_cast %swap3A_2191 : vector<1x16xf32> to vector<16xf32>
      %swap3A_2193 = vector.shape_cast %mul3A_2187 : vector<16xf32> to vector<1x16xf32>
      tpu.vector_store %arg11[%swap3A_2189, %swap3A_2190], %swap3A_2193 {strides = array<i32>} : memref<16x128xf32, #tpu.memory_space<vmem>>, vector<1x16xf32>,
      %get3A_2194 = arith.constant 9 : i32
      %get3A_2195 = arith.index_cast %get3A_2194 : i32 to index
      %get3A_2196 = arith.constant 32 : index
      %get3A_2197 = tpu.vector_load %arg11[%get3A_2195, %get3A_2196] {strides = array<i32>} : memref<16x128xf32, #tpu.memory_space<vmem>>, vector<1x16xf32>,
      %get3A_2198 = vector.shape_cast %get3A_2197 : vector<1x16xf32> to vector<16xf32>
      %slice3A_2199 = vector.extract_strided_slice %exp3A_2157 {offsets = [2], sizes = [1], strides = [1]} : vector<16xf32> to vector<1xf32>
      %squeeze3A_2200 = vector.extract %slice3A_2199[0] : f32 from vector<1xf32>
      %mul3A_2201 = vector.broadcast %squeeze3A_2200 : f32 to vector<16xf32>
      %mul3A_2202 = arith.mulf %get3A_2198, %mul3A_2201 : vector<16xf32>
      %swap3A_2203 = arith.constant 9 : i32
      %swap3A_2204 = arith.index_cast %swap3A_2203 : i32 to index
      %swap3A_2205 = arith.constant 32 : index
      %swap3A_2206 = tpu.vector_load %arg11[%swap3A_2204, %swap3A_2205] {strides = array<i32>} : memref<16x128xf32, #tpu.memory_space<vmem>>, vector<1x16xf32>,
      %swap3A_2207 = vector.shape_cast %swap3A_2206 : vector<1x16xf32> to vector<16xf32>
      %swap3A_2208 = vector.shape_cast %mul3A_2202 : vector<16xf32> to vector<1x16xf32>
      tpu.vector_store %arg11[%swap3A_2204, %swap3A_2205], %swap3A_2208 {strides = array<i32>} : memref<16x128xf32, #tpu.memory_space<vmem>>, vector<1x16xf32>,
      %get3A_2209 = arith.constant 9 : i32
      %get3A_2210 = arith.index_cast %get3A_2209 : i32 to index
      %get3A_2211 = arith.constant 48 : index
      %get3A_2212 = tpu.vector_load %arg11[%get3A_2210, %get3A_2211] {strides = array<i32>} : memref<16x128xf32, #tpu.memory_space<vmem>>, vector<1x16xf32>,
      %get3A_2213 = vector.shape_cast %get3A_2212 : vector<1x16xf32> to vector<16xf32>
      %slice3A_2214 = vector.extract_strided_slice %exp3A_2157 {offsets = [3], sizes = [1], strides = [1]} : vector<16xf32> to vector<1xf32>
      %squeeze3A_2215 = vector.extract %slice3A_2214[0] : f32 from vector<1xf32>
      %mul3A_2216 = vector.broadcast %squeeze3A_2215 : f32 to vector<16xf32>
      %mul3A_2217 = arith.mulf %get3A_2213, %mul3A_2216 : vector<16xf32>
      %swap3A_2218 = arith.constant 9 : i32
      %swap3A_2219 = arith.index_cast %swap3A_2218 : i32 to index
      %swap3A_2220 = arith.constant 48 : index
      %swap3A_2221 = tpu.vector_load %arg11[%swap3A_2219, %swap3A_2220] {strides = array<i32>} : memref<16x128xf32, #tpu.memory_space<vmem>>, vector<1x16xf32>,
      %swap3A_2222 = vector.shape_cast %swap3A_2221 : vector<1x16xf32> to vector<16xf32>
      %swap3A_2223 = vector.shape_cast %mul3A_2217 : vector<16xf32> to vector<1x16xf32>
      tpu.vector_store %arg11[%swap3A_2219, %swap3A_2220], %swap3A_2223 {strides = array<i32>} : memref<16x128xf32, #tpu.memory_space<vmem>>, vector<1x16xf32>,
      %get3A_2224 = arith.constant 9 : i32
      %get3A_2225 = arith.index_cast %get3A_2224 : i32 to index
      %get3A_2226 = arith.constant 64 : index
      %get3A_2227 = tpu.vector_load %arg11[%get3A_2225, %get3A_2226] {strides = array<i32>} : memref<16x128xf32, #tpu.memory_space<vmem>>, vector<1x16xf32>,
      %get3A_2228 = vector.shape_cast %get3A_2227 : vector<1x16xf32> to vector<16xf32>
      %slice3A_2229 = vector.extract_strided_slice %exp3A_2157 {offsets = [4], sizes = [1], strides = [1]} : vector<16xf32> to vector<1xf32>
      %squeeze3A_2230 = vector.extract %slice3A_2229[0] : f32 from vector<1xf32>
      %mul3A_2231 = vector.broadcast %squeeze3A_2230 : f32 to vector<16xf32>
      %mul3A_2232 = arith.mulf %get3A_2228, %mul3A_2231 : vector<16xf32>
      %swap3A_2233 = arith.constant 9 : i32
      %swap3A_2234 = arith.index_cast %swap3A_2233 : i32 to index
      %swap3A_2235 = arith.constant 64 : index
      %swap3A_2236 = tpu.vector_load %arg11[%swap3A_2234, %swap3A_2235] {strides = array<i32>} : memref<16x128xf32, #tpu.memory_space<vmem>>, vector<1x16xf32>,
      %swap3A_2237 = vector.shape_cast %swap3A_2236 : vector<1x16xf32> to vector<16xf32>
      %swap3A_2238 = vector.shape_cast %mul3A_2232 : vector<16xf32> to vector<1x16xf32>
      tpu.vector_store %arg11[%swap3A_2234, %swap3A_2235], %swap3A_2238 {strides = array<i32>} : memref<16x128xf32, #tpu.memory_space<vmem>>, vector<1x16xf32>,
      %get3A_2239 = arith.constant 9 : i32
      %get3A_2240 = arith.index_cast %get3A_2239 : i32 to index
      %get3A_2241 = arith.constant 80 : index
      %get3A_2242 = tpu.vector_load %arg11[%get3A_2240, %get3A_2241] {strides = array<i32>} : memref<16x128xf32, #tpu.memory_space<vmem>>, vector<1x16xf32>,
      %get3A_2243 = vector.shape_cast %get3A_2242 : vector<1x16xf32> to vector<16xf32>
      %slice3A_2244 = vector.extract_strided_slice %exp3A_2157 {offsets = [5], sizes = [1], strides = [1]} : vector<16xf32> to vector<1xf32>
      %squeeze3A_2245 = vector.extract %slice3A_2244[0] : f32 from vector<1xf32>
      %mul3A_2246 = vector.broadcast %squeeze3A_2245 : f32 to vector<16xf32>
      %mul3A_2247 = arith.mulf %get3A_2243, %mul3A_2246 : vector<16xf32>
      %swap3A_2248 = arith.constant 9 : i32
      %swap3A_2249 = arith.index_cast %swap3A_2248 : i32 to index
      %swap3A_2250 = arith.constant 80 : index
      %swap3A_2251 = tpu.vector_load %arg11[%swap3A_2249, %swap3A_2250] {strides = array<i32>} : memref<16x128xf32, #tpu.memory_space<vmem>>, vector<1x16xf32>,
      %swap3A_2252 = vector.shape_cast %swap3A_2251 : vector<1x16xf32> to vector<16xf32>
      %swap3A_2253 = vector.shape_cast %mul3A_2247 : vector<16xf32> to vector<1x16xf32>
      tpu.vector_store %arg11[%swap3A_2249, %swap3A_2250], %swap3A_2253 {strides = array<i32>} : memref<16x128xf32, #tpu.memory_space<vmem>>, vector<1x16xf32>,
      %get3A_2254 = arith.constant 9 : i32
      %get3A_2255 = arith.index_cast %get3A_2254 : i32 to index
      %get3A_2256 = arith.constant 96 : index
      %get3A_2257 = tpu.vector_load %arg11[%get3A_2255, %get3A_2256] {strides = array<i32>} : memref<16x128xf32, #tpu.memory_space<vmem>>, vector<1x16xf32>,
      %get3A_2258 = vector.shape_cast %get3A_2257 : vector<1x16xf32> to vector<16xf32>
      %slice3A_2259 = vector.extract_strided_slice %exp3A_2157 {offsets = [6], sizes = [1], strides = [1]} : vector<16xf32> to vector<1xf32>
      %squeeze3A_2260 = vector.extract %slice3A_2259[0] : f32 from vector<1xf32>
      %mul3A_2261 = vector.broadcast %squeeze3A_2260 : f32 to vector<16xf32>
      %mul3A_2262 = arith.mulf %get3A_2258, %mul3A_2261 : vector<16xf32>
      %swap3A_2263 = arith.constant 9 : i32
      %swap3A_2264 = arith.index_cast %swap3A_2263 : i32 to index
      %swap3A_2265 = arith.constant 96 : index
      %swap3A_2266 = tpu.vector_load %arg11[%swap3A_2264, %swap3A_2265] {strides = array<i32>} : memref<16x128xf32, #tpu.memory_space<vmem>>, vector<1x16xf32>,
      %swap3A_2267 = vector.shape_cast %swap3A_2266 : vector<1x16xf32> to vector<16xf32>
      %swap3A_2268 = vector.shape_cast %mul3A_2262 : vector<16xf32> to vector<1x16xf32>
      tpu.vector_store %arg11[%swap3A_2264, %swap3A_2265], %swap3A_2268 {strides = array<i32>} : memref<16x128xf32, #tpu.memory_space<vmem>>, vector<1x16xf32>,
      %get3A_2269 = arith.constant 9 : i32
      %get3A_2270 = arith.index_cast %get3A_2269 : i32 to index
      %get3A_2271 = arith.constant 112 : index
      %get3A_2272 = tpu.vector_load %arg11[%get3A_2270, %get3A_2271] {strides = array<i32>} : memref<16x128xf32, #tpu.memory_space<vmem>>, vector<1x16xf32>,
      %get3A_2273 = vector.shape_cast %get3A_2272 : vector<1x16xf32> to vector<16xf32>
      %slice3A_2274 = vector.extract_strided_slice %exp3A_2157 {offsets = [7], sizes = [1], strides = [1]} : vector<16xf32> to vector<1xf32>
      %squeeze3A_2275 = vector.extract %slice3A_2274[0] : f32 from vector<1xf32>
      %mul3A_2276 = vector.broadcast %squeeze3A_2275 : f32 to vector<16xf32>
      %mul3A_2277 = arith.mulf %get3A_2273, %mul3A_2276 : vector<16xf32>
      %swap3A_2278 = arith.constant 9 : i32
      %swap3A_2279 = arith.index_cast %swap3A_2278 : i32 to index
      %swap3A_2280 = arith.constant 112 : index
      %swap3A_2281 = tpu.vector_load %arg11[%swap3A_2279, %swap3A_2280] {strides = array<i32>} : memref<16x128xf32, #tpu.memory_space<vmem>>, vector<1x16xf32>,
      %swap3A_2282 = vector.shape_cast %swap3A_2281 : vector<1x16xf32> to vector<16xf32>
      %swap3A_2283 = vector.shape_cast %mul3A_2277 : vector<16xf32> to vector<1x16xf32>
      tpu.vector_store %arg11[%swap3A_2279, %swap3A_2280], %swap3A_2283 {strides = array<i32>} : memref<16x128xf32, #tpu.memory_space<vmem>>, vector<1x16xf32>,
      %get3A_2284 = arith.constant 10 : i32
      %get3A_2285 = arith.index_cast %get3A_2284 : i32 to index
      %get3A_2286 = arith.constant 0 : index
      %get3A_2287 = tpu.vector_load %arg9[%get3A_2285, %get3A_2286] {strides = array<i32>} : memref<16x128xf32, #tpu.memory_space<vmem>>, vector<1x16xf32>,
      %get3A_2288 = vector.shape_cast %get3A_2287 : vector<1x16xf32> to vector<16xf32>
      %get3A_2289 = arith.constant 10 : i32
      %get3A_2290 = arith.index_cast %get3A_2289 : i32 to index
      %get3A_2291 = arith.constant 0 : index
      %get3A_2292 = tpu.vector_load %arg10[%get3A_2290, %get3A_2291] {strides = array<i32>} : memref<16x128xf32, #tpu.memory_space<vmem>>, vector<1x16xf32>,
      %get3A_2293 = vector.shape_cast %get3A_2292 : vector<1x16xf32> to vector<16xf32>
      %add3A_2294 = arith.addf %get3A_2288, %get3A_2293 : vector<16xf32>
      %ge3A_2295 = arith.constant 0.000000e+00 : f32
      %ge3A_2296 = vector.broadcast %ge3A_2295 : f32 to vector<16xf32>
      %ge3A_2297 = arith.cmpf oge, %add3A_2294, %ge3A_2296 : vector<16xf32>
      %mul3A_2298 = arith.constant 2.000000e-01 : f32
      %mul3A_2299 = vector.broadcast %mul3A_2298 : f32 to vector<16xf32>
      %mul3A_2300 = arith.mulf %add3A_2294, %mul3A_2299 : vector<16xf32>
      %select_n3A_2301 = arith.select %ge3A_2297, %add3A_2294, %mul3A_2300 : vector<16xi1>, vector<16xf32>
      %exp3A_2302 = math.exp %select_n3A_2301 : vector<16xf32>
      %swap3A_2303 = arith.constant 10 : i32
      %swap3A_2304 = arith.index_cast %swap3A_2303 : i32 to index
      %swap3A_2305 = arith.constant 0 : index
      %swap3A_2306 = tpu.vector_load %arg12[%swap3A_2304, %swap3A_2305] {strides = array<i32>} : memref<16x128xf32, #tpu.memory_space<vmem>>, vector<1x16xf32>,
      %swap3A_2307 = vector.shape_cast %swap3A_2306 : vector<1x16xf32> to vector<16xf32>
      %swap3A_2308 = vector.shape_cast %exp3A_2302 : vector<16xf32> to vector<1x16xf32>
      tpu.vector_store %arg12[%swap3A_2304, %swap3A_2305], %swap3A_2308 {strides = array<i32>} : memref<16x128xf32, #tpu.memory_space<vmem>>, vector<1x16xf32>,
      %get3A_2309 = arith.constant 10 : i32
      %get3A_2310 = arith.index_cast %get3A_2309 : i32 to index
      %get3A_2311 = arith.constant 0 : index
      %get3A_2312 = tpu.vector_load %arg11[%get3A_2310, %get3A_2311] {strides = array<i32>} : memref<16x128xf32, #tpu.memory_space<vmem>>, vector<1x16xf32>,
      %get3A_2313 = vector.shape_cast %get3A_2312 : vector<1x16xf32> to vector<16xf32>
      %slice3A_2314 = vector.extract_strided_slice %exp3A_2302 {offsets = [0], sizes = [1], strides = [1]} : vector<16xf32> to vector<1xf32>
      %squeeze3A_2315 = vector.extract %slice3A_2314[0] : f32 from vector<1xf32>
      %mul3A_2316 = vector.broadcast %squeeze3A_2315 : f32 to vector<16xf32>
      %mul3A_2317 = arith.mulf %get3A_2313, %mul3A_2316 : vector<16xf32>
      %swap3A_2318 = arith.constant 10 : i32
      %swap3A_2319 = arith.index_cast %swap3A_2318 : i32 to index
      %swap3A_2320 = arith.constant 0 : index
      %swap3A_2321 = tpu.vector_load %arg11[%swap3A_2319, %swap3A_2320] {strides = array<i32>} : memref<16x128xf32, #tpu.memory_space<vmem>>, vector<1x16xf32>,
      %swap3A_2322 = vector.shape_cast %swap3A_2321 : vector<1x16xf32> to vector<16xf32>
      %swap3A_2323 = vector.shape_cast %mul3A_2317 : vector<16xf32> to vector<1x16xf32>
      tpu.vector_store %arg11[%swap3A_2319, %swap3A_2320], %swap3A_2323 {strides = array<i32>} : memref<16x128xf32, #tpu.memory_space<vmem>>, vector<1x16xf32>,
      %get3A_2324 = arith.constant 10 : i32
      %get3A_2325 = arith.index_cast %get3A_2324 : i32 to index
      %get3A_2326 = arith.constant 16 : index
      %get3A_2327 = tpu.vector_load %arg11[%get3A_2325, %get3A_2326] {strides = array<i32>} : memref<16x128xf32, #tpu.memory_space<vmem>>, vector<1x16xf32>,
      %get3A_2328 = vector.shape_cast %get3A_2327 : vector<1x16xf32> to vector<16xf32>
      %slice3A_2329 = vector.extract_strided_slice %exp3A_2302 {offsets = [1], sizes = [1], strides = [1]} : vector<16xf32> to vector<1xf32>
      %squeeze3A_2330 = vector.extract %slice3A_2329[0] : f32 from vector<1xf32>
      %mul3A_2331 = vector.broadcast %squeeze3A_2330 : f32 to vector<16xf32>
      %mul3A_2332 = arith.mulf %get3A_2328, %mul3A_2331 : vector<16xf32>
      %swap3A_2333 = arith.constant 10 : i32
      %swap3A_2334 = arith.index_cast %swap3A_2333 : i32 to index
      %swap3A_2335 = arith.constant 16 : index
      %swap3A_2336 = tpu.vector_load %arg11[%swap3A_2334, %swap3A_2335] {strides = array<i32>} : memref<16x128xf32, #tpu.memory_space<vmem>>, vector<1x16xf32>,
      %swap3A_2337 = vector.shape_cast %swap3A_2336 : vector<1x16xf32> to vector<16xf32>
      %swap3A_2338 = vector.shape_cast %mul3A_2332 : vector<16xf32> to vector<1x16xf32>
      tpu.vector_store %arg11[%swap3A_2334, %swap3A_2335], %swap3A_2338 {strides = array<i32>} : memref<16x128xf32, #tpu.memory_space<vmem>>, vector<1x16xf32>,
      %get3A_2339 = arith.constant 10 : i32
      %get3A_2340 = arith.index_cast %get3A_2339 : i32 to index
      %get3A_2341 = arith.constant 32 : index
      %get3A_2342 = tpu.vector_load %arg11[%get3A_2340, %get3A_2341] {strides = array<i32>} : memref<16x128xf32, #tpu.memory_space<vmem>>, vector<1x16xf32>,
      %get3A_2343 = vector.shape_cast %get3A_2342 : vector<1x16xf32> to vector<16xf32>
      %slice3A_2344 = vector.extract_strided_slice %exp3A_2302 {offsets = [2], sizes = [1], strides = [1]} : vector<16xf32> to vector<1xf32>
      %squeeze3A_2345 = vector.extract %slice3A_2344[0] : f32 from vector<1xf32>
      %mul3A_2346 = vector.broadcast %squeeze3A_2345 : f32 to vector<16xf32>
      %mul3A_2347 = arith.mulf %get3A_2343, %mul3A_2346 : vector<16xf32>
      %swap3A_2348 = arith.constant 10 : i32
      %swap3A_2349 = arith.index_cast %swap3A_2348 : i32 to index
      %swap3A_2350 = arith.constant 32 : index
      %swap3A_2351 = tpu.vector_load %arg11[%swap3A_2349, %swap3A_2350] {strides = array<i32>} : memref<16x128xf32, #tpu.memory_space<vmem>>, vector<1x16xf32>,
      %swap3A_2352 = vector.shape_cast %swap3A_2351 : vector<1x16xf32> to vector<16xf32>
      %swap3A_2353 = vector.shape_cast %mul3A_2347 : vector<16xf32> to vector<1x16xf32>
      tpu.vector_store %arg11[%swap3A_2349, %swap3A_2350], %swap3A_2353 {strides = array<i32>} : memref<16x128xf32, #tpu.memory_space<vmem>>, vector<1x16xf32>,
      %get3A_2354 = arith.constant 10 : i32
      %get3A_2355 = arith.index_cast %get3A_2354 : i32 to index
      %get3A_2356 = arith.constant 48 : index
      %get3A_2357 = tpu.vector_load %arg11[%get3A_2355, %get3A_2356] {strides = array<i32>} : memref<16x128xf32, #tpu.memory_space<vmem>>, vector<1x16xf32>,
      %get3A_2358 = vector.shape_cast %get3A_2357 : vector<1x16xf32> to vector<16xf32>
      %slice3A_2359 = vector.extract_strided_slice %exp3A_2302 {offsets = [3], sizes = [1], strides = [1]} : vector<16xf32> to vector<1xf32>
      %squeeze3A_2360 = vector.extract %slice3A_2359[0] : f32 from vector<1xf32>
      %mul3A_2361 = vector.broadcast %squeeze3A_2360 : f32 to vector<16xf32>
      %mul3A_2362 = arith.mulf %get3A_2358, %mul3A_2361 : vector<16xf32>
      %swap3A_2363 = arith.constant 10 : i32
      %swap3A_2364 = arith.index_cast %swap3A_2363 : i32 to index
      %swap3A_2365 = arith.constant 48 : index
      %swap3A_2366 = tpu.vector_load %arg11[%swap3A_2364, %swap3A_2365] {strides = array<i32>} : memref<16x128xf32, #tpu.memory_space<vmem>>, vector<1x16xf32>,
      %swap3A_2367 = vector.shape_cast %swap3A_2366 : vector<1x16xf32> to vector<16xf32>
      %swap3A_2368 = vector.shape_cast %mul3A_2362 : vector<16xf32> to vector<1x16xf32>
      tpu.vector_store %arg11[%swap3A_2364, %swap3A_2365], %swap3A_2368 {strides = array<i32>} : memref<16x128xf32, #tpu.memory_space<vmem>>, vector<1x16xf32>,
      %get3A_2369 = arith.constant 10 : i32
      %get3A_2370 = arith.index_cast %get3A_2369 : i32 to index
      %get3A_2371 = arith.constant 64 : index
      %get3A_2372 = tpu.vector_load %arg11[%get3A_2370, %get3A_2371] {strides = array<i32>} : memref<16x128xf32, #tpu.memory_space<vmem>>, vector<1x16xf32>,
      %get3A_2373 = vector.shape_cast %get3A_2372 : vector<1x16xf32> to vector<16xf32>
      %slice3A_2374 = vector.extract_strided_slice %exp3A_2302 {offsets = [4], sizes = [1], strides = [1]} : vector<16xf32> to vector<1xf32>
      %squeeze3A_2375 = vector.extract %slice3A_2374[0] : f32 from vector<1xf32>
      %mul3A_2376 = vector.broadcast %squeeze3A_2375 : f32 to vector<16xf32>
      %mul3A_2377 = arith.mulf %get3A_2373, %mul3A_2376 : vector<16xf32>
      %swap3A_2378 = arith.constant 10 : i32
      %swap3A_2379 = arith.index_cast %swap3A_2378 : i32 to index
      %swap3A_2380 = arith.constant 64 : index
      %swap3A_2381 = tpu.vector_load %arg11[%swap3A_2379, %swap3A_2380] {strides = array<i32>} : memref<16x128xf32, #tpu.memory_space<vmem>>, vector<1x16xf32>,
      %swap3A_2382 = vector.shape_cast %swap3A_2381 : vector<1x16xf32> to vector<16xf32>
      %swap3A_2383 = vector.shape_cast %mul3A_2377 : vector<16xf32> to vector<1x16xf32>
      tpu.vector_store %arg11[%swap3A_2379, %swap3A_2380], %swap3A_2383 {strides = array<i32>} : memref<16x128xf32, #tpu.memory_space<vmem>>, vector<1x16xf32>,
      %get3A_2384 = arith.constant 10 : i32
      %get3A_2385 = arith.index_cast %get3A_2384 : i32 to index
      %get3A_2386 = arith.constant 80 : index
      %get3A_2387 = tpu.vector_load %arg11[%get3A_2385, %get3A_2386] {strides = array<i32>} : memref<16x128xf32, #tpu.memory_space<vmem>>, vector<1x16xf32>,
      %get3A_2388 = vector.shape_cast %get3A_2387 : vector<1x16xf32> to vector<16xf32>
      %slice3A_2389 = vector.extract_strided_slice %exp3A_2302 {offsets = [5], sizes = [1], strides = [1]} : vector<16xf32> to vector<1xf32>
      %squeeze3A_2390 = vector.extract %slice3A_2389[0] : f32 from vector<1xf32>
      %mul3A_2391 = vector.broadcast %squeeze3A_2390 : f32 to vector<16xf32>
      %mul3A_2392 = arith.mulf %get3A_2388, %mul3A_2391 : vector<16xf32>
      %swap3A_2393 = arith.constant 10 : i32
      %swap3A_2394 = arith.index_cast %swap3A_2393 : i32 to index
      %swap3A_2395 = arith.constant 80 : index
      %swap3A_2396 = tpu.vector_load %arg11[%swap3A_2394, %swap3A_2395] {strides = array<i32>} : memref<16x128xf32, #tpu.memory_space<vmem>>, vector<1x16xf32>,
      %swap3A_2397 = vector.shape_cast %swap3A_2396 : vector<1x16xf32> to vector<16xf32>
      %swap3A_2398 = vector.shape_cast %mul3A_2392 : vector<16xf32> to vector<1x16xf32>
      tpu.vector_store %arg11[%swap3A_2394, %swap3A_2395], %swap3A_2398 {strides = array<i32>} : memref<16x128xf32, #tpu.memory_space<vmem>>, vector<1x16xf32>,
      %get3A_2399 = arith.constant 10 : i32
      %get3A_2400 = arith.index_cast %get3A_2399 : i32 to index
      %get3A_2401 = arith.constant 96 : index
      %get3A_2402 = tpu.vector_load %arg11[%get3A_2400, %get3A_2401] {strides = array<i32>} : memref<16x128xf32, #tpu.memory_space<vmem>>, vector<1x16xf32>,
      %get3A_2403 = vector.shape_cast %get3A_2402 : vector<1x16xf32> to vector<16xf32>
      %slice3A_2404 = vector.extract_strided_slice %exp3A_2302 {offsets = [6], sizes = [1], strides = [1]} : vector<16xf32> to vector<1xf32>
      %squeeze3A_2405 = vector.extract %slice3A_2404[0] : f32 from vector<1xf32>
      %mul3A_2406 = vector.broadcast %squeeze3A_2405 : f32 to vector<16xf32>
      %mul3A_2407 = arith.mulf %get3A_2403, %mul3A_2406 : vector<16xf32>
      %swap3A_2408 = arith.constant 10 : i32
      %swap3A_2409 = arith.index_cast %swap3A_2408 : i32 to index
      %swap3A_2410 = arith.constant 96 : index
      %swap3A_2411 = tpu.vector_load %arg11[%swap3A_2409, %swap3A_2410] {strides = array<i32>} : memref<16x128xf32, #tpu.memory_space<vmem>>, vector<1x16xf32>,
      %swap3A_2412 = vector.shape_cast %swap3A_2411 : vector<1x16xf32> to vector<16xf32>
      %swap3A_2413 = vector.shape_cast %mul3A_2407 : vector<16xf32> to vector<1x16xf32>
      tpu.vector_store %arg11[%swap3A_2409, %swap3A_2410], %swap3A_2413 {strides = array<i32>} : memref<16x128xf32, #tpu.memory_space<vmem>>, vector<1x16xf32>,
      %get3A_2414 = arith.constant 10 : i32
      %get3A_2415 = arith.index_cast %get3A_2414 : i32 to index
      %get3A_2416 = arith.constant 112 : index
      %get3A_2417 = tpu.vector_load %arg11[%get3A_2415, %get3A_2416] {strides = array<i32>} : memref<16x128xf32, #tpu.memory_space<vmem>>, vector<1x16xf32>,
      %get3A_2418 = vector.shape_cast %get3A_2417 : vector<1x16xf32> to vector<16xf32>
      %slice3A_2419 = vector.extract_strided_slice %exp3A_2302 {offsets = [7], sizes = [1], strides = [1]} : vector<16xf32> to vector<1xf32>
      %squeeze3A_2420 = vector.extract %slice3A_2419[0] : f32 from vector<1xf32>
      %mul3A_2421 = vector.broadcast %squeeze3A_2420 : f32 to vector<16xf32>
      %mul3A_2422 = arith.mulf %get3A_2418, %mul3A_2421 : vector<16xf32>
      %swap3A_2423 = arith.constant 10 : i32
      %swap3A_2424 = arith.index_cast %swap3A_2423 : i32 to index
      %swap3A_2425 = arith.constant 112 : index
      %swap3A_2426 = tpu.vector_load %arg11[%swap3A_2424, %swap3A_2425] {strides = array<i32>} : memref<16x128xf32, #tpu.memory_space<vmem>>, vector<1x16xf32>,
      %swap3A_2427 = vector.shape_cast %swap3A_2426 : vector<1x16xf32> to vector<16xf32>
      %swap3A_2428 = vector.shape_cast %mul3A_2422 : vector<16xf32> to vector<1x16xf32>
      tpu.vector_store %arg11[%swap3A_2424, %swap3A_2425], %swap3A_2428 {strides = array<i32>} : memref<16x128xf32, #tpu.memory_space<vmem>>, vector<1x16xf32>,
      %get3A_2429 = arith.constant 11 : i32
      %get3A_2430 = arith.index_cast %get3A_2429 : i32 to index
      %get3A_2431 = arith.constant 0 : index
      %get3A_2432 = tpu.vector_load %arg9[%get3A_2430, %get3A_2431] {strides = array<i32>} : memref<16x128xf32, #tpu.memory_space<vmem>>, vector<1x16xf32>,
      %get3A_2433 = vector.shape_cast %get3A_2432 : vector<1x16xf32> to vector<16xf32>
      %get3A_2434 = arith.constant 11 : i32
      %get3A_2435 = arith.index_cast %get3A_2434 : i32 to index
      %get3A_2436 = arith.constant 0 : index
      %get3A_2437 = tpu.vector_load %arg10[%get3A_2435, %get3A_2436] {strides = array<i32>} : memref<16x128xf32, #tpu.memory_space<vmem>>, vector<1x16xf32>,
      %get3A_2438 = vector.shape_cast %get3A_2437 : vector<1x16xf32> to vector<16xf32>
      %add3A_2439 = arith.addf %get3A_2433, %get3A_2438 : vector<16xf32>
      %ge3A_2440 = arith.constant 0.000000e+00 : f32
      %ge3A_2441 = vector.broadcast %ge3A_2440 : f32 to vector<16xf32>
      %ge3A_2442 = arith.cmpf oge, %add3A_2439, %ge3A_2441 : vector<16xf32>
      %mul3A_2443 = arith.constant 2.000000e-01 : f32
      %mul3A_2444 = vector.broadcast %mul3A_2443 : f32 to vector<16xf32>
      %mul3A_2445 = arith.mulf %add3A_2439, %mul3A_2444 : vector<16xf32>
      %select_n3A_2446 = arith.select %ge3A_2442, %add3A_2439, %mul3A_2445 : vector<16xi1>, vector<16xf32>
      %exp3A_2447 = math.exp %select_n3A_2446 : vector<16xf32>
      %swap3A_2448 = arith.constant 11 : i32
      %swap3A_2449 = arith.index_cast %swap3A_2448 : i32 to index
      %swap3A_2450 = arith.constant 0 : index
      %swap3A_2451 = tpu.vector_load %arg12[%swap3A_2449, %swap3A_2450] {strides = array<i32>} : memref<16x128xf32, #tpu.memory_space<vmem>>, vector<1x16xf32>,
      %swap3A_2452 = vector.shape_cast %swap3A_2451 : vector<1x16xf32> to vector<16xf32>
      %swap3A_2453 = vector.shape_cast %exp3A_2447 : vector<16xf32> to vector<1x16xf32>
      tpu.vector_store %arg12[%swap3A_2449, %swap3A_2450], %swap3A_2453 {strides = array<i32>} : memref<16x128xf32, #tpu.memory_space<vmem>>, vector<1x16xf32>,
      %get3A_2454 = arith.constant 11 : i32
      %get3A_2455 = arith.index_cast %get3A_2454 : i32 to index
      %get3A_2456 = arith.constant 0 : index
      %get3A_2457 = tpu.vector_load %arg11[%get3A_2455, %get3A_2456] {strides = array<i32>} : memref<16x128xf32, #tpu.memory_space<vmem>>, vector<1x16xf32>,
      %get3A_2458 = vector.shape_cast %get3A_2457 : vector<1x16xf32> to vector<16xf32>
      %slice3A_2459 = vector.extract_strided_slice %exp3A_2447 {offsets = [0], sizes = [1], strides = [1]} : vector<16xf32> to vector<1xf32>
      %squeeze3A_2460 = vector.extract %slice3A_2459[0] : f32 from vector<1xf32>
      %mul3A_2461 = vector.broadcast %squeeze3A_2460 : f32 to vector<16xf32>
      %mul3A_2462 = arith.mulf %get3A_2458, %mul3A_2461 : vector<16xf32>
      %swap3A_2463 = arith.constant 11 : i32
      %swap3A_2464 = arith.index_cast %swap3A_2463 : i32 to index
      %swap3A_2465 = arith.constant 0 : index
      %swap3A_2466 = tpu.vector_load %arg11[%swap3A_2464, %swap3A_2465] {strides = array<i32>} : memref<16x128xf32, #tpu.memory_space<vmem>>, vector<1x16xf32>,
      %swap3A_2467 = vector.shape_cast %swap3A_2466 : vector<1x16xf32> to vector<16xf32>
      %swap3A_2468 = vector.shape_cast %mul3A_2462 : vector<16xf32> to vector<1x16xf32>
      tpu.vector_store %arg11[%swap3A_2464, %swap3A_2465], %swap3A_2468 {strides = array<i32>} : memref<16x128xf32, #tpu.memory_space<vmem>>, vector<1x16xf32>,
      %get3A_2469 = arith.constant 11 : i32
      %get3A_2470 = arith.index_cast %get3A_2469 : i32 to index
      %get3A_2471 = arith.constant 16 : index
      %get3A_2472 = tpu.vector_load %arg11[%get3A_2470, %get3A_2471] {strides = array<i32>} : memref<16x128xf32, #tpu.memory_space<vmem>>, vector<1x16xf32>,
      %get3A_2473 = vector.shape_cast %get3A_2472 : vector<1x16xf32> to vector<16xf32>
      %slice3A_2474 = vector.extract_strided_slice %exp3A_2447 {offsets = [1], sizes = [1], strides = [1]} : vector<16xf32> to vector<1xf32>
      %squeeze3A_2475 = vector.extract %slice3A_2474[0] : f32 from vector<1xf32>
      %mul3A_2476 = vector.broadcast %squeeze3A_2475 : f32 to vector<16xf32>
      %mul3A_2477 = arith.mulf %get3A_2473, %mul3A_2476 : vector<16xf32>
      %swap3A_2478 = arith.constant 11 : i32
      %swap3A_2479 = arith.index_cast %swap3A_2478 : i32 to index
      %swap3A_2480 = arith.constant 16 : index
      %swap3A_2481 = tpu.vector_load %arg11[%swap3A_2479, %swap3A_2480] {strides = array<i32>} : memref<16x128xf32, #tpu.memory_space<vmem>>, vector<1x16xf32>,
      %swap3A_2482 = vector.shape_cast %swap3A_2481 : vector<1x16xf32> to vector<16xf32>
      %swap3A_2483 = vector.shape_cast %mul3A_2477 : vector<16xf32> to vector<1x16xf32>
      tpu.vector_store %arg11[%swap3A_2479, %swap3A_2480], %swap3A_2483 {strides = array<i32>} : memref<16x128xf32, #tpu.memory_space<vmem>>, vector<1x16xf32>,
      %get3A_2484 = arith.constant 11 : i32
      %get3A_2485 = arith.index_cast %get3A_2484 : i32 to index
      %get3A_2486 = arith.constant 32 : index
      %get3A_2487 = tpu.vector_load %arg11[%get3A_2485, %get3A_2486] {strides = array<i32>} : memref<16x128xf32, #tpu.memory_space<vmem>>, vector<1x16xf32>,
      %get3A_2488 = vector.shape_cast %get3A_2487 : vector<1x16xf32> to vector<16xf32>
      %slice3A_2489 = vector.extract_strided_slice %exp3A_2447 {offsets = [2], sizes = [1], strides = [1]} : vector<16xf32> to vector<1xf32>
      %squeeze3A_2490 = vector.extract %slice3A_2489[0] : f32 from vector<1xf32>
      %mul3A_2491 = vector.broadcast %squeeze3A_2490 : f32 to vector<16xf32>
      %mul3A_2492 = arith.mulf %get3A_2488, %mul3A_2491 : vector<16xf32>
      %swap3A_2493 = arith.constant 11 : i32
      %swap3A_2494 = arith.index_cast %swap3A_2493 : i32 to index
      %swap3A_2495 = arith.constant 32 : index
      %swap3A_2496 = tpu.vector_load %arg11[%swap3A_2494, %swap3A_2495] {strides = array<i32>} : memref<16x128xf32, #tpu.memory_space<vmem>>, vector<1x16xf32>,
      %swap3A_2497 = vector.shape_cast %swap3A_2496 : vector<1x16xf32> to vector<16xf32>
      %swap3A_2498 = vector.shape_cast %mul3A_2492 : vector<16xf32> to vector<1x16xf32>
      tpu.vector_store %arg11[%swap3A_2494, %swap3A_2495], %swap3A_2498 {strides = array<i32>} : memref<16x128xf32, #tpu.memory_space<vmem>>, vector<1x16xf32>,
      %get3A_2499 = arith.constant 11 : i32
      %get3A_2500 = arith.index_cast %get3A_2499 : i32 to index
      %get3A_2501 = arith.constant 48 : index
      %get3A_2502 = tpu.vector_load %arg11[%get3A_2500, %get3A_2501] {strides = array<i32>} : memref<16x128xf32, #tpu.memory_space<vmem>>, vector<1x16xf32>,
      %get3A_2503 = vector.shape_cast %get3A_2502 : vector<1x16xf32> to vector<16xf32>
      %slice3A_2504 = vector.extract_strided_slice %exp3A_2447 {offsets = [3], sizes = [1], strides = [1]} : vector<16xf32> to vector<1xf32>
      %squeeze3A_2505 = vector.extract %slice3A_2504[0] : f32 from vector<1xf32>
      %mul3A_2506 = vector.broadcast %squeeze3A_2505 : f32 to vector<16xf32>
      %mul3A_2507 = arith.mulf %get3A_2503, %mul3A_2506 : vector<16xf32>
      %swap3A_2508 = arith.constant 11 : i32
      %swap3A_2509 = arith.index_cast %swap3A_2508 : i32 to index
      %swap3A_2510 = arith.constant 48 : index
      %swap3A_2511 = tpu.vector_load %arg11[%swap3A_2509, %swap3A_2510] {strides = array<i32>} : memref<16x128xf32, #tpu.memory_space<vmem>>, vector<1x16xf32>,
      %swap3A_2512 = vector.shape_cast %swap3A_2511 : vector<1x16xf32> to vector<16xf32>
      %swap3A_2513 = vector.shape_cast %mul3A_2507 : vector<16xf32> to vector<1x16xf32>
      tpu.vector_store %arg11[%swap3A_2509, %swap3A_2510], %swap3A_2513 {strides = array<i32>} : memref<16x128xf32, #tpu.memory_space<vmem>>, vector<1x16xf32>,
      %get3A_2514 = arith.constant 11 : i32
      %get3A_2515 = arith.index_cast %get3A_2514 : i32 to index
      %get3A_2516 = arith.constant 64 : index
      %get3A_2517 = tpu.vector_load %arg11[%get3A_2515, %get3A_2516] {strides = array<i32>} : memref<16x128xf32, #tpu.memory_space<vmem>>, vector<1x16xf32>,
      %get3A_2518 = vector.shape_cast %get3A_2517 : vector<1x16xf32> to vector<16xf32>
      %slice3A_2519 = vector.extract_strided_slice %exp3A_2447 {offsets = [4], sizes = [1], strides = [1]} : vector<16xf32> to vector<1xf32>
      %squeeze3A_2520 = vector.extract %slice3A_2519[0] : f32 from vector<1xf32>
      %mul3A_2521 = vector.broadcast %squeeze3A_2520 : f32 to vector<16xf32>
      %mul3A_2522 = arith.mulf %get3A_2518, %mul3A_2521 : vector<16xf32>
      %swap3A_2523 = arith.constant 11 : i32
      %swap3A_2524 = arith.index_cast %swap3A_2523 : i32 to index
      %swap3A_2525 = arith.constant 64 : index
      %swap3A_2526 = tpu.vector_load %arg11[%swap3A_2524, %swap3A_2525] {strides = array<i32>} : memref<16x128xf32, #tpu.memory_space<vmem>>, vector<1x16xf32>,
      %swap3A_2527 = vector.shape_cast %swap3A_2526 : vector<1x16xf32> to vector<16xf32>
      %swap3A_2528 = vector.shape_cast %mul3A_2522 : vector<16xf32> to vector<1x16xf32>
      tpu.vector_store %arg11[%swap3A_2524, %swap3A_2525], %swap3A_2528 {strides = array<i32>} : memref<16x128xf32, #tpu.memory_space<vmem>>, vector<1x16xf32>,
      %get3A_2529 = arith.constant 11 : i32
      %get3A_2530 = arith.index_cast %get3A_2529 : i32 to index
      %get3A_2531 = arith.constant 80 : index
      %get3A_2532 = tpu.vector_load %arg11[%get3A_2530, %get3A_2531] {strides = array<i32>} : memref<16x128xf32, #tpu.memory_space<vmem>>, vector<1x16xf32>,
      %get3A_2533 = vector.shape_cast %get3A_2532 : vector<1x16xf32> to vector<16xf32>
      %slice3A_2534 = vector.extract_strided_slice %exp3A_2447 {offsets = [5], sizes = [1], strides = [1]} : vector<16xf32> to vector<1xf32>
      %squeeze3A_2535 = vector.extract %slice3A_2534[0] : f32 from vector<1xf32>
      %mul3A_2536 = vector.broadcast %squeeze3A_2535 : f32 to vector<16xf32>
      %mul3A_2537 = arith.mulf %get3A_2533, %mul3A_2536 : vector<16xf32>
      %swap3A_2538 = arith.constant 11 : i32
      %swap3A_2539 = arith.index_cast %swap3A_2538 : i32 to index
      %swap3A_2540 = arith.constant 80 : index
      %swap3A_2541 = tpu.vector_load %arg11[%swap3A_2539, %swap3A_2540] {strides = array<i32>} : memref<16x128xf32, #tpu.memory_space<vmem>>, vector<1x16xf32>,
      %swap3A_2542 = vector.shape_cast %swap3A_2541 : vector<1x16xf32> to vector<16xf32>
      %swap3A_2543 = vector.shape_cast %mul3A_2537 : vector<16xf32> to vector<1x16xf32>
      tpu.vector_store %arg11[%swap3A_2539, %swap3A_2540], %swap3A_2543 {strides = array<i32>} : memref<16x128xf32, #tpu.memory_space<vmem>>, vector<1x16xf32>,
      %get3A_2544 = arith.constant 11 : i32
      %get3A_2545 = arith.index_cast %get3A_2544 : i32 to index
      %get3A_2546 = arith.constant 96 : index
      %get3A_2547 = tpu.vector_load %arg11[%get3A_2545, %get3A_2546] {strides = array<i32>} : memref<16x128xf32, #tpu.memory_space<vmem>>, vector<1x16xf32>,
      %get3A_2548 = vector.shape_cast %get3A_2547 : vector<1x16xf32> to vector<16xf32>
      %slice3A_2549 = vector.extract_strided_slice %exp3A_2447 {offsets = [6], sizes = [1], strides = [1]} : vector<16xf32> to vector<1xf32>
      %squeeze3A_2550 = vector.extract %slice3A_2549[0] : f32 from vector<1xf32>
      %mul3A_2551 = vector.broadcast %squeeze3A_2550 : f32 to vector<16xf32>
      %mul3A_2552 = arith.mulf %get3A_2548, %mul3A_2551 : vector<16xf32>
      %swap3A_2553 = arith.constant 11 : i32
      %swap3A_2554 = arith.index_cast %swap3A_2553 : i32 to index
      %swap3A_2555 = arith.constant 96 : index
      %swap3A_2556 = tpu.vector_load %arg11[%swap3A_2554, %swap3A_2555] {strides = array<i32>} : memref<16x128xf32, #tpu.memory_space<vmem>>, vector<1x16xf32>,
      %swap3A_2557 = vector.shape_cast %swap3A_2556 : vector<1x16xf32> to vector<16xf32>
      %swap3A_2558 = vector.shape_cast %mul3A_2552 : vector<16xf32> to vector<1x16xf32>
      tpu.vector_store %arg11[%swap3A_2554, %swap3A_2555], %swap3A_2558 {strides = array<i32>} : memref<16x128xf32, #tpu.memory_space<vmem>>, vector<1x16xf32>,
      %get3A_2559 = arith.constant 11 : i32
      %get3A_2560 = arith.index_cast %get3A_2559 : i32 to index
      %get3A_2561 = arith.constant 112 : index
      %get3A_2562 = tpu.vector_load %arg11[%get3A_2560, %get3A_2561] {strides = array<i32>} : memref<16x128xf32, #tpu.memory_space<vmem>>, vector<1x16xf32>,
      %get3A_2563 = vector.shape_cast %get3A_2562 : vector<1x16xf32> to vector<16xf32>
      %slice3A_2564 = vector.extract_strided_slice %exp3A_2447 {offsets = [7], sizes = [1], strides = [1]} : vector<16xf32> to vector<1xf32>
      %squeeze3A_2565 = vector.extract %slice3A_2564[0] : f32 from vector<1xf32>
      %mul3A_2566 = vector.broadcast %squeeze3A_2565 : f32 to vector<16xf32>
      %mul3A_2567 = arith.mulf %get3A_2563, %mul3A_2566 : vector<16xf32>
      %swap3A_2568 = arith.constant 11 : i32
      %swap3A_2569 = arith.index_cast %swap3A_2568 : i32 to index
      %swap3A_2570 = arith.constant 112 : index
      %swap3A_2571 = tpu.vector_load %arg11[%swap3A_2569, %swap3A_2570] {strides = array<i32>} : memref<16x128xf32, #tpu.memory_space<vmem>>, vector<1x16xf32>,
      %swap3A_2572 = vector.shape_cast %swap3A_2571 : vector<1x16xf32> to vector<16xf32>
      %swap3A_2573 = vector.shape_cast %mul3A_2567 : vector<16xf32> to vector<1x16xf32>
      tpu.vector_store %arg11[%swap3A_2569, %swap3A_2570], %swap3A_2573 {strides = array<i32>} : memref<16x128xf32, #tpu.memory_space<vmem>>, vector<1x16xf32>,
      %get3A_2574 = arith.constant 12 : i32
      %get3A_2575 = arith.index_cast %get3A_2574 : i32 to index
      %get3A_2576 = arith.constant 0 : index
      %get3A_2577 = tpu.vector_load %arg9[%get3A_2575, %get3A_2576] {strides = array<i32>} : memref<16x128xf32, #tpu.memory_space<vmem>>, vector<1x16xf32>,
      %get3A_2578 = vector.shape_cast %get3A_2577 : vector<1x16xf32> to vector<16xf32>
      %get3A_2579 = arith.constant 12 : i32
      %get3A_2580 = arith.index_cast %get3A_2579 : i32 to index
      %get3A_2581 = arith.constant 0 : index
      %get3A_2582 = tpu.vector_load %arg10[%get3A_2580, %get3A_2581] {strides = array<i32>} : memref<16x128xf32, #tpu.memory_space<vmem>>, vector<1x16xf32>,
      %get3A_2583 = vector.shape_cast %get3A_2582 : vector<1x16xf32> to vector<16xf32>
      %add3A_2584 = arith.addf %get3A_2578, %get3A_2583 : vector<16xf32>
      %ge3A_2585 = arith.constant 0.000000e+00 : f32
      %ge3A_2586 = vector.broadcast %ge3A_2585 : f32 to vector<16xf32>
      %ge3A_2587 = arith.cmpf oge, %add3A_2584, %ge3A_2586 : vector<16xf32>
      %mul3A_2588 = arith.constant 2.000000e-01 : f32
      %mul3A_2589 = vector.broadcast %mul3A_2588 : f32 to vector<16xf32>
      %mul3A_2590 = arith.mulf %add3A_2584, %mul3A_2589 : vector<16xf32>
      %select_n3A_2591 = arith.select %ge3A_2587, %add3A_2584, %mul3A_2590 : vector<16xi1>, vector<16xf32>
      %exp3A_2592 = math.exp %select_n3A_2591 : vector<16xf32>
      %swap3A_2593 = arith.constant 12 : i32
      %swap3A_2594 = arith.index_cast %swap3A_2593 : i32 to index
      %swap3A_2595 = arith.constant 0 : index
      %swap3A_2596 = tpu.vector_load %arg12[%swap3A_2594, %swap3A_2595] {strides = array<i32>} : memref<16x128xf32, #tpu.memory_space<vmem>>, vector<1x16xf32>,
      %swap3A_2597 = vector.shape_cast %swap3A_2596 : vector<1x16xf32> to vector<16xf32>
      %swap3A_2598 = vector.shape_cast %exp3A_2592 : vector<16xf32> to vector<1x16xf32>
      tpu.vector_store %arg12[%swap3A_2594, %swap3A_2595], %swap3A_2598 {strides = array<i32>} : memref<16x128xf32, #tpu.memory_space<vmem>>, vector<1x16xf32>,
      %get3A_2599 = arith.constant 12 : i32
      %get3A_2600 = arith.index_cast %get3A_2599 : i32 to index
      %get3A_2601 = arith.constant 0 : index
      %get3A_2602 = tpu.vector_load %arg11[%get3A_2600, %get3A_2601] {strides = array<i32>} : memref<16x128xf32, #tpu.memory_space<vmem>>, vector<1x16xf32>,
      %get3A_2603 = vector.shape_cast %get3A_2602 : vector<1x16xf32> to vector<16xf32>
      %slice3A_2604 = vector.extract_strided_slice %exp3A_2592 {offsets = [0], sizes = [1], strides = [1]} : vector<16xf32> to vector<1xf32>
      %squeeze3A_2605 = vector.extract %slice3A_2604[0] : f32 from vector<1xf32>
      %mul3A_2606 = vector.broadcast %squeeze3A_2605 : f32 to vector<16xf32>
      %mul3A_2607 = arith.mulf %get3A_2603, %mul3A_2606 : vector<16xf32>
      %swap3A_2608 = arith.constant 12 : i32
      %swap3A_2609 = arith.index_cast %swap3A_2608 : i32 to index
      %swap3A_2610 = arith.constant 0 : index
      %swap3A_2611 = tpu.vector_load %arg11[%swap3A_2609, %swap3A_2610] {strides = array<i32>} : memref<16x128xf32, #tpu.memory_space<vmem>>, vector<1x16xf32>,
      %swap3A_2612 = vector.shape_cast %swap3A_2611 : vector<1x16xf32> to vector<16xf32>
      %swap3A_2613 = vector.shape_cast %mul3A_2607 : vector<16xf32> to vector<1x16xf32>
      tpu.vector_store %arg11[%swap3A_2609, %swap3A_2610], %swap3A_2613 {strides = array<i32>} : memref<16x128xf32, #tpu.memory_space<vmem>>, vector<1x16xf32>,
      %get3A_2614 = arith.constant 12 : i32
      %get3A_2615 = arith.index_cast %get3A_2614 : i32 to index
      %get3A_2616 = arith.constant 16 : index
      %get3A_2617 = tpu.vector_load %arg11[%get3A_2615, %get3A_2616] {strides = array<i32>} : memref<16x128xf32, #tpu.memory_space<vmem>>, vector<1x16xf32>,
      %get3A_2618 = vector.shape_cast %get3A_2617 : vector<1x16xf32> to vector<16xf32>
      %slice3A_2619 = vector.extract_strided_slice %exp3A_2592 {offsets = [1], sizes = [1], strides = [1]} : vector<16xf32> to vector<1xf32>
      %squeeze3A_2620 = vector.extract %slice3A_2619[0] : f32 from vector<1xf32>
      %mul3A_2621 = vector.broadcast %squeeze3A_2620 : f32 to vector<16xf32>
      %mul3A_2622 = arith.mulf %get3A_2618, %mul3A_2621 : vector<16xf32>
      %swap3A_2623 = arith.constant 12 : i32
      %swap3A_2624 = arith.index_cast %swap3A_2623 : i32 to index
      %swap3A_2625 = arith.constant 16 : index
      %swap3A_2626 = tpu.vector_load %arg11[%swap3A_2624, %swap3A_2625] {strides = array<i32>} : memref<16x128xf32, #tpu.memory_space<vmem>>, vector<1x16xf32>,
      %swap3A_2627 = vector.shape_cast %swap3A_2626 : vector<1x16xf32> to vector<16xf32>
      %swap3A_2628 = vector.shape_cast %mul3A_2622 : vector<16xf32> to vector<1x16xf32>
      tpu.vector_store %arg11[%swap3A_2624, %swap3A_2625], %swap3A_2628 {strides = array<i32>} : memref<16x128xf32, #tpu.memory_space<vmem>>, vector<1x16xf32>,
      %get3A_2629 = arith.constant 12 : i32
      %get3A_2630 = arith.index_cast %get3A_2629 : i32 to index
      %get3A_2631 = arith.constant 32 : index
      %get3A_2632 = tpu.vector_load %arg11[%get3A_2630, %get3A_2631] {strides = array<i32>} : memref<16x128xf32, #tpu.memory_space<vmem>>, vector<1x16xf32>,
      %get3A_2633 = vector.shape_cast %get3A_2632 : vector<1x16xf32> to vector<16xf32>
      %slice3A_2634 = vector.extract_strided_slice %exp3A_2592 {offsets = [2], sizes = [1], strides = [1]} : vector<16xf32> to vector<1xf32>
      %squeeze3A_2635 = vector.extract %slice3A_2634[0] : f32 from vector<1xf32>
      %mul3A_2636 = vector.broadcast %squeeze3A_2635 : f32 to vector<16xf32>
      %mul3A_2637 = arith.mulf %get3A_2633, %mul3A_2636 : vector<16xf32>
      %swap3A_2638 = arith.constant 12 : i32
      %swap3A_2639 = arith.index_cast %swap3A_2638 : i32 to index
      %swap3A_2640 = arith.constant 32 : index
      %swap3A_2641 = tpu.vector_load %arg11[%swap3A_2639, %swap3A_2640] {strides = array<i32>} : memref<16x128xf32, #tpu.memory_space<vmem>>, vector<1x16xf32>,
      %swap3A_2642 = vector.shape_cast %swap3A_2641 : vector<1x16xf32> to vector<16xf32>
      %swap3A_2643 = vector.shape_cast %mul3A_2637 : vector<16xf32> to vector<1x16xf32>
      tpu.vector_store %arg11[%swap3A_2639, %swap3A_2640], %swap3A_2643 {strides = array<i32>} : memref<16x128xf32, #tpu.memory_space<vmem>>, vector<1x16xf32>,
      %get3A_2644 = arith.constant 12 : i32
      %get3A_2645 = arith.index_cast %get3A_2644 : i32 to index
      %get3A_2646 = arith.constant 48 : index
      %get3A_2647 = tpu.vector_load %arg11[%get3A_2645, %get3A_2646] {strides = array<i32>} : memref<16x128xf32, #tpu.memory_space<vmem>>, vector<1x16xf32>,
      %get3A_2648 = vector.shape_cast %get3A_2647 : vector<1x16xf32> to vector<16xf32>
      %slice3A_2649 = vector.extract_strided_slice %exp3A_2592 {offsets = [3], sizes = [1], strides = [1]} : vector<16xf32> to vector<1xf32>
      %squeeze3A_2650 = vector.extract %slice3A_2649[0] : f32 from vector<1xf32>
      %mul3A_2651 = vector.broadcast %squeeze3A_2650 : f32 to vector<16xf32>
      %mul3A_2652 = arith.mulf %get3A_2648, %mul3A_2651 : vector<16xf32>
      %swap3A_2653 = arith.constant 12 : i32
      %swap3A_2654 = arith.index_cast %swap3A_2653 : i32 to index
      %swap3A_2655 = arith.constant 48 : index
      %swap3A_2656 = tpu.vector_load %arg11[%swap3A_2654, %swap3A_2655] {strides = array<i32>} : memref<16x128xf32, #tpu.memory_space<vmem>>, vector<1x16xf32>,
      %swap3A_2657 = vector.shape_cast %swap3A_2656 : vector<1x16xf32> to vector<16xf32>
      %swap3A_2658 = vector.shape_cast %mul3A_2652 : vector<16xf32> to vector<1x16xf32>
      tpu.vector_store %arg11[%swap3A_2654, %swap3A_2655], %swap3A_2658 {strides = array<i32>} : memref<16x128xf32, #tpu.memory_space<vmem>>, vector<1x16xf32>,
      %get3A_2659 = arith.constant 12 : i32
      %get3A_2660 = arith.index_cast %get3A_2659 : i32 to index
      %get3A_2661 = arith.constant 64 : index
      %get3A_2662 = tpu.vector_load %arg11[%get3A_2660, %get3A_2661] {strides = array<i32>} : memref<16x128xf32, #tpu.memory_space<vmem>>, vector<1x16xf32>,
      %get3A_2663 = vector.shape_cast %get3A_2662 : vector<1x16xf32> to vector<16xf32>
      %slice3A_2664 = vector.extract_strided_slice %exp3A_2592 {offsets = [4], sizes = [1], strides = [1]} : vector<16xf32> to vector<1xf32>
      %squeeze3A_2665 = vector.extract %slice3A_2664[0] : f32 from vector<1xf32>
      %mul3A_2666 = vector.broadcast %squeeze3A_2665 : f32 to vector<16xf32>
      %mul3A_2667 = arith.mulf %get3A_2663, %mul3A_2666 : vector<16xf32>
      %swap3A_2668 = arith.constant 12 : i32
      %swap3A_2669 = arith.index_cast %swap3A_2668 : i32 to index
      %swap3A_2670 = arith.constant 64 : index
      %swap3A_2671 = tpu.vector_load %arg11[%swap3A_2669, %swap3A_2670] {strides = array<i32>} : memref<16x128xf32, #tpu.memory_space<vmem>>, vector<1x16xf32>,
      %swap3A_2672 = vector.shape_cast %swap3A_2671 : vector<1x16xf32> to vector<16xf32>
      %swap3A_2673 = vector.shape_cast %mul3A_2667 : vector<16xf32> to vector<1x16xf32>
      tpu.vector_store %arg11[%swap3A_2669, %swap3A_2670], %swap3A_2673 {strides = array<i32>} : memref<16x128xf32, #tpu.memory_space<vmem>>, vector<1x16xf32>,
      %get3A_2674 = arith.constant 12 : i32
      %get3A_2675 = arith.index_cast %get3A_2674 : i32 to index
      %get3A_2676 = arith.constant 80 : index
      %get3A_2677 = tpu.vector_load %arg11[%get3A_2675, %get3A_2676] {strides = array<i32>} : memref<16x128xf32, #tpu.memory_space<vmem>>, vector<1x16xf32>,
      %get3A_2678 = vector.shape_cast %get3A_2677 : vector<1x16xf32> to vector<16xf32>
      %slice3A_2679 = vector.extract_strided_slice %exp3A_2592 {offsets = [5], sizes = [1], strides = [1]} : vector<16xf32> to vector<1xf32>
      %squeeze3A_2680 = vector.extract %slice3A_2679[0] : f32 from vector<1xf32>
      %mul3A_2681 = vector.broadcast %squeeze3A_2680 : f32 to vector<16xf32>
      %mul3A_2682 = arith.mulf %get3A_2678, %mul3A_2681 : vector<16xf32>
      %swap3A_2683 = arith.constant 12 : i32
      %swap3A_2684 = arith.index_cast %swap3A_2683 : i32 to index
      %swap3A_2685 = arith.constant 80 : index
      %swap3A_2686 = tpu.vector_load %arg11[%swap3A_2684, %swap3A_2685] {strides = array<i32>} : memref<16x128xf32, #tpu.memory_space<vmem>>, vector<1x16xf32>,
      %swap3A_2687 = vector.shape_cast %swap3A_2686 : vector<1x16xf32> to vector<16xf32>
      %swap3A_2688 = vector.shape_cast %mul3A_2682 : vector<16xf32> to vector<1x16xf32>
      tpu.vector_store %arg11[%swap3A_2684, %swap3A_2685], %swap3A_2688 {strides = array<i32>} : memref<16x128xf32, #tpu.memory_space<vmem>>, vector<1x16xf32>,
      %get3A_2689 = arith.constant 12 : i32
      %get3A_2690 = arith.index_cast %get3A_2689 : i32 to index
      %get3A_2691 = arith.constant 96 : index
      %get3A_2692 = tpu.vector_load %arg11[%get3A_2690, %get3A_2691] {strides = array<i32>} : memref<16x128xf32, #tpu.memory_space<vmem>>, vector<1x16xf32>,
      %get3A_2693 = vector.shape_cast %get3A_2692 : vector<1x16xf32> to vector<16xf32>
      %slice3A_2694 = vector.extract_strided_slice %exp3A_2592 {offsets = [6], sizes = [1], strides = [1]} : vector<16xf32> to vector<1xf32>
      %squeeze3A_2695 = vector.extract %slice3A_2694[0] : f32 from vector<1xf32>
      %mul3A_2696 = vector.broadcast %squeeze3A_2695 : f32 to vector<16xf32>
      %mul3A_2697 = arith.mulf %get3A_2693, %mul3A_2696 : vector<16xf32>
      %swap3A_2698 = arith.constant 12 : i32
      %swap3A_2699 = arith.index_cast %swap3A_2698 : i32 to index
      %swap3A_2700 = arith.constant 96 : index
      %swap3A_2701 = tpu.vector_load %arg11[%swap3A_2699, %swap3A_2700] {strides = array<i32>} : memref<16x128xf32, #tpu.memory_space<vmem>>, vector<1x16xf32>,
      %swap3A_2702 = vector.shape_cast %swap3A_2701 : vector<1x16xf32> to vector<16xf32>
      %swap3A_2703 = vector.shape_cast %mul3A_2697 : vector<16xf32> to vector<1x16xf32>
      tpu.vector_store %arg11[%swap3A_2699, %swap3A_2700], %swap3A_2703 {strides = array<i32>} : memref<16x128xf32, #tpu.memory_space<vmem>>, vector<1x16xf32>,
      %get3A_2704 = arith.constant 12 : i32
      %get3A_2705 = arith.index_cast %get3A_2704 : i32 to index
      %get3A_2706 = arith.constant 112 : index
      %get3A_2707 = tpu.vector_load %arg11[%get3A_2705, %get3A_2706] {strides = array<i32>} : memref<16x128xf32, #tpu.memory_space<vmem>>, vector<1x16xf32>,
      %get3A_2708 = vector.shape_cast %get3A_2707 : vector<1x16xf32> to vector<16xf32>
      %slice3A_2709 = vector.extract_strided_slice %exp3A_2592 {offsets = [7], sizes = [1], strides = [1]} : vector<16xf32> to vector<1xf32>
      %squeeze3A_2710 = vector.extract %slice3A_2709[0] : f32 from vector<1xf32>
      %mul3A_2711 = vector.broadcast %squeeze3A_2710 : f32 to vector<16xf32>
      %mul3A_2712 = arith.mulf %get3A_2708, %mul3A_2711 : vector<16xf32>
      %swap3A_2713 = arith.constant 12 : i32
      %swap3A_2714 = arith.index_cast %swap3A_2713 : i32 to index
      %swap3A_2715 = arith.constant 112 : index
      %swap3A_2716 = tpu.vector_load %arg11[%swap3A_2714, %swap3A_2715] {strides = array<i32>} : memref<16x128xf32, #tpu.memory_space<vmem>>, vector<1x16xf32>,
      %swap3A_2717 = vector.shape_cast %swap3A_2716 : vector<1x16xf32> to vector<16xf32>
      %swap3A_2718 = vector.shape_cast %mul3A_2712 : vector<16xf32> to vector<1x16xf32>
      tpu.vector_store %arg11[%swap3A_2714, %swap3A_2715], %swap3A_2718 {strides = array<i32>} : memref<16x128xf32, #tpu.memory_space<vmem>>, vector<1x16xf32>,
      %get3A_2719 = arith.constant 13 : i32
      %get3A_2720 = arith.index_cast %get3A_2719 : i32 to index
      %get3A_2721 = arith.constant 0 : index
      %get3A_2722 = tpu.vector_load %arg9[%get3A_2720, %get3A_2721] {strides = array<i32>} : memref<16x128xf32, #tpu.memory_space<vmem>>, vector<1x16xf32>,
      %get3A_2723 = vector.shape_cast %get3A_2722 : vector<1x16xf32> to vector<16xf32>
      %get3A_2724 = arith.constant 13 : i32
      %get3A_2725 = arith.index_cast %get3A_2724 : i32 to index
      %get3A_2726 = arith.constant 0 : index
      %get3A_2727 = tpu.vector_load %arg10[%get3A_2725, %get3A_2726] {strides = array<i32>} : memref<16x128xf32, #tpu.memory_space<vmem>>, vector<1x16xf32>,
      %get3A_2728 = vector.shape_cast %get3A_2727 : vector<1x16xf32> to vector<16xf32>
      %add3A_2729 = arith.addf %get3A_2723, %get3A_2728 : vector<16xf32>
      %ge3A_2730 = arith.constant 0.000000e+00 : f32
      %ge3A_2731 = vector.broadcast %ge3A_2730 : f32 to vector<16xf32>
      %ge3A_2732 = arith.cmpf oge, %add3A_2729, %ge3A_2731 : vector<16xf32>
      %mul3A_2733 = arith.constant 2.000000e-01 : f32
      %mul3A_2734 = vector.broadcast %mul3A_2733 : f32 to vector<16xf32>
      %mul3A_2735 = arith.mulf %add3A_2729, %mul3A_2734 : vector<16xf32>
      %select_n3A_2736 = arith.select %ge3A_2732, %add3A_2729, %mul3A_2735 : vector<16xi1>, vector<16xf32>
      %exp3A_2737 = math.exp %select_n3A_2736 : vector<16xf32>
      %swap3A_2738 = arith.constant 13 : i32
      %swap3A_2739 = arith.index_cast %swap3A_2738 : i32 to index
      %swap3A_2740 = arith.constant 0 : index
      %swap3A_2741 = tpu.vector_load %arg12[%swap3A_2739, %swap3A_2740] {strides = array<i32>} : memref<16x128xf32, #tpu.memory_space<vmem>>, vector<1x16xf32>,
      %swap3A_2742 = vector.shape_cast %swap3A_2741 : vector<1x16xf32> to vector<16xf32>
      %swap3A_2743 = vector.shape_cast %exp3A_2737 : vector<16xf32> to vector<1x16xf32>
      tpu.vector_store %arg12[%swap3A_2739, %swap3A_2740], %swap3A_2743 {strides = array<i32>} : memref<16x128xf32, #tpu.memory_space<vmem>>, vector<1x16xf32>,
      %get3A_2744 = arith.constant 13 : i32
      %get3A_2745 = arith.index_cast %get3A_2744 : i32 to index
      %get3A_2746 = arith.constant 0 : index
      %get3A_2747 = tpu.vector_load %arg11[%get3A_2745, %get3A_2746] {strides = array<i32>} : memref<16x128xf32, #tpu.memory_space<vmem>>, vector<1x16xf32>,
      %get3A_2748 = vector.shape_cast %get3A_2747 : vector<1x16xf32> to vector<16xf32>
      %slice3A_2749 = vector.extract_strided_slice %exp3A_2737 {offsets = [0], sizes = [1], strides = [1]} : vector<16xf32> to vector<1xf32>
      %squeeze3A_2750 = vector.extract %slice3A_2749[0] : f32 from vector<1xf32>
      %mul3A_2751 = vector.broadcast %squeeze3A_2750 : f32 to vector<16xf32>
      %mul3A_2752 = arith.mulf %get3A_2748, %mul3A_2751 : vector<16xf32>
      %swap3A_2753 = arith.constant 13 : i32
      %swap3A_2754 = arith.index_cast %swap3A_2753 : i32 to index
      %swap3A_2755 = arith.constant 0 : index
      %swap3A_2756 = tpu.vector_load %arg11[%swap3A_2754, %swap3A_2755] {strides = array<i32>} : memref<16x128xf32, #tpu.memory_space<vmem>>, vector<1x16xf32>,
      %swap3A_2757 = vector.shape_cast %swap3A_2756 : vector<1x16xf32> to vector<16xf32>
      %swap3A_2758 = vector.shape_cast %mul3A_2752 : vector<16xf32> to vector<1x16xf32>
      tpu.vector_store %arg11[%swap3A_2754, %swap3A_2755], %swap3A_2758 {strides = array<i32>} : memref<16x128xf32, #tpu.memory_space<vmem>>, vector<1x16xf32>,
      %get3A_2759 = arith.constant 13 : i32
      %get3A_2760 = arith.index_cast %get3A_2759 : i32 to index
      %get3A_2761 = arith.constant 16 : index
      %get3A_2762 = tpu.vector_load %arg11[%get3A_2760, %get3A_2761] {strides = array<i32>} : memref<16x128xf32, #tpu.memory_space<vmem>>, vector<1x16xf32>,
      %get3A_2763 = vector.shape_cast %get3A_2762 : vector<1x16xf32> to vector<16xf32>
      %slice3A_2764 = vector.extract_strided_slice %exp3A_2737 {offsets = [1], sizes = [1], strides = [1]} : vector<16xf32> to vector<1xf32>
      %squeeze3A_2765 = vector.extract %slice3A_2764[0] : f32 from vector<1xf32>
      %mul3A_2766 = vector.broadcast %squeeze3A_2765 : f32 to vector<16xf32>
      %mul3A_2767 = arith.mulf %get3A_2763, %mul3A_2766 : vector<16xf32>
      %swap3A_2768 = arith.constant 13 : i32
      %swap3A_2769 = arith.index_cast %swap3A_2768 : i32 to index
      %swap3A_2770 = arith.constant 16 : index
      %swap3A_2771 = tpu.vector_load %arg11[%swap3A_2769, %swap3A_2770] {strides = array<i32>} : memref<16x128xf32, #tpu.memory_space<vmem>>, vector<1x16xf32>,
      %swap3A_2772 = vector.shape_cast %swap3A_2771 : vector<1x16xf32> to vector<16xf32>
      %swap3A_2773 = vector.shape_cast %mul3A_2767 : vector<16xf32> to vector<1x16xf32>
      tpu.vector_store %arg11[%swap3A_2769, %swap3A_2770], %swap3A_2773 {strides = array<i32>} : memref<16x128xf32, #tpu.memory_space<vmem>>, vector<1x16xf32>,
      %get3A_2774 = arith.constant 13 : i32
      %get3A_2775 = arith.index_cast %get3A_2774 : i32 to index
      %get3A_2776 = arith.constant 32 : index
      %get3A_2777 = tpu.vector_load %arg11[%get3A_2775, %get3A_2776] {strides = array<i32>} : memref<16x128xf32, #tpu.memory_space<vmem>>, vector<1x16xf32>,
      %get3A_2778 = vector.shape_cast %get3A_2777 : vector<1x16xf32> to vector<16xf32>
      %slice3A_2779 = vector.extract_strided_slice %exp3A_2737 {offsets = [2], sizes = [1], strides = [1]} : vector<16xf32> to vector<1xf32>
      %squeeze3A_2780 = vector.extract %slice3A_2779[0] : f32 from vector<1xf32>
      %mul3A_2781 = vector.broadcast %squeeze3A_2780 : f32 to vector<16xf32>
      %mul3A_2782 = arith.mulf %get3A_2778, %mul3A_2781 : vector<16xf32>
      %swap3A_2783 = arith.constant 13 : i32
      %swap3A_2784 = arith.index_cast %swap3A_2783 : i32 to index
      %swap3A_2785 = arith.constant 32 : index
      %swap3A_2786 = tpu.vector_load %arg11[%swap3A_2784, %swap3A_2785] {strides = array<i32>} : memref<16x128xf32, #tpu.memory_space<vmem>>, vector<1x16xf32>,
      %swap3A_2787 = vector.shape_cast %swap3A_2786 : vector<1x16xf32> to vector<16xf32>
      %swap3A_2788 = vector.shape_cast %mul3A_2782 : vector<16xf32> to vector<1x16xf32>
      tpu.vector_store %arg11[%swap3A_2784, %swap3A_2785], %swap3A_2788 {strides = array<i32>} : memref<16x128xf32, #tpu.memory_space<vmem>>, vector<1x16xf32>,
      %get3A_2789 = arith.constant 13 : i32
      %get3A_2790 = arith.index_cast %get3A_2789 : i32 to index
      %get3A_2791 = arith.constant 48 : index
      %get3A_2792 = tpu.vector_load %arg11[%get3A_2790, %get3A_2791] {strides = array<i32>} : memref<16x128xf32, #tpu.memory_space<vmem>>, vector<1x16xf32>,
      %get3A_2793 = vector.shape_cast %get3A_2792 : vector<1x16xf32> to vector<16xf32>
      %slice3A_2794 = vector.extract_strided_slice %exp3A_2737 {offsets = [3], sizes = [1], strides = [1]} : vector<16xf32> to vector<1xf32>
      %squeeze3A_2795 = vector.extract %slice3A_2794[0] : f32 from vector<1xf32>
      %mul3A_2796 = vector.broadcast %squeeze3A_2795 : f32 to vector<16xf32>
      %mul3A_2797 = arith.mulf %get3A_2793, %mul3A_2796 : vector<16xf32>
      %swap3A_2798 = arith.constant 13 : i32
      %swap3A_2799 = arith.index_cast %swap3A_2798 : i32 to index
      %swap3A_2800 = arith.constant 48 : index
      %swap3A_2801 = tpu.vector_load %arg11[%swap3A_2799, %swap3A_2800] {strides = array<i32>} : memref<16x128xf32, #tpu.memory_space<vmem>>, vector<1x16xf32>,
      %swap3A_2802 = vector.shape_cast %swap3A_2801 : vector<1x16xf32> to vector<16xf32>
      %swap3A_2803 = vector.shape_cast %mul3A_2797 : vector<16xf32> to vector<1x16xf32>
      tpu.vector_store %arg11[%swap3A_2799, %swap3A_2800], %swap3A_2803 {strides = array<i32>} : memref<16x128xf32, #tpu.memory_space<vmem>>, vector<1x16xf32>,
      %get3A_2804 = arith.constant 13 : i32
      %get3A_2805 = arith.index_cast %get3A_2804 : i32 to index
      %get3A_2806 = arith.constant 64 : index
      %get3A_2807 = tpu.vector_load %arg11[%get3A_2805, %get3A_2806] {strides = array<i32>} : memref<16x128xf32, #tpu.memory_space<vmem>>, vector<1x16xf32>,
      %get3A_2808 = vector.shape_cast %get3A_2807 : vector<1x16xf32> to vector<16xf32>
      %slice3A_2809 = vector.extract_strided_slice %exp3A_2737 {offsets = [4], sizes = [1], strides = [1]} : vector<16xf32> to vector<1xf32>
      %squeeze3A_2810 = vector.extract %slice3A_2809[0] : f32 from vector<1xf32>
      %mul3A_2811 = vector.broadcast %squeeze3A_2810 : f32 to vector<16xf32>
      %mul3A_2812 = arith.mulf %get3A_2808, %mul3A_2811 : vector<16xf32>
      %swap3A_2813 = arith.constant 13 : i32
      %swap3A_2814 = arith.index_cast %swap3A_2813 : i32 to index
      %swap3A_2815 = arith.constant 64 : index
      %swap3A_2816 = tpu.vector_load %arg11[%swap3A_2814, %swap3A_2815] {strides = array<i32>} : memref<16x128xf32, #tpu.memory_space<vmem>>, vector<1x16xf32>,
      %swap3A_2817 = vector.shape_cast %swap3A_2816 : vector<1x16xf32> to vector<16xf32>
      %swap3A_2818 = vector.shape_cast %mul3A_2812 : vector<16xf32> to vector<1x16xf32>
      tpu.vector_store %arg11[%swap3A_2814, %swap3A_2815], %swap3A_2818 {strides = array<i32>} : memref<16x128xf32, #tpu.memory_space<vmem>>, vector<1x16xf32>,
      %get3A_2819 = arith.constant 13 : i32
      %get3A_2820 = arith.index_cast %get3A_2819 : i32 to index
      %get3A_2821 = arith.constant 80 : index
      %get3A_2822 = tpu.vector_load %arg11[%get3A_2820, %get3A_2821] {strides = array<i32>} : memref<16x128xf32, #tpu.memory_space<vmem>>, vector<1x16xf32>,
      %get3A_2823 = vector.shape_cast %get3A_2822 : vector<1x16xf32> to vector<16xf32>
      %slice3A_2824 = vector.extract_strided_slice %exp3A_2737 {offsets = [5], sizes = [1], strides = [1]} : vector<16xf32> to vector<1xf32>
      %squeeze3A_2825 = vector.extract %slice3A_2824[0] : f32 from vector<1xf32>
      %mul3A_2826 = vector.broadcast %squeeze3A_2825 : f32 to vector<16xf32>
      %mul3A_2827 = arith.mulf %get3A_2823, %mul3A_2826 : vector<16xf32>
      %swap3A_2828 = arith.constant 13 : i32
      %swap3A_2829 = arith.index_cast %swap3A_2828 : i32 to index
      %swap3A_2830 = arith.constant 80 : index
      %swap3A_2831 = tpu.vector_load %arg11[%swap3A_2829, %swap3A_2830] {strides = array<i32>} : memref<16x128xf32, #tpu.memory_space<vmem>>, vector<1x16xf32>,
      %swap3A_2832 = vector.shape_cast %swap3A_2831 : vector<1x16xf32> to vector<16xf32>
      %swap3A_2833 = vector.shape_cast %mul3A_2827 : vector<16xf32> to vector<1x16xf32>
      tpu.vector_store %arg11[%swap3A_2829, %swap3A_2830], %swap3A_2833 {strides = array<i32>} : memref<16x128xf32, #tpu.memory_space<vmem>>, vector<1x16xf32>,
      %get3A_2834 = arith.constant 13 : i32
      %get3A_2835 = arith.index_cast %get3A_2834 : i32 to index
      %get3A_2836 = arith.constant 96 : index
      %get3A_2837 = tpu.vector_load %arg11[%get3A_2835, %get3A_2836] {strides = array<i32>} : memref<16x128xf32, #tpu.memory_space<vmem>>, vector<1x16xf32>,
      %get3A_2838 = vector.shape_cast %get3A_2837 : vector<1x16xf32> to vector<16xf32>
      %slice3A_2839 = vector.extract_strided_slice %exp3A_2737 {offsets = [6], sizes = [1], strides = [1]} : vector<16xf32> to vector<1xf32>
      %squeeze3A_2840 = vector.extract %slice3A_2839[0] : f32 from vector<1xf32>
      %mul3A_2841 = vector.broadcast %squeeze3A_2840 : f32 to vector<16xf32>
      %mul3A_2842 = arith.mulf %get3A_2838, %mul3A_2841 : vector<16xf32>
      %swap3A_2843 = arith.constant 13 : i32
      %swap3A_2844 = arith.index_cast %swap3A_2843 : i32 to index
      %swap3A_2845 = arith.constant 96 : index
      %swap3A_2846 = tpu.vector_load %arg11[%swap3A_2844, %swap3A_2845] {strides = array<i32>} : memref<16x128xf32, #tpu.memory_space<vmem>>, vector<1x16xf32>,
      %swap3A_2847 = vector.shape_cast %swap3A_2846 : vector<1x16xf32> to vector<16xf32>
      %swap3A_2848 = vector.shape_cast %mul3A_2842 : vector<16xf32> to vector<1x16xf32>
      tpu.vector_store %arg11[%swap3A_2844, %swap3A_2845], %swap3A_2848 {strides = array<i32>} : memref<16x128xf32, #tpu.memory_space<vmem>>, vector<1x16xf32>,
      %get3A_2849 = arith.constant 13 : i32
      %get3A_2850 = arith.index_cast %get3A_2849 : i32 to index
      %get3A_2851 = arith.constant 112 : index
      %get3A_2852 = tpu.vector_load %arg11[%get3A_2850, %get3A_2851] {strides = array<i32>} : memref<16x128xf32, #tpu.memory_space<vmem>>, vector<1x16xf32>,
      %get3A_2853 = vector.shape_cast %get3A_2852 : vector<1x16xf32> to vector<16xf32>
      %slice3A_2854 = vector.extract_strided_slice %exp3A_2737 {offsets = [7], sizes = [1], strides = [1]} : vector<16xf32> to vector<1xf32>
      %squeeze3A_2855 = vector.extract %slice3A_2854[0] : f32 from vector<1xf32>
      %mul3A_2856 = vector.broadcast %squeeze3A_2855 : f32 to vector<16xf32>
      %mul3A_2857 = arith.mulf %get3A_2853, %mul3A_2856 : vector<16xf32>
      %swap3A_2858 = arith.constant 13 : i32
      %swap3A_2859 = arith.index_cast %swap3A_2858 : i32 to index
      %swap3A_2860 = arith.constant 112 : index
      %swap3A_2861 = tpu.vector_load %arg11[%swap3A_2859, %swap3A_2860] {strides = array<i32>} : memref<16x128xf32, #tpu.memory_space<vmem>>, vector<1x16xf32>,
      %swap3A_2862 = vector.shape_cast %swap3A_2861 : vector<1x16xf32> to vector<16xf32>
      %swap3A_2863 = vector.shape_cast %mul3A_2857 : vector<16xf32> to vector<1x16xf32>
      tpu.vector_store %arg11[%swap3A_2859, %swap3A_2860], %swap3A_2863 {strides = array<i32>} : memref<16x128xf32, #tpu.memory_space<vmem>>, vector<1x16xf32>,
      %get3A_2864 = arith.constant 14 : i32
      %get3A_2865 = arith.index_cast %get3A_2864 : i32 to index
      %get3A_2866 = arith.constant 0 : index
      %get3A_2867 = tpu.vector_load %arg9[%get3A_2865, %get3A_2866] {strides = array<i32>} : memref<16x128xf32, #tpu.memory_space<vmem>>, vector<1x16xf32>,
      %get3A_2868 = vector.shape_cast %get3A_2867 : vector<1x16xf32> to vector<16xf32>
      %get3A_2869 = arith.constant 14 : i32
      %get3A_2870 = arith.index_cast %get3A_2869 : i32 to index
      %get3A_2871 = arith.constant 0 : index
      %get3A_2872 = tpu.vector_load %arg10[%get3A_2870, %get3A_2871] {strides = array<i32>} : memref<16x128xf32, #tpu.memory_space<vmem>>, vector<1x16xf32>,
      %get3A_2873 = vector.shape_cast %get3A_2872 : vector<1x16xf32> to vector<16xf32>
      %add3A_2874 = arith.addf %get3A_2868, %get3A_2873 : vector<16xf32>
      %ge3A_2875 = arith.constant 0.000000e+00 : f32
      %ge3A_2876 = vector.broadcast %ge3A_2875 : f32 to vector<16xf32>
      %ge3A_2877 = arith.cmpf oge, %add3A_2874, %ge3A_2876 : vector<16xf32>
      %mul3A_2878 = arith.constant 2.000000e-01 : f32
      %mul3A_2879 = vector.broadcast %mul3A_2878 : f32 to vector<16xf32>
      %mul3A_2880 = arith.mulf %add3A_2874, %mul3A_2879 : vector<16xf32>
      %select_n3A_2881 = arith.select %ge3A_2877, %add3A_2874, %mul3A_2880 : vector<16xi1>, vector<16xf32>
      %exp3A_2882 = math.exp %select_n3A_2881 : vector<16xf32>
      %swap3A_2883 = arith.constant 14 : i32
      %swap3A_2884 = arith.index_cast %swap3A_2883 : i32 to index
      %swap3A_2885 = arith.constant 0 : index
      %swap3A_2886 = tpu.vector_load %arg12[%swap3A_2884, %swap3A_2885] {strides = array<i32>} : memref<16x128xf32, #tpu.memory_space<vmem>>, vector<1x16xf32>,
      %swap3A_2887 = vector.shape_cast %swap3A_2886 : vector<1x16xf32> to vector<16xf32>
      %swap3A_2888 = vector.shape_cast %exp3A_2882 : vector<16xf32> to vector<1x16xf32>
      tpu.vector_store %arg12[%swap3A_2884, %swap3A_2885], %swap3A_2888 {strides = array<i32>} : memref<16x128xf32, #tpu.memory_space<vmem>>, vector<1x16xf32>,
      %get3A_2889 = arith.constant 14 : i32
      %get3A_2890 = arith.index_cast %get3A_2889 : i32 to index
      %get3A_2891 = arith.constant 0 : index
      %get3A_2892 = tpu.vector_load %arg11[%get3A_2890, %get3A_2891] {strides = array<i32>} : memref<16x128xf32, #tpu.memory_space<vmem>>, vector<1x16xf32>,
      %get3A_2893 = vector.shape_cast %get3A_2892 : vector<1x16xf32> to vector<16xf32>
      %slice3A_2894 = vector.extract_strided_slice %exp3A_2882 {offsets = [0], sizes = [1], strides = [1]} : vector<16xf32> to vector<1xf32>
      %squeeze3A_2895 = vector.extract %slice3A_2894[0] : f32 from vector<1xf32>
      %mul3A_2896 = vector.broadcast %squeeze3A_2895 : f32 to vector<16xf32>
      %mul3A_2897 = arith.mulf %get3A_2893, %mul3A_2896 : vector<16xf32>
      %swap3A_2898 = arith.constant 14 : i32
      %swap3A_2899 = arith.index_cast %swap3A_2898 : i32 to index
      %swap3A_2900 = arith.constant 0 : index
      %swap3A_2901 = tpu.vector_load %arg11[%swap3A_2899, %swap3A_2900] {strides = array<i32>} : memref<16x128xf32, #tpu.memory_space<vmem>>, vector<1x16xf32>,
      %swap3A_2902 = vector.shape_cast %swap3A_2901 : vector<1x16xf32> to vector<16xf32>
      %swap3A_2903 = vector.shape_cast %mul3A_2897 : vector<16xf32> to vector<1x16xf32>
      tpu.vector_store %arg11[%swap3A_2899, %swap3A_2900], %swap3A_2903 {strides = array<i32>} : memref<16x128xf32, #tpu.memory_space<vmem>>, vector<1x16xf32>,
      %get3A_2904 = arith.constant 14 : i32
      %get3A_2905 = arith.index_cast %get3A_2904 : i32 to index
      %get3A_2906 = arith.constant 16 : index
      %get3A_2907 = tpu.vector_load %arg11[%get3A_2905, %get3A_2906] {strides = array<i32>} : memref<16x128xf32, #tpu.memory_space<vmem>>, vector<1x16xf32>,
      %get3A_2908 = vector.shape_cast %get3A_2907 : vector<1x16xf32> to vector<16xf32>
      %slice3A_2909 = vector.extract_strided_slice %exp3A_2882 {offsets = [1], sizes = [1], strides = [1]} : vector<16xf32> to vector<1xf32>
      %squeeze3A_2910 = vector.extract %slice3A_2909[0] : f32 from vector<1xf32>
      %mul3A_2911 = vector.broadcast %squeeze3A_2910 : f32 to vector<16xf32>
      %mul3A_2912 = arith.mulf %get3A_2908, %mul3A_2911 : vector<16xf32>
      %swap3A_2913 = arith.constant 14 : i32
      %swap3A_2914 = arith.index_cast %swap3A_2913 : i32 to index
      %swap3A_2915 = arith.constant 16 : index
      %swap3A_2916 = tpu.vector_load %arg11[%swap3A_2914, %swap3A_2915] {strides = array<i32>} : memref<16x128xf32, #tpu.memory_space<vmem>>, vector<1x16xf32>,
      %swap3A_2917 = vector.shape_cast %swap3A_2916 : vector<1x16xf32> to vector<16xf32>
      %swap3A_2918 = vector.shape_cast %mul3A_2912 : vector<16xf32> to vector<1x16xf32>
      tpu.vector_store %arg11[%swap3A_2914, %swap3A_2915], %swap3A_2918 {strides = array<i32>} : memref<16x128xf32, #tpu.memory_space<vmem>>, vector<1x16xf32>,
      %get3A_2919 = arith.constant 14 : i32
      %get3A_2920 = arith.index_cast %get3A_2919 : i32 to index
      %get3A_2921 = arith.constant 32 : index
      %get3A_2922 = tpu.vector_load %arg11[%get3A_2920, %get3A_2921] {strides = array<i32>} : memref<16x128xf32, #tpu.memory_space<vmem>>, vector<1x16xf32>,
      %get3A_2923 = vector.shape_cast %get3A_2922 : vector<1x16xf32> to vector<16xf32>
      %slice3A_2924 = vector.extract_strided_slice %exp3A_2882 {offsets = [2], sizes = [1], strides = [1]} : vector<16xf32> to vector<1xf32>
      %squeeze3A_2925 = vector.extract %slice3A_2924[0] : f32 from vector<1xf32>
      %mul3A_2926 = vector.broadcast %squeeze3A_2925 : f32 to vector<16xf32>
      %mul3A_2927 = arith.mulf %get3A_2923, %mul3A_2926 : vector<16xf32>
      %swap3A_2928 = arith.constant 14 : i32
      %swap3A_2929 = arith.index_cast %swap3A_2928 : i32 to index
      %swap3A_2930 = arith.constant 32 : index
      %swap3A_2931 = tpu.vector_load %arg11[%swap3A_2929, %swap3A_2930] {strides = array<i32>} : memref<16x128xf32, #tpu.memory_space<vmem>>, vector<1x16xf32>,
      %swap3A_2932 = vector.shape_cast %swap3A_2931 : vector<1x16xf32> to vector<16xf32>
      %swap3A_2933 = vector.shape_cast %mul3A_2927 : vector<16xf32> to vector<1x16xf32>
      tpu.vector_store %arg11[%swap3A_2929, %swap3A_2930], %swap3A_2933 {strides = array<i32>} : memref<16x128xf32, #tpu.memory_space<vmem>>, vector<1x16xf32>,
      %get3A_2934 = arith.constant 14 : i32
      %get3A_2935 = arith.index_cast %get3A_2934 : i32 to index
      %get3A_2936 = arith.constant 48 : index
      %get3A_2937 = tpu.vector_load %arg11[%get3A_2935, %get3A_2936] {strides = array<i32>} : memref<16x128xf32, #tpu.memory_space<vmem>>, vector<1x16xf32>,
      %get3A_2938 = vector.shape_cast %get3A_2937 : vector<1x16xf32> to vector<16xf32>
      %slice3A_2939 = vector.extract_strided_slice %exp3A_2882 {offsets = [3], sizes = [1], strides = [1]} : vector<16xf32> to vector<1xf32>
      %squeeze3A_2940 = vector.extract %slice3A_2939[0] : f32 from vector<1xf32>
      %mul3A_2941 = vector.broadcast %squeeze3A_2940 : f32 to vector<16xf32>
      %mul3A_2942 = arith.mulf %get3A_2938, %mul3A_2941 : vector<16xf32>
      %swap3A_2943 = arith.constant 14 : i32
      %swap3A_2944 = arith.index_cast %swap3A_2943 : i32 to index
      %swap3A_2945 = arith.constant 48 : index
      %swap3A_2946 = tpu.vector_load %arg11[%swap3A_2944, %swap3A_2945] {strides = array<i32>} : memref<16x128xf32, #tpu.memory_space<vmem>>, vector<1x16xf32>,
      %swap3A_2947 = vector.shape_cast %swap3A_2946 : vector<1x16xf32> to vector<16xf32>
      %swap3A_2948 = vector.shape_cast %mul3A_2942 : vector<16xf32> to vector<1x16xf32>
      tpu.vector_store %arg11[%swap3A_2944, %swap3A_2945], %swap3A_2948 {strides = array<i32>} : memref<16x128xf32, #tpu.memory_space<vmem>>, vector<1x16xf32>,
      %get3A_2949 = arith.constant 14 : i32
      %get3A_2950 = arith.index_cast %get3A_2949 : i32 to index
      %get3A_2951 = arith.constant 64 : index
      %get3A_2952 = tpu.vector_load %arg11[%get3A_2950, %get3A_2951] {strides = array<i32>} : memref<16x128xf32, #tpu.memory_space<vmem>>, vector<1x16xf32>,
      %get3A_2953 = vector.shape_cast %get3A_2952 : vector<1x16xf32> to vector<16xf32>
      %slice3A_2954 = vector.extract_strided_slice %exp3A_2882 {offsets = [4], sizes = [1], strides = [1]} : vector<16xf32> to vector<1xf32>
      %squeeze3A_2955 = vector.extract %slice3A_2954[0] : f32 from vector<1xf32>
      %mul3A_2956 = vector.broadcast %squeeze3A_2955 : f32 to vector<16xf32>
      %mul3A_2957 = arith.mulf %get3A_2953, %mul3A_2956 : vector<16xf32>
      %swap3A_2958 = arith.constant 14 : i32
      %swap3A_2959 = arith.index_cast %swap3A_2958 : i32 to index
      %swap3A_2960 = arith.constant 64 : index
      %swap3A_2961 = tpu.vector_load %arg11[%swap3A_2959, %swap3A_2960] {strides = array<i32>} : memref<16x128xf32, #tpu.memory_space<vmem>>, vector<1x16xf32>,
      %swap3A_2962 = vector.shape_cast %swap3A_2961 : vector<1x16xf32> to vector<16xf32>
      %swap3A_2963 = vector.shape_cast %mul3A_2957 : vector<16xf32> to vector<1x16xf32>
      tpu.vector_store %arg11[%swap3A_2959, %swap3A_2960], %swap3A_2963 {strides = array<i32>} : memref<16x128xf32, #tpu.memory_space<vmem>>, vector<1x16xf32>,
      %get3A_2964 = arith.constant 14 : i32
      %get3A_2965 = arith.index_cast %get3A_2964 : i32 to index
      %get3A_2966 = arith.constant 80 : index
      %get3A_2967 = tpu.vector_load %arg11[%get3A_2965, %get3A_2966] {strides = array<i32>} : memref<16x128xf32, #tpu.memory_space<vmem>>, vector<1x16xf32>,
      %get3A_2968 = vector.shape_cast %get3A_2967 : vector<1x16xf32> to vector<16xf32>
      %slice3A_2969 = vector.extract_strided_slice %exp3A_2882 {offsets = [5], sizes = [1], strides = [1]} : vector<16xf32> to vector<1xf32>
      %squeeze3A_2970 = vector.extract %slice3A_2969[0] : f32 from vector<1xf32>
      %mul3A_2971 = vector.broadcast %squeeze3A_2970 : f32 to vector<16xf32>
      %mul3A_2972 = arith.mulf %get3A_2968, %mul3A_2971 : vector<16xf32>
      %swap3A_2973 = arith.constant 14 : i32
      %swap3A_2974 = arith.index_cast %swap3A_2973 : i32 to index
      %swap3A_2975 = arith.constant 80 : index
      %swap3A_2976 = tpu.vector_load %arg11[%swap3A_2974, %swap3A_2975] {strides = array<i32>} : memref<16x128xf32, #tpu.memory_space<vmem>>, vector<1x16xf32>,
      %swap3A_2977 = vector.shape_cast %swap3A_2976 : vector<1x16xf32> to vector<16xf32>
      %swap3A_2978 = vector.shape_cast %mul3A_2972 : vector<16xf32> to vector<1x16xf32>
      tpu.vector_store %arg11[%swap3A_2974, %swap3A_2975], %swap3A_2978 {strides = array<i32>} : memref<16x128xf32, #tpu.memory_space<vmem>>, vector<1x16xf32>,
      %get3A_2979 = arith.constant 14 : i32
      %get3A_2980 = arith.index_cast %get3A_2979 : i32 to index
      %get3A_2981 = arith.constant 96 : index
      %get3A_2982 = tpu.vector_load %arg11[%get3A_2980, %get3A_2981] {strides = array<i32>} : memref<16x128xf32, #tpu.memory_space<vmem>>, vector<1x16xf32>,
      %get3A_2983 = vector.shape_cast %get3A_2982 : vector<1x16xf32> to vector<16xf32>
      %slice3A_2984 = vector.extract_strided_slice %exp3A_2882 {offsets = [6], sizes = [1], strides = [1]} : vector<16xf32> to vector<1xf32>
      %squeeze3A_2985 = vector.extract %slice3A_2984[0] : f32 from vector<1xf32>
      %mul3A_2986 = vector.broadcast %squeeze3A_2985 : f32 to vector<16xf32>
      %mul3A_2987 = arith.mulf %get3A_2983, %mul3A_2986 : vector<16xf32>
      %swap3A_2988 = arith.constant 14 : i32
      %swap3A_2989 = arith.index_cast %swap3A_2988 : i32 to index
      %swap3A_2990 = arith.constant 96 : index
      %swap3A_2991 = tpu.vector_load %arg11[%swap3A_2989, %swap3A_2990] {strides = array<i32>} : memref<16x128xf32, #tpu.memory_space<vmem>>, vector<1x16xf32>,
      %swap3A_2992 = vector.shape_cast %swap3A_2991 : vector<1x16xf32> to vector<16xf32>
      %swap3A_2993 = vector.shape_cast %mul3A_2987 : vector<16xf32> to vector<1x16xf32>
      tpu.vector_store %arg11[%swap3A_2989, %swap3A_2990], %swap3A_2993 {strides = array<i32>} : memref<16x128xf32, #tpu.memory_space<vmem>>, vector<1x16xf32>,
      %get3A_2994 = arith.constant 14 : i32
      %get3A_2995 = arith.index_cast %get3A_2994 : i32 to index
      %get3A_2996 = arith.constant 112 : index
      %get3A_2997 = tpu.vector_load %arg11[%get3A_2995, %get3A_2996] {strides = array<i32>} : memref<16x128xf32, #tpu.memory_space<vmem>>, vector<1x16xf32>,
      %get3A_2998 = vector.shape_cast %get3A_2997 : vector<1x16xf32> to vector<16xf32>
      %slice3A_2999 = vector.extract_strided_slice %exp3A_2882 {offsets = [7], sizes = [1], strides = [1]} : vector<16xf32> to vector<1xf32>
      %squeeze3A_3000 = vector.extract %slice3A_2999[0] : f32 from vector<1xf32>
      %mul3A_3001 = vector.broadcast %squeeze3A_3000 : f32 to vector<16xf32>
      %mul3A_3002 = arith.mulf %get3A_2998, %mul3A_3001 : vector<16xf32>
      %swap3A_3003 = arith.constant 14 : i32
      %swap3A_3004 = arith.index_cast %swap3A_3003 : i32 to index
      %swap3A_3005 = arith.constant 112 : index
      %swap3A_3006 = tpu.vector_load %arg11[%swap3A_3004, %swap3A_3005] {strides = array<i32>} : memref<16x128xf32, #tpu.memory_space<vmem>>, vector<1x16xf32>,
      %swap3A_3007 = vector.shape_cast %swap3A_3006 : vector<1x16xf32> to vector<16xf32>
      %swap3A_3008 = vector.shape_cast %mul3A_3002 : vector<16xf32> to vector<1x16xf32>
      tpu.vector_store %arg11[%swap3A_3004, %swap3A_3005], %swap3A_3008 {strides = array<i32>} : memref<16x128xf32, #tpu.memory_space<vmem>>, vector<1x16xf32>,
      %get3A_3009 = arith.constant 15 : i32
      %get3A_3010 = arith.index_cast %get3A_3009 : i32 to index
      %get3A_3011 = arith.constant 0 : index
      %get3A_3012 = tpu.vector_load %arg9[%get3A_3010, %get3A_3011] {strides = array<i32>} : memref<16x128xf32, #tpu.memory_space<vmem>>, vector<1x16xf32>,
      %get3A_3013 = vector.shape_cast %get3A_3012 : vector<1x16xf32> to vector<16xf32>
      %get3A_3014 = arith.constant 15 : i32
      %get3A_3015 = arith.index_cast %get3A_3014 : i32 to index
      %get3A_3016 = arith.constant 0 : index
      %get3A_3017 = tpu.vector_load %arg10[%get3A_3015, %get3A_3016] {strides = array<i32>} : memref<16x128xf32, #tpu.memory_space<vmem>>, vector<1x16xf32>,
      %get3A_3018 = vector.shape_cast %get3A_3017 : vector<1x16xf32> to vector<16xf32>
      %add3A_3019 = arith.addf %get3A_3013, %get3A_3018 : vector<16xf32>
      %ge3A_3020 = arith.constant 0.000000e+00 : f32
      %ge3A_3021 = vector.broadcast %ge3A_3020 : f32 to vector<16xf32>
      %ge3A_3022 = arith.cmpf oge, %add3A_3019, %ge3A_3021 : vector<16xf32>
      %mul3A_3023 = arith.constant 2.000000e-01 : f32
      %mul3A_3024 = vector.broadcast %mul3A_3023 : f32 to vector<16xf32>
      %mul3A_3025 = arith.mulf %add3A_3019, %mul3A_3024 : vector<16xf32>
      %select_n3A_3026 = arith.select %ge3A_3022, %add3A_3019, %mul3A_3025 : vector<16xi1>, vector<16xf32>
      %exp3A_3027 = math.exp %select_n3A_3026 : vector<16xf32>
      %swap3A_3028 = arith.constant 15 : i32
      %swap3A_3029 = arith.index_cast %swap3A_3028 : i32 to index
      %swap3A_3030 = arith.constant 0 : index
      %swap3A_3031 = tpu.vector_load %arg12[%swap3A_3029, %swap3A_3030] {strides = array<i32>} : memref<16x128xf32, #tpu.memory_space<vmem>>, vector<1x16xf32>,
      %swap3A_3032 = vector.shape_cast %swap3A_3031 : vector<1x16xf32> to vector<16xf32>
      %swap3A_3033 = vector.shape_cast %exp3A_3027 : vector<16xf32> to vector<1x16xf32>
      tpu.vector_store %arg12[%swap3A_3029, %swap3A_3030], %swap3A_3033 {strides = array<i32>} : memref<16x128xf32, #tpu.memory_space<vmem>>, vector<1x16xf32>,
      %get3A_3034 = arith.constant 15 : i32
      %get3A_3035 = arith.index_cast %get3A_3034 : i32 to index
      %get3A_3036 = arith.constant 0 : index
      %get3A_3037 = tpu.vector_load %arg11[%get3A_3035, %get3A_3036] {strides = array<i32>} : memref<16x128xf32, #tpu.memory_space<vmem>>, vector<1x16xf32>,
      %get3A_3038 = vector.shape_cast %get3A_3037 : vector<1x16xf32> to vector<16xf32>
      %slice3A_3039 = vector.extract_strided_slice %exp3A_3027 {offsets = [0], sizes = [1], strides = [1]} : vector<16xf32> to vector<1xf32>
      %squeeze3A_3040 = vector.extract %slice3A_3039[0] : f32 from vector<1xf32>
      %mul3A_3041 = vector.broadcast %squeeze3A_3040 : f32 to vector<16xf32>
      %mul3A_3042 = arith.mulf %get3A_3038, %mul3A_3041 : vector<16xf32>
      %swap3A_3043 = arith.constant 15 : i32
      %swap3A_3044 = arith.index_cast %swap3A_3043 : i32 to index
      %swap3A_3045 = arith.constant 0 : index
      %swap3A_3046 = tpu.vector_load %arg11[%swap3A_3044, %swap3A_3045] {strides = array<i32>} : memref<16x128xf32, #tpu.memory_space<vmem>>, vector<1x16xf32>,
      %swap3A_3047 = vector.shape_cast %swap3A_3046 : vector<1x16xf32> to vector<16xf32>
      %swap3A_3048 = vector.shape_cast %mul3A_3042 : vector<16xf32> to vector<1x16xf32>
      tpu.vector_store %arg11[%swap3A_3044, %swap3A_3045], %swap3A_3048 {strides = array<i32>} : memref<16x128xf32, #tpu.memory_space<vmem>>, vector<1x16xf32>,
      %get3A_3049 = arith.constant 15 : i32
      %get3A_3050 = arith.index_cast %get3A_3049 : i32 to index
      %get3A_3051 = arith.constant 16 : index
      %get3A_3052 = tpu.vector_load %arg11[%get3A_3050, %get3A_3051] {strides = array<i32>} : memref<16x128xf32, #tpu.memory_space<vmem>>, vector<1x16xf32>,
      %get3A_3053 = vector.shape_cast %get3A_3052 : vector<1x16xf32> to vector<16xf32>
      %slice3A_3054 = vector.extract_strided_slice %exp3A_3027 {offsets = [1], sizes = [1], strides = [1]} : vector<16xf32> to vector<1xf32>
      %squeeze3A_3055 = vector.extract %slice3A_3054[0] : f32 from vector<1xf32>
      %mul3A_3056 = vector.broadcast %squeeze3A_3055 : f32 to vector<16xf32>
      %mul3A_3057 = arith.mulf %get3A_3053, %mul3A_3056 : vector<16xf32>
      %swap3A_3058 = arith.constant 15 : i32
      %swap3A_3059 = arith.index_cast %swap3A_3058 : i32 to index
      %swap3A_3060 = arith.constant 16 : index
      %swap3A_3061 = tpu.vector_load %arg11[%swap3A_3059, %swap3A_3060] {strides = array<i32>} : memref<16x128xf32, #tpu.memory_space<vmem>>, vector<1x16xf32>,
      %swap3A_3062 = vector.shape_cast %swap3A_3061 : vector<1x16xf32> to vector<16xf32>
      %swap3A_3063 = vector.shape_cast %mul3A_3057 : vector<16xf32> to vector<1x16xf32>
      tpu.vector_store %arg11[%swap3A_3059, %swap3A_3060], %swap3A_3063 {strides = array<i32>} : memref<16x128xf32, #tpu.memory_space<vmem>>, vector<1x16xf32>,
      %get3A_3064 = arith.constant 15 : i32
      %get3A_3065 = arith.index_cast %get3A_3064 : i32 to index
      %get3A_3066 = arith.constant 32 : index
      %get3A_3067 = tpu.vector_load %arg11[%get3A_3065, %get3A_3066] {strides = array<i32>} : memref<16x128xf32, #tpu.memory_space<vmem>>, vector<1x16xf32>,
      %get3A_3068 = vector.shape_cast %get3A_3067 : vector<1x16xf32> to vector<16xf32>
      %slice3A_3069 = vector.extract_strided_slice %exp3A_3027 {offsets = [2], sizes = [1], strides = [1]} : vector<16xf32> to vector<1xf32>
      %squeeze3A_3070 = vector.extract %slice3A_3069[0] : f32 from vector<1xf32>
      %mul3A_3071 = vector.broadcast %squeeze3A_3070 : f32 to vector<16xf32>
      %mul3A_3072 = arith.mulf %get3A_3068, %mul3A_3071 : vector<16xf32>
      %swap3A_3073 = arith.constant 15 : i32
      %swap3A_3074 = arith.index_cast %swap3A_3073 : i32 to index
      %swap3A_3075 = arith.constant 32 : index
      %swap3A_3076 = tpu.vector_load %arg11[%swap3A_3074, %swap3A_3075] {strides = array<i32>} : memref<16x128xf32, #tpu.memory_space<vmem>>, vector<1x16xf32>,
      %swap3A_3077 = vector.shape_cast %swap3A_3076 : vector<1x16xf32> to vector<16xf32>
      %swap3A_3078 = vector.shape_cast %mul3A_3072 : vector<16xf32> to vector<1x16xf32>
      tpu.vector_store %arg11[%swap3A_3074, %swap3A_3075], %swap3A_3078 {strides = array<i32>} : memref<16x128xf32, #tpu.memory_space<vmem>>, vector<1x16xf32>,
      %get3A_3079 = arith.constant 15 : i32
      %get3A_3080 = arith.index_cast %get3A_3079 : i32 to index
      %get3A_3081 = arith.constant 48 : index
      %get3A_3082 = tpu.vector_load %arg11[%get3A_3080, %get3A_3081] {strides = array<i32>} : memref<16x128xf32, #tpu.memory_space<vmem>>, vector<1x16xf32>,
      %get3A_3083 = vector.shape_cast %get3A_3082 : vector<1x16xf32> to vector<16xf32>
      %slice3A_3084 = vector.extract_strided_slice %exp3A_3027 {offsets = [3], sizes = [1], strides = [1]} : vector<16xf32> to vector<1xf32>
      %squeeze3A_3085 = vector.extract %slice3A_3084[0] : f32 from vector<1xf32>
      %mul3A_3086 = vector.broadcast %squeeze3A_3085 : f32 to vector<16xf32>
      %mul3A_3087 = arith.mulf %get3A_3083, %mul3A_3086 : vector<16xf32>
      %swap3A_3088 = arith.constant 15 : i32
      %swap3A_3089 = arith.index_cast %swap3A_3088 : i32 to index
      %swap3A_3090 = arith.constant 48 : index
      %swap3A_3091 = tpu.vector_load %arg11[%swap3A_3089, %swap3A_3090] {strides = array<i32>} : memref<16x128xf32, #tpu.memory_space<vmem>>, vector<1x16xf32>,
      %swap3A_3092 = vector.shape_cast %swap3A_3091 : vector<1x16xf32> to vector<16xf32>
      %swap3A_3093 = vector.shape_cast %mul3A_3087 : vector<16xf32> to vector<1x16xf32>
      tpu.vector_store %arg11[%swap3A_3089, %swap3A_3090], %swap3A_3093 {strides = array<i32>} : memref<16x128xf32, #tpu.memory_space<vmem>>, vector<1x16xf32>,
      %get3A_3094 = arith.constant 15 : i32
      %get3A_3095 = arith.index_cast %get3A_3094 : i32 to index
      %get3A_3096 = arith.constant 64 : index
      %get3A_3097 = tpu.vector_load %arg11[%get3A_3095, %get3A_3096] {strides = array<i32>} : memref<16x128xf32, #tpu.memory_space<vmem>>, vector<1x16xf32>,
      %get3A_3098 = vector.shape_cast %get3A_3097 : vector<1x16xf32> to vector<16xf32>
      %slice3A_3099 = vector.extract_strided_slice %exp3A_3027 {offsets = [4], sizes = [1], strides = [1]} : vector<16xf32> to vector<1xf32>
      %squeeze3A_3100 = vector.extract %slice3A_3099[0] : f32 from vector<1xf32>
      %mul3A_3101 = vector.broadcast %squeeze3A_3100 : f32 to vector<16xf32>
      %mul3A_3102 = arith.mulf %get3A_3098, %mul3A_3101 : vector<16xf32>
      %swap3A_3103 = arith.constant 15 : i32
      %swap3A_3104 = arith.index_cast %swap3A_3103 : i32 to index
      %swap3A_3105 = arith.constant 64 : index
      %swap3A_3106 = tpu.vector_load %arg11[%swap3A_3104, %swap3A_3105] {strides = array<i32>} : memref<16x128xf32, #tpu.memory_space<vmem>>, vector<1x16xf32>,
      %swap3A_3107 = vector.shape_cast %swap3A_3106 : vector<1x16xf32> to vector<16xf32>
      %swap3A_3108 = vector.shape_cast %mul3A_3102 : vector<16xf32> to vector<1x16xf32>
      tpu.vector_store %arg11[%swap3A_3104, %swap3A_3105], %swap3A_3108 {strides = array<i32>} : memref<16x128xf32, #tpu.memory_space<vmem>>, vector<1x16xf32>,
      %get3A_3109 = arith.constant 15 : i32
      %get3A_3110 = arith.index_cast %get3A_3109 : i32 to index
      %get3A_3111 = arith.constant 80 : index
      %get3A_3112 = tpu.vector_load %arg11[%get3A_3110, %get3A_3111] {strides = array<i32>} : memref<16x128xf32, #tpu.memory_space<vmem>>, vector<1x16xf32>,
      %get3A_3113 = vector.shape_cast %get3A_3112 : vector<1x16xf32> to vector<16xf32>
      %slice3A_3114 = vector.extract_strided_slice %exp3A_3027 {offsets = [5], sizes = [1], strides = [1]} : vector<16xf32> to vector<1xf32>
      %squeeze3A_3115 = vector.extract %slice3A_3114[0] : f32 from vector<1xf32>
      %mul3A_3116 = vector.broadcast %squeeze3A_3115 : f32 to vector<16xf32>
      %mul3A_3117 = arith.mulf %get3A_3113, %mul3A_3116 : vector<16xf32>
      %swap3A_3118 = arith.constant 15 : i32
      %swap3A_3119 = arith.index_cast %swap3A_3118 : i32 to index
      %swap3A_3120 = arith.constant 80 : index
      %swap3A_3121 = tpu.vector_load %arg11[%swap3A_3119, %swap3A_3120] {strides = array<i32>} : memref<16x128xf32, #tpu.memory_space<vmem>>, vector<1x16xf32>,
      %swap3A_3122 = vector.shape_cast %swap3A_3121 : vector<1x16xf32> to vector<16xf32>
      %swap3A_3123 = vector.shape_cast %mul3A_3117 : vector<16xf32> to vector<1x16xf32>
      tpu.vector_store %arg11[%swap3A_3119, %swap3A_3120], %swap3A_3123 {strides = array<i32>} : memref<16x128xf32, #tpu.memory_space<vmem>>, vector<1x16xf32>,
      %get3A_3124 = arith.constant 15 : i32
      %get3A_3125 = arith.index_cast %get3A_3124 : i32 to index
      %get3A_3126 = arith.constant 96 : index
      %get3A_3127 = tpu.vector_load %arg11[%get3A_3125, %get3A_3126] {strides = array<i32>} : memref<16x128xf32, #tpu.memory_space<vmem>>, vector<1x16xf32>,
      %get3A_3128 = vector.shape_cast %get3A_3127 : vector<1x16xf32> to vector<16xf32>
      %slice3A_3129 = vector.extract_strided_slice %exp3A_3027 {offsets = [6], sizes = [1], strides = [1]} : vector<16xf32> to vector<1xf32>
      %squeeze3A_3130 = vector.extract %slice3A_3129[0] : f32 from vector<1xf32>
      %mul3A_3131 = vector.broadcast %squeeze3A_3130 : f32 to vector<16xf32>
      %mul3A_3132 = arith.mulf %get3A_3128, %mul3A_3131 : vector<16xf32>
      %swap3A_3133 = arith.constant 15 : i32
      %swap3A_3134 = arith.index_cast %swap3A_3133 : i32 to index
      %swap3A_3135 = arith.constant 96 : index
      %swap3A_3136 = tpu.vector_load %arg11[%swap3A_3134, %swap3A_3135] {strides = array<i32>} : memref<16x128xf32, #tpu.memory_space<vmem>>, vector<1x16xf32>,
      %swap3A_3137 = vector.shape_cast %swap3A_3136 : vector<1x16xf32> to vector<16xf32>
      %swap3A_3138 = vector.shape_cast %mul3A_3132 : vector<16xf32> to vector<1x16xf32>
      tpu.vector_store %arg11[%swap3A_3134, %swap3A_3135], %swap3A_3138 {strides = array<i32>} : memref<16x128xf32, #tpu.memory_space<vmem>>, vector<1x16xf32>,
      %get3A_3139 = arith.constant 15 : i32
      %get3A_3140 = arith.index_cast %get3A_3139 : i32 to index
      %get3A_3141 = arith.constant 112 : index
      %get3A_3142 = tpu.vector_load %arg11[%get3A_3140, %get3A_3141] {strides = array<i32>} : memref<16x128xf32, #tpu.memory_space<vmem>>, vector<1x16xf32>,
      %get3A_3143 = vector.shape_cast %get3A_3142 : vector<1x16xf32> to vector<16xf32>
      %slice3A_3144 = vector.extract_strided_slice %exp3A_3027 {offsets = [7], sizes = [1], strides = [1]} : vector<16xf32> to vector<1xf32>
      %squeeze3A_3145 = vector.extract %slice3A_3144[0] : f32 from vector<1xf32>
      %mul3A_3146 = vector.broadcast %squeeze3A_3145 : f32 to vector<16xf32>
      %mul3A_3147 = arith.mulf %get3A_3143, %mul3A_3146 : vector<16xf32>
      %swap3A_3148 = arith.constant 15 : i32
      %swap3A_3149 = arith.index_cast %swap3A_3148 : i32 to index
      %swap3A_3150 = arith.constant 112 : index
      %swap3A_3151 = tpu.vector_load %arg11[%swap3A_3149, %swap3A_3150] {strides = array<i32>} : memref<16x128xf32, #tpu.memory_space<vmem>>, vector<1x16xf32>,
      %swap3A_3152 = vector.shape_cast %swap3A_3151 : vector<1x16xf32> to vector<16xf32>
      %swap3A_3153 = vector.shape_cast %mul3A_3147 : vector<16xf32> to vector<1x16xf32>
      tpu.vector_store %arg11[%swap3A_3149, %swap3A_3150], %swap3A_3153 {strides = array<i32>} : memref<16x128xf32, #tpu.memory_space<vmem>>, vector<1x16xf32>,
      "tpu.region"() ({
        %run_scoped3A = tpu.sem_alloc : memref<!tpu.dma_semaphore, #tpu.memory_space<semaphore_mem>>
        %dma_start3A_3155 = arith.constant 0 : i32
        %dma_start3A_3156 = arith.constant 0 : i32
        %dma_start3A_3157 = tpu.memref_slice %arg19[%dma_start3A_3155, %dma_start3A_3156] : memref<5128x128xf32, #tpu.memory_space<vmem_shared>> -> memref<5128x128xf32, #tpu.memory_space<vmem_shared>>
        tpu.enqueue_indirect_dma source(%arg12 : memref<16x128xf32, #tpu.memory_space<vmem>>) target(%dma_start3A_3157 : memref<5128x128xf32, #tpu.memory_space<vmem_shared>>) offsets(%arg16 : memref<16xi32, #tpu.memory_space<vmem>>) semaphore(%run_scoped3A : memref<!tpu.dma_semaphore, #tpu.memory_space<semaphore_mem>>) {add = true}
        %dma_wait3A_3158 = arith.constant 0 : i32
        %dma_wait3A_3159 = arith.constant 0 : i32
        %dma_wait3A_3160 = tpu.memref_slice %arg19[%dma_wait3A_3158, %dma_wait3A_3159] : memref<5128x128xf32, #tpu.memory_space<vmem_shared>> -> memref<5128x128xf32, #tpu.memory_space<vmem_shared>>
        tpu.wait_indirect_dma semaphore(%run_scoped3A : memref<!tpu.dma_semaphore, #tpu.memory_space<semaphore_mem>>) src(%arg12 : memref<16x128xf32, #tpu.memory_space<vmem>>) dst(%dma_wait3A_3160 : memref<5128x128xf32, #tpu.memory_space<vmem_shared>>)
        tpu.yield
      }) : () -> ()
      "tpu.region"() ({
        %run_scoped3A = tpu.sem_alloc : memref<!tpu.dma_semaphore, #tpu.memory_space<semaphore_mem>>
        %dma_start3A_3155 = arith.constant 0 : i32
        %dma_start3A_3156 = arith.constant 0 : i32
        %dma_start3A_3157 = tpu.memref_slice %arg18[%dma_start3A_3155, %dma_start3A_3156] : memref<5128x128xf32, #tpu.memory_space<vmem_shared>> -> memref<5128x128xf32, #tpu.memory_space<vmem_shared>>
        tpu.enqueue_indirect_dma source(%arg11 : memref<16x128xf32, #tpu.memory_space<vmem>>) target(%dma_start3A_3157 : memref<5128x128xf32, #tpu.memory_space<vmem_shared>>) offsets(%arg16 : memref<16xi32, #tpu.memory_space<vmem>>) semaphore(%run_scoped3A : memref<!tpu.dma_semaphore, #tpu.memory_space<semaphore_mem>>) {add = true}
        %dma_wait3A_3158 = arith.constant 0 : i32
        %dma_wait3A_3159 = arith.constant 0 : i32
        %dma_wait3A_3160 = tpu.memref_slice %arg18[%dma_wait3A_3158, %dma_wait3A_3159] : memref<5128x128xf32, #tpu.memory_space<vmem_shared>> -> memref<5128x128xf32, #tpu.memory_space<vmem_shared>>
        tpu.wait_indirect_dma semaphore(%run_scoped3A : memref<!tpu.dma_semaphore, #tpu.memory_space<semaphore_mem>>) src(%arg11 : memref<16x128xf32, #tpu.memory_space<vmem>>) dst(%dma_wait3A_3160 : memref<5128x128xf32, #tpu.memory_space<vmem_shared>>)
        tpu.yield
      }) : () -> ()
      %scan3A_3154 = arith.constant 0 : i32
      scf.yield %scan3A_3154 : i32
    }
    %scan3A_796 = arith.constant 1296 : i32
    %barrier3A_797 = arith.constant 0 : index
    tpu.barrier barrier_id(%barrier3A_797)
    %mul3A_798 = arith.constant 5120 : i32
    %mul3A_799 = arith.muli %arg0, %mul3A_798 : i32
    %add3A_800 = arith.addi %mul3A_799, %mul3A_2 : i32
    "tpu.region"() ({
      %run_scoped3A = tpu.sem_alloc : memref<!tpu.dma_semaphore, #tpu.memory_space<semaphore_mem>>
      %dma_start3A = arith.constant 0 : i32
      %dma_start3A_804 = tpu.memref_slice %arg7[%add3A_800, %dma_start3A] : memref<10240x128xf32, #tpu.memory_space<hbm>> -> memref<320x128xf32, #tpu.memory_space<hbm>>
      %dma_start3A_805 = arith.constant 0 : i32
      %dma_start3A_806 = tpu.memref_slice %arg18[%mul3A_2, %dma_start3A_805] : memref<5128x128xf32, #tpu.memory_space<vmem_shared>> -> memref<320x128xf32, #tpu.memory_space<vmem_shared>>
      tpu.enqueue_dma source(%dma_start3A_806 : memref<320x128xf32, #tpu.memory_space<vmem_shared>>) target(%dma_start3A_804 : memref<320x128xf32, #tpu.memory_space<hbm>>) target_semaphore(%run_scoped3A : memref<!tpu.dma_semaphore, #tpu.memory_space<semaphore_mem>>)
      %dma_wait3A = arith.constant 0 : i32
      %dma_wait3A_807 = tpu.memref_slice %arg7[%add3A_800, %dma_wait3A] : memref<10240x128xf32, #tpu.memory_space<hbm>> -> memref<320x128xf32, #tpu.memory_space<hbm>>
      %dma_wait3A_808 = arith.constant 0 : i32
      %dma_wait3A_809 = tpu.memref_slice %arg18[%mul3A_2, %dma_wait3A_808] : memref<5128x128xf32, #tpu.memory_space<vmem_shared>> -> memref<320x128xf32, #tpu.memory_space<vmem_shared>>
      tpu.wait_dma2 semaphore(%run_scoped3A : memref<!tpu.dma_semaphore, #tpu.memory_space<semaphore_mem>>) src(%dma_wait3A_809 : memref<320x128xf32, #tpu.memory_space<vmem_shared>>) dst(%dma_wait3A_807 : memref<320x128xf32, #tpu.memory_space<hbm>>)
      tpu.yield
    }) : () -> ()
    %mul3A_801 = arith.constant 5120 : i32
    %mul3A_802 = arith.muli %arg0, %mul3A_801 : i32
    %add3A_803 = arith.addi %mul3A_802, %mul3A_2 : i32
    "tpu.region"() ({
      %run_scoped3A = tpu.sem_alloc : memref<!tpu.dma_semaphore, #tpu.memory_space<semaphore_mem>>
      %dma_start3A = arith.constant 0 : i32
      %dma_start3A_804 = tpu.memref_slice %arg8[%add3A_803, %dma_start3A] : memref<10240x128xf32, #tpu.memory_space<hbm>> -> memref<320x128xf32, #tpu.memory_space<hbm>>
      %dma_start3A_805 = arith.constant 0 : i32
      %dma_start3A_806 = tpu.memref_slice %arg19[%mul3A_2, %dma_start3A_805] : memref<5128x128xf32, #tpu.memory_space<vmem_shared>> -> memref<320x128xf32, #tpu.memory_space<vmem_shared>>
      tpu.enqueue_dma source(%dma_start3A_806 : memref<320x128xf32, #tpu.memory_space<vmem_shared>>) target(%dma_start3A_804 : memref<320x128xf32, #tpu.memory_space<hbm>>) target_semaphore(%run_scoped3A : memref<!tpu.dma_semaphore, #tpu.memory_space<semaphore_mem>>)
      %dma_wait3A = arith.constant 0 : i32
      %dma_wait3A_807 = tpu.memref_slice %arg8[%add3A_803, %dma_wait3A] : memref<10240x128xf32, #tpu.memory_space<hbm>> -> memref<320x128xf32, #tpu.memory_space<hbm>>
      %dma_wait3A_808 = arith.constant 0 : i32
      %dma_wait3A_809 = tpu.memref_slice %arg19[%mul3A_2, %dma_wait3A_808] : memref<5128x128xf32, #tpu.memory_space<vmem_shared>> -> memref<320x128xf32, #tpu.memory_space<vmem_shared>>
      tpu.wait_dma2 semaphore(%run_scoped3A : memref<!tpu.dma_semaphore, #tpu.memory_space<semaphore_mem>>) src(%dma_wait3A_809 : memref<320x128xf32, #tpu.memory_space<vmem_shared>>) dst(%dma_wait3A_807 : memref<320x128xf32, #tpu.memory_space<hbm>>)
      tpu.yield
    }) : () -> ()
    return
  }
}

module attributes {stable_mosaic.version = 14 : i64} {
  func.func @_qkv_body(%arg0: i32, %arg1: memref<1000x128xf32, #tpu.memory_space<vmem>>, %arg2: memref<128x128xf32, #tpu.memory_space<vmem>>, %arg3: memref<1x128xf32, #tpu.memory_space<vmem>>, %arg4: memref<128x128xf32, #tpu.memory_space<vmem>>, %arg5: memref<1x128xf32, #tpu.memory_space<vmem>>, %arg6: memref<128x128xf32, #tpu.memory_space<vmem>>, %arg7: memref<1x128xf32, #tpu.memory_space<vmem>>, %arg8: memref<128x128xf32, #tpu.memory_space<vmem>>, %arg9: memref<1000x128xf32, #tpu.memory_space<vmem>>, %arg10: memref<1000x128xf32, #tpu.memory_space<vmem>>) attributes {dimension_semantics = [#tpu.dimension_semantics<arbitrary>], iteration_bounds = array<i64: 10>, scalar_prefetch = 0 : i64, scratch_operands = 0 : i64, tpu.core_type = #tpu.core_type<tc>, window_params = [{transform_indices = @transform_0, window_bounds = array<i64: 1000, 128>}, {pipeline_mode = #tpu.pipeline_mode<synchronous>, transform_indices = @transform_1, window_bounds = array<i64: 128, 128>}, {pipeline_mode = #tpu.pipeline_mode<synchronous>, transform_indices = @transform_2, window_bounds = array<i64: 1, 128>}, {pipeline_mode = #tpu.pipeline_mode<synchronous>, transform_indices = @transform_3, window_bounds = array<i64: 128, 128>}, {pipeline_mode = #tpu.pipeline_mode<synchronous>, transform_indices = @transform_4, window_bounds = array<i64: 1, 128>}, {pipeline_mode = #tpu.pipeline_mode<synchronous>, transform_indices = @transform_5, window_bounds = array<i64: 128, 128>}, {pipeline_mode = #tpu.pipeline_mode<synchronous>, transform_indices = @transform_6, window_bounds = array<i64: 1, 128>}, {pipeline_mode = #tpu.pipeline_mode<synchronous>, transform_indices = @transform_7, window_bounds = array<i64: 128, 128>}, {transform_indices = @transform_8, window_bounds = array<i64: 1000, 128>}, {transform_indices = @transform_9, window_bounds = array<i64: 1000, 128>}]} {
    %get3A = arith.constant 0 : index
    %get3A_0 = arith.constant 0 : index
    %get3A_1 = vector.load %arg1[%get3A, %get3A_0] : memref<1000x128xf32, #tpu.memory_space<vmem>>, vector<1000x128xf32>
    %get3A_2 = arith.constant 0 : index
    %get3A_3 = arith.constant 0 : index
    %get3A_4 = vector.load %arg2[%get3A_2, %get3A_3] : memref<128x128xf32, #tpu.memory_space<vmem>>, vector<128x128xf32>
    %dot_general3A = arith.constant dense<0.000000e+00> : vector<1000x128xf32>
    %dot_general3A_5 = tpu.matmul %get3A_1, %get3A_4, %dot_general3A {dimension_numbers = #tpu.dot_dimension_numbers<[1], [0], [0], [1], [0, 0, 1, 1], [], []>, transpose_lhs_hint = false} : vector<1000x128xf32>, vector<128x128xf32>, vector<1000x128xf32> -> vector<1000x128xf32>
    %get3A_6 = arith.constant 0 : index
    %get3A_7 = arith.constant 0 : index
    %get3A_8 = vector.load %arg3[%get3A_6, %get3A_7] : memref<1x128xf32, #tpu.memory_space<vmem>>, vector<1x128xf32>
    %add3A = vector.broadcast %get3A_8 : vector<1x128xf32> to vector<1000x128xf32>
    %add3A_9 = arith.addf %dot_general3A_5, %add3A : vector<1000x128xf32>
    %get3A_10 = arith.constant 0 : index
    %get3A_11 = arith.constant 0 : index
    %get3A_12 = vector.load %arg4[%get3A_10, %get3A_11] : memref<128x128xf32, #tpu.memory_space<vmem>>, vector<128x128xf32>
    %dot_general3A_13 = arith.constant dense<0.000000e+00> : vector<1000x128xf32>
    %dot_general3A_14 = tpu.matmul %get3A_1, %get3A_12, %dot_general3A_13 {dimension_numbers = #tpu.dot_dimension_numbers<[1], [0], [0], [1], [0, 0, 1, 1], [], []>, transpose_lhs_hint = false} : vector<1000x128xf32>, vector<128x128xf32>, vector<1000x128xf32> -> vector<1000x128xf32>
    %get3A_15 = arith.constant 0 : index
    %get3A_16 = arith.constant 0 : index
    %get3A_17 = vector.load %arg5[%get3A_15, %get3A_16] : memref<1x128xf32, #tpu.memory_space<vmem>>, vector<1x128xf32>
    %add3A_18 = vector.broadcast %get3A_17 : vector<1x128xf32> to vector<1000x128xf32>
    %add3A_19 = arith.addf %dot_general3A_14, %add3A_18 : vector<1000x128xf32>
    %get3A_20 = arith.constant 0 : index
    %get3A_21 = arith.constant 0 : index
    %get3A_22 = vector.load %arg6[%get3A_20, %get3A_21] : memref<128x128xf32, #tpu.memory_space<vmem>>, vector<128x128xf32>
    %dot_general3A_23 = arith.constant dense<0.000000e+00> : vector<1000x128xf32>
    %dot_general3A_24 = tpu.matmul %get3A_1, %get3A_22, %dot_general3A_23 {dimension_numbers = #tpu.dot_dimension_numbers<[1], [0], [0], [1], [0, 0, 1, 1], [], []>, transpose_lhs_hint = false} : vector<1000x128xf32>, vector<128x128xf32>, vector<1000x128xf32> -> vector<1000x128xf32>
    %get3A_25 = arith.constant 0 : index
    %get3A_26 = arith.constant 0 : index
    %get3A_27 = vector.load %arg7[%get3A_25, %get3A_26] : memref<1x128xf32, #tpu.memory_space<vmem>>, vector<1x128xf32>
    %add3A_28 = vector.broadcast %get3A_27 : vector<1x128xf32> to vector<1000x128xf32>
    %add3A_29 = arith.addf %dot_general3A_24, %add3A_28 : vector<1000x128xf32>
    %mul3A = arith.mulf %add3A_9, %add3A_19 : vector<1000x128xf32>
    %get3A_30 = arith.constant 0 : index
    %get3A_31 = arith.constant 0 : index
    %get3A_32 = vector.load %arg8[%get3A_30, %get3A_31] : memref<128x128xf32, #tpu.memory_space<vmem>>, vector<128x128xf32>
    %dot_general3A_33 = arith.constant dense<0.000000e+00> : vector<1000x128xf32>
    %dot_general3A_34 = tpu.matmul %mul3A, %get3A_32, %dot_general3A_33 {dimension_numbers = #tpu.dot_dimension_numbers<[1], [0], [0], [1], [0, 0, 1, 1], [], []>, transpose_lhs_hint = false} : vector<1000x128xf32>, vector<128x128xf32>, vector<1000x128xf32> -> vector<1000x128xf32>
    %mul3A_35 = arith.constant 2.500000e-01 : f32
    %mul3A_36 = vector.broadcast %mul3A_35 : f32 to vector<1000x128xf32>
    %mul3A_37 = arith.mulf %dot_general3A_34, %mul3A_36 : vector<1000x128xf32>
    %swap3A = arith.constant 0 : index
    %swap3A_38 = arith.constant 0 : index
    %swap3A_39 = vector.load %arg9[%swap3A, %swap3A_38] : memref<1000x128xf32, #tpu.memory_space<vmem>>, vector<1000x128xf32>
    tpu.vector_store %arg9[%swap3A, %swap3A_38], %mul3A_37 {strides = array<i32>} : memref<1000x128xf32, #tpu.memory_space<vmem>>, vector<1000x128xf32>,
    %swap3A_40 = arith.constant 0 : index
    %swap3A_41 = arith.constant 0 : index
    %swap3A_42 = vector.load %arg10[%swap3A_40, %swap3A_41] : memref<1000x128xf32, #tpu.memory_space<vmem>>, vector<1000x128xf32>
    tpu.vector_store %arg10[%swap3A_40, %swap3A_41], %add3A_29 {strides = array<i32>} : memref<1000x128xf32, #tpu.memory_space<vmem>>, vector<1000x128xf32>,
    return
  }
  func.func @transform_0(%arg0: i32) -> (i32, i32) {
    %c0_i32 = arith.constant 0 : i32
    %c0_i32_0 = arith.constant 0 : i32
    return %arg0, %c0_i32 : i32, i32
  }
  func.func @transform_1(%arg0: i32) -> (i32, i32) {
    %c0_i32 = arith.constant 0 : i32
    %c0_i32_0 = arith.constant 0 : i32
    %c0_i32_1 = arith.constant 0 : i32
    return %c0_i32, %c0_i32_0 : i32, i32
  }
  func.func @transform_2(%arg0: i32) -> (i32, i32) {
    %c0_i32 = arith.constant 0 : i32
    %c0_i32_0 = arith.constant 0 : i32
    %c0_i32_1 = arith.constant 0 : i32
    return %c0_i32, %c0_i32_0 : i32, i32
  }
  func.func @transform_3(%arg0: i32) -> (i32, i32) {
    %c0_i32 = arith.constant 0 : i32
    %c0_i32_0 = arith.constant 0 : i32
    %c0_i32_1 = arith.constant 0 : i32
    return %c0_i32, %c0_i32_0 : i32, i32
  }
  func.func @transform_4(%arg0: i32) -> (i32, i32) {
    %c0_i32 = arith.constant 0 : i32
    %c0_i32_0 = arith.constant 0 : i32
    %c0_i32_1 = arith.constant 0 : i32
    return %c0_i32, %c0_i32_0 : i32, i32
  }
  func.func @transform_5(%arg0: i32) -> (i32, i32) {
    %c0_i32 = arith.constant 0 : i32
    %c0_i32_0 = arith.constant 0 : i32
    %c0_i32_1 = arith.constant 0 : i32
    return %c0_i32, %c0_i32_0 : i32, i32
  }
  func.func @transform_6(%arg0: i32) -> (i32, i32) {
    %c0_i32 = arith.constant 0 : i32
    %c0_i32_0 = arith.constant 0 : i32
    %c0_i32_1 = arith.constant 0 : i32
    return %c0_i32, %c0_i32_0 : i32, i32
  }
  func.func @transform_7(%arg0: i32) -> (i32, i32) {
    %c0_i32 = arith.constant 0 : i32
    %c0_i32_0 = arith.constant 0 : i32
    %c0_i32_1 = arith.constant 0 : i32
    return %c0_i32, %c0_i32_0 : i32, i32
  }
  func.func @transform_8(%arg0: i32) -> (i32, i32) {
    %c0_i32 = arith.constant 0 : i32
    %c0_i32_0 = arith.constant 0 : i32
    return %arg0, %c0_i32 : i32, i32
  }
  func.func @transform_9(%arg0: i32) -> (i32, i32) {
    %c0_i32 = arith.constant 0 : i32
    %c0_i32_0 = arith.constant 0 : i32
    return %arg0, %c0_i32 : i32, i32
  }
}

module attributes {stable_mosaic.version = 14 : i64} {
  func.func @_post_body(%arg0: i32, %arg1: memref<1000x128xf32, #tpu.memory_space<vmem>>, %arg2: memref<1000x128xf32, #tpu.memory_space<vmem>>, %arg3: memref<1000x128xf32, #tpu.memory_space<vmem>>, %arg4: memref<128x128xf32, #tpu.memory_space<vmem>>, %arg5: memref<128x128xf32, #tpu.memory_space<vmem>>, %arg6: memref<1x128xf32, #tpu.memory_space<vmem>>, %arg7: memref<1x128xf32, #tpu.memory_space<vmem>>, %arg8: memref<1x128xf32, #tpu.memory_space<vmem>>, %arg9: memref<128x256xf32, #tpu.memory_space<vmem>>, %arg10: memref<1x256xf32, #tpu.memory_space<vmem>>, %arg11: memref<256x128xf32, #tpu.memory_space<vmem>>, %arg12: memref<1x128xf32, #tpu.memory_space<vmem>>, %arg13: memref<1x128xf32, #tpu.memory_space<vmem>>, %arg14: memref<1x128xf32, #tpu.memory_space<vmem>>, %arg15: memref<1000x128xf32, #tpu.memory_space<vmem>>) attributes {dimension_semantics = [#tpu.dimension_semantics<arbitrary>], iteration_bounds = array<i64: 10>, scalar_prefetch = 0 : i64, scratch_operands = 0 : i64, tpu.core_type = #tpu.core_type<tc>, window_params = [{transform_indices = @transform_0, window_bounds = array<i64: 1000, 128>}, {transform_indices = @transform_1, window_bounds = array<i64: 1000, 128>}, {transform_indices = @transform_2, window_bounds = array<i64: 1000, 128>}, {pipeline_mode = #tpu.pipeline_mode<synchronous>, transform_indices = @transform_3, window_bounds = array<i64: 128, 128>}, {pipeline_mode = #tpu.pipeline_mode<synchronous>, transform_indices = @transform_4, window_bounds = array<i64: 128, 128>}, {pipeline_mode = #tpu.pipeline_mode<synchronous>, transform_indices = @transform_5, window_bounds = array<i64: 1, 128>}, {pipeline_mode = #tpu.pipeline_mode<synchronous>, transform_indices = @transform_6, window_bounds = array<i64: 1, 128>}, {pipeline_mode = #tpu.pipeline_mode<synchronous>, transform_indices = @transform_7, window_bounds = array<i64: 1, 128>}, {pipeline_mode = #tpu.pipeline_mode<synchronous>, transform_indices = @transform_8, window_bounds = array<i64: 128, 256>}, {pipeline_mode = #tpu.pipeline_mode<synchronous>, transform_indices = @transform_9, window_bounds = array<i64: 1, 256>}, {pipeline_mode = #tpu.pipeline_mode<synchronous>, transform_indices = @transform_10, window_bounds = array<i64: 256, 128>}, {pipeline_mode = #tpu.pipeline_mode<synchronous>, transform_indices = @transform_11, window_bounds = array<i64: 1, 128>}, {pipeline_mode = #tpu.pipeline_mode<synchronous>, transform_indices = @transform_12, window_bounds = array<i64: 1, 128>}, {pipeline_mode = #tpu.pipeline_mode<synchronous>, transform_indices = @transform_13, window_bounds = array<i64: 1, 128>}, {transform_indices = @transform_14, window_bounds = array<i64: 1000, 128>}]} {
    %get3A = arith.constant 0 : index
    %get3A_0 = arith.constant 0 : index
    %get3A_1 = vector.load %arg1[%get3A, %get3A_0] : memref<1000x128xf32, #tpu.memory_space<vmem>>, vector<1000x128xf32>
    %get3A_2 = arith.constant 0 : index
    %get3A_3 = arith.constant 0 : index
    %get3A_4 = vector.load %arg2[%get3A_2, %get3A_3] : memref<1000x128xf32, #tpu.memory_space<vmem>>, vector<1000x128xf32>
    %get3A_5 = arith.constant 0 : index
    %get3A_6 = arith.constant 0 : index
    %get3A_7 = vector.load %arg4[%get3A_5, %get3A_6] : memref<128x128xf32, #tpu.memory_space<vmem>>, vector<128x128xf32>
    %dot_general3A = arith.constant dense<0.000000e+00> : vector<1000x128xf32>
    %dot_general3A_8 = tpu.matmul %get3A_4, %get3A_7, %dot_general3A {dimension_numbers = #tpu.dot_dimension_numbers<[1], [0], [0], [1], [0, 0, 1, 1], [], []>, transpose_lhs_hint = false} : vector<1000x128xf32>, vector<128x128xf32>, vector<1000x128xf32> -> vector<1000x128xf32>
    %add3A = arith.constant 1.000000e-16 : f32
    %add3A_9 = vector.broadcast %add3A : f32 to vector<1000x128xf32>
    %add3A_10 = arith.addf %dot_general3A_8, %add3A_9 : vector<1000x128xf32>
    %div3A = arith.divf %get3A_1, %add3A_10 : vector<1000x128xf32>
    %get3A_11 = arith.constant 0 : index
    %get3A_12 = arith.constant 0 : index
    %get3A_13 = vector.load %arg5[%get3A_11, %get3A_12] : memref<128x128xf32, #tpu.memory_space<vmem>>, vector<128x128xf32>
    %dot_general3A_14 = arith.constant dense<0.000000e+00> : vector<1000x128xf32>
    %dot_general3A_15 = tpu.matmul %div3A, %get3A_13, %dot_general3A_14 {dimension_numbers = #tpu.dot_dimension_numbers<[1], [0], [0], [1], [0, 0, 1, 1], [], []>, transpose_lhs_hint = false} : vector<1000x128xf32>, vector<128x128xf32>, vector<1000x128xf32> -> vector<1000x128xf32>
    %get3A_16 = arith.constant 0 : index
    %get3A_17 = arith.constant 0 : index
    %get3A_18 = vector.load %arg6[%get3A_16, %get3A_17] : memref<1x128xf32, #tpu.memory_space<vmem>>, vector<1x128xf32>
    %add3A_19 = vector.broadcast %get3A_18 : vector<1x128xf32> to vector<1000x128xf32>
    %add3A_20 = arith.addf %dot_general3A_15, %add3A_19 : vector<1000x128xf32>
    %get3A_21 = arith.constant 0 : index
    %get3A_22 = arith.constant 0 : index
    %get3A_23 = vector.load %arg3[%get3A_21, %get3A_22] : memref<1000x128xf32, #tpu.memory_space<vmem>>, vector<1000x128xf32>
    %add3A_24 = arith.addf %add3A_20, %get3A_23 : vector<1000x128xf32>
    %reduce_sum3A = arith.constant dense<0.000000e+00> : vector<1000xf32>
    %reduce_sum3A_25 = vector.multi_reduction <add>, %add3A_24, %reduce_sum3A [1] : vector<1000x128xf32> to vector<1000xf32>
    %broadcast_in_dim3A = vector.shape_cast %reduce_sum3A_25 : vector<1000xf32> to vector<1000x1xf32>
    %div3A_26 = arith.constant 1.280000e+02 : f32
    %div3A_27 = vector.broadcast %div3A_26 : f32 to vector<1000x1xf32>
    %div3A_28 = arith.divf %broadcast_in_dim3A, %div3A_27 : vector<1000x1xf32>
    %sub3A = vector.broadcast %div3A_28 : vector<1000x1xf32> to vector<1000x128xf32>
    %sub3A_29 = arith.subf %add3A_24, %sub3A : vector<1000x128xf32>
    %integer_pow3A = arith.mulf %sub3A_29, %sub3A_29 : vector<1000x128xf32>
    %reduce_sum3A_30 = arith.constant dense<0.000000e+00> : vector<1000xf32>
    %reduce_sum3A_31 = vector.multi_reduction <add>, %integer_pow3A, %reduce_sum3A_30 [1] : vector<1000x128xf32> to vector<1000xf32>
    %broadcast_in_dim3A_32 = vector.shape_cast %reduce_sum3A_31 : vector<1000xf32> to vector<1000x1xf32>
    %div3A_33 = arith.constant 1.280000e+02 : f32
    %div3A_34 = vector.broadcast %div3A_33 : f32 to vector<1000x1xf32>
    %div3A_35 = arith.divf %broadcast_in_dim3A_32, %div3A_34 : vector<1000x1xf32>
    %sub3A_36 = vector.broadcast %div3A_28 : vector<1000x1xf32> to vector<1000x128xf32>
    %sub3A_37 = arith.subf %add3A_24, %sub3A_36 : vector<1000x128xf32>
    %add3A_38 = arith.constant 9.99999974E-6 : f32
    %add3A_39 = vector.broadcast %add3A_38 : f32 to vector<1000x1xf32>
    %add3A_40 = arith.addf %div3A_35, %add3A_39 : vector<1000x1xf32>
    %rsqrt3A = math.rsqrt %add3A_40 : vector<1000x1xf32>
    %mul3A = vector.broadcast %rsqrt3A : vector<1000x1xf32> to vector<1000x128xf32>
    %mul3A_41 = arith.mulf %sub3A_37, %mul3A : vector<1000x128xf32>
    %get3A_42 = arith.constant 0 : index
    %get3A_43 = arith.constant 0 : index
    %get3A_44 = vector.load %arg7[%get3A_42, %get3A_43] : memref<1x128xf32, #tpu.memory_space<vmem>>, vector<1x128xf32>
    %mul3A_45 = vector.broadcast %get3A_44 : vector<1x128xf32> to vector<1000x128xf32>
    %mul3A_46 = arith.mulf %mul3A_41, %mul3A_45 : vector<1000x128xf32>
    %get3A_47 = arith.constant 0 : index
    %get3A_48 = arith.constant 0 : index
    %get3A_49 = vector.load %arg8[%get3A_47, %get3A_48] : memref<1x128xf32, #tpu.memory_space<vmem>>, vector<1x128xf32>
    %add3A_50 = vector.broadcast %get3A_49 : vector<1x128xf32> to vector<1000x128xf32>
    %add3A_51 = arith.addf %mul3A_46, %add3A_50 : vector<1000x128xf32>
    %get3A_52 = arith.constant 0 : index
    %get3A_53 = arith.constant 0 : index
    %get3A_54 = vector.load %arg9[%get3A_52, %get3A_53] : memref<128x256xf32, #tpu.memory_space<vmem>>, vector<128x256xf32>
    %dot_general3A_55 = arith.constant dense<0.000000e+00> : vector<1000x256xf32>
    %dot_general3A_56 = tpu.matmul %add3A_51, %get3A_54, %dot_general3A_55 {dimension_numbers = #tpu.dot_dimension_numbers<[1], [0], [0], [1], [0, 0, 1, 1], [], []>, transpose_lhs_hint = false} : vector<1000x128xf32>, vector<128x256xf32>, vector<1000x256xf32> -> vector<1000x256xf32>
    %get3A_57 = arith.constant 0 : index
    %get3A_58 = arith.constant 0 : index
    %get3A_59 = vector.load %arg10[%get3A_57, %get3A_58] : memref<1x256xf32, #tpu.memory_space<vmem>>, vector<1x256xf32>
    %add3A_60 = vector.broadcast %get3A_59 : vector<1x256xf32> to vector<1000x256xf32>
    %add3A_61 = arith.addf %dot_general3A_56, %add3A_60 : vector<1000x256xf32>
    %max3A = arith.constant 0.000000e+00 : f32
    %max3A_62 = vector.broadcast %max3A : f32 to vector<1000x256xf32>
    %max3A_63 = arith.maximumf %add3A_61, %max3A_62 : vector<1000x256xf32>
    %get3A_64 = arith.constant 0 : index
    %get3A_65 = arith.constant 0 : index
    %get3A_66 = vector.load %arg11[%get3A_64, %get3A_65] : memref<256x128xf32, #tpu.memory_space<vmem>>, vector<256x128xf32>
    %dot_general3A_67 = arith.constant dense<0.000000e+00> : vector<1000x128xf32>
    %dot_general3A_68 = tpu.matmul %max3A_63, %get3A_66, %dot_general3A_67 {dimension_numbers = #tpu.dot_dimension_numbers<[1], [0], [0], [1], [0, 0, 1, 1], [], []>, transpose_lhs_hint = false} : vector<1000x256xf32>, vector<256x128xf32>, vector<1000x128xf32> -> vector<1000x128xf32>
    %get3A_69 = arith.constant 0 : index
    %get3A_70 = arith.constant 0 : index
    %get3A_71 = vector.load %arg12[%get3A_69, %get3A_70] : memref<1x128xf32, #tpu.memory_space<vmem>>, vector<1x128xf32>
    %add3A_72 = vector.broadcast %get3A_71 : vector<1x128xf32> to vector<1000x128xf32>
    %add3A_73 = arith.addf %dot_general3A_68, %add3A_72 : vector<1000x128xf32>
    %add3A_74 = arith.addf %add3A_73, %add3A_51 : vector<1000x128xf32>
    %reduce_sum3A_75 = arith.constant dense<0.000000e+00> : vector<1000xf32>
    %reduce_sum3A_76 = vector.multi_reduction <add>, %add3A_74, %reduce_sum3A_75 [1] : vector<1000x128xf32> to vector<1000xf32>
    %broadcast_in_dim3A_77 = vector.shape_cast %reduce_sum3A_76 : vector<1000xf32> to vector<1000x1xf32>
    %div3A_78 = arith.constant 1.280000e+02 : f32
    %div3A_79 = vector.broadcast %div3A_78 : f32 to vector<1000x1xf32>
    %div3A_80 = arith.divf %broadcast_in_dim3A_77, %div3A_79 : vector<1000x1xf32>
    %sub3A_81 = vector.broadcast %div3A_80 : vector<1000x1xf32> to vector<1000x128xf32>
    %sub3A_82 = arith.subf %add3A_74, %sub3A_81 : vector<1000x128xf32>
    %integer_pow3A_83 = arith.mulf %sub3A_82, %sub3A_82 : vector<1000x128xf32>
    %reduce_sum3A_84 = arith.constant dense<0.000000e+00> : vector<1000xf32>
    %reduce_sum3A_85 = vector.multi_reduction <add>, %integer_pow3A_83, %reduce_sum3A_84 [1] : vector<1000x128xf32> to vector<1000xf32>
    %broadcast_in_dim3A_86 = vector.shape_cast %reduce_sum3A_85 : vector<1000xf32> to vector<1000x1xf32>
    %div3A_87 = arith.constant 1.280000e+02 : f32
    %div3A_88 = vector.broadcast %div3A_87 : f32 to vector<1000x1xf32>
    %div3A_89 = arith.divf %broadcast_in_dim3A_86, %div3A_88 : vector<1000x1xf32>
    %sub3A_90 = vector.broadcast %div3A_80 : vector<1000x1xf32> to vector<1000x128xf32>
    %sub3A_91 = arith.subf %add3A_74, %sub3A_90 : vector<1000x128xf32>
    %add3A_92 = arith.constant 9.99999974E-6 : f32
    %add3A_93 = vector.broadcast %add3A_92 : f32 to vector<1000x1xf32>
    %add3A_94 = arith.addf %div3A_89, %add3A_93 : vector<1000x1xf32>
    %rsqrt3A_95 = math.rsqrt %add3A_94 : vector<1000x1xf32>
    %mul3A_96 = vector.broadcast %rsqrt3A_95 : vector<1000x1xf32> to vector<1000x128xf32>
    %mul3A_97 = arith.mulf %sub3A_91, %mul3A_96 : vector<1000x128xf32>
    %get3A_98 = arith.constant 0 : index
    %get3A_99 = arith.constant 0 : index
    %get3A_100 = vector.load %arg13[%get3A_98, %get3A_99] : memref<1x128xf32, #tpu.memory_space<vmem>>, vector<1x128xf32>
    %mul3A_101 = vector.broadcast %get3A_100 : vector<1x128xf32> to vector<1000x128xf32>
    %mul3A_102 = arith.mulf %mul3A_97, %mul3A_101 : vector<1000x128xf32>
    %get3A_103 = arith.constant 0 : index
    %get3A_104 = arith.constant 0 : index
    %get3A_105 = vector.load %arg14[%get3A_103, %get3A_104] : memref<1x128xf32, #tpu.memory_space<vmem>>, vector<1x128xf32>
    %add3A_106 = vector.broadcast %get3A_105 : vector<1x128xf32> to vector<1000x128xf32>
    %add3A_107 = arith.addf %mul3A_102, %add3A_106 : vector<1000x128xf32>
    %swap3A = arith.constant 0 : index
    %swap3A_108 = arith.constant 0 : index
    %swap3A_109 = vector.load %arg15[%swap3A, %swap3A_108] : memref<1000x128xf32, #tpu.memory_space<vmem>>, vector<1000x128xf32>
    tpu.vector_store %arg15[%swap3A, %swap3A_108], %add3A_107 {strides = array<i32>} : memref<1000x128xf32, #tpu.memory_space<vmem>>, vector<1000x128xf32>,
    return
  }
  func.func @transform_0(%arg0: i32) -> (i32, i32) {
    %c0_i32 = arith.constant 0 : i32
    %c0_i32_0 = arith.constant 0 : i32
    return %arg0, %c0_i32 : i32, i32
  }
  func.func @transform_1(%arg0: i32) -> (i32, i32) {
    %c0_i32 = arith.constant 0 : i32
    %c0_i32_0 = arith.constant 0 : i32
    return %arg0, %c0_i32 : i32, i32
  }
  func.func @transform_2(%arg0: i32) -> (i32, i32) {
    %c0_i32 = arith.constant 0 : i32
    %c0_i32_0 = arith.constant 0 : i32
    return %arg0, %c0_i32 : i32, i32
  }
  func.func @transform_3(%arg0: i32) -> (i32, i32) {
    %c0_i32 = arith.constant 0 : i32
    %c0_i32_0 = arith.constant 0 : i32
    %c0_i32_1 = arith.constant 0 : i32
    return %c0_i32, %c0_i32_0 : i32, i32
  }
  func.func @transform_4(%arg0: i32) -> (i32, i32) {
    %c0_i32 = arith.constant 0 : i32
    %c0_i32_0 = arith.constant 0 : i32
    %c0_i32_1 = arith.constant 0 : i32
    return %c0_i32, %c0_i32_0 : i32, i32
  }
  func.func @transform_5(%arg0: i32) -> (i32, i32) {
    %c0_i32 = arith.constant 0 : i32
    %c0_i32_0 = arith.constant 0 : i32
    %c0_i32_1 = arith.constant 0 : i32
    return %c0_i32, %c0_i32_0 : i32, i32
  }
  func.func @transform_6(%arg0: i32) -> (i32, i32) {
    %c0_i32 = arith.constant 0 : i32
    %c0_i32_0 = arith.constant 0 : i32
    %c0_i32_1 = arith.constant 0 : i32
    return %c0_i32, %c0_i32_0 : i32, i32
  }
  func.func @transform_7(%arg0: i32) -> (i32, i32) {
    %c0_i32 = arith.constant 0 : i32
    %c0_i32_0 = arith.constant 0 : i32
    %c0_i32_1 = arith.constant 0 : i32
    return %c0_i32, %c0_i32_0 : i32, i32
  }
  func.func @transform_8(%arg0: i32) -> (i32, i32) {
    %c0_i32 = arith.constant 0 : i32
    %c0_i32_0 = arith.constant 0 : i32
    %c0_i32_1 = arith.constant 0 : i32
    return %c0_i32, %c0_i32_0 : i32, i32
  }
  func.func @transform_9(%arg0: i32) -> (i32, i32) {
    %c0_i32 = arith.constant 0 : i32
    %c0_i32_0 = arith.constant 0 : i32
    %c0_i32_1 = arith.constant 0 : i32
    return %c0_i32, %c0_i32_0 : i32, i32
  }
  func.func @transform_10(%arg0: i32) -> (i32, i32) {
    %c0_i32 = arith.constant 0 : i32
    %c0_i32_0 = arith.constant 0 : i32
    %c0_i32_1 = arith.constant 0 : i32
    return %c0_i32, %c0_i32_0 : i32, i32
  }
  func.func @transform_11(%arg0: i32) -> (i32, i32) {
    %c0_i32 = arith.constant 0 : i32
    %c0_i32_0 = arith.constant 0 : i32
    %c0_i32_1 = arith.constant 0 : i32
    return %c0_i32, %c0_i32_0 : i32, i32
  }
  func.func @transform_12(%arg0: i32) -> (i32, i32) {
    %c0_i32 = arith.constant 0 : i32
    %c0_i32_0 = arith.constant 0 : i32
    %c0_i32_1 = arith.constant 0 : i32
    return %c0_i32, %c0_i32_0 : i32, i32
  }
  func.func @transform_13(%arg0: i32) -> (i32, i32) {
    %c0_i32 = arith.constant 0 : i32
    %c0_i32_0 = arith.constant 0 : i32
    %c0_i32_1 = arith.constant 0 : i32
    return %c0_i32, %c0_i32_0 : i32, i32
  }
  func.func @transform_14(%arg0: i32) -> (i32, i32) {
    %c0_i32 = arith.constant 0 : i32
    %c0_i32_0 = arith.constant 0 : i32
    return %arg0, %c0_i32 : i32, i32
  }
}

</mosaic_0001>

<sc_bundles>
// kernel: kernel.5.cloned.1.call-start
scs
__scs_entry_jumppad:
0x0: {  	(pc) =	sbr.rel $0x88, $3  }
0x1: {  	(tag) =	ssettag $0x0;
	lr =	simm.s32 $0x1  }
0x2: {  	[smem:$0x3F8F] =	sst lr;
	_ =	strace $0xD0000000  }
0x3: {  	_ = 	snop  }
0x4: {  	_ = 	snop  }
0x5: {  	_ = 	snop  }
0x6: {  	_ = 	snop  }
0x7: {  	_ = 	snop  }
__scs_overlays_trampoline_lowered:
0x8: {  	[smem:$0x3F9E] =	sst s0  }
0x9: {  	[smem:$0x3F9F] =	sst s1  }
0xa: {  	[smem:$0x3FA0] =	sst s2  }
0xb: {  	[smem:$0x3FA1] =	sst s3  }
0xc: {  	[smem:$0x3FA2] =	sst s4  }
0xd: {  	[smem:$0x3FA3] =	sst s5  }
0xe: {  	[smem:$0x3FA4] =	sst s6  }
0xf: {  	[smem:$0x3FA5] =	sst s7  }
0x10: {  	[smem:$0x3FA6] =	sst s8  }
0x11: {  	[smem:$0x3FA7] =	sst s9;
	s0 =	simm.s32 @!p0 $0x0  }
0x12: {  	s1 =	sld [smem:$0x3F8D];
	s0 =	simm.s32 @p0 $0x1  }
0x13: {  	[smem:$0x3FA8] =	sst s0;
	s0 =	simm.s32 @!p1 $0x0  }
0x14: {  	s2 =	sld [smem:$0x3F8C];
	s0 =	simm.s32 @p1 $0x1  }
0x15: {  	[smem:$0x3FA9] =	sst s0;
	s0 =	simm.s32 @!p2 $0x0  }
0x16: {  	s3 =	sld [smem:$0x3FDB];
	s0 =	simm.s32 @p2 $0x1  }
0x17: {  	s4 =	simm.s32 $0x1BF5;
	[smem:$0x3FAB] =	sst s0  }
0x18: {  	s0 =	sld [smem:$0x3F8E];
	_ =	swait.ge [sflag:s4], $0x0  }
0x19: {  	s7 =	sld [smem:$0x3F8F]  }
0x1a: {  	s8 =	sadd.s32 $0xFFFFE003, lr  }
0x1b: {  	s9 =	sadd.s32 $0xFFFFFEF7, lr;
	s5 =	simm.s32 $0xFFFFFFFF;
	p2 =	slt.u32 s8, $0xFFFFF086  }
0x1c: {  	p1 =	slt.u32 s9, $0xF7A;
	s5 =	simm.s32 @!p2 $0x0  }
0x1d: {  	s5 =	simm.s32 @p1 $0x1;
	p0 =	seq.s32 s7, s2  }
0x1e: {  	s7 =	smul.u32 @!p0 $0xF7A, s2;
	p2 =	seq.s32 @!p0 s5, $0x0  }
0x1f: {  	s9 =	smul.u32 $0xF7A, s1;
	s8 =	simm.s32 @!p0 $0x1BF5;
	p2 =	por !p2, p0  }
0x20: {  	[sflag:s8] =	ssyncset.s32 @!p0 $0xFFFFF086;
	s6 =	sadd.s32 @!p0 s3, s7;
	s7 =	simm.s32 @!p0 $0x108  }
0x21: {  	s3 =	sadd.s32 s3, s9;
	s6 =	sadd.s32 @!p0 $0x88, s6;
	s7 =	simm.s32 @p2 $0x1082  }
0x22: {  	[simem:s7], [sflag:s8] =	dma.local @!p0 [hbm:s6], $0xF7A  }
0x23: {  	s9 =	sor.u32 $0xD0000000, s2;
	s6 =	simm.s32 $0x108;
	_ =	swait.ge @!p0 [sflag:s8], $0x0  }
0x24: {  	s3 =	sadd.s32 $0x88, s3;
	s6 =	simm.s32 @!p1 $0x1082;
	[sflag:s4] =	ssyncset.s32 $0xFFFFF086  }
0x25: {  	[simem:s6], [sflag:s4] =	dma.local [hbm:s3], $0xF7A  }
0x26: {  	[smem:$0x3F8F] =	sst s1;
	(tag) =	ssettag s2;
	_ =	strace s9  }
0x27: {  	s1 =	sld [smem:$0x3F9F]  }
0x28: {  	s2 =	sld [smem:$0x3FA0]  }
0x29: {  	s4 =	sld [smem:$0x3FA2]  }
0x2a: {  	p0 =	seq.s32 s5, $0x0;
	s5 =	sld [smem:$0x3FA3]  }
0x2b: {  	s6 =	sld [smem:$0x3FA4]  }
0x2c: {  	s7 =	sld [smem:$0x3FA5]  }
0x2d: {  	s3 =	simm.s32 $0x108;
	s8 =	sld [smem:$0x3FA6]  }
0x2e: {  	s3 =	simm.s32 @!p0 $0x1082;
	s9 =	sld [smem:$0x3FA7]  }
0x2f: {  	lr =	sadd.s32 s0, s3;
	s0 =	sld [smem:$0x3F9E]  }
0x30: {  	s3 =	sld [smem:$0x3FA1]  }
0x31: {  	[smem:$0x3FAA] =	sst s10  }
0x32: {  	s10 =	sld [smem:$0x3FA8];
	_ =	sdelay $0x3  }
0x33: {  	p0 =	seq.s32 s10, $0x1;
	s10 =	sld [smem:$0x3FAA];
	_ =	sdelay $0x3  }
0x34: {  	[smem:$0x3FAA] =	sst s10  }
0x35: {  	s10 =	sld [smem:$0x3FA9];
	_ =	sdelay $0x3  }
0x36: {  	p1 =	seq.s32 s10, $0x1;
	s10 =	sld [smem:$0x3FAA];
	_ =	sdelay $0x3  }
0x37: {  	[smem:$0x3FAA] =	sst s10  }
0x38: {  	s10 =	sld [smem:$0x3FAB]  }
0x39: {  	_ = 	snop;
	(pc) =	sbr.ind lr, $3  }
0x3a: {  	_ = 	snop  }
0x3b: {  	_ = 	snop  }
0x3c: {  	p2 =	seq.s32 s10, $0x1;
	s10 =	sld [smem:$0x3FAA]  }
0x3d: {  	_ =	shalt  }
0x3e: {  	_ =	shalt  }
0x3f: {  	_ =	shalt  }
0x40: {  	_ =	shalt  }
0x41: {  	_ =	shalt  }
0x42: {  	_ =	shalt  }
0x43: {  	_ =	shalt  }
0x44: {  	_ =	shalt  }
0x45: {  	_ =	shalt  }
0x46: {  	_ =	shalt  }
0x47: {  	_ =	shalt  }
0x48: {  	_ =	shalt  }
0x49: {  	_ =	shalt  }
0x4a: {  	_ =	shalt  }
0x4b: {  	_ =	shalt  }
0x4c: {  	_ =	shalt  }
0x4d: {  	_ =	shalt  }
0x4e: {  	_ =	shalt  }
0x4f: {  	_ =	shalt  }
0x50: {  	_ =	shalt  }
0x51: {  	_ =	shalt  }
0x52: {  	_ =	shalt  }
0x53: {  	_ =	shalt  }
0x54: {  	_ =	shalt  }
0x55: {  	_ =	shalt  }
0x56: {  	_ =	shalt  }
0x57: {  	_ =	shalt  }
0x58: {  	_ =	shalt  }
0x59: {  	_ =	shalt  }
0x5a: {  	_ =	shalt  }
0x5b: {  	_ =	shalt  }
0x5c: {  	_ =	shalt  }
0x5d: {  	_ =	shalt  }
0x5e: {  	_ =	shalt  }
0x5f: {  	_ =	shalt  }
0x60: {  	_ =	shalt  }
0x61: {  	_ =	shalt  }
0x62: {  	_ =	shalt  }
0x63: {  	_ =	shalt  }
0x64: {  	_ =	shalt  }
0x65: {  	_ =	shalt  }
0x66: {  	_ =	shalt  }
0x67: {  	_ =	shalt  }
0x68: {  	_ =	shalt  }
0x69: {  	_ =	shalt  }
0x6a: {  	_ =	shalt  }
0x6b: {  	_ =	shalt  }
0x6c: {  	_ =	shalt  }
0x6d: {  	_ =	shalt  }
0x6e: {  	_ =	shalt  }
0x6f: {  	_ =	shalt  }
0x70: {  	_ =	shalt  }
0x71: {  	_ =	shalt  }
0x72: {  	_ =	shalt  }
0x73: {  	_ =	shalt  }
0x74: {  	_ =	shalt  }
0x75: {  	_ =	shalt  }
0x76: {  	_ =	shalt  }
0x77: {  	_ =	shalt  }
0x78: {  	_ =	shalt  }
0x79: {  	_ =	shalt  }
0x7a: {  	_ =	shalt  }
0x7b: {  	_ =	shalt  }
0x7c: {  	_ =	shalt  }
0x7d: {  	_ =	shalt  }
0x7e: {  	_ =	shalt  }
0x7f: {  	_ =	shalt  }
0x80: {  	_ =	shalt  }
0x81: {  	_ =	shalt  }
0x82: {  	_ =	shalt  }
0x83: {  	_ =	shalt  }
0x84: {  	_ =	shalt  }
0x85: {  	_ =	shalt  }
0x86: {  	_ =	shalt  }
0x87: {  	_ =	shalt  }
.Lfunc_end0:
.L_simem_size_0:
called_computation_lowered:
.L_overlay_start_0:
0x88: {  	s2 =	sld [smem:$0x3FD9]  }
0x89: {  	s3 =	sld [smem:$0x3FFE];
	_ =	sdelay $0x1  }
0x8a: {  	s1 =	srdreg.scid  }
0x8b: {  	s0 =	sand.u32 $0x1, s1  }
0x8c: {  	s17 =	sshll.u32 s0, $0xA;
	s2 =	sadd.s32 s3, s2  }
0x8d: {  	s2 =	sadd.s32 s2, s17  }
0x8e: {  	[smem:$0x3FB6] =	sst s2  }
0x8f: {  	_ = 	snop  }
0x90: {  	s2 =	sld [smem:$0x3FD0];
	(tm) =	ssettm $0x1  }
0x91: {  	s18 =	sld [smem:$0x3FFB];
	_ =	sdelay $0x3  }
0x92: {  	_ =	strace s18  }
0x93: {  	s3 =	sld [smem:$0x3FFC];
	_ =	sdelay $0x3  }
0x94: {  	_ =	strace s3  }
0x95: {  	s3 =	sld [smem:$0x3FFD];
	_ =	sdelay $0x3  }
0x96: {  	_ =	strace s3  }
0x97: {  	_ =	strace $0x8FFFFFFF  }
0x98: {  	s19 =	sld [smem:$0x3FDB];
	_ =	sdelay $0x1  }
0x99: {  	s4 =	simm.s32 $_scs_section_size  }
0x9a: {  	s5 =	simm.s32 $_size__tile_overlayer_lowered;
	s6 =	simm.s32 $_tile_overlayer_lowered  }
0x9b: {  	s22 =	simm.s32 $0x1BFF;
	s21 =	sshll.u32 s6, $0x1;
	s3 =	sadd.s32 s4, s19  }
0x9c: {  	s7 =	simm.s32 $0x0;
	s20 =	sshll.u32 s5, $0x1;
	s5 =	sadd.s32 s21, s3  }
0x9d: {  	[timem:s7], [sflag:s22] =	dma.local [hbm:s5], s20  }
0x9e: {  	_ =	swait.ge [sflag:s22], s20  }
0x9f: {  	s4 =	ssub.s32 $0x0, s20;
	[sflag:s22] =	ssyncset.done $0x0  }
0xa0: {  	[sflag:s22] =	ssyncadd.s32 s4;
	_ =	sdelay $0x1  }
0xa1: {  	s23 =	simm.s32 $0x1B8B  }
0xa2: {  	_ =	swait.ge [sflag:s23], $0x1  }
0xa3: {  	[sflag:s23] =	ssyncset.done $0x0  }
0xa4: {  	s25 =	simm.s32 $0x1B8E;
	s24 =	sld [smem:$0x3FFE];
	[sflag:s23] =	ssyncadd.s32 $0xFFFFFFFF  }
0xa5: {  	s26 =	simm.s32 $execute0_lowered;
	[smem:$0x3FD2] =	sst s25  }
0xa6: {  	s5 =	sshll.u32 s26, $0x1;
	_ =	strace $0x80000046;
	[dreg:$0x1] =	wrdreg $0xFFFFFFFF  }
0xa7: {  	s28 =	simm.s32 $_size_execute0_lowered;
	s3 =	sadd.s32 s3, s5;
	[dreg:$0x0] =	wrdreg $0x0  }
0xa8: {  	s5 =	sshll.u32 s28, $0x1;
	[dreg:$0x2] =	wrdreg s3  }
0xa9: {  	[dreg:$0x3] =	wrdreg s5  }
0xaa: {  	[dreg:$0x4] =	wrdreg $0xC0  }
0xab: {  	_ =	task [dreg:s7], $0x5FFFF  }
0xac: {  	[dreg:$0x1] =	wrdreg $0xFFFFFFFF  }
0xad: {  	[dreg:$0x0] =	wrdreg $0x60  }
0xae: {  	[dreg:$0x2] =	wrdreg s2  }
0xaf: {  	[dreg:$0x3] =	wrdreg s24  }
0xb0: {  	[dreg:$0x4] =	wrdreg $0x62000  }
0xb1: {  	[dreg:$0x5] =	wrdreg $0x102400  }
0xb2: {  	[dreg:$0x6] =	wrdreg $0x9  }
0xb3: {  	_ =	task.clear_ibuf [dreg:s7], $0x7FFFF;
	_ =	strace $0x90000046  }
0xb4: {  	s29 =	simm.s32 $0x9;
	_ =	strace $0x80000048  }
0xb5: {  	_ =	swait.ge [sflag:s29], $0x1  }
0xb6: {  	[sflag:s29] =	ssyncadd.s32 $0xFFFFFFFF  }
0xb7: {  	_ =	strace $0x90000048  }
0xb8: {  	_ =	sfence  }
0xb9: {  	s30 =	sld [smem:$0x0];
	_ =	sdelay $0x2  }
0xba: {  	s31 =	sshll.u32 s1, $0xD;
	s1 =	sshrl.u32 s1, $0x2  }
0xbb: {  	s3 =	sand.u32 $0x4000, s31;
	s1 =	sadd.s32 s1, s30  }
0xbc: {  	s0 =	sor.u32 s3, s0;
	s1 =	sshll.u32 s1, $0x11  }
0xbd: {  	s0 =	sor.u32 s1, s0  }
0xbe: {  	s0 =	sadd.s32 $0x8F2B, s0  }
0xbf: {  	[sflag:s0] =	ssyncadd.remote.s32 $0x1  }
0xc0: {  	_ =	sfence.sel $0xFFFF  }
0xc1: {  	[dreg:$0x0] =	wrdreg $0xFFFFFFFF;
	(pc) =	sbr.abs _section_cstart, $3  }
0xc2: {  	[dreg:$0x1] =	wrdreg $0xFFFFFFFF  }
0xc3: {  	_ =	task.clear_ibuf [dreg:s7], $0x2FFFF;
	_ =	strace $0x9FFFFFFF  }
0xc4: {  	(tm) =	ssettm $0x7FFFFFFF  }
0xc5: {  	_ =	shalt  }
tec
execute0_lowered:
.L_overlay_start_1:
0x0: {  	(tag) =	ssettag $0x1  }
0x1: {  	s1 =	rddreg [dreg:$0x0]  }
0x2: {  	s0 =	rddreg [dreg:$0x1]  }
0x3: {  	s3 =	rddreg [dreg:$0x2]  }
0x4: {  	s4 =	rddreg [dreg:$0x3]  }
0x5: {  	s9 =	stileid.u32;
	s2 =	srdreg.scid  }
0x6: {  	s5 =	simm.s32 $0x0;
	s19 =	simm.s32 $0x2200;
	s20 =	simm.s32 $0x2  }
0x7: {  	s21 =	simm.s32 $0x2000;
	s22 =	simm.s32 $0x2100;
	s23 =	simm.s32 $0x2080  }
0x8: {  	s24 =	simm.s32 $0x10;
	s25 =	simm.s32 $0x1000;
	s7 =	smul.u32 $0x140, s9  }
0x9: {  	s28 =	simm.s32 $0x800;
	s30 =	simm.s32 $0x1800;
	s8 =	smul.u32 $0xA20, s9  }
0xa: {  	s31 =	simm.s32 $0x0;
	s2 =	sand.u32 $0x1, s2;
	s10 =	smul.u32 $0xA000, s9  }
0xb: {  	[smem:$0x7FF] =	sst s5;
	s6 =	sadd.s32 $0x21E00, s0;
	s29 =	smul.u32 $0x1400, s2  }
0xc: {  	_ =	strace $0x80000047;
	s2 =	ssub.s32 $0x2, s2;
	s18 =	sadd.s32 s8, s0  }
0xd: {  	s26 =	sshrl.u32 s2, $0x1;
	s11 =	sadd.s32 $0x4000, s10;
	s8 =	sadd.s32 s10, s4  }
0xe: {  	s12 =	sadd.s32 $0x8000, s10;
	s7 =	sadd.s32 s7, s29;
	s2 =	ssub.s32 s2, s26  }
0xf: {  	s9 =	sadd.s32 s11, s3;
	s16 =	sadd.s32 $0x17C00, s18;
	s17 =	sadd.s32 $0xDA00, s18  }
0x10: {  	s18 =	sadd.s32 $0x3800, s18;
	s26 =	simm.s32 $0x1;
	s7 =	sshll.u32 s7, $0x4  }
0x11: {  	v0 =	vmov s29;
	s29 =	simm.s32 $0x2180;
	s15 =	smax.u32 s2, $0x1;
	s0 =	sadd.s32 s7, s0  }
0x12: {  	s7 =	sadd.s32 s10, s3;
	s10 =	sadd.s32 s11, s4;
	s11 =	sadd.s32 s12, s3  }
0x13: {  	v1 =	vimm.f32 $0.0e+00;
	s12 =	sadd.s32 s12, s4;
	s13 =	sadd.s32 $0x49000, s0;
	s14 =	sadd.s32 $0x71000, s0  }
.LBB2_1:
0x14: {  	s0 =	simm.s32 $0x0;
	s2 =	simm.s32 $0x200  }
.LBB2_2:
0x15: {  	p0 =	sne.s32 s2, $0xFE00;
	[tilespmem:s0+$0x2270] =	vst v1  }
0x16: {  	[tilespmem:s0+$0x2200] =	vst v1  }
0x17: {  	[tilespmem:s0+$0x2210] =	vst v1  }
.Ltmp0:
0x18: {  	[tilespmem:s0+$0x2220] =	vst v1;
	(pc) =	sbr.rel @p0 .LBB2_2-.Ltmp0, $4  }
0x19: {  	[tilespmem:s0+$0x2230] =	vst v1  }
0x1a: {  	[tilespmem:s0+$0x2240] =	vst v1  }
0x1b: {  	[tilespmem:s0+$0x2250] =	vst v1  }
0x1c: {  	[tilespmem:s0+$0x2260] =	vst v1;
	s0 =	sshra.s32 s2, $0x2;
	s2 =	sadd.s32 $0x200, s2  }
0x1d: {  	[tilespmem:s0+$0x2270] =	vst v1  }
0x1e: {  	[tilespmem:s0+$0x2200] =	vst v1  }
0x1f: {  	[tilespmem:s0+$0x2210] =	vst v1  }
0x20: {  	[tilespmem:s0+$0x2220] =	vst v1  }
0x21: {  	[tilespmem:s0+$0x2230] =	vst v1  }
0x22: {  	[tilespmem:s0+$0x2240] =	vst v1  }
0x23: {  	[tilespmem:s0+$0x2250] =	vst v1  }
0x24: {  	[tilespmem:s0+$0x2260] =	vst v1  }
0x25: {  	[spmem:s7] =	stream.linear.scatter [tilespmem:s19], [sflag:$0x2], $0x4000, $0x38;
	[tilespmem:$0x1A280] =	vst v63  }
0x26: {  	_ =	swait.ge [sflag:s20], $0x4000  }
0x27: {  	[sflag:s20] =	ssyncset.done $0x0  }
0x28: {  	[sflag:s20] =	ssyncadd.s32 $0xFFFFC000  }
0x29: {  	[spmem:s8] =	stream.linear.scatter [tilespmem:s19], [sflag:$0x2], $0x4000, $0x38;
	[tilespmem:$0x1A280] =	vst v63  }
0x2a: {  	_ =	swait.ge [sflag:s20], $0x4000  }
0x2b: {  	[sflag:s20] =	ssyncset.done $0x0  }
0x2c: {  	[sflag:s20] =	ssyncadd.s32 $0xFFFFC000  }
0x2d: {  	[spmem:s9] =	stream.linear.scatter [tilespmem:s19], [sflag:$0x2], $0x4000, $0x38;
	[tilespmem:$0x1A280] =	vst v63  }
0x2e: {  	_ =	swait.ge [sflag:s20], $0x4000  }
0x2f: {  	[sflag:s20] =	ssyncset.done $0x0  }
0x30: {  	[sflag:s20] =	ssyncadd.s32 $0xFFFFC000  }
0x31: {  	[spmem:s10] =	stream.linear.scatter [tilespmem:s19], [sflag:$0x2], $0x4000, $0x38;
	[tilespmem:$0x1A280] =	vst v63  }
0x32: {  	_ =	swait.ge [sflag:s20], $0x4000  }
0x33: {  	[sflag:s20] =	ssyncset.done $0x0  }
0x34: {  	[sflag:s20] =	ssyncadd.s32 $0xFFFFC000  }
0x35: {  	[spmem:s11] =	stream.linear.scatter [tilespmem:s19], [sflag:$0x2], $0x2000, $0x38;
	[tilespmem:$0x1A280] =	vst v63  }
0x36: {  	_ =	swait.ge [sflag:s20], $0x2000  }
0x37: {  	[sflag:s20] =	ssyncset.done $0x0  }
0x38: {  	[sflag:s20] =	ssyncadd.s32 $0xFFFFE000  }
0x39: {  	[spmem:s12] =	stream.linear.scatter [tilespmem:s19], [sflag:$0x2], $0x2000, $0x38;
	[tilespmem:$0x1A280] =	vst v63  }
0x3a: {  	_ =	swait.ge [sflag:s20], $0x2000  }
0x3b: {  	[sflag:s20] =	ssyncset.done $0x0  }
0x3c: {  	[sflag:s20] =	ssyncadd.s32 $0xFFFFE000  }
0x3d: {  	[tilespmem:$0x1800] =	vst v1  }
0x3e: {  	[tilespmem:$0x1810] =	vst v1  }
0x3f: {  	[tilespmem:$0x1820] =	vst v1  }
0x40: {  	[tilespmem:$0x1830] =	vst v1  }
0x41: {  	[tilespmem:$0x1840] =	vst v1  }
0x42: {  	[tilespmem:$0x1850] =	vst v1  }
0x43: {  	[tilespmem:$0x1860] =	vst v1  }
0x44: {  	[tilespmem:$0x1870] =	vst v1  }
0x45: {  	[tilespmem:$0x1880] =	vst v1  }
0x46: {  	[tilespmem:$0x1890] =	vst v1  }
0x47: {  	[tilespmem:$0x18A0] =	vst v1  }
0x48: {  	[tilespmem:$0x18B0] =	vst v1  }
0x49: {  	[tilespmem:$0x18C0] =	vst v1  }
0x4a: {  	[tilespmem:$0x18D0] =	vst v1  }
0x4b: {  	[tilespmem:$0x18E0] =	vst v1  }
0x4c: {  	[tilespmem:$0x18F0] =	vst v1  }
0x4d: {  	[tilespmem:$0x1900] =	vst v1  }
0x4e: {  	[tilespmem:$0x1910] =	vst v1  }
0x4f: {  	[tilespmem:$0x1920] =	vst v1  }
0x50: {  	[tilespmem:$0x1930] =	vst v1  }
0x51: {  	[tilespmem:$0x1940] =	vst v1  }
0x52: {  	[tilespmem:$0x1950] =	vst v1  }
0x53: {  	[tilespmem:$0x1960] =	vst v1  }
0x54: {  	[tilespmem:$0x1970] =	vst v1  }
0x55: {  	[tilespmem:$0x1980] =	vst v1  }
0x56: {  	[tilespmem:$0x1990] =	vst v1  }
0x57: {  	[tilespmem:$0x19A0] =	vst v1  }
0x58: {  	[tilespmem:$0x19B0] =	vst v1  }
0x59: {  	[tilespmem:$0x19C0] =	vst v1  }
0x5a: {  	[tilespmem:$0x19D0] =	vst v1  }
0x5b: {  	[tilespmem:$0x19E0] =	vst v1  }
0x5c: {  	[tilespmem:$0x19F0] =	vst v1  }
0x5d: {  	[tilespmem:$0x1A00] =	vst v1  }
0x5e: {  	[tilespmem:$0x1A10] =	vst v1  }
0x5f: {  	[tilespmem:$0x1A20] =	vst v1  }
0x60: {  	[tilespmem:$0x1A30] =	vst v1  }
0x61: {  	[tilespmem:$0x1A40] =	vst v1  }
0x62: {  	[tilespmem:$0x1A50] =	vst v1  }
0x63: {  	[tilespmem:$0x1A60] =	vst v1  }
0x64: {  	[tilespmem:$0x1A70] =	vst v1  }
0x65: {  	[tilespmem:$0x1A80] =	vst v1  }
0x66: {  	[tilespmem:$0x1A90] =	vst v1  }
0x67: {  	[tilespmem:$0x1AA0] =	vst v1  }
0x68: {  	[tilespmem:$0x1AB0] =	vst v1  }
0x69: {  	[tilespmem:$0x1AC0] =	vst v1  }
0x6a: {  	[tilespmem:$0x1AD0] =	vst v1  }
0x6b: {  	[tilespmem:$0x1AE0] =	vst v1  }
0x6c: {  	[tilespmem:$0x1AF0] =	vst v1  }
0x6d: {  	[tilespmem:$0x1B00] =	vst v1  }
0x6e: {  	[tilespmem:$0x1B10] =	vst v1  }
0x6f: {  	[tilespmem:$0x1B20] =	vst v1  }
0x70: {  	[tilespmem:$0x1B30] =	vst v1  }
0x71: {  	[tilespmem:$0x1B40] =	vst v1  }
0x72: {  	[tilespmem:$0x1B50] =	vst v1  }
0x73: {  	[tilespmem:$0x1B60] =	vst v1  }
0x74: {  	[tilespmem:$0x1B70] =	vst v1  }
0x75: {  	[tilespmem:$0x1B80] =	vst v1  }
0x76: {  	[tilespmem:$0x1B90] =	vst v1  }
0x77: {  	[tilespmem:$0x1BA0] =	vst v1  }
0x78: {  	[tilespmem:$0x1BB0] =	vst v1  }
0x79: {  	[tilespmem:$0x1BC0] =	vst v1  }
0x7a: {  	[tilespmem:$0x1BD0] =	vst v1  }
0x7b: {  	[tilespmem:$0x1BE0] =	vst v1  }
0x7c: {  	[tilespmem:$0x1BF0] =	vst v1  }
0x7d: {  	[tilespmem:$0x1C00] =	vst v1  }
0x7e: {  	[tilespmem:$0x1C10] =	vst v1  }
0x7f: {  	[tilespmem:$0x1C20] =	vst v1  }
0x80: {  	[tilespmem:$0x1C30] =	vst v1  }
0x81: {  	[tilespmem:$0x1C40] =	vst v1  }
0x82: {  	[tilespmem:$0x1C50] =	vst v1  }
0x83: {  	[tilespmem:$0x1C60] =	vst v1  }
0x84: {  	[tilespmem:$0x1C70] =	vst v1  }
0x85: {  	[tilespmem:$0x1C80] =	vst v1  }
0x86: {  	[tilespmem:$0x1C90] =	vst v1  }
0x87: {  	[tilespmem:$0x1CA0] =	vst v1  }
0x88: {  	[tilespmem:$0x1CB0] =	vst v1  }
0x89: {  	[tilespmem:$0x1CC0] =	vst v1  }
0x8a: {  	[tilespmem:$0x1CD0] =	vst v1  }
0x8b: {  	[tilespmem:$0x1CE0] =	vst v1  }
0x8c: {  	[tilespmem:$0x1CF0] =	vst v1  }
0x8d: {  	[tilespmem:$0x1D00] =	vst v1  }
0x8e: {  	[tilespmem:$0x1D10] =	vst v1  }
0x8f: {  	[tilespmem:$0x1D20] =	vst v1  }
0x90: {  	[tilespmem:$0x1D30] =	vst v1  }
0x91: {  	[tilespmem:$0x1D40] =	vst v1  }
0x92: {  	[tilespmem:$0x1D50] =	vst v1  }
0x93: {  	[tilespmem:$0x1D60] =	vst v1  }
0x94: {  	[tilespmem:$0x1D70] =	vst v1  }
0x95: {  	[tilespmem:$0x1D80] =	vst v1  }
0x96: {  	[tilespmem:$0x1D90] =	vst v1  }
0x97: {  	[tilespmem:$0x1DA0] =	vst v1  }
0x98: {  	[tilespmem:$0x1DB0] =	vst v1  }
0x99: {  	[tilespmem:$0x1DC0] =	vst v1  }
0x9a: {  	[tilespmem:$0x1DD0] =	vst v1  }
0x9b: {  	[tilespmem:$0x1DE0] =	vst v1  }
0x9c: {  	[tilespmem:$0x1DF0] =	vst v1  }
0x9d: {  	[tilespmem:$0x1E00] =	vst v1  }
0x9e: {  	[tilespmem:$0x1E10] =	vst v1  }
0x9f: {  	[tilespmem:$0x1E20] =	vst v1  }
0xa0: {  	[tilespmem:$0x1E30] =	vst v1  }
0xa1: {  	[tilespmem:$0x1E40] =	vst v1  }
0xa2: {  	[tilespmem:$0x1E50] =	vst v1  }
0xa3: {  	[tilespmem:$0x1E60] =	vst v1  }
0xa4: {  	[tilespmem:$0x1E70] =	vst v1  }
0xa5: {  	[tilespmem:$0x1E80] =	vst v1  }
0xa6: {  	[tilespmem:$0x1E90] =	vst v1  }
0xa7: {  	[tilespmem:$0x1EA0] =	vst v1  }
0xa8: {  	[tilespmem:$0x1EB0] =	vst v1  }
0xa9: {  	[tilespmem:$0x1EC0] =	vst v1  }
0xaa: {  	[tilespmem:$0x1ED0] =	vst v1  }
0xab: {  	[tilespmem:$0x1EE0] =	vst v1  }
0xac: {  	[tilespmem:$0x1EF0] =	vst v1  }
0xad: {  	[tilespmem:$0x1F00] =	vst v1  }
0xae: {  	[tilespmem:$0x1F10] =	vst v1  }
0xaf: {  	[tilespmem:$0x1F20] =	vst v1  }
0xb0: {  	[tilespmem:$0x1F30] =	vst v1  }
0xb1: {  	[tilespmem:$0x1F40] =	vst v1  }
0xb2: {  	[tilespmem:$0x1F50] =	vst v1  }
0xb3: {  	[tilespmem:$0x1F60] =	vst v1  }
0xb4: {  	[tilespmem:$0x1F70] =	vst v1  }
0xb5: {  	[tilespmem:$0x1F80] =	vst v1  }
0xb6: {  	[tilespmem:$0x1F90] =	vst v1  }
0xb7: {  	[tilespmem:$0x1FA0] =	vst v1  }
0xb8: {  	[tilespmem:$0x1FB0] =	vst v1  }
0xb9: {  	[tilespmem:$0x1FC0] =	vst v1  }
0xba: {  	[tilespmem:$0x1FD0] =	vst v1  }
0xbb: {  	[tilespmem:$0x1FE0] =	vst v1  }
0xbc: {  	[tilespmem:$0x1FF0] =	vst v1  }
0xbd: {  	s0 =	simm.s32 $0x0;
	[bflag:$0x0] =	sbarrier.arrive $0xFFFF  }
.LBB2_4:
0xbe: {  	s2 =	sadd.s32 s0, s18  }
0xbf: {  	[tilespmem:s21], [sflag:$0x2] =	stream.linear.gather [hbm4b:s2+s5], $0x10, $0x38;
	[tilespmem:$0x1A280] =	vst v63  }
0xc0: {  	_ =	swait.ge [sflag:s20], $0x10  }
0xc1: {  	[sflag:s20] =	ssyncset.done $0x0  }
0xc2: {  	s2 =	sadd.s32 s0, s17;
	[sflag:s20] =	ssyncadd.s32 $0xFFFFFFF0  }
0xc3: {  	[tilespmem:s22], [sflag:$0x2] =	stream.linear.gather [hbm4b:s2+s5], $0x10, $0x38;
	[tilespmem:$0x1A280] =	vst v63  }
0xc4: {  	_ =	swait.ge [sflag:s20], $0x10  }
0xc5: {  	[sflag:s20] =	ssyncset.done $0x0  }
0xc6: {  	s2 =	sadd.s32 s0, s16;
	[sflag:s20] =	ssyncadd.s32 $0xFFFFFFF0  }
0xc7: {  	[tilespmem:s23], [sflag:$0x2] =	stream.linear.gather [hbm4b:s2+s5], $0x10, $0x38;
	[tilespmem:$0x1A280] =	vst v63  }
0xc8: {  	_ =	swait.ge [sflag:s20], $0x10  }
0xc9: {  	[sflag:s20] =	ssyncset.done $0x0  }
0xca: {  	[sflag:s20] =	ssyncadd.s32 $0xFFFFFFF0  }
0xcb: {  	[tilespmem:s25], [sflag:$0x1] =	stream.indirect.gather [hbm4b:s6+s24], $0x80, s21, s24, $0xb8;
	[tilespmem:$0x1A280] =	vst v63  }
0xcc: {  	_ =	swait.ge [sflag:s26], $0x800  }
0xcd: {  	[sflag:s26] =	ssyncset.done $0x0  }
0xce: {  	[sflag:s26] =	ssyncadd.s32 $0xFFFFF800  }
0xcf: {  	[tilespmem:s5], [sflag:$0x1] =	stream.indirect.gather [hbm4b:s1+s24], $0x80, s21, s24, $0xb8;
	[tilespmem:$0x1A280] =	vst v63  }
0xd0: {  	_ =	swait.ge [sflag:s26], $0x800  }
0xd1: {  	[sflag:s26] =	ssyncset.done $0x0  }
0xd2: {  	[sflag:s26] =	ssyncadd.s32 $0xFFFFF800  }
0xd3: {  	[tilespmem:s28], [sflag:$0x1] =	stream.indirect.gather [hbm4b:s1+s24], $0x80, s23, s24, $0xb8;
	[tilespmem:$0x1A280] =	vst v63  }
0xd4: {  	_ =	swait.ge [sflag:s26], $0x800  }
0xd5: {  	[sflag:s26] =	ssyncset.done $0x0  }
0xd6: {  	[sflag:s26] =	ssyncadd.s32 $0xFFFFF800  }
0xd7: {  	v2 =	vld [tilespmem:$0x0]  }
0xd8: {  	v3 =	vld [tilespmem:$0x800];
	_ =	sdelay $0x4  }
0xd9: {  	v2 =	vadd.f32 v3, v2  }
0xda: {  	v5 =	vld [tilespmem:$0x80]  }
0xdb: {  	v40 =	vld [tilespmem:$0x880];
	v4 =	vmul.f32 $2.000000030e-01, v2  }
0xdc: {  	v6 =	vld [tilespmem:$0x1000];
	vm0 =	vge.f32 v2, $0.0e+00  }
0xdd: {  	v7 =	vld [tilespmem:$0x1010];
	v2 =	vsel vm0, v2, v4  }
0xde: {  	v8 =	vld [tilespmem:$0x1030];
	v2 =	vmul.f32 $1.442695020e+00, v2  }
0xdf: {  	v42 =	vld [tilespmem:$0x100]  }
0xe0: {  	v13 =	vld [tilespmem:$0x900];
	(erf) = vpow2.f32 v2  }
0xe1: {  	v9 =	vld [tilespmem:$0x1040];
	v4 =	vadd.f32 v40, v5  }
0xe2: {  	v41 =	vld [tilespmem:$0x1050]  }
0xe3: {  	v10 =	vld [tilespmem:$0x1060];
	v11 =	vmul.f32 $2.000000030e-01, v4  }
0xe4: {  	v12 =	vld [tilespmem:$0x1070];
	vm13 =	vge.f32 v4, $0.0e+00  }
0xe5: {  	v14 =	vld [tilespmem:$0x1080];
	v4 =	vsel vm13, v4, v11;
	v11 =	vadd.f32 v13, v42  }
0xe6: {  	v43 =	vld [tilespmem:$0x1090]  }
0xe7: {  	v18 =	vld [tilespmem:$0x10A0];
	v4 =	vmul.f32 $1.442695020e+00, v4;
	v23 =	vmul.f32 $2.000000030e-01, v11  }
0xe8: {  	v19 =	vld [tilespmem:$0x10B0];
	vm14 =	vge.f32 v11, $0.0e+00  }
0xe9: {  	v3 =	vld [tilespmem:$0x2100];
	(erf) = vpow2.f32 v4;
	v11 =	vsel vm14, v11, v23;
	v15 =	vpop (erf)  }
0xea: {  	v2 =	vld [tilespmem:$0x1020];
	v11 =	vmul.f32 $1.442695020e+00, v11;
	v16 =	vbroadcast v15, $0x0  }
0xeb: {  	v44 =	vld [tilespmem:$0x10C0];
	v17 =	vbroadcast v15, $0x1;
	v45 =	vbroadcast v15, $0x2  }
0xec: {  	v20 =	vld [tilespmem:$0x10D0];
	v46 =	vbroadcast v15, $0x3;
	v21 =	vbroadcast v15, $0x4  }
0xed: {  	v24 =	vld [tilespmem:$0x180];
	v47 =	vbroadcast v15, $0x5;
	v50 =	vbroadcast v15, $0x6  }
0xee: {  	v48 =	vld [tilespmem:$0x980];
	v51 =	vbroadcast v15, $0x7;
	v6 =	vmul.f32 v16, v6  }
0xef: {  	v63 =	vld [tilespmem:$0x200];
	v3 =	vsub.s32 v3, v0;
	v7 =	vmul.f32 v17, v7;
	v2 =	vmul.f32 v45, v2  }
0xf0: {  	v31 =	vld [tilespmem:$0xA00];
	v3 =	vmin.u32 v3, $0x1400;
	v8 =	vmul.f32 v8, v46;
	v9 =	vmul.f32 v9, v21  }
0xf1: {  	v22 =	vld [tilespmem:$0x10E0];
	[tilespmem:$0x2180] =	vst v3;
	v5 =	vmul.f32 v41, v47;
	v3 =	vmul.f32 v10, v50  }
0xf2: {  	v49 =	vld [tilespmem:$0x10F0];
	v12 =	vmul.f32 v12, v51;
	v25 =	vpop (erf);
	(erf) = vpow2.f32 v11  }
0xf3: {  	v26 =	vld [tilespmem:$0x1100];
	v17 =	vadd.f32 v48, v24;
	v27 =	vbroadcast v25, $0x0;
	v53 =	vbroadcast v25, $0x1  }
0xf4: {  	v52 =	vld [tilespmem:$0x1110];
	[tilespmem:$0x1800] =	vst v15;
	v56 =	vbroadcast v25, $0x2;
	v58 =	vbroadcast v25, $0x3  }
0xf5: {  	v16 =	vadd.f32 v31, v63;
	v48 =	vld [tilespmem:$0x280];
	[tilespmem:$0x1000] =	vst v6;
	v24 =	vmul.f32 $2.000000030e-01, v17;
	v60 =	vbroadcast v25, $0x4  }
0xf6: {  	v51 =	vld [tilespmem:$0xA80];
	[tilespmem:$0x1010] =	vst v7;
	v62 =	vbroadcast v25, $0x5;
	v33 =	vbroadcast v25, $0x6  }
0xf7: {  	v54 =	vld [tilespmem:$0x1120];
	[tilespmem:$0x1060] =	vst v3;
	v3 =	vbroadcast v25, $0x7;
	v46 =	vmul.f32 $2.000000030e-01, v16  }
0xf8: {  	v55 =	vld [tilespmem:$0x1130];
	[tilespmem:$0x1020] =	vst v2;
	vm15 =	vge.f32 v17, $0.0e+00;
	v14 =	vmul.f32 v27, v14;
	v4 =	vmul.f32 v53, v43  }
0xf9: {  	v57 =	vld [tilespmem:$0x1140];
	[tilespmem:$0x1030] =	vst v8;
	v2 =	vmul.f32 v56, v18;
	v7 =	vmul.f32 v19, v58;
	v17 =	vsel vm15, v17, v24  }
0xfa: {  	v59 =	vld [tilespmem:$0x1150];
	[tilespmem:$0x1040] =	vst v9;
	vm4 =	vge.f32 v16, $0.0e+00;
	v6 =	vmul.f32 v44, v60;
	v30 =	vmul.f32 $1.442695020e+00, v17  }
0xfb: {  	v61 =	vld [tilespmem:$0x1160];
	[tilespmem:$0x1050] =	vst v5;
	v32 =	vmul.f32 v20, v62;
	v8 =	vmul.f32 v22, v33;
	v15 =	vadd.f32 v51, v48  }
0xfc: {  	v34 =	vld [tilespmem:$0x1170];
	[tilespmem:$0x1070] =	vst v12;
	v3 =	vmul.f32 v49, v3;
	v50 =	vsel vm4, v16, v46;
	v35 =	vpop (erf);
	(erf) = vpow2.f32 v30  }
0xfd: {  	v36 =	vld [tilespmem:$0x1180];
	[tilespmem:$0x1880] =	vst v25;
	v10 =	vmul.f32 $1.442695020e+00, v50;
	v21 =	vmul.f32 $2.000000030e-01, v15  }
0xfe: {  	v39 =	vld [tilespmem:$0x1190];
	[tilespmem:$0x1080] =	vst v14;
	v37 =	vbroadcast v35, $0x0;
	v38 =	vbroadcast v35, $0x1  }
0xff: {  	v29 =	vld [tilespmem:$0x1230];
	[tilespmem:$0x1090] =	vst v4;
	v42 =	vbroadcast v35, $0x2;
	v43 =	vbroadcast v35, $0x3  }
0x100: {  	v40 =	vld [tilespmem:$0x11A0];
	[tilespmem:$0x10A0] =	vst v2;
	v2 =	vbroadcast v35, $0x4;
	v47 =	vbroadcast v35, $0x5  }
0x101: {  	v41 =	vld [tilespmem:$0x11B0];
	[tilespmem:$0x10B0] =	vst v7;
	v12 =	vmul.f32 v37, v26;
	v11 =	vmul.f32 v38, v52  }
0x102: {  	v45 =	vld [tilespmem:$0x11D0];
	[tilespmem:$0x10C0] =	vst v6;
	v4 =	vmul.f32 v42, v54;
	v49 =	vmul.f32 v55, v43  }
0x103: {  	v31 =	vld [tilespmem:$0x1240];
	[tilespmem:$0x10D0] =	vst v32;
	v2 =	vmul.f32 v57, v2;
	v54 =	vbroadcast v35, $0x6  }
0x104: {  	v44 =	vld [tilespmem:$0x11C0];
	[tilespmem:$0x10E0] =	vst v8;
	v52 =	vmul.f32 v59, v47;
	v55 =	vbroadcast v35, $0x7  }
0x105: {  	v53 =	vld [tilespmem:$0x11E0];
	[tilespmem:$0x10F0] =	vst v3;
	v8 =	vmul.f32 v61, v54;
	v56 =	vpop (erf);
	(erf) = vpow2.f32 v10  }
0x106: {  	v58 =	vld [tilespmem:$0x1200];
	[tilespmem:$0x1900] =	vst v35;
	v61 =	vmul.f32 v34, v55;
	v3 =	vbroadcast v56, $0x0  }
0x107: {  	v60 =	vld [tilespmem:$0x1210];
	[tilespmem:$0x1100] =	vst v12;
	v59 =	vbroadcast v56, $0x1;
	v28 =	vbroadcast v56, $0x2  }
0x108: {  	v62 =	vld [tilespmem:$0x1220];
	[tilespmem:$0x1110] =	vst v11;
	v30 =	vbroadcast v56, $0x3;
	v33 =	vbroadcast v56, $0x4  }
0x109: {  	v57 =	vld [tilespmem:$0x11F0];
	[tilespmem:$0x1120] =	vst v4;
	v35 =	vbroadcast v56, $0x5;
	v43 =	vbroadcast v56, $0x7  }
0x10a: {  	v24 =	vld [tilespmem:$0x13A0];
	[tilespmem:$0x1130] =	vst v49;
	v3 =	vmul.f32 v3, v36;
	v63 =	vmul.f32 v59, v39  }
0x10b: {  	vm5 =	vge.f32 v15, $0.0e+00;
	v37 =	vld [tilespmem:$0x300];
	[tilespmem:$0x1140] =	vst v2;
	v32 =	vmul.f32 v28, v40;
	v2 =	vmul.f32 v41, v30  }
0x10c: {  	[tilespmem:$0x1150] =	vst v52;
	v36 =	vsel vm5, v15, v21;
	v38 =	vmul.f32 v44, v33;
	v40 =	vld [tilespmem:$0xB00];
	v41 =	vbroadcast v56, $0x6  }
0x10d: {  	v48 =	vld [tilespmem:$0x1280];
	[tilespmem:$0x1170] =	vst v61;
	v4 =	vmul.f32 v45, v35;
	v39 =	vmul.f32 $1.442695020e+00, v36  }
0x10e: {  	v61 =	vld [tilespmem:$0x380];
	v49 =	vmul.f32 v57, v43;
	[tilespmem:$0x1180] =	vst v3;
	v3 =	vmul.f32 v53, v41;
	v44 =	vpop (erf)  }
0x10f: {  	[tilespmem:$0x1190] =	vst v63;
	v63 =	vld [tilespmem:$0xB80];
	(erf) = vpow2.f32 v39;
	v46 =	vbroadcast v44, $0x0  }
0x110: {  	v50 =	vld [tilespmem:$0x1290];
	[tilespmem:$0x1160] =	vst v8;
	v47 =	vbroadcast v44, $0x1;
	v54 =	vbroadcast v44, $0x2  }
0x111: {  	v42 =	vld [tilespmem:$0x1260];
	[tilespmem:$0x11B0] =	vst v2;
	v53 =	vadd.f32 v40, v37;
	v55 =	vbroadcast v44, $0x3;
	v2 =	vbroadcast v44, $0x4  }
0x112: {  	v26 =	vld [tilespmem:$0x12D0];
	[tilespmem:$0x1980] =	vst v56;
	v27 =	vbroadcast v44, $0x6;
	v28 =	vbroadcast v44, $0x7  }
0x113: {  	v45 =	vld [tilespmem:$0x1270];
	[tilespmem:$0x11A0] =	vst v32;
	vm6 =	vge.f32 v53, $0.0e+00;
	v10 =	vmul.f32 v46, v58;
	v58 =	vmul.f32 $2.000000030e-01, v53  }
0x114: {  	v34 =	vld [tilespmem:$0x1250];
	[tilespmem:$0x11C0] =	vst v38;
	v9 =	vadd.f32 v63, v61;
	v51 =	vmul.f32 v47, v60;
	v59 =	vmul.f32 v54, v62  }
0x115: {  	v52 =	vld [tilespmem:$0x12A0];
	[tilespmem:$0x11D0] =	vst v4;
	v60 =	vbroadcast v44, $0x5;
	v62 =	vmul.f32 v29, v55;
	v13 =	vsel vm6, v53, v58  }
0x116: {  	v56 =	vld [tilespmem:$0x12B0];
	[tilespmem:$0x11F0] =	vst v49;
	v43 =	vmul.f32 $2.000000030e-01, v9;
	v13 =	vmul.f32 $1.442695020e+00, v13  }
0x117: {  	v57 =	vld [tilespmem:$0x12C0];
	[tilespmem:$0x11E0] =	vst v3;
	v2 =	vmul.f32 v31, v2;
	v7 =	vmul.f32 v42, v27;
	vm7 =	vge.f32 v9, $0.0e+00  }
0x118: {  	v30 =	vld [tilespmem:$0x12E0];
	[tilespmem:$0x1A00] =	vst v44;
	v35 =	vmul.f32 v45, v28;
	v9 =	vsel vm7, v9, v43;
	v29 =	vpop (erf);
	(erf) = vpow2.f32 v13  }
0x119: {  	v32 =	vld [tilespmem:$0x12F0];
	v3 =	vmul.f32 v34, v60;
	[tilespmem:$0x1200] =	vst v10;
	v49 =	vmul.f32 $1.442695020e+00, v9  }
0x11a: {  	v37 =	vld [tilespmem:$0x1310];
	[tilespmem:$0x1210] =	vst v51;
	v31 =	vbroadcast v29, $0x0;
	v33 =	vbroadcast v29, $0x1  }
0x11b: {  	v40 =	vld [tilespmem:$0x1320];
	[tilespmem:$0x1220] =	vst v59;
	v39 =	vbroadcast v29, $0x2;
	v41 =	vbroadcast v29, $0x3  }
0x11c: {  	v47 =	vld [tilespmem:$0x400];
	[tilespmem:$0x1230] =	vst v62;
	v44 =	vbroadcast v29, $0x4;
	v46 =	vbroadcast v29, $0x5  }
0x11d: {  	v51 =	vbroadcast v29, $0x6;
	[tilespmem:$0x1A80] =	vst v29;
	v17 =	vbroadcast v29, $0x7;
	v29 =	vld [tilespmem:$0x480]  }
0x11e: {  	[tilespmem:$0x1240] =	vst v2;
	v36 =	vmul.f32 v31, v48;
	v38 =	vmul.f32 v33, v50;
	v50 =	vld [tilespmem:$0xC00]  }
0x11f: {  	[tilespmem:$0x1250] =	vst v3;
	v2 =	vmul.f32 v39, v52;
	v3 =	vmul.f32 v56, v41;
	v31 =	vld [tilespmem:$0xC80]  }
0x120: {  	v42 =	vld [tilespmem:$0x1330];
	[tilespmem:$0x1260] =	vst v7;
	v48 =	vmul.f32 v57, v44;
	v4 =	vmul.f32 v26, v46  }
0x121: {  	v45 =	vld [tilespmem:$0x1340];
	[tilespmem:$0x1270] =	vst v35;
	v58 =	vmul.f32 v30, v51;
	v59 =	vmul.f32 v32, v17;
	v53 =	vpop (erf)  }
0x122: {  	v34 =	vld [tilespmem:$0x1300];
	[tilespmem:$0x1280] =	vst v36;
	(erf) = vpow2.f32 v49;
	v55 =	vbroadcast v53, $0x0  }
0x123: {  	v52 =	vld [tilespmem:$0x1350];
	[tilespmem:$0x12B0] =	vst v3;
	v9 =	vadd.f32 v50, v47;
	v56 =	vbroadcast v53, $0x1;
	v3 =	vbroadcast v53, $0x2  }
0x124: {  	v54 =	vld [tilespmem:$0x1360];
	[tilespmem:$0x1290] =	vst v38;
	v10 =	vadd.f32 v31, v29;
	v63 =	vbroadcast v53, $0x3;
	v25 =	vbroadcast v53, $0x4  }
0x125: {  	v60 =	vld [tilespmem:$0x1380];
	[tilespmem:$0x12A0] =	vst v2;
	v27 =	vmul.f32 $2.000000030e-01, v9;
	v28 =	vbroadcast v53, $0x5  }
0x126: {  	v62 =	vld [tilespmem:$0x1390];
	[tilespmem:$0x12C0] =	vst v48;
	v33 =	vbroadcast v53, $0x6;
	v47 =	vmul.f32 $2.000000030e-01, v10  }
0x127: {  	v57 =	vld [tilespmem:$0x1370];
	[tilespmem:$0x12D0] =	vst v4;
	vm8 =	vge.f32 v9, $0.0e+00;
	v2 =	vmul.f32 v55, v34;
	v61 =	vmul.f32 v56, v37  }
0x128: {  	[tilespmem:$0x12E0] =	vst v58;
	vm9 =	vge.f32 v10, $0.0e+00;
	v3 =	vmul.f32 v3, v40;
	v4 =	vmul.f32 v52, v28;
	v52 =	vld [tilespmem:$0x500]  }
0x129: {  	[tilespmem:$0x12F0] =	vst v59;
	v30 =	vmul.f32 v42, v63;
	v9 =	vsel vm8, v9, v27;
	v38 =	vmul.f32 v54, v33;
	v54 =	vld [tilespmem:$0xD00]  }
0x12a: {  	v26 =	vld [tilespmem:$0x13B0];
	[tilespmem:$0x1B00] =	vst v53;
	v34 =	vbroadcast v53, $0x7;
	v10 =	vsel vm9, v10, v47;
	v9 =	vmul.f32 $1.442695020e+00, v9  }
0x12b: {  	v32 =	vld [tilespmem:$0x13C0];
	v7 =	vmul.f32 v45, v25;
	v53 =	vmul.f32 $1.442695020e+00, v10;
	[tilespmem:$0x1300] =	vst v2  }
0x12c: {  	v29 =	vld [tilespmem:$0xD80];
	[tilespmem:$0x1320] =	vst v3;
	v3 =	vmul.f32 v57, v34;
	v35 =	vpop (erf);
	(erf) = vpow2.f32 v9  }
0x12d: {  	v28 =	vld [tilespmem:$0x580];
	[tilespmem:$0x1310] =	vst v61;
	v2 =	vbroadcast v35, $0x0;
	v39 =	vbroadcast v35, $0x1  }
0x12e: {  	v36 =	vld [tilespmem:$0x13D0];
	[tilespmem:$0x1330] =	vst v30;
	v10 =	vadd.f32 v54, v52;
	v43 =	vbroadcast v35, $0x2;
	v45 =	vbroadcast v35, $0x3  }
0x12f: {  	v41 =	vld [tilespmem:$0x1400];
	[tilespmem:$0x1340] =	vst v7;
	v49 =	vbroadcast v35, $0x4;
	v51 =	vbroadcast v35, $0x5  }
0x130: {  	v37 =	vld [tilespmem:$0x13E0];
	[tilespmem:$0x1350] =	vst v4;
	v55 =	vbroadcast v35, $0x6;
	v16 =	vmul.f32 $2.000000030e-01, v10  }
0x131: {  	v40 =	vld [tilespmem:$0x13F0];
	[tilespmem:$0x1360] =	vst v38;
	v2 =	vmul.f32 v2, v60;
	v42 =	vmul.f32 v39, v62  }
0x132: {  	v44 =	vld [tilespmem:$0x1410];
	[tilespmem:$0x1370] =	vst v3;
	v48 =	vmul.f32 v43, v24;
	v7 =	vmul.f32 v26, v45;
	v39 =	vadd.f32 v29, v28  }
0x133: {  	v46 =	vld [tilespmem:$0x1420];
	[tilespmem:$0x1B80] =	vst v35;
	v3 =	vmul.f32 v32, v49;
	v8 =	vmul.f32 v36, v51  }
0x134: {  	v58 =	vld [tilespmem:$0x1450];
	vm10 =	vge.f32 v10, $0.0e+00;
	[tilespmem:$0x1380] =	vst v2;
	v2 =	vbroadcast v35, $0x7;
	v14 =	vmul.f32 $2.000000030e-01, v39  }
0x135: {  	v50 =	vld [tilespmem:$0x1430];
	v62 =	vmul.f32 v37, v55;
	v10 =	vsel vm10, v10, v16;
	[tilespmem:$0x1390] =	vst v42;
	vm11 =	vge.f32 v39, $0.0e+00  }
0x136: {  	v56 =	vld [tilespmem:$0x1440];
	v10 =	vmul.f32 $1.442695020e+00, v10;
	[tilespmem:$0x13A0] =	vst v48;
	v2 =	vmul.f32 v40, v2;
	v9 =	vsel vm11, v39, v14  }
0x137: {  	v63 =	vld [tilespmem:$0x1470];
	[tilespmem:$0x13B0] =	vst v7;
	v9 =	vmul.f32 $1.442695020e+00, v9;
	v57 =	vpop (erf);
	(erf) = vpow2.f32 v53  }
0x138: {  	v47 =	vld [tilespmem:$0x600];
	[tilespmem:$0x13C0] =	vst v3;
	v59 =	vbroadcast v57, $0x0;
	v60 =	vbroadcast v57, $0x1  }
0x139: {  	[tilespmem:$0x13D0] =	vst v8;
	v48 =	vld [tilespmem:$0xE00];
	v3 =	vbroadcast v57, $0x2;
	v23 =	vbroadcast v57, $0x3  }
0x13a: {  	v61 =	vld [tilespmem:$0x1460];
	[tilespmem:$0x13E0] =	vst v62;
	v25 =	vbroadcast v57, $0x4;
	v27 =	vbroadcast v57, $0x5  }
0x13b: {  	v22 =	vld [tilespmem:$0x1480];
	[tilespmem:$0x13F0] =	vst v2;
	v31 =	vbroadcast v57, $0x6;
	v5 =	vmul.f32 v59, v41  }
0x13c: {  	v20 =	vld [tilespmem:$0x680];
	[tilespmem:$0x1C00] =	vst v57;
	v15 =	vbroadcast v57, $0x7;
	v3 =	vmul.f32 v3, v46  }
0x13d: {  	v21 =	vld [tilespmem:$0xE80];
	v6 =	vmul.f32 v60, v44;
	v2 =	vmul.f32 v50, v23;
	[tilespmem:$0x1400] =	vst v5  }
0x13e: {  	v33 =	vld [tilespmem:$0x14C0];
	v8 =	vmul.f32 v56, v25;
	v4 =	vmul.f32 v58, v27;
	v59 =	vadd.f32 v48, v47;
	[tilespmem:$0x1420] =	vst v3  }
0x13f: {  	v30 =	vld [tilespmem:$0x14B0];
	v3 =	vmul.f32 v61, v31;
	[tilespmem:$0x1430] =	vst v2;
	v2 =	vmul.f32 v63, v15  }
0x140: {  	v24 =	vld [tilespmem:$0x1490];
	[tilespmem:$0x1410] =	vst v6;
	v15 =	vmul.f32 $2.000000030e-01, v59;
	v32 =	vpop (erf);
	(erf) = vpow2.f32 v10  }
0x141: {  	v26 =	vld [tilespmem:$0x14A0];
	[tilespmem:$0x1440] =	vst v8;
	v34 =	vbroadcast v32, $0x0;
	v36 =	vbroadcast v32, $0x1  }
0x142: {  	v37 =	vld [tilespmem:$0x14E0];
	[tilespmem:$0x1450] =	vst v4;
	v40 =	vbroadcast v32, $0x2;
	v42 =	vbroadcast v32, $0x3  }
0x143: {  	v35 =	vld [tilespmem:$0x14D0];
	[tilespmem:$0x1460] =	vst v3;
	v44 =	vbroadcast v32, $0x4;
	v46 =	vbroadcast v32, $0x5  }
0x144: {  	v38 =	vld [tilespmem:$0x14F0];
	[tilespmem:$0x1470] =	vst v2;
	v49 =	vbroadcast v32, $0x6;
	v6 =	vmul.f32 v34, v22  }
0x145: {  	v11 =	vadd.f32 v21, v20;
	[tilespmem:$0x1C80] =	vst v32;
	v51 =	vbroadcast v32, $0x7;
	v5 =	vmul.f32 v36, v24  }
0x146: {  	v43 =	vld [tilespmem:$0x1510];
	v3 =	vmul.f32 v40, v26;
	v2 =	vmul.f32 v30, v42;
	[tilespmem:$0x1480] =	vst v6  }
0x147: {  	v45 =	vld [tilespmem:$0x1520];
	v8 =	vmul.f32 v33, v44;
	v36 =	vmul.f32 $2.000000030e-01, v11;
	[tilespmem:$0x1490] =	vst v5  }
0x148: {  	vm13 =	vge.f32 v11, $0.0e+00;
	v41 =	vld [tilespmem:$0x1500];
	v4 =	vmul.f32 v35, v46;
	[tilespmem:$0x14B0] =	vst v2;
	v2 =	vmul.f32 v37, v49  }
0x149: {  	v55 =	vld [tilespmem:$0x1550];
	[tilespmem:$0x14A0] =	vst v3;
	v5 =	vmul.f32 v38, v51;
	v11 =	vsel vm13, v11, v36;
	v52 =	vpop (erf);
	(erf) = vpow2.f32 v9  }
0x14a: {  	v53 =	vld [tilespmem:$0x1540];
	[tilespmem:$0x14C0] =	vst v8;
	v11 =	vmul.f32 $1.442695020e+00, v11;
	v3 =	vbroadcast v52, $0x0  }
0x14b: {  	v50 =	vld [tilespmem:$0x1530];
	[tilespmem:$0x14D0] =	vst v4;
	v54 =	vbroadcast v52, $0x1;
	v60 =	vbroadcast v52, $0x2  }
0x14c: {  	v56 =	vld [tilespmem:$0x1560];
	vm12 =	vge.f32 v59, $0.0e+00;
	[tilespmem:$0x14E0] =	vst v2;
	v61 =	vbroadcast v52, $0x3;
	v2 =	vbroadcast v52, $0x4  }
0x14d: {  	v58 =	vld [tilespmem:$0x1570];
	[tilespmem:$0x14F0] =	vst v5;
	v9 =	vsel vm12, v59, v15;
	v19 =	vbroadcast v52, $0x5;
	v3 =	vmul.f32 v3, v41  }
0x14e: {  	v28 =	vld [tilespmem:$0x15C0];
	[tilespmem:$0x1D00] =	vst v52;
	v9 =	vmul.f32 $1.442695020e+00, v9;
	v57 =	vmul.f32 v54, v43  }
0x14f: {  	v62 =	vld [tilespmem:$0x1580];
	v23 =	vbroadcast v52, $0x6;
	v4 =	vmul.f32 v60, v45;
	[tilespmem:$0x1500] =	vst v3  }
0x150: {  	v42 =	vld [tilespmem:$0x700];
	v24 =	vbroadcast v52, $0x7;
	v10 =	vmul.f32 v50, v61;
	[tilespmem:$0x1510] =	vst v57  }
0x151: {  	v44 =	vld [tilespmem:$0xF00];
	v2 =	vmul.f32 v53, v2;
	v6 =	vmul.f32 v56, v23;
	[tilespmem:$0x1520] =	vst v4  }
0x152: {  	v63 =	vld [tilespmem:$0x1590];
	v29 =	vmul.f32 v58, v24;
	v3 =	vmul.f32 v55, v19;
	[tilespmem:$0x1530] =	vst v10;
	v25 =	vpop (erf)  }
0x153: {  	v22 =	vld [tilespmem:$0x15A0];
	[tilespmem:$0x1540] =	vst v2;
	(erf) = vpow2.f32 v9;
	v27 =	vbroadcast v25, $0x0  }
0x154: {  	v26 =	vld [tilespmem:$0x15B0];
	[tilespmem:$0x1550] =	vst v3;
	v31 =	vbroadcast v25, $0x1;
	v3 =	vbroadcast v25, $0x2  }
0x155: {  	v30 =	vld [tilespmem:$0x15D0];
	[tilespmem:$0x1560] =	vst v6;
	v33 =	vbroadcast v25, $0x3;
	v39 =	vbroadcast v25, $0x4  }
0x156: {  	v34 =	vld [tilespmem:$0x15F0];
	[tilespmem:$0x1570] =	vst v29;
	v9 =	vadd.f32 v44, v42;
	v40 =	vbroadcast v25, $0x5;
	v2 =	vmul.f32 v27, v62  }
0x157: {  	v32 =	vld [tilespmem:$0x15E0];
	[tilespmem:$0x1D80] =	vst v25;
	v46 =	vbroadcast v25, $0x7;
	v4 =	vmul.f32 v31, v63  }
0x158: {  	v35 =	vld [tilespmem:$0x1600];
	v59 =	vmul.f32 $2.000000030e-01, v9;
	v3 =	vmul.f32 v3, v22;
	[tilespmem:$0x1580] =	vst v2  }
0x159: {  	v38 =	vld [tilespmem:$0x1610];
	vm14 =	vge.f32 v9, $0.0e+00;
	v37 =	vmul.f32 v26, v33;
	v43 =	vmul.f32 v28, v39;
	[tilespmem:$0x1590] =	vst v4  }
0x15a: {  	v41 =	vld [tilespmem:$0x1620];
	v8 =	vmul.f32 v30, v40;
	v9 =	vsel vm14, v9, v59;
	v2 =	vbroadcast v25, $0x6;
	[tilespmem:$0x15A0] =	vst v3  }
0x15b: {  	v60 =	vld [tilespmem:$0x780];
	v5 =	vmul.f32 v34, v46;
	[tilespmem:$0x15B0] =	vst v37;
	v18 =	vmul.f32 $1.442695020e+00, v9  }
0x15c: {  	v62 =	vld [tilespmem:$0xF80];
	[tilespmem:$0x15C0] =	vst v43;
	v2 =	vmul.f32 v32, v2;
	v3 =	vpop (erf);
	(erf) = vpow2.f32 v11  }
0x15d: {  	v45 =	vld [tilespmem:$0x1630];
	[tilespmem:$0x15D0] =	vst v8;
	v47 =	vbroadcast v3, $0x0;
	v49 =	vbroadcast v3, $0x1  }
0x15e: {  	v48 =	vld [tilespmem:$0x1640];
	[tilespmem:$0x15F0] =	vst v5;
	v50 =	vbroadcast v3, $0x2;
	v55 =	vbroadcast v3, $0x3  }
0x15f: {  	v52 =	vld [tilespmem:$0x1660];
	[tilespmem:$0x15E0] =	vst v2;
	v56 =	vbroadcast v3, $0x4;
	v6 =	vmul.f32 v47, v35  }
0x160: {  	v51 =	vld [tilespmem:$0x1650];
	[tilespmem:$0x1E00] =	vst v3;
	(erf) = vpow2.f32 v18;
	v2 =	vmul.f32 v49, v38  }
0x161: {  	v54 =	vld [tilespmem:$0x1670];
	v23 =	vadd.f32 v62, v60;
	v58 =	vbroadcast v3, $0x5;
	v53 =	vmul.f32 v50, v41;
	[tilespmem:$0x1600] =	vst v6  }
0x162: {  	v61 =	vbroadcast v3, $0x6;
	[tilespmem:$0x1610] =	vst v2;
	v2 =	vmul.f32 v45, v55  }
0x163: {  	v27 =	vmul.f32 $2.000000030e-01, v23;
	v11 =	vmul.f32 v48, v56;
	[tilespmem:$0x1620] =	vst v53  }
0x164: {  	v57 =	vld [tilespmem:$0x1680];
	vm15 =	vge.f32 v23, $0.0e+00;
	v16 =	vmul.f32 v52, v61;
	[tilespmem:$0x1630] =	vst v2;
	v2 =	vbroadcast v3, $0x7  }
0x165: {  	v21 =	vld [tilespmem:$0x16B0];
	v30 =	vsel vm15, v23, v27;
	v6 =	vmul.f32 v51, v58;
	[tilespmem:$0x1640] =	vst v11  }
0x166: {  	v19 =	vld [tilespmem:$0x16A0];
	v4 =	vmul.f32 $1.442695020e+00, v30;
	[tilespmem:$0x1660] =	vst v16;
	v17 =	vpop (erf);
	v2 =	vmul.f32 v54, v2  }
0x167: {  	v63 =	vld [tilespmem:$0x1690];
	[tilespmem:$0x1650] =	vst v6;
	v3 =	vbroadcast v17, $0x0  }
0x168: {  	v26 =	vld [tilespmem:$0x16D0];
	(erf) = vpow2.f32 v4;
	[tilespmem:$0x1670] =	vst v2;
	v2 =	vbroadcast v17, $0x3  }
0x169: {  	v22 =	vld [tilespmem:$0x16C0];
	v25 =	vbroadcast v17, $0x2;
	[tilespmem:$0x1E80] =	vst v17;
	v36 =	vpop (erf);
	v3 =	vmul.f32 v3, v57  }
0x16a: {  	v32 =	vld [tilespmem:$0x16F0];
	v20 =	vbroadcast v17, $0x1;
	[tilespmem:$0x1F00] =	vst v36;
	v2 =	vmul.f32 v21, v2  }
0x16b: {  	v29 =	vld [tilespmem:$0x16E0];
	v31 =	vbroadcast v17, $0x5;
	[tilespmem:$0x1680] =	vst v3;
	v3 =	vmul.f32 v25, v19  }
0x16c: {  	v34 =	vld [tilespmem:$0x1700];
	v28 =	vbroadcast v17, $0x4;
	v24 =	vmul.f32 v20, v63;
	[tilespmem:$0x16B0] =	vst v2  }
0x16d: {  	v35 =	vld [tilespmem:$0x1710];
	v2 =	vbroadcast v17, $0x7;
	[tilespmem:$0x16A0] =	vst v3;
	v3 =	vmul.f32 v26, v31  }
0x16e: {  	v38 =	vld [tilespmem:$0x1720];
	v33 =	vbroadcast v17, $0x6;
	v6 =	vmul.f32 v22, v28;
	[tilespmem:$0x1690] =	vst v24  }
0x16f: {  	v39 =	vld [tilespmem:$0x1730];
	v2 =	vmul.f32 v32, v2;
	[tilespmem:$0x16D0] =	vst v3;
	v3 =	vbroadcast v36, $0x0  }
0x170: {  	v41 =	vld [tilespmem:$0x1740];
	v40 =	vbroadcast v36, $0x1;
	v37 =	vmul.f32 v29, v33;
	[tilespmem:$0x16C0] =	vst v6  }
0x171: {  	v42 =	vld [tilespmem:$0x1750];
	[tilespmem:$0x16F0] =	vst v2;
	v2 =	vmul.f32 v3, v34;
	v3 =	vbroadcast v36, $0x2  }
0x172: {  	v44 =	vld [tilespmem:$0x1760];
	v43 =	vbroadcast v36, $0x3;
	v5 =	vmul.f32 v40, v35;
	[tilespmem:$0x16E0] =	vst v37  }
0x173: {  	v45 =	vld [tilespmem:$0x1770];
	[tilespmem:$0x1700] =	vst v2;
	v2 =	vmul.f32 v3, v38;
	v3 =	vbroadcast v36, $0x4  }
0x174: {  	v48 =	vld [tilespmem:$0x1780];
	v47 =	vbroadcast v36, $0x5;
	v46 =	vmul.f32 v39, v43;
	[tilespmem:$0x1710] =	vst v5  }
0x175: {  	[tilespmem:$0x1720] =	vst v2;
	v2 =	vmul.f32 v41, v3;
	v3 =	vbroadcast v36, $0x6  }
0x176: {  	v52 =	vld [tilespmem:$0x17A0];
	v4 =	vbroadcast v36, $0x7;
	v50 =	vmul.f32 v42, v47;
	[tilespmem:$0x1730] =	vst v46;
	v51 =	vpop (erf)  }
0x177: {  	v49 =	vld [tilespmem:$0x1790];
	[tilespmem:$0x1740] =	vst v2;
	v2 =	vmul.f32 v44, v3;
	v3 =	vbroadcast v51, $0x0  }
0x178: {  	v53 =	vld [tilespmem:$0x17B0];
	v4 =	vmul.f32 v45, v4;
	[tilespmem:$0x1750] =	vst v50  }
0x179: {  	v55 =	vld [tilespmem:$0x17C0];
	[tilespmem:$0x1760] =	vst v2;
	v2 =	vmul.f32 v3, v48;
	v3 =	vbroadcast v51, $0x2  }
0x17a: {  	v58 =	vld [tilespmem:$0x17D0];
	[tilespmem:$0x1770] =	vst v4;
	v54 =	vbroadcast v51, $0x1  }
0x17b: {  	v57 =	vbroadcast v51, $0x3;
	[tilespmem:$0x1780] =	vst v2;
	v2 =	vmul.f32 v3, v52;
	v3 =	vld [tilespmem:$0x17E0]  }
0x17c: {  	v61 =	vld [tilespmem:$0x17F0];
	v60 =	vbroadcast v51, $0x4;
	[tilespmem:$0x1F80] =	vst v51;
	v56 =	vmul.f32 v54, v49  }
0x17d: {  	v59 =	vmul.f32 v53, v57;
	[tilespmem:$0x17A0] =	vst v2;
	v2 =	vbroadcast v51, $0x5  }
0x17e: {  	v63 =	vbroadcast v51, $0x6;
	v62 =	vmul.f32 v55, v60;
	[tilespmem:$0x1790] =	vst v56  }
0x17f: {  	v6 =	vbroadcast v51, $0x7;
	[tilespmem:$0x17B0] =	vst v59;
	v2 =	vmul.f32 v58, v2  }
0x180: {  	[tilespmem:$0x17C0] =	vst v62;
	v3 =	vmul.f32 v3, v63  }
0x181: {  	[tilespmem:$0x17D0] =	vst v2;
	v2 =	vmul.f32 v61, v6  }
0x182: {  	[tilespmem:$0x17E0] =	vst v3  }
0x183: {  	[tilespmem:$0x17F0] =	vst v2  }
0x184: {  	[spmem:s4] =	stream.indirect.scatter.add.f32 [tilespmem:s30], [sflag:$0x2], $0x80, s29, s24, $0xb8;
	[tilespmem:$0x1A280] =	vst v63  }
0x185: {  	_ =	swait.ge [sflag:s20], $0x800  }
0x186: {  	p0 =	sne.s32 s0, $0xA1E;
	[sflag:s20] =	ssyncset.done $0x0  }
.Ltmp1:
0x187: {  	[sflag:s20] =	ssyncadd.s32 $0xFFFFF800;
	(pc) =	sbr.rel @p0 .LBB2_4-.Ltmp1, $4  }
0x188: {  	[spmem:s3] =	stream.indirect.scatter.add.f32 [tilespmem:s25], [sflag:$0x2], $0x80, s29, s24, $0xb8;
	[tilespmem:$0x1A280] =	vst v63  }
0x189: {  	_ =	swait.ge [sflag:s20], $0x800  }
0x18a: {  	[sflag:s20] =	ssyncset.done $0x0  }
0x18b: {  	s0 =	sadd.s32 $0x2, s0;
	[sflag:s20] =	ssyncadd.s32 $0xFFFFF800  }
0x18c: {  	s0 =	stileid.u32  }
0x18d: {  	s0 =	sshll.u32 s0, $0x6  }
0x18e: {  	[bflag:$0x0] =	sbarrier.arrive $0xFFFF;
	s2 =	sshrl.u32 s7, $0x3;
	s0 =	sor.u32 $0x1C02, s0  }
0x18f: {  	[hbm:s13], [sflag:s0] =	dma.local [spmem:s2], $0x1400  }
0x190: {  	s31 =	sadd.s32 $0x1, s31;
	_ =	swait.ge [sflag:s20], $0x1400  }
0x191: {  	p0 =	sne.s32 s31, s15;
	[sflag:s20] =	ssyncset.done $0x0  }
.Ltmp2:
0x192: {  	s2 =	sshrl.u32 s8, $0x3;
	[sflag:s20] =	ssyncadd.s32 $0xFFFFEC00;
	(pc) =	sbr.rel @p0 .LBB2_1-.Ltmp2, $4  }
0x193: {  	[hbm:s14], [sflag:s0] =	dma.local [spmem:s2], $0x1400  }
0x194: {  	_ =	swait.ge [sflag:s20], $0x1400  }
0x195: {  	[sflag:s20] =	ssyncset.done $0x0  }
0x196: {  	[sflag:s20] =	ssyncadd.s32 $0xFFFFEC00  }
0x197: {  	_ =	sfence.sel $0x180000  }
0x198: {  	[bflag:$0x0] =	sbarrier.arrive $0xFFFF  }
0x199: {  	_ =	strace $0x90000047  }
0x19a: {  	s0 =	stileid.u32;
	[bflag:$0x2] =	sbarrier.arrive $0xFFFF  }
0x19b: {  	p0 =	sne.s32 s0, $0x0;
	s0 =	rddreg [dreg:$0x4]  }
0x19c: {  	s0 =	sadd.s32 @!p0 $0x100000, s0  }
0x19d: {  	[sflag:s0] =	ssyncadd.tile.s32 @!p0 $0x1;
	_ =	shalt  }
.Lfunc_end2:
_tile_overlayer_lowered:
.L_overlay_start_2:
0x19e: {  	(tag) =	ssettag $0x2  }
0x19f: {  	s0 =	rddreg [dreg:$0x0];
	s2 =	stileid.u32  }
0x1a0: {  	s1 =	rddreg [dreg:$0x1];
	p0 =	sne.s32 s2, $0x0  }
0x1a1: {  	s3 =	rddreg [dreg:$0x2];
	[bflag:$0x3] =	sbarrier.arrive $0xFFFF;
	s2 =	simm.s32 @!p0 $0x1C02  }
0x1a2: {  	[timem:s3], [sflag:s2] =	dma.local @!p0 [hbm:s0], s1  }
0x1a3: {  	s0 =	simm.s32 @!p0 $0x2  }
0x1a4: {  	_ =	swait.ge @!p0 [sflag:s0], s1  }
0x1a5: {  	s1 =	ssub.s32 @!p0 $0x0, s1;
	[sflag:s0] =	ssyncset.done @!p0 $0x0  }
0x1a6: {  	[sflag:s0] =	ssyncadd.s32 @!p0 s1  }
0x1a7: {  	[bflag:$0x3] =	sbarrier.arrive $0xFFFF  }
0x1a8: {  	_ =	shalt  }

</sc_bundles>
